<compile_context>
chip_gen: v7x
topology: tpu7x:2x2x1
jax: 0.10.2.dev20260603
libtpu: 0.0.44.dev20260713+nightly
codegen_flags: <defaults>
</compile_context>

<pallas_src>
import functools

import jax
import jax.numpy as jnp
from jax import lax
from jax.experimental import pallas as pl
from jax.experimental.pallas import tpu as pltpu
from jax.experimental.pallas import tpu_sc as plsc

N = 10000
E = 320000
B = 10
P = 1000
D = 128
NPAD = 10240

NC = 2
NS = 16
K = 128
EPAD = 327680
ECH = EPAD // K

_f32 = jnp.float32
_i32 = jnp.int32


def _sc_mesh():
    return plsc.VectorSubcoreMesh(core_axis_name="c", subcore_axis_name="s")


def _fill(ref, nrows, value):
    if nrows is None:
        def zf(i, carry):
            ref[pl.ds(i * 16, 16)] = jnp.full((16,), value, _f32)
            return carry
        lax.fori_loop(0, ref.shape[0] // 16, zf, 0)
    else:
        def zf(i, carry):
            for j in range(ref.shape[1] // 16):
                ref[i, pl.ds(j * 16, 16)] = jnp.full((16,), value, _f32)
            return carry
        lax.fori_loop(0, nrows, zf, 0)


def _deg_partials(dsts2d):
    CHW = ECH // (NC * NS)
    ZW = NPAD // NS

    @functools.partial(
        pl.kernel,
        out_type=jax.ShapeDtypeStruct((NC * NPAD,), _f32),
        mesh=_sc_mesh(),
        scratch_types=[
            pltpu.VMEM((CHW, K), _i32),
            pltpu.VMEM((K,), _f32),
            pltpu.VMEM((ZW,), _f32),
            pltpu.VMEM_SHARED((NPAD,), _f32),
        ],
    )
    def deg_kernel(dst_hbm, out_hbm, didx_v, ones_v, zbuf_v, deg_sp):
        c = lax.axis_index("c")
        s = lax.axis_index("s")
        w = c * NS + s
        _fill(ones_v, None, 1.0)
        _fill(zbuf_v, None, 0.0)
        pltpu.sync_copy(zbuf_v, deg_sp.at[pl.ds(s * ZW, ZW)])
        pltpu.sync_copy(dst_hbm.at[pl.ds(w * CHW, CHW)], didx_v)
        plsc.subcore_barrier()

        def body(t, carry):
            pltpu.sync_copy(ones_v, deg_sp.at[didx_v.at[t]], add=True)
            return carry

        lax.fori_loop(0, CHW, body, 0)
        plsc.subcore_barrier()
        pltpu.sync_copy(deg_sp.at[pl.ds(s * ZW, ZW)],
                        out_hbm.at[pl.ds(c * NPAD + s * ZW, ZW)])

    return deg_kernel(dsts2d)


def _edge_scatter(ya, yb, srcs2d, dsts2d, edge_split):
    RPS = NPAD // NS
    KS = 80
    NCH = E // (NC * NS * KS) if edge_split else E // (NS * KS)
    NBUF = 4
    G = NBUF // 2

    @functools.partial(
        pl.kernel,
        out_type=(jax.ShapeDtypeStruct((NPAD, D), _f32),
                  jax.ShapeDtypeStruct((NPAD, D), _f32)),
        mesh=_sc_mesh(),
        scratch_types=[
            pltpu.VMEM((NBUF, KS), _i32),
            pltpu.VMEM((NBUF, KS), _i32),
            [pltpu.VMEM((KS, D), _f32)] * NBUF,
            pltpu.VMEM_SHARED((NPAD, D), _f32),
            [pltpu.SemaphoreType.DMA] * NBUF,
            [pltpu.SemaphoreType.DMA] * NBUF,
            pltpu.SemaphoreType.DMA,
        ],
    )
    def scat_kernel(ya_hbm, yb_hbm, src_hbm, dst_hbm, outa, outb,
                    sidx_v, didx_v, bufs, S_sp, gsems, ssems, isem):
        c = lax.axis_index("c")
        s = lax.axis_index("s")
        if edge_split:
            base = (c * NS + s) * NCH
        else:
            base = s * NCH

        _fill(bufs[0], KS, 0.0)
        for kk in range(RPS // KS):
            pltpu.sync_copy(bufs[0], S_sp.at[pl.ds(s * RPS + kk * KS, KS)])
        plsc.subcore_barrier()

        def pipeline(table):
            def idx_fetch(t, b):
                off = (base + t) * KS
                sc = pltpu.make_async_copy(src_hbm.at[pl.ds(off, KS)],
                                           sidx_v.at[b], isem)
                dc = pltpu.make_async_copy(dst_hbm.at[pl.ds(off, KS)],
                                           didx_v.at[b], isem)
                sc.start(); dc.start(); sc.wait(); dc.wait()

            def gather(t, b):
                return pltpu.make_async_copy(table.at[sidx_v.at[b]],
                                             bufs[b], gsems[b])

            def scat(b):
                pltpu.sync_copy(bufs[b], S_sp.at[didx_v.at[b]], add=True)

            for t0 in range(G):
                idx_fetch(t0, t0)
                gather(t0, t0).start()

            def step(t, bb, dyn):
                gather(t, bb).wait()
                b2 = (bb + G) % NBUF

                def fetchnext():
                    idx_fetch(t + G, b2)
                    gather(t + G, b2).start()

                if dyn:
                    pl.when(t + G < NCH)(fetchnext)
                elif t + G < NCH:
                    fetchnext()
                scat(bb)

            def body(i, carry):
                for bb in range(NBUF):
                    step(i * NBUF + bb, bb, True)
                return carry

            M = NCH // NBUF
            L0 = NBUF * M
            lax.fori_loop(0, M, body, 0)
            for t in range(L0, NCH):
                step(t, t % NBUF, False)

        @pl.when(c == 0)
        def _():
            pipeline(ya_hbm)

        @pl.when(c == 1)
        def _():
            pipeline(yb_hbm)

        plsc.subcore_barrier()
        for kk in range(RPS // KS):
            sl = pl.ds(s * RPS + kk * KS, KS)

            @pl.when(c == 0)
            def _():
                pltpu.sync_copy(S_sp.at[sl], outa.at[sl])

            @pl.when(c == 1)
            def _():
                pltpu.sync_copy(S_sp.at[sl], outb.at[sl])

    return scat_kernel(ya, yb, srcs2d, dsts2d)


def _dinv_of(deg_ref):
    d = deg_ref[...]
    deg = d[:N] + d[NPAD:NPAD + N] + 1.0
    return lax.rsqrt(deg)


def _tc_y1(x, W1, deg2):
    def body(x_ref, w_ref, deg_ref, y_ref):
        dinv = _dinv_of(deg_ref)
        xw = jnp.dot(x_ref[...], w_ref[...], preferred_element_type=_f32)
        y_ref[...] = xw * dinv[:, None]

    return pl.pallas_call(
        body,
        out_shape=jax.ShapeDtypeStruct((N, D), _f32),
    )(x, W1, deg2)


def _tc_mid(s1a, s1b, y1, deg2, W2, b1):
    def body(sa_ref, sb_ref, y_ref, deg_ref, w_ref, b_ref, ya_ref, yb_ref):
        dinv = _dinv_of(deg_ref)
        h1 = (sa_ref[:N] + sb_ref[:N] + y_ref[...]) * dinv[:, None] + b_ref[...]
        h1 = jnp.maximum(h1, 0.0)
        y2 = jnp.dot(h1, w_ref[...], preferred_element_type=_f32) * dinv[:, None]
        ya_ref[...] = y2[:, :D]
        yb_ref[...] = y2[:, D:]

    return pl.pallas_call(
        body,
        out_shape=[
            jax.ShapeDtypeStruct((N, D), _f32),
            jax.ShapeDtypeStruct((N, D), _f32),
        ],
    )(s1a, s1b, y1, deg2, W2, b1)


def _tc_head(s2a, s2b, y2a, y2b, deg2, DDI, b2,
             Wg1, bg1, Wg2, bg2, Wf1, bf1, Wf2, bf2, Wf3, bf3):
    def body(sa_ref, sb_ref, ya_ref, yb_ref, deg_ref, ddi_ref, b2_ref,
             wg1_ref, bg1_ref, wg2_ref, bg2_ref, wf1_ref, bf1_ref,
             wf2_ref, bf2_ref, wf3_ref, bf3_ref, out_ref):
        dinv = _dinv_of(deg_ref)[:, None]
        b2v = b2_ref[...]
        h2a = jnp.maximum((sa_ref[:N] + ya_ref[...]) * dinv + b2v[:, :D], 0.0)
        h2b = jnp.maximum((sb_ref[:N] + yb_ref[...]) * dinv + b2v[:, D:], 0.0)
        pa = jnp.max(h2a.reshape(B, P, D), axis=1)
        pb = jnp.max(h2b.reshape(B, P, D), axis=1)
        wg1 = wg1_ref[...]
        g = jnp.dot(pa, wg1[:D, :], preferred_element_type=_f32)
        g = g + jnp.dot(pb, wg1[D:, :], preferred_element_type=_f32)
        g = jnp.maximum(g + bg1_ref[...], 0.0)
        g = jnp.dot(g, wg2_ref[...], preferred_element_type=_f32) + bg2_ref[...]
        wf1 = wf1_ref[...]
        z = jnp.dot(g, wf1[:32, :], preferred_element_type=_f32)
        z = z + jnp.dot(ddi_ref[...], wf1[32:, :], preferred_element_type=_f32)
        z = jnp.maximum(z + bf1_ref[...], 0.0)
        z = jnp.maximum(
            jnp.dot(z, wf2_ref[...], preferred_element_type=_f32) + bf2_ref[...],
            0.0)
        z = jnp.dot(z, wf3_ref[...], preferred_element_type=_f32) + bf3_ref[...]
        out_ref[...] = jax.nn.sigmoid(z)

    return pl.pallas_call(
        body,
        out_shape=jax.ShapeDtypeStruct((B, 1), _f32),
    )(s2a, s2b, y2a, y2b, deg2, DDI, b2,
      Wg1, bg1, Wg2, bg2, Wf1, bf1, Wf2, bf2, Wf3, bf3)


def kernel(x, edge_index, batch, DDI_features, protein_mask,
           W1, b1, W2, b2, Wg1, bg1, Wg2, bg2, Wf1, bf1, Wf2, bf2, Wf3, bf3):
    npad = EPAD - E
    dsts2d = jnp.concatenate(
        [edge_index[1],
         N + (jnp.arange(npad, dtype=_i32) % (NPAD - N))]).reshape(ECH, K)
    b1r = b1.reshape(1, D)
    b2r = b2.reshape(1, 2 * D)
    bg1r = bg1.reshape(1, -1)
    bg2r = bg2.reshape(1, -1)
    bf1r = bf1.reshape(1, -1)
    bf2r = bf2.reshape(1, -1)
    bf3r = bf3.reshape(1, -1)

    deg2 = _deg_partials(dsts2d)
    y1 = _tc_y1(x, W1, deg2)
    s1a, s1b = _edge_scatter(y1, y1, edge_index[0], edge_index[1],
                             edge_split=True)
    y2a, y2b = _tc_mid(s1a, s1b, y1, deg2, W2, b1r)
    s2a, s2b = _edge_scatter(y2a, y2b, edge_index[0], edge_index[1],
                             edge_split=False)
    return _tc_head(s2a, s2b, y2a, y2b, deg2, DDI_features, b2r,
                    Wg1, bg1r, Wg2, bg2r, Wf1, bf1r, Wf2, bf2r, Wf3, bf3r)

# --- scband reference (transcript-rebuilt; emitter-appended) ---
"""Pipeline reference for scband-simple-conv-gcn-30863634989163 (READ-ONLY COPY).

The authoritative reference and input builder live on the scoring server;
editing this copy changes nothing except your own understanding.
"""

import jax, jax.numpy as jnp
import numpy as np

N = 10000
E = 320000
B = 10
P = 1000
D = 128
ND = 256
GOUT = 32

def setup_inputs(seed: int = 0):
    key = jax.random.key(seed)
    ks = jax.random.split(key, 24)
    x = jax.random.normal(ks[0], (N, D), dtype=jnp.float32)
    edge_index = jax.random.randint(ks[1], (2, E), 0, N, dtype=jnp.int32)
    batch = jnp.repeat(jnp.arange(B, dtype=jnp.int32), P)
    DDI_features = jax.random.normal(ks[2], (B, ND), dtype=jnp.float32)
    protein_mask = jax.random.uniform(ks[3], (B, P), dtype=jnp.float32)
    def lin(k, fan_in, fan_out):
        return jax.random.normal(k, (fan_in, fan_out), dtype=jnp.float32) / np.sqrt(fan_in)
    W1 = lin(ks[4], D, D); b1 = jnp.zeros((D,), jnp.float32)
    W2 = lin(ks[5], D, 2 * D); b2 = jnp.zeros((2 * D,), jnp.float32)
    Wg1 = lin(ks[6], 2 * D, 1028); bg1 = jnp.zeros((1028,), jnp.float32)
    Wg2 = lin(ks[7], 1028, GOUT); bg2 = jnp.zeros((GOUT,), jnp.float32)
    Wf1 = lin(ks[8], ND + GOUT, 64); bf1 = jnp.zeros((64,), jnp.float32)
    Wf2 = lin(ks[9], 64, 16); bf2 = jnp.zeros((16,), jnp.float32)
    Wf3 = lin(ks[10], 16, 1); bf3 = jnp.zeros((1,), jnp.float32)
    return {"x": x, "edge_index": edge_index, "batch": batch, "DDI_features": DDI_features,
            "protein_mask": protein_mask, "W1": W1, "b1": b1, "W2": W2, "b2": b2,
            "Wg1": Wg1, "bg1": bg1, "Wg2": Wg2, "bg2": bg2,
            "Wf1": Wf1, "bf1": bf1, "Wf2": Wf2, "bf2": bf2, "Wf3": Wf3, "bf3": bf3}

def gcn_conv(x, edge_index, W, b):
    n = x.shape[0]
    loop = jnp.arange(n, dtype=edge_index.dtype)
    src = jnp.concatenate([edge_index[0], loop])
    dst = jnp.concatenate([edge_index[1], loop])
    deg = jnp.zeros((n,), x.dtype).at[dst].add(1.0)
    dinv = jnp.where(deg > 0, 1.0 / jnp.sqrt(deg), 0.0)
    norm = dinv[src] * dinv[dst]
    xw = x @ W
    out = jnp.zeros((n, W.shape[1]), x.dtype).at[dst].add(xw[src] * norm[:, None])
    return out + b

def reference(x, edge_index, batch, DDI_features, protein_mask,
              W1, b1, W2, b2, Wg1, bg1, Wg2, bg2, Wf1, bf1, Wf2, bf2, Wf3, bf3):
    h = jax.nn.relu(gcn_conv(x, edge_index, W1, b1))
    h = jax.nn.relu(gcn_conv(h, edge_index, W2, b2))
    h = h.reshape(B, P, -1)
    h = jnp.max(h, axis=1)  # global_max_pool per graph
    h = jax.nn.relu(h @ Wg1 + bg1)
    h = h @ Wg2 + bg2  # dropout is identity in eval
    z = jnp.concatenate([h, DDI_features], axis=1)
    z = jax.nn.relu(z @ Wf1 + bf1)
    z = jax.nn.relu(z @ Wf2 + bf2)
    z = jax.nn.sigmoid(z @ Wf3 + bf3)
    return z

if __name__ == "__main__":
    import jax
    _d = setup_inputs()
    print(jax.jit(kernel)(*tuple(_d.values())))

</pallas_src>

<mosaic_0001>
#map = affine_map<(d0, d1) -> (0, 0)>
#map1 = affine_map<(d0, d1) -> (0)>
module attributes {stable_mosaic.version = 14 : i64} {
  func.func @deg_kernel(%arg0: i32, %arg1: i32, %arg2: memref<2560x128xi32, #tpu.memory_space<hbm>>, %arg3: memref<20480xf32, #tpu.memory_space<hbm>>, %arg4: memref<80x128xi32, #tpu.memory_space<vmem>>, %arg5: memref<128xf32, #tpu.memory_space<vmem>>, %arg6: memref<640xf32, #tpu.memory_space<vmem>>, %arg7: memref<10240xf32, #tpu.memory_space<vmem_shared>>) attributes {dimension_semantics = [#tpu.dimension_semantics<core_parallel>, #tpu.dimension_semantics<subcore_parallel>], iteration_bounds = array<i64: 2, 16>, scalar_prefetch = 0 : i64, scratch_operands = 4 : i64, tpu.core_type = #tpu.core_type<sc_vector_subcore>, window_params = [{transform_indices = #map}, {transform_indices = #map1}]} {
    %mul3A = arith.constant 16 : i32
    %mul3A_0 = arith.muli %arg0, %mul3A : i32
    %add3A = arith.addi %mul3A_0, %arg1 : i32
    %scan3A = arith.constant 0 : i32
    %scan3A_1 = arith.constant 0 : i32
    %scan3A_2 = arith.constant 8 : i32
    %scan3A_3 = arith.addi %scan3A_1, %scan3A_2 : i32
    %scan3A_4 = arith.constant 1 : i32
    scf.for %scan3A_30 = %scan3A_1 to %scan3A_3 step %scan3A_4  : i32 {
      %broadcast_in_dim3A = arith.constant 1.000000e+00 : f32
      %broadcast_in_dim3A_31 = vector.broadcast %broadcast_in_dim3A : f32 to vector<16xf32>
      %mul3A_32 = arith.constant 16 : i32
      %mul3A_33 = arith.muli %scan3A_30, %mul3A_32 : i32
      %swap3A = arith.index_cast %mul3A_33 : i32 to index
      %swap3A_34 = tpu.vector_load %arg5[%swap3A] {strides = array<i32>} : memref<128xf32, #tpu.memory_space<vmem>>, vector<16xf32>,
      %swap3A_35 = vector.shape_cast %swap3A_34 : vector<16xf32> to vector<16xf32>
      %swap3A_36 = vector.shape_cast %broadcast_in_dim3A_31 : vector<16xf32> to vector<16xf32>
      tpu.vector_store %arg5[%swap3A], %swap3A_36 {strides = array<i32>} : memref<128xf32, #tpu.memory_space<vmem>>, vector<16xf32>,
    }
    %scan3A_5 = arith.constant 8 : i32
    %scan3A_6 = arith.constant 0 : i32
    %scan3A_7 = arith.constant 0 : i32
    %scan3A_8 = arith.constant 40 : i32
    %scan3A_9 = arith.addi %scan3A_7, %scan3A_8 : i32
    %scan3A_10 = arith.constant 1 : i32
    scf.for %scan3A_30 = %scan3A_7 to %scan3A_9 step %scan3A_10  : i32 {
      %broadcast_in_dim3A = arith.constant 0.000000e+00 : f32
      %broadcast_in_dim3A_31 = vector.broadcast %broadcast_in_dim3A : f32 to vector<16xf32>
      %mul3A_32 = arith.constant 16 : i32
      %mul3A_33 = arith.muli %scan3A_30, %mul3A_32 : i32
      %swap3A = arith.index_cast %mul3A_33 : i32 to index
      %swap3A_34 = tpu.vector_load %arg6[%swap3A] {strides = array<i32>} : memref<640xf32, #tpu.memory_space<vmem>>, vector<16xf32>,
      %swap3A_35 = vector.shape_cast %swap3A_34 : vector<16xf32> to vector<16xf32>
      %swap3A_36 = vector.shape_cast %broadcast_in_dim3A_31 : vector<16xf32> to vector<16xf32>
      tpu.vector_store %arg6[%swap3A], %swap3A_36 {strides = array<i32>} : memref<640xf32, #tpu.memory_space<vmem>>, vector<16xf32>,
    }
    %scan3A_11 = arith.constant 40 : i32
    %mul3A_12 = arith.constant 640 : i32
    %mul3A_13 = arith.muli %arg1, %mul3A_12 : i32
    "tpu.region"() ({
      %run_scoped3A = tpu.sem_alloc : memref<!tpu.dma_semaphore, #tpu.memory_space<semaphore_mem>>
      %dma_start3A = tpu.memref_slice %arg7[%mul3A_13] : memref<10240xf32, #tpu.memory_space<vmem_shared>> -> memref<640xf32, #tpu.memory_space<vmem_shared>>
      %dma_start3A_30 = tpu.memref_slice %arg7[%mul3A_13] : memref<10240xf32, #tpu.memory_space<vmem_shared>> -> memref<640xf32, #tpu.memory_space<vmem_shared>>
      tpu.enqueue_dma source(%arg6 : memref<640xf32, #tpu.memory_space<vmem>>) target(%dma_start3A_30 : memref<640xf32, #tpu.memory_space<vmem_shared>>) target_semaphore(%run_scoped3A : memref<!tpu.dma_semaphore, #tpu.memory_space<semaphore_mem>>)
      %dma_wait3A = tpu.memref_slice %arg7[%mul3A_13] : memref<10240xf32, #tpu.memory_space<vmem_shared>> -> memref<640xf32, #tpu.memory_space<vmem_shared>>
      %dma_wait3A_31 = tpu.memref_slice %arg7[%mul3A_13] : memref<10240xf32, #tpu.memory_space<vmem_shared>> -> memref<640xf32, #tpu.memory_space<vmem_shared>>
      tpu.wait_dma2 semaphore(%run_scoped3A : memref<!tpu.dma_semaphore, #tpu.memory_space<semaphore_mem>>) src(%arg6 : memref<640xf32, #tpu.memory_space<vmem>>) dst(%dma_wait3A_31 : memref<640xf32, #tpu.memory_space<vmem_shared>>)
      tpu.yield
    }) : () -> ()
    %mul3A_14 = arith.constant 80 : i32
    %mul3A_15 = arith.muli %add3A, %mul3A_14 : i32
    "tpu.region"() ({
      %run_scoped3A = tpu.sem_alloc : memref<!tpu.dma_semaphore, #tpu.memory_space<semaphore_mem>>
      %dma_start3A = arith.constant 0 : i32
      %dma_start3A_30 = tpu.memref_slice %arg2[%mul3A_15, %dma_start3A] : memref<2560x128xi32, #tpu.memory_space<hbm>> -> memref<80x128xi32, #tpu.memory_space<hbm>>
      %dma_start3A_31 = arith.constant 0 : i32
      %dma_start3A_32 = tpu.memref_slice %arg2[%mul3A_15, %dma_start3A_31] : memref<2560x128xi32, #tpu.memory_space<hbm>> -> memref<80x128xi32, #tpu.memory_space<hbm>>
      tpu.enqueue_dma source(%dma_start3A_32 : memref<80x128xi32, #tpu.memory_space<hbm>>) target(%arg4 : memref<80x128xi32, #tpu.memory_space<vmem>>) target_semaphore(%run_scoped3A : memref<!tpu.dma_semaphore, #tpu.memory_space<semaphore_mem>>)
      %dma_wait3A = arith.constant 0 : i32
      %dma_wait3A_33 = tpu.memref_slice %arg2[%mul3A_15, %dma_wait3A] : memref<2560x128xi32, #tpu.memory_space<hbm>> -> memref<80x128xi32, #tpu.memory_space<hbm>>
      %dma_wait3A_34 = arith.constant 0 : i32
      %dma_wait3A_35 = tpu.memref_slice %arg2[%mul3A_15, %dma_wait3A_34] : memref<2560x128xi32, #tpu.memory_space<hbm>> -> memref<80x128xi32, #tpu.memory_space<hbm>>
      tpu.wait_dma2 semaphore(%run_scoped3A : memref<!tpu.dma_semaphore, #tpu.memory_space<semaphore_mem>>) src(%dma_wait3A_35 : memref<80x128xi32, #tpu.memory_space<hbm>>) dst(%arg4 : memref<80x128xi32, #tpu.memory_space<vmem>>)
      tpu.yield
    }) : () -> ()
    %barrier3A = arith.constant 0 : index
    tpu.barrier barrier_id(%barrier3A)
    %scan3A_16 = arith.constant 0 : i32
    %scan3A_17 = arith.constant 0 : i32
    %scan3A_18 = arith.constant 80 : i32
    %scan3A_19 = arith.addi %scan3A_17, %scan3A_18 : i32
    %scan3A_20 = arith.constant 1 : i32
    scf.for %scan3A_30 = %scan3A_17 to %scan3A_19 step %scan3A_20  : i32 {
      "tpu.region"() ({
        %run_scoped3A = tpu.sem_alloc : memref<!tpu.dma_semaphore, #tpu.memory_space<semaphore_mem>>
        %dma_start3A = arith.constant 0 : i32
        %dma_start3A_31 = tpu.memref_slice %arg4[%scan3A_30, %dma_start3A] : memref<80x128xi32, #tpu.memory_space<vmem>> -> memref<1x128xi32, #tpu.memory_space<vmem>>
        %dma_start3A_32 = tpu.memref_squeeze %dma_start3A_31 : memref<1x128xi32, #tpu.memory_space<vmem>> -> memref<128xi32, #tpu.memory_space<vmem>>
        %dma_start3A_33 = arith.constant 0 : i32
        %dma_start3A_34 = tpu.memref_slice %arg7[%dma_start3A_33] : memref<10240xf32, #tpu.memory_space<vmem_shared>> -> memref<10240xf32, #tpu.memory_space<vmem_shared>>
        tpu.enqueue_indirect_dma source(%arg5 : memref<128xf32, #tpu.memory_space<vmem>>) target(%dma_start3A_34 : memref<10240xf32, #tpu.memory_space<vmem_shared>>) offsets(%dma_start3A_32 : memref<128xi32, #tpu.memory_space<vmem>>) semaphore(%run_scoped3A : memref<!tpu.dma_semaphore, #tpu.memory_space<semaphore_mem>>) {add = true}
        %dma_wait3A = arith.constant 0 : i32
        %dma_wait3A_35 = tpu.memref_slice %arg4[%scan3A_30, %dma_wait3A] : memref<80x128xi32, #tpu.memory_space<vmem>> -> memref<1x128xi32, #tpu.memory_space<vmem>>
        %dma_wait3A_36 = tpu.memref_squeeze %dma_wait3A_35 : memref<1x128xi32, #tpu.memory_space<vmem>> -> memref<128xi32, #tpu.memory_space<vmem>>
        %dma_wait3A_37 = arith.constant 0 : i32
        %dma_wait3A_38 = tpu.memref_slice %arg7[%dma_wait3A_37] : memref<10240xf32, #tpu.memory_space<vmem_shared>> -> memref<10240xf32, #tpu.memory_space<vmem_shared>>
        tpu.wait_indirect_dma semaphore(%run_scoped3A : memref<!tpu.dma_semaphore, #tpu.memory_space<semaphore_mem>>) src(%arg5 : memref<128xf32, #tpu.memory_space<vmem>>) dst(%dma_wait3A_38 : memref<10240xf32, #tpu.memory_space<vmem_shared>>)
        tpu.yield
      }) : () -> ()
    }
    %scan3A_21 = arith.constant 80 : i32
    %barrier3A_22 = arith.constant 0 : index
    tpu.barrier barrier_id(%barrier3A_22)
    %mul3A_23 = arith.constant 640 : i32
    %mul3A_24 = arith.muli %arg1, %mul3A_23 : i32
    %mul3A_25 = arith.constant 10240 : i32
    %mul3A_26 = arith.muli %arg0, %mul3A_25 : i32
    %mul3A_27 = arith.constant 640 : i32
    %mul3A_28 = arith.muli %arg1, %mul3A_27 : i32
    %add3A_29 = arith.addi %mul3A_26, %mul3A_28 : i32
    "tpu.region"() ({
      %run_scoped3A = tpu.sem_alloc : memref<!tpu.dma_semaphore, #tpu.memory_space<semaphore_mem>>
      %dma_start3A = tpu.memref_slice %arg3[%add3A_29] : memref<20480xf32, #tpu.memory_space<hbm>> -> memref<640xf32, #tpu.memory_space<hbm>>
      %dma_start3A_30 = tpu.memref_slice %arg7[%mul3A_24] : memref<10240xf32, #tpu.memory_space<vmem_shared>> -> memref<640xf32, #tpu.memory_space<vmem_shared>>
      tpu.enqueue_dma source(%dma_start3A_30 : memref<640xf32, #tpu.memory_space<vmem_shared>>) target(%dma_start3A : memref<640xf32, #tpu.memory_space<hbm>>) target_semaphore(%run_scoped3A : memref<!tpu.dma_semaphore, #tpu.memory_space<semaphore_mem>>)
      %dma_wait3A = tpu.memref_slice %arg3[%add3A_29] : memref<20480xf32, #tpu.memory_space<hbm>> -> memref<640xf32, #tpu.memory_space<hbm>>
      %dma_wait3A_31 = tpu.memref_slice %arg7[%mul3A_24] : memref<10240xf32, #tpu.memory_space<vmem_shared>> -> memref<640xf32, #tpu.memory_space<vmem_shared>>
      tpu.wait_dma2 semaphore(%run_scoped3A : memref<!tpu.dma_semaphore, #tpu.memory_space<semaphore_mem>>) src(%dma_wait3A_31 : memref<640xf32, #tpu.memory_space<vmem_shared>>) dst(%dma_wait3A : memref<640xf32, #tpu.memory_space<hbm>>)
      tpu.yield
    }) : () -> ()
    return
  }
}

#map = affine_map<(d0, d1) -> (0, 0)>
#map1 = affine_map<(d0, d1) -> (0)>
module attributes {stable_mosaic.version = 14 : i64} {
  func.func @scat_kernel(%arg0: i32, %arg1: i32, %arg2: memref<10000x128xf32, #tpu.memory_space<hbm>>, %arg3: memref<10000x128xf32, #tpu.memory_space<hbm>>, %arg4: memref<320000xi32, #tpu.memory_space<hbm>>, %arg5: memref<320000xi32, #tpu.memory_space<hbm>>, %arg6: memref<10240x128xf32, #tpu.memory_space<hbm>>, %arg7: memref<10240x128xf32, #tpu.memory_space<hbm>>, %arg8: memref<4x80xi32, #tpu.memory_space<vmem>>, %arg9: memref<4x80xi32, #tpu.memory_space<vmem>>, %arg10: memref<80x128xf32, #tpu.memory_space<vmem>>, %arg11: memref<80x128xf32, #tpu.memory_space<vmem>>, %arg12: memref<80x128xf32, #tpu.memory_space<vmem>>, %arg13: memref<80x128xf32, #tpu.memory_space<vmem>>, %arg14: memref<10240x128xf32, #tpu.memory_space<vmem_shared>>, %arg15: memref<!tpu.dma_semaphore, #tpu.memory_space<semaphore_mem>>, %arg16: memref<!tpu.dma_semaphore, #tpu.memory_space<semaphore_mem>>, %arg17: memref<!tpu.dma_semaphore, #tpu.memory_space<semaphore_mem>>, %arg18: memref<!tpu.dma_semaphore, #tpu.memory_space<semaphore_mem>>, %arg19: memref<!tpu.dma_semaphore, #tpu.memory_space<semaphore_mem>>, %arg20: memref<!tpu.dma_semaphore, #tpu.memory_space<semaphore_mem>>, %arg21: memref<!tpu.dma_semaphore, #tpu.memory_space<semaphore_mem>>, %arg22: memref<!tpu.dma_semaphore, #tpu.memory_space<semaphore_mem>>, %arg23: memref<!tpu.dma_semaphore, #tpu.memory_space<semaphore_mem>>) attributes {dimension_semantics = [#tpu.dimension_semantics<core_parallel>, #tpu.dimension_semantics<subcore_parallel>], iteration_bounds = array<i64: 2, 16>, scalar_prefetch = 0 : i64, scratch_operands = 16 : i64, tpu.core_type = #tpu.core_type<sc_vector_subcore>, window_params = [{transform_indices = #map}, {transform_indices = #map}, {transform_indices = #map1}, {transform_indices = #map1}, {transform_indices = #map}, {transform_indices = #map}]} {
    %mul3A = arith.constant 250 : i32
    %mul3A_0 = arith.muli %arg1, %mul3A : i32
    %scan3A = arith.constant 0 : i32
    %scan3A_1 = arith.constant 0 : i32
    %scan3A_2 = arith.constant 80 : i32
    %scan3A_3 = arith.addi %scan3A_1, %scan3A_2 : i32
    %scan3A_4 = arith.constant 1 : i32
    scf.for %scan3A_157 = %scan3A_1 to %scan3A_3 step %scan3A_4  : i32 {
      %broadcast_in_dim3A = arith.constant 0.000000e+00 : f32
      %broadcast_in_dim3A_158 = vector.broadcast %broadcast_in_dim3A : f32 to vector<16xf32>
      %swap3A = arith.index_cast %scan3A_157 : i32 to index
      %swap3A_159 = arith.constant 0 : index
      %swap3A_160 = tpu.vector_load %arg10[%swap3A, %swap3A_159] {strides = array<i32>} : memref<80x128xf32, #tpu.memory_space<vmem>>, vector<1x16xf32>,
      %swap3A_161 = vector.shape_cast %swap3A_160 : vector<1x16xf32> to vector<16xf32>
      %swap3A_162 = vector.shape_cast %broadcast_in_dim3A_158 : vector<16xf32> to vector<1x16xf32>
      tpu.vector_store %arg10[%swap3A, %swap3A_159], %swap3A_162 {strides = array<i32>} : memref<80x128xf32, #tpu.memory_space<vmem>>, vector<1x16xf32>,
      %broadcast_in_dim3A_163 = arith.constant 0.000000e+00 : f32
      %broadcast_in_dim3A_164 = vector.broadcast %broadcast_in_dim3A_163 : f32 to vector<16xf32>
      %swap3A_165 = arith.index_cast %scan3A_157 : i32 to index
      %swap3A_166 = arith.constant 16 : index
      %swap3A_167 = tpu.vector_load %arg10[%swap3A_165, %swap3A_166] {strides = array<i32>} : memref<80x128xf32, #tpu.memory_space<vmem>>, vector<1x16xf32>,
      %swap3A_168 = vector.shape_cast %swap3A_167 : vector<1x16xf32> to vector<16xf32>
      %swap3A_169 = vector.shape_cast %broadcast_in_dim3A_164 : vector<16xf32> to vector<1x16xf32>
      tpu.vector_store %arg10[%swap3A_165, %swap3A_166], %swap3A_169 {strides = array<i32>} : memref<80x128xf32, #tpu.memory_space<vmem>>, vector<1x16xf32>,
      %broadcast_in_dim3A_170 = arith.constant 0.000000e+00 : f32
      %broadcast_in_dim3A_171 = vector.broadcast %broadcast_in_dim3A_170 : f32 to vector<16xf32>
      %swap3A_172 = arith.index_cast %scan3A_157 : i32 to index
      %swap3A_173 = arith.constant 32 : index
      %swap3A_174 = tpu.vector_load %arg10[%swap3A_172, %swap3A_173] {strides = array<i32>} : memref<80x128xf32, #tpu.memory_space<vmem>>, vector<1x16xf32>,
      %swap3A_175 = vector.shape_cast %swap3A_174 : vector<1x16xf32> to vector<16xf32>
      %swap3A_176 = vector.shape_cast %broadcast_in_dim3A_171 : vector<16xf32> to vector<1x16xf32>
      tpu.vector_store %arg10[%swap3A_172, %swap3A_173], %swap3A_176 {strides = array<i32>} : memref<80x128xf32, #tpu.memory_space<vmem>>, vector<1x16xf32>,
      %broadcast_in_dim3A_177 = arith.constant 0.000000e+00 : f32
      %broadcast_in_dim3A_178 = vector.broadcast %broadcast_in_dim3A_177 : f32 to vector<16xf32>
      %swap3A_179 = arith.index_cast %scan3A_157 : i32 to index
      %swap3A_180 = arith.constant 48 : index
      %swap3A_181 = tpu.vector_load %arg10[%swap3A_179, %swap3A_180] {strides = array<i32>} : memref<80x128xf32, #tpu.memory_space<vmem>>, vector<1x16xf32>,
      %swap3A_182 = vector.shape_cast %swap3A_181 : vector<1x16xf32> to vector<16xf32>
      %swap3A_183 = vector.shape_cast %broadcast_in_dim3A_178 : vector<16xf32> to vector<1x16xf32>
      tpu.vector_store %arg10[%swap3A_179, %swap3A_180], %swap3A_183 {strides = array<i32>} : memref<80x128xf32, #tpu.memory_space<vmem>>, vector<1x16xf32>,
      %broadcast_in_dim3A_184 = arith.constant 0.000000e+00 : f32
      %broadcast_in_dim3A_185 = vector.broadcast %broadcast_in_dim3A_184 : f32 to vector<16xf32>
      %swap3A_186 = arith.index_cast %scan3A_157 : i32 to index
      %swap3A_187 = arith.constant 64 : index
      %swap3A_188 = tpu.vector_load %arg10[%swap3A_186, %swap3A_187] {strides = array<i32>} : memref<80x128xf32, #tpu.memory_space<vmem>>, vector<1x16xf32>,
      %swap3A_189 = vector.shape_cast %swap3A_188 : vector<1x16xf32> to vector<16xf32>
      %swap3A_190 = vector.shape_cast %broadcast_in_dim3A_185 : vector<16xf32> to vector<1x16xf32>
      tpu.vector_store %arg10[%swap3A_186, %swap3A_187], %swap3A_190 {strides = array<i32>} : memref<80x128xf32, #tpu.memory_space<vmem>>, vector<1x16xf32>,
      %broadcast_in_dim3A_191 = arith.constant 0.000000e+00 : f32
      %broadcast_in_dim3A_192 = vector.broadcast %broadcast_in_dim3A_191 : f32 to vector<16xf32>
      %swap3A_193 = arith.index_cast %scan3A_157 : i32 to index
      %swap3A_194 = arith.constant 80 : index
      %swap3A_195 = tpu.vector_load %arg10[%swap3A_193, %swap3A_194] {strides = array<i32>} : memref<80x128xf32, #tpu.memory_space<vmem>>, vector<1x16xf32>,
      %swap3A_196 = vector.shape_cast %swap3A_195 : vector<1x16xf32> to vector<16xf32>
      %swap3A_197 = vector.shape_cast %broadcast_in_dim3A_192 : vector<16xf32> to vector<1x16xf32>
      tpu.vector_store %arg10[%swap3A_193, %swap3A_194], %swap3A_197 {strides = array<i32>} : memref<80x128xf32, #tpu.memory_space<vmem>>, vector<1x16xf32>,
      %broadcast_in_dim3A_198 = arith.constant 0.000000e+00 : f32
      %broadcast_in_dim3A_199 = vector.broadcast %broadcast_in_dim3A_198 : f32 to vector<16xf32>
      %swap3A_200 = arith.index_cast %scan3A_157 : i32 to index
      %swap3A_201 = arith.constant 96 : index
      %swap3A_202 = tpu.vector_load %arg10[%swap3A_200, %swap3A_201] {strides = array<i32>} : memref<80x128xf32, #tpu.memory_space<vmem>>, vector<1x16xf32>,
      %swap3A_203 = vector.shape_cast %swap3A_202 : vector<1x16xf32> to vector<16xf32>
      %swap3A_204 = vector.shape_cast %broadcast_in_dim3A_199 : vector<16xf32> to vector<1x16xf32>
      tpu.vector_store %arg10[%swap3A_200, %swap3A_201], %swap3A_204 {strides = array<i32>} : memref<80x128xf32, #tpu.memory_space<vmem>>, vector<1x16xf32>,
      %broadcast_in_dim3A_205 = arith.constant 0.000000e+00 : f32
      %broadcast_in_dim3A_206 = vector.broadcast %broadcast_in_dim3A_205 : f32 to vector<16xf32>
      %swap3A_207 = arith.index_cast %scan3A_157 : i32 to index
      %swap3A_208 = arith.constant 112 : index
      %swap3A_209 = tpu.vector_load %arg10[%swap3A_207, %swap3A_208] {strides = array<i32>} : memref<80x128xf32, #tpu.memory_space<vmem>>, vector<1x16xf32>,
      %swap3A_210 = vector.shape_cast %swap3A_209 : vector<1x16xf32> to vector<16xf32>
      %swap3A_211 = vector.shape_cast %broadcast_in_dim3A_206 : vector<16xf32> to vector<1x16xf32>
      tpu.vector_store %arg10[%swap3A_207, %swap3A_208], %swap3A_211 {strides = array<i32>} : memref<80x128xf32, #tpu.memory_space<vmem>>, vector<1x16xf32>,
    }
    %scan3A_5 = arith.constant 80 : i32
    %mul3A_6 = arith.constant 640 : i32
    %mul3A_7 = arith.muli %arg1, %mul3A_6 : i32
    %add3A = arith.constant 0 : i32
    %add3A_8 = arith.addi %mul3A_7, %add3A : i32
    "tpu.region"() ({
      %run_scoped3A = tpu.sem_alloc : memref<!tpu.dma_semaphore, #tpu.memory_space<semaphore_mem>>
      %dma_start3A = arith.constant 0 : i32
      %dma_start3A_157 = tpu.memref_slice %arg14[%add3A_8, %dma_start3A] : memref<10240x128xf32, #tpu.memory_space<vmem_shared>> -> memref<80x128xf32, #tpu.memory_space<vmem_shared>>
      %dma_start3A_158 = arith.constant 0 : i32
      %dma_start3A_159 = tpu.memref_slice %arg14[%add3A_8, %dma_start3A_158] : memref<10240x128xf32, #tpu.memory_space<vmem_shared>> -> memref<80x128xf32, #tpu.memory_space<vmem_shared>>
      tpu.enqueue_dma source(%arg10 : memref<80x128xf32, #tpu.memory_space<vmem>>) target(%dma_start3A_159 : memref<80x128xf32, #tpu.memory_space<vmem_shared>>) target_semaphore(%run_scoped3A : memref<!tpu.dma_semaphore, #tpu.memory_space<semaphore_mem>>)
      %dma_wait3A = arith.constant 0 : i32
      %dma_wait3A_160 = tpu.memref_slice %arg14[%add3A_8, %dma_wait3A] : memref<10240x128xf32, #tpu.memory_space<vmem_shared>> -> memref<80x128xf32, #tpu.memory_space<vmem_shared>>
      %dma_wait3A_161 = arith.constant 0 : i32
      %dma_wait3A_162 = tpu.memref_slice %arg14[%add3A_8, %dma_wait3A_161] : memref<10240x128xf32, #tpu.memory_space<vmem_shared>> -> memref<80x128xf32, #tpu.memory_space<vmem_shared>>
      tpu.wait_dma2 semaphore(%run_scoped3A : memref<!tpu.dma_semaphore, #tpu.memory_space<semaphore_mem>>) src(%arg10 : memref<80x128xf32, #tpu.memory_space<vmem>>) dst(%dma_wait3A_162 : memref<80x128xf32, #tpu.memory_space<vmem_shared>>)
      tpu.yield
    }) : () -> ()
    %mul3A_9 = arith.constant 640 : i32
    %mul3A_10 = arith.muli %arg1, %mul3A_9 : i32
    %add3A_11 = arith.constant 80 : i32
    %add3A_12 = arith.addi %mul3A_10, %add3A_11 : i32
    "tpu.region"() ({
      %run_scoped3A = tpu.sem_alloc : memref<!tpu.dma_semaphore, #tpu.memory_space<semaphore_mem>>
      %dma_start3A = arith.constant 0 : i32
      %dma_start3A_157 = tpu.memref_slice %arg14[%add3A_12, %dma_start3A] : memref<10240x128xf32, #tpu.memory_space<vmem_shared>> -> memref<80x128xf32, #tpu.memory_space<vmem_shared>>
      %dma_start3A_158 = arith.constant 0 : i32
      %dma_start3A_159 = tpu.memref_slice %arg14[%add3A_12, %dma_start3A_158] : memref<10240x128xf32, #tpu.memory_space<vmem_shared>> -> memref<80x128xf32, #tpu.memory_space<vmem_shared>>
      tpu.enqueue_dma source(%arg10 : memref<80x128xf32, #tpu.memory_space<vmem>>) target(%dma_start3A_159 : memref<80x128xf32, #tpu.memory_space<vmem_shared>>) target_semaphore(%run_scoped3A : memref<!tpu.dma_semaphore, #tpu.memory_space<semaphore_mem>>)
      %dma_wait3A = arith.constant 0 : i32
      %dma_wait3A_160 = tpu.memref_slice %arg14[%add3A_12, %dma_wait3A] : memref<10240x128xf32, #tpu.memory_space<vmem_shared>> -> memref<80x128xf32, #tpu.memory_space<vmem_shared>>
      %dma_wait3A_161 = arith.constant 0 : i32
      %dma_wait3A_162 = tpu.memref_slice %arg14[%add3A_12, %dma_wait3A_161] : memref<10240x128xf32, #tpu.memory_space<vmem_shared>> -> memref<80x128xf32, #tpu.memory_space<vmem_shared>>
      tpu.wait_dma2 semaphore(%run_scoped3A : memref<!tpu.dma_semaphore, #tpu.memory_space<semaphore_mem>>) src(%arg10 : memref<80x128xf32, #tpu.memory_space<vmem>>) dst(%dma_wait3A_162 : memref<80x128xf32, #tpu.memory_space<vmem_shared>>)
      tpu.yield
    }) : () -> ()
    %mul3A_13 = arith.constant 640 : i32
    %mul3A_14 = arith.muli %arg1, %mul3A_13 : i32
    %add3A_15 = arith.constant 160 : i32
    %add3A_16 = arith.addi %mul3A_14, %add3A_15 : i32
    "tpu.region"() ({
      %run_scoped3A = tpu.sem_alloc : memref<!tpu.dma_semaphore, #tpu.memory_space<semaphore_mem>>
      %dma_start3A = arith.constant 0 : i32
      %dma_start3A_157 = tpu.memref_slice %arg14[%add3A_16, %dma_start3A] : memref<10240x128xf32, #tpu.memory_space<vmem_shared>> -> memref<80x128xf32, #tpu.memory_space<vmem_shared>>
      %dma_start3A_158 = arith.constant 0 : i32
      %dma_start3A_159 = tpu.memref_slice %arg14[%add3A_16, %dma_start3A_158] : memref<10240x128xf32, #tpu.memory_space<vmem_shared>> -> memref<80x128xf32, #tpu.memory_space<vmem_shared>>
      tpu.enqueue_dma source(%arg10 : memref<80x128xf32, #tpu.memory_space<vmem>>) target(%dma_start3A_159 : memref<80x128xf32, #tpu.memory_space<vmem_shared>>) target_semaphore(%run_scoped3A : memref<!tpu.dma_semaphore, #tpu.memory_space<semaphore_mem>>)
      %dma_wait3A = arith.constant 0 : i32
      %dma_wait3A_160 = tpu.memref_slice %arg14[%add3A_16, %dma_wait3A] : memref<10240x128xf32, #tpu.memory_space<vmem_shared>> -> memref<80x128xf32, #tpu.memory_space<vmem_shared>>
      %dma_wait3A_161 = arith.constant 0 : i32
      %dma_wait3A_162 = tpu.memref_slice %arg14[%add3A_16, %dma_wait3A_161] : memref<10240x128xf32, #tpu.memory_space<vmem_shared>> -> memref<80x128xf32, #tpu.memory_space<vmem_shared>>
      tpu.wait_dma2 semaphore(%run_scoped3A : memref<!tpu.dma_semaphore, #tpu.memory_space<semaphore_mem>>) src(%arg10 : memref<80x128xf32, #tpu.memory_space<vmem>>) dst(%dma_wait3A_162 : memref<80x128xf32, #tpu.memory_space<vmem_shared>>)
      tpu.yield
    }) : () -> ()
    %mul3A_17 = arith.constant 640 : i32
    %mul3A_18 = arith.muli %arg1, %mul3A_17 : i32
    %add3A_19 = arith.constant 240 : i32
    %add3A_20 = arith.addi %mul3A_18, %add3A_19 : i32
    "tpu.region"() ({
      %run_scoped3A = tpu.sem_alloc : memref<!tpu.dma_semaphore, #tpu.memory_space<semaphore_mem>>
      %dma_start3A = arith.constant 0 : i32
      %dma_start3A_157 = tpu.memref_slice %arg14[%add3A_20, %dma_start3A] : memref<10240x128xf32, #tpu.memory_space<vmem_shared>> -> memref<80x128xf32, #tpu.memory_space<vmem_shared>>
      %dma_start3A_158 = arith.constant 0 : i32
      %dma_start3A_159 = tpu.memref_slice %arg14[%add3A_20, %dma_start3A_158] : memref<10240x128xf32, #tpu.memory_space<vmem_shared>> -> memref<80x128xf32, #tpu.memory_space<vmem_shared>>
      tpu.enqueue_dma source(%arg10 : memref<80x128xf32, #tpu.memory_space<vmem>>) target(%dma_start3A_159 : memref<80x128xf32, #tpu.memory_space<vmem_shared>>) target_semaphore(%run_scoped3A : memref<!tpu.dma_semaphore, #tpu.memory_space<semaphore_mem>>)
      %dma_wait3A = arith.constant 0 : i32
      %dma_wait3A_160 = tpu.memref_slice %arg14[%add3A_20, %dma_wait3A] : memref<10240x128xf32, #tpu.memory_space<vmem_shared>> -> memref<80x128xf32, #tpu.memory_space<vmem_shared>>
      %dma_wait3A_161 = arith.constant 0 : i32
      %dma_wait3A_162 = tpu.memref_slice %arg14[%add3A_20, %dma_wait3A_161] : memref<10240x128xf32, #tpu.memory_space<vmem_shared>> -> memref<80x128xf32, #tpu.memory_space<vmem_shared>>
      tpu.wait_dma2 semaphore(%run_scoped3A : memref<!tpu.dma_semaphore, #tpu.memory_space<semaphore_mem>>) src(%arg10 : memref<80x128xf32, #tpu.memory_space<vmem>>) dst(%dma_wait3A_162 : memref<80x128xf32, #tpu.memory_space<vmem_shared>>)
      tpu.yield
    }) : () -> ()
    %mul3A_21 = arith.constant 640 : i32
    %mul3A_22 = arith.muli %arg1, %mul3A_21 : i32
    %add3A_23 = arith.constant 320 : i32
    %add3A_24 = arith.addi %mul3A_22, %add3A_23 : i32
    "tpu.region"() ({
      %run_scoped3A = tpu.sem_alloc : memref<!tpu.dma_semaphore, #tpu.memory_space<semaphore_mem>>
      %dma_start3A = arith.constant 0 : i32
      %dma_start3A_157 = tpu.memref_slice %arg14[%add3A_24, %dma_start3A] : memref<10240x128xf32, #tpu.memory_space<vmem_shared>> -> memref<80x128xf32, #tpu.memory_space<vmem_shared>>
      %dma_start3A_158 = arith.constant 0 : i32
      %dma_start3A_159 = tpu.memref_slice %arg14[%add3A_24, %dma_start3A_158] : memref<10240x128xf32, #tpu.memory_space<vmem_shared>> -> memref<80x128xf32, #tpu.memory_space<vmem_shared>>
      tpu.enqueue_dma source(%arg10 : memref<80x128xf32, #tpu.memory_space<vmem>>) target(%dma_start3A_159 : memref<80x128xf32, #tpu.memory_space<vmem_shared>>) target_semaphore(%run_scoped3A : memref<!tpu.dma_semaphore, #tpu.memory_space<semaphore_mem>>)
      %dma_wait3A = arith.constant 0 : i32
      %dma_wait3A_160 = tpu.memref_slice %arg14[%add3A_24, %dma_wait3A] : memref<10240x128xf32, #tpu.memory_space<vmem_shared>> -> memref<80x128xf32, #tpu.memory_space<vmem_shared>>
      %dma_wait3A_161 = arith.constant 0 : i32
      %dma_wait3A_162 = tpu.memref_slice %arg14[%add3A_24, %dma_wait3A_161] : memref<10240x128xf32, #tpu.memory_space<vmem_shared>> -> memref<80x128xf32, #tpu.memory_space<vmem_shared>>
      tpu.wait_dma2 semaphore(%run_scoped3A : memref<!tpu.dma_semaphore, #tpu.memory_space<semaphore_mem>>) src(%arg10 : memref<80x128xf32, #tpu.memory_space<vmem>>) dst(%dma_wait3A_162 : memref<80x128xf32, #tpu.memory_space<vmem_shared>>)
      tpu.yield
    }) : () -> ()
    %mul3A_25 = arith.constant 640 : i32
    %mul3A_26 = arith.muli %arg1, %mul3A_25 : i32
    %add3A_27 = arith.constant 400 : i32
    %add3A_28 = arith.addi %mul3A_26, %add3A_27 : i32
    "tpu.region"() ({
      %run_scoped3A = tpu.sem_alloc : memref<!tpu.dma_semaphore, #tpu.memory_space<semaphore_mem>>
      %dma_start3A = arith.constant 0 : i32
      %dma_start3A_157 = tpu.memref_slice %arg14[%add3A_28, %dma_start3A] : memref<10240x128xf32, #tpu.memory_space<vmem_shared>> -> memref<80x128xf32, #tpu.memory_space<vmem_shared>>
      %dma_start3A_158 = arith.constant 0 : i32
      %dma_start3A_159 = tpu.memref_slice %arg14[%add3A_28, %dma_start3A_158] : memref<10240x128xf32, #tpu.memory_space<vmem_shared>> -> memref<80x128xf32, #tpu.memory_space<vmem_shared>>
      tpu.enqueue_dma source(%arg10 : memref<80x128xf32, #tpu.memory_space<vmem>>) target(%dma_start3A_159 : memref<80x128xf32, #tpu.memory_space<vmem_shared>>) target_semaphore(%run_scoped3A : memref<!tpu.dma_semaphore, #tpu.memory_space<semaphore_mem>>)
      %dma_wait3A = arith.constant 0 : i32
      %dma_wait3A_160 = tpu.memref_slice %arg14[%add3A_28, %dma_wait3A] : memref<10240x128xf32, #tpu.memory_space<vmem_shared>> -> memref<80x128xf32, #tpu.memory_space<vmem_shared>>
      %dma_wait3A_161 = arith.constant 0 : i32
      %dma_wait3A_162 = tpu.memref_slice %arg14[%add3A_28, %dma_wait3A_161] : memref<10240x128xf32, #tpu.memory_space<vmem_shared>> -> memref<80x128xf32, #tpu.memory_space<vmem_shared>>
      tpu.wait_dma2 semaphore(%run_scoped3A : memref<!tpu.dma_semaphore, #tpu.memory_space<semaphore_mem>>) src(%arg10 : memref<80x128xf32, #tpu.memory_space<vmem>>) dst(%dma_wait3A_162 : memref<80x128xf32, #tpu.memory_space<vmem_shared>>)
      tpu.yield
    }) : () -> ()
    %mul3A_29 = arith.constant 640 : i32
    %mul3A_30 = arith.muli %arg1, %mul3A_29 : i32
    %add3A_31 = arith.constant 480 : i32
    %add3A_32 = arith.addi %mul3A_30, %add3A_31 : i32
    "tpu.region"() ({
      %run_scoped3A = tpu.sem_alloc : memref<!tpu.dma_semaphore, #tpu.memory_space<semaphore_mem>>
      %dma_start3A = arith.constant 0 : i32
      %dma_start3A_157 = tpu.memref_slice %arg14[%add3A_32, %dma_start3A] : memref<10240x128xf32, #tpu.memory_space<vmem_shared>> -> memref<80x128xf32, #tpu.memory_space<vmem_shared>>
      %dma_start3A_158 = arith.constant 0 : i32
      %dma_start3A_159 = tpu.memref_slice %arg14[%add3A_32, %dma_start3A_158] : memref<10240x128xf32, #tpu.memory_space<vmem_shared>> -> memref<80x128xf32, #tpu.memory_space<vmem_shared>>
      tpu.enqueue_dma source(%arg10 : memref<80x128xf32, #tpu.memory_space<vmem>>) target(%dma_start3A_159 : memref<80x128xf32, #tpu.memory_space<vmem_shared>>) target_semaphore(%run_scoped3A : memref<!tpu.dma_semaphore, #tpu.memory_space<semaphore_mem>>)
      %dma_wait3A = arith.constant 0 : i32
      %dma_wait3A_160 = tpu.memref_slice %arg14[%add3A_32, %dma_wait3A] : memref<10240x128xf32, #tpu.memory_space<vmem_shared>> -> memref<80x128xf32, #tpu.memory_space<vmem_shared>>
      %dma_wait3A_161 = arith.constant 0 : i32
      %dma_wait3A_162 = tpu.memref_slice %arg14[%add3A_32, %dma_wait3A_161] : memref<10240x128xf32, #tpu.memory_space<vmem_shared>> -> memref<80x128xf32, #tpu.memory_space<vmem_shared>>
      tpu.wait_dma2 semaphore(%run_scoped3A : memref<!tpu.dma_semaphore, #tpu.memory_space<semaphore_mem>>) src(%arg10 : memref<80x128xf32, #tpu.memory_space<vmem>>) dst(%dma_wait3A_162 : memref<80x128xf32, #tpu.memory_space<vmem_shared>>)
      tpu.yield
    }) : () -> ()
    %mul3A_33 = arith.constant 640 : i32
    %mul3A_34 = arith.muli %arg1, %mul3A_33 : i32
    %add3A_35 = arith.constant 560 : i32
    %add3A_36 = arith.addi %mul3A_34, %add3A_35 : i32
    "tpu.region"() ({
      %run_scoped3A = tpu.sem_alloc : memref<!tpu.dma_semaphore, #tpu.memory_space<semaphore_mem>>
      %dma_start3A = arith.constant 0 : i32
      %dma_start3A_157 = tpu.memref_slice %arg14[%add3A_36, %dma_start3A] : memref<10240x128xf32, #tpu.memory_space<vmem_shared>> -> memref<80x128xf32, #tpu.memory_space<vmem_shared>>
      %dma_start3A_158 = arith.constant 0 : i32
      %dma_start3A_159 = tpu.memref_slice %arg14[%add3A_36, %dma_start3A_158] : memref<10240x128xf32, #tpu.memory_space<vmem_shared>> -> memref<80x128xf32, #tpu.memory_space<vmem_shared>>
      tpu.enqueue_dma source(%arg10 : memref<80x128xf32, #tpu.memory_space<vmem>>) target(%dma_start3A_159 : memref<80x128xf32, #tpu.memory_space<vmem_shared>>) target_semaphore(%run_scoped3A : memref<!tpu.dma_semaphore, #tpu.memory_space<semaphore_mem>>)
      %dma_wait3A = arith.constant 0 : i32
      %dma_wait3A_160 = tpu.memref_slice %arg14[%add3A_36, %dma_wait3A] : memref<10240x128xf32, #tpu.memory_space<vmem_shared>> -> memref<80x128xf32, #tpu.memory_space<vmem_shared>>
      %dma_wait3A_161 = arith.constant 0 : i32
      %dma_wait3A_162 = tpu.memref_slice %arg14[%add3A_36, %dma_wait3A_161] : memref<10240x128xf32, #tpu.memory_space<vmem_shared>> -> memref<80x128xf32, #tpu.memory_space<vmem_shared>>
      tpu.wait_dma2 semaphore(%run_scoped3A : memref<!tpu.dma_semaphore, #tpu.memory_space<semaphore_mem>>) src(%arg10 : memref<80x128xf32, #tpu.memory_space<vmem>>) dst(%dma_wait3A_162 : memref<80x128xf32, #tpu.memory_space<vmem_shared>>)
      tpu.yield
    }) : () -> ()
    %barrier3A = arith.constant 0 : index
    tpu.barrier barrier_id(%barrier3A)
    %eq3A = arith.constant 0 : i32
    %eq3A_37 = arith.cmpi eq, %arg0, %eq3A : i32
    %convert_element_type3A = arith.extui %eq3A_37 : i1 to i32
    %cond3A = arith.constant 0 : i32
    %cond3A_38 = arith.cmpi ne, %convert_element_type3A, %cond3A : i32
    scf.if %cond3A_38 {
      %add3A_157 = arith.constant 0 : i32
      %add3A_158 = arith.addi %mul3A_0, %add3A_157 : i32
      %mul3A_159 = arith.constant 80 : i32
      %mul3A_160 = arith.muli %add3A_158, %mul3A_159 : i32
      %dma_start3A = arith.constant 0 : i32
      %dma_start3A_161 = arith.constant 0 : i32
      %dma_start3A_162 = tpu.memref_slice %arg8[%dma_start3A, %dma_start3A_161] : memref<4x80xi32, #tpu.memory_space<vmem>> -> memref<1x80xi32, #tpu.memory_space<vmem>>
      %dma_start3A_163 = tpu.memref_squeeze %dma_start3A_162 : memref<1x80xi32, #tpu.memory_space<vmem>> -> memref<80xi32, #tpu.memory_space<vmem>>
      %dma_start3A_164 = tpu.memref_slice %arg4[%mul3A_160] : memref<320000xi32, #tpu.memory_space<hbm>> -> memref<80xi32, #tpu.memory_space<hbm>>
      %dma_start3A_165 = arith.constant 0 : i32
      %dma_start3A_166 = tpu.memref_slice %arg8[%dma_start3A, %dma_start3A_165] : memref<4x80xi32, #tpu.memory_space<vmem>> -> memref<1x80xi32, #tpu.memory_space<vmem>>
      %dma_start3A_167 = tpu.memref_squeeze %dma_start3A_166 : memref<1x80xi32, #tpu.memory_space<vmem>> -> memref<80xi32, #tpu.memory_space<vmem>>
      %dma_start3A_168 = tpu.memref_slice %arg4[%mul3A_160] : memref<320000xi32, #tpu.memory_space<hbm>> -> memref<80xi32, #tpu.memory_space<hbm>>
      tpu.enqueue_dma source(%dma_start3A_168 : memref<80xi32, #tpu.memory_space<hbm>>) target(%dma_start3A_167 : memref<80xi32, #tpu.memory_space<vmem>>) target_semaphore(%arg23 : memref<!tpu.dma_semaphore, #tpu.memory_space<semaphore_mem>>)
      %dma_start3A_169 = arith.constant 0 : i32
      %dma_start3A_170 = arith.constant 0 : i32
      %dma_start3A_171 = tpu.memref_slice %arg9[%dma_start3A_169, %dma_start3A_170] : memref<4x80xi32, #tpu.memory_space<vmem>> -> memref<1x80xi32, #tpu.memory_space<vmem>>
      %dma_start3A_172 = tpu.memref_squeeze %dma_start3A_171 : memref<1x80xi32, #tpu.memory_space<vmem>> -> memref<80xi32, #tpu.memory_space<vmem>>
      %dma_start3A_173 = tpu.memref_slice %arg5[%mul3A_160] : memref<320000xi32, #tpu.memory_space<hbm>> -> memref<80xi32, #tpu.memory_space<hbm>>
      %dma_start3A_174 = arith.constant 0 : i32
      %dma_start3A_175 = tpu.memref_slice %arg9[%dma_start3A_169, %dma_start3A_174] : memref<4x80xi32, #tpu.memory_space<vmem>> -> memref<1x80xi32, #tpu.memory_space<vmem>>
      %dma_start3A_176 = tpu.memref_squeeze %dma_start3A_175 : memref<1x80xi32, #tpu.memory_space<vmem>> -> memref<80xi32, #tpu.memory_space<vmem>>
      %dma_start3A_177 = tpu.memref_slice %arg5[%mul3A_160] : memref<320000xi32, #tpu.memory_space<hbm>> -> memref<80xi32, #tpu.memory_space<hbm>>
      tpu.enqueue_dma source(%dma_start3A_177 : memref<80xi32, #tpu.memory_space<hbm>>) target(%dma_start3A_176 : memref<80xi32, #tpu.memory_space<vmem>>) target_semaphore(%arg23 : memref<!tpu.dma_semaphore, #tpu.memory_space<semaphore_mem>>)
      %dma_wait3A = arith.constant 0 : i32
      %dma_wait3A_178 = arith.constant 0 : i32
      %dma_wait3A_179 = tpu.memref_slice %arg8[%dma_wait3A, %dma_wait3A_178] : memref<4x80xi32, #tpu.memory_space<vmem>> -> memref<1x80xi32, #tpu.memory_space<vmem>>
      %dma_wait3A_180 = tpu.memref_squeeze %dma_wait3A_179 : memref<1x80xi32, #tpu.memory_space<vmem>> -> memref<80xi32, #tpu.memory_space<vmem>>
      %dma_wait3A_181 = tpu.memref_slice %arg4[%mul3A_160] : memref<320000xi32, #tpu.memory_space<hbm>> -> memref<80xi32, #tpu.memory_space<hbm>>
      %dma_wait3A_182 = arith.constant 0 : i32
      %dma_wait3A_183 = tpu.memref_slice %arg8[%dma_wait3A, %dma_wait3A_182] : memref<4x80xi32, #tpu.memory_space<vmem>> -> memref<1x80xi32, #tpu.memory_space<vmem>>
      %dma_wait3A_184 = tpu.memref_squeeze %dma_wait3A_183 : memref<1x80xi32, #tpu.memory_space<vmem>> -> memref<80xi32, #tpu.memory_space<vmem>>
      %dma_wait3A_185 = tpu.memref_slice %arg4[%mul3A_160] : memref<320000xi32, #tpu.memory_space<hbm>> -> memref<80xi32, #tpu.memory_space<hbm>>
      tpu.wait_dma2 semaphore(%arg23 : memref<!tpu.dma_semaphore, #tpu.memory_space<semaphore_mem>>) src(%dma_wait3A_185 : memref<80xi32, #tpu.memory_space<hbm>>) dst(%dma_wait3A_184 : memref<80xi32, #tpu.memory_space<vmem>>)
      %dma_wait3A_186 = arith.constant 0 : i32
      %dma_wait3A_187 = arith.constant 0 : i32
      %dma_wait3A_188 = tpu.memref_slice %arg9[%dma_wait3A_186, %dma_wait3A_187] : memref<4x80xi32, #tpu.memory_space<vmem>> -> memref<1x80xi32, #tpu.memory_space<vmem>>
      %dma_wait3A_189 = tpu.memref_squeeze %dma_wait3A_188 : memref<1x80xi32, #tpu.memory_space<vmem>> -> memref<80xi32, #tpu.memory_space<vmem>>
      %dma_wait3A_190 = tpu.memref_slice %arg5[%mul3A_160] : memref<320000xi32, #tpu.memory_space<hbm>> -> memref<80xi32, #tpu.memory_space<hbm>>
      %dma_wait3A_191 = arith.constant 0 : i32
      %dma_wait3A_192 = tpu.memref_slice %arg9[%dma_wait3A_186, %dma_wait3A_191] : memref<4x80xi32, #tpu.memory_space<vmem>> -> memref<1x80xi32, #tpu.memory_space<vmem>>
      %dma_wait3A_193 = tpu.memref_squeeze %dma_wait3A_192 : memref<1x80xi32, #tpu.memory_space<vmem>> -> memref<80xi32, #tpu.memory_space<vmem>>
      %dma_wait3A_194 = tpu.memref_slice %arg5[%mul3A_160] : memref<320000xi32, #tpu.memory_space<hbm>> -> memref<80xi32, #tpu.memory_space<hbm>>
      tpu.wait_dma2 semaphore(%arg23 : memref<!tpu.dma_semaphore, #tpu.memory_space<semaphore_mem>>) src(%dma_wait3A_194 : memref<80xi32, #tpu.memory_space<hbm>>) dst(%dma_wait3A_193 : memref<80xi32, #tpu.memory_space<vmem>>)
      %dma_start3A_195 = arith.constant 0 : i32
      %dma_start3A_196 = arith.constant 0 : i32
      %dma_start3A_197 = tpu.memref_slice %arg8[%dma_start3A_195, %dma_start3A_196] : memref<4x80xi32, #tpu.memory_space<vmem>> -> memref<1x80xi32, #tpu.memory_space<vmem>>
      %dma_start3A_198 = tpu.memref_squeeze %dma_start3A_197 : memref<1x80xi32, #tpu.memory_space<vmem>> -> memref<80xi32, #tpu.memory_space<vmem>>
      %dma_start3A_199 = arith.constant 0 : i32
      %dma_start3A_200 = arith.constant 0 : i32
      %dma_start3A_201 = tpu.memref_slice %arg2[%dma_start3A_199, %dma_start3A_200] : memref<10000x128xf32, #tpu.memory_space<hbm>> -> memref<10000x128xf32, #tpu.memory_space<hbm>>
      tpu.enqueue_indirect_dma source(%dma_start3A_201 : memref<10000x128xf32, #tpu.memory_space<hbm>>) target(%arg10 : memref<80x128xf32, #tpu.memory_space<vmem>>) offsets(%dma_start3A_198 : memref<80xi32, #tpu.memory_space<vmem>>) semaphore(%arg15 : memref<!tpu.dma_semaphore, #tpu.memory_space<semaphore_mem>>)
      %add3A_202 = arith.constant 1 : i32
      %add3A_203 = arith.addi %mul3A_0, %add3A_202 : i32
      %mul3A_204 = arith.constant 80 : i32
      %mul3A_205 = arith.muli %add3A_203, %mul3A_204 : i32
      %dma_start3A_206 = arith.constant 1 : i32
      %dma_start3A_207 = arith.constant 0 : i32
      %dma_start3A_208 = tpu.memref_slice %arg8[%dma_start3A_206, %dma_start3A_207] : memref<4x80xi32, #tpu.memory_space<vmem>> -> memref<1x80xi32, #tpu.memory_space<vmem>>
      %dma_start3A_209 = tpu.memref_squeeze %dma_start3A_208 : memref<1x80xi32, #tpu.memory_space<vmem>> -> memref<80xi32, #tpu.memory_space<vmem>>
      %dma_start3A_210 = tpu.memref_slice %arg4[%mul3A_205] : memref<320000xi32, #tpu.memory_space<hbm>> -> memref<80xi32, #tpu.memory_space<hbm>>
      %dma_start3A_211 = arith.constant 0 : i32
      %dma_start3A_212 = tpu.memref_slice %arg8[%dma_start3A_206, %dma_start3A_211] : memref<4x80xi32, #tpu.memory_space<vmem>> -> memref<1x80xi32, #tpu.memory_space<vmem>>
      %dma_start3A_213 = tpu.memref_squeeze %dma_start3A_212 : memref<1x80xi32, #tpu.memory_space<vmem>> -> memref<80xi32, #tpu.memory_space<vmem>>
      %dma_start3A_214 = tpu.memref_slice %arg4[%mul3A_205] : memref<320000xi32, #tpu.memory_space<hbm>> -> memref<80xi32, #tpu.memory_space<hbm>>
      tpu.enqueue_dma source(%dma_start3A_214 : memref<80xi32, #tpu.memory_space<hbm>>) target(%dma_start3A_213 : memref<80xi32, #tpu.memory_space<vmem>>) target_semaphore(%arg23 : memref<!tpu.dma_semaphore, #tpu.memory_space<semaphore_mem>>)
      %dma_start3A_215 = arith.constant 1 : i32
      %dma_start3A_216 = arith.constant 0 : i32
      %dma_start3A_217 = tpu.memref_slice %arg9[%dma_start3A_215, %dma_start3A_216] : memref<4x80xi32, #tpu.memory_space<vmem>> -> memref<1x80xi32, #tpu.memory_space<vmem>>
      %dma_start3A_218 = tpu.memref_squeeze %dma_start3A_217 : memref<1x80xi32, #tpu.memory_space<vmem>> -> memref<80xi32, #tpu.memory_space<vmem>>
      %dma_start3A_219 = tpu.memref_slice %arg5[%mul3A_205] : memref<320000xi32, #tpu.memory_space<hbm>> -> memref<80xi32, #tpu.memory_space<hbm>>
      %dma_start3A_220 = arith.constant 0 : i32
      %dma_start3A_221 = tpu.memref_slice %arg9[%dma_start3A_215, %dma_start3A_220] : memref<4x80xi32, #tpu.memory_space<vmem>> -> memref<1x80xi32, #tpu.memory_space<vmem>>
      %dma_start3A_222 = tpu.memref_squeeze %dma_start3A_221 : memref<1x80xi32, #tpu.memory_space<vmem>> -> memref<80xi32, #tpu.memory_space<vmem>>
      %dma_start3A_223 = tpu.memref_slice %arg5[%mul3A_205] : memref<320000xi32, #tpu.memory_space<hbm>> -> memref<80xi32, #tpu.memory_space<hbm>>
      tpu.enqueue_dma source(%dma_start3A_223 : memref<80xi32, #tpu.memory_space<hbm>>) target(%dma_start3A_222 : memref<80xi32, #tpu.memory_space<vmem>>) target_semaphore(%arg23 : memref<!tpu.dma_semaphore, #tpu.memory_space<semaphore_mem>>)
      %dma_wait3A_224 = arith.constant 1 : i32
      %dma_wait3A_225 = arith.constant 0 : i32
      %dma_wait3A_226 = tpu.memref_slice %arg8[%dma_wait3A_224, %dma_wait3A_225] : memref<4x80xi32, #tpu.memory_space<vmem>> -> memref<1x80xi32, #tpu.memory_space<vmem>>
      %dma_wait3A_227 = tpu.memref_squeeze %dma_wait3A_226 : memref<1x80xi32, #tpu.memory_space<vmem>> -> memref<80xi32, #tpu.memory_space<vmem>>
      %dma_wait3A_228 = tpu.memref_slice %arg4[%mul3A_205] : memref<320000xi32, #tpu.memory_space<hbm>> -> memref<80xi32, #tpu.memory_space<hbm>>
      %dma_wait3A_229 = arith.constant 0 : i32
      %dma_wait3A_230 = tpu.memref_slice %arg8[%dma_wait3A_224, %dma_wait3A_229] : memref<4x80xi32, #tpu.memory_space<vmem>> -> memref<1x80xi32, #tpu.memory_space<vmem>>
      %dma_wait3A_231 = tpu.memref_squeeze %dma_wait3A_230 : memref<1x80xi32, #tpu.memory_space<vmem>> -> memref<80xi32, #tpu.memory_space<vmem>>
      %dma_wait3A_232 = tpu.memref_slice %arg4[%mul3A_205] : memref<320000xi32, #tpu.memory_space<hbm>> -> memref<80xi32, #tpu.memory_space<hbm>>
      tpu.wait_dma2 semaphore(%arg23 : memref<!tpu.dma_semaphore, #tpu.memory_space<semaphore_mem>>) src(%dma_wait3A_232 : memref<80xi32, #tpu.memory_space<hbm>>) dst(%dma_wait3A_231 : memref<80xi32, #tpu.memory_space<vmem>>)
      %dma_wait3A_233 = arith.constant 1 : i32
      %dma_wait3A_234 = arith.constant 0 : i32
      %dma_wait3A_235 = tpu.memref_slice %arg9[%dma_wait3A_233, %dma_wait3A_234] : memref<4x80xi32, #tpu.memory_space<vmem>> -> memref<1x80xi32, #tpu.memory_space<vmem>>
      %dma_wait3A_236 = tpu.memref_squeeze %dma_wait3A_235 : memref<1x80xi32, #tpu.memory_space<vmem>> -> memref<80xi32, #tpu.memory_space<vmem>>
      %dma_wait3A_237 = tpu.memref_slice %arg5[%mul3A_205] : memref<320000xi32, #tpu.memory_space<hbm>> -> memref<80xi32, #tpu.memory_space<hbm>>
      %dma_wait3A_238 = arith.constant 0 : i32
      %dma_wait3A_239 = tpu.memref_slice %arg9[%dma_wait3A_233, %dma_wait3A_238] : memref<4x80xi32, #tpu.memory_space<vmem>> -> memref<1x80xi32, #tpu.memory_space<vmem>>
      %dma_wait3A_240 = tpu.memref_squeeze %dma_wait3A_239 : memref<1x80xi32, #tpu.memory_space<vmem>> -> memref<80xi32, #tpu.memory_space<vmem>>
      %dma_wait3A_241 = tpu.memref_slice %arg5[%mul3A_205] : memref<320000xi32, #tpu.memory_space<hbm>> -> memref<80xi32, #tpu.memory_space<hbm>>
      tpu.wait_dma2 semaphore(%arg23 : memref<!tpu.dma_semaphore, #tpu.memory_space<semaphore_mem>>) src(%dma_wait3A_241 : memref<80xi32, #tpu.memory_space<hbm>>) dst(%dma_wait3A_240 : memref<80xi32, #tpu.memory_space<vmem>>)
      %dma_start3A_242 = arith.constant 1 : i32
      %dma_start3A_243 = arith.constant 0 : i32
      %dma_start3A_244 = tpu.memref_slice %arg8[%dma_start3A_242, %dma_start3A_243] : memref<4x80xi32, #tpu.memory_space<vmem>> -> memref<1x80xi32, #tpu.memory_space<vmem>>
      %dma_start3A_245 = tpu.memref_squeeze %dma_start3A_244 : memref<1x80xi32, #tpu.memory_space<vmem>> -> memref<80xi32, #tpu.memory_space<vmem>>
      %dma_start3A_246 = arith.constant 0 : i32
      %dma_start3A_247 = arith.constant 0 : i32
      %dma_start3A_248 = tpu.memref_slice %arg2[%dma_start3A_246, %dma_start3A_247] : memref<10000x128xf32, #tpu.memory_space<hbm>> -> memref<10000x128xf32, #tpu.memory_space<hbm>>
      tpu.enqueue_indirect_dma source(%dma_start3A_248 : memref<10000x128xf32, #tpu.memory_space<hbm>>) target(%arg11 : memref<80x128xf32, #tpu.memory_space<vmem>>) offsets(%dma_start3A_245 : memref<80xi32, #tpu.memory_space<vmem>>) semaphore(%arg16 : memref<!tpu.dma_semaphore, #tpu.memory_space<semaphore_mem>>)
      %scan3A_249 = arith.constant 0 : i32
      %scan3A_250 = arith.constant 0 : i32
      %scan3A_251 = arith.constant 62 : i32
      %scan3A_252 = arith.addi %scan3A_250, %scan3A_251 : i32
      %scan3A_253 = arith.constant 1 : i32
      scf.for %scan3A_270 = %scan3A_250 to %scan3A_252 step %scan3A_253  : i32 {
        %mul3A_271 = arith.constant 4 : i32
        %mul3A_272 = arith.muli %scan3A_270, %mul3A_271 : i32
        %add3A_273 = arith.constant 0 : i32
        %add3A_274 = arith.addi %mul3A_272, %add3A_273 : i32
        %dma_wait3A_275 = arith.constant 0 : i32
        %dma_wait3A_276 = arith.constant 0 : i32
        %dma_wait3A_277 = tpu.memref_slice %arg8[%dma_wait3A_275, %dma_wait3A_276] : memref<4x80xi32, #tpu.memory_space<vmem>> -> memref<1x80xi32, #tpu.memory_space<vmem>>
        %dma_wait3A_278 = tpu.memref_squeeze %dma_wait3A_277 : memref<1x80xi32, #tpu.memory_space<vmem>> -> memref<80xi32, #tpu.memory_space<vmem>>
        %dma_wait3A_279 = arith.constant 0 : i32
        %dma_wait3A_280 = arith.constant 0 : i32
        %dma_wait3A_281 = tpu.memref_slice %arg2[%dma_wait3A_279, %dma_wait3A_280] : memref<10000x128xf32, #tpu.memory_space<hbm>> -> memref<10000x128xf32, #tpu.memory_space<hbm>>
        tpu.wait_indirect_dma semaphore(%arg15 : memref<!tpu.dma_semaphore, #tpu.memory_space<semaphore_mem>>) src(%dma_wait3A_281 : memref<10000x128xf32, #tpu.memory_space<hbm>>) dst(%arg10 : memref<80x128xf32, #tpu.memory_space<vmem>>)
        %add3A_282 = arith.constant 2 : i32
        %add3A_283 = arith.addi %add3A_274, %add3A_282 : i32
        %lt3A = arith.constant 250 : i32
        %lt3A_284 = arith.cmpi slt, %add3A_283, %lt3A : i32
        %convert_element_type3A_285 = arith.extui %lt3A_284 : i1 to i32
        %cond3A_286 = arith.constant 0 : i32
        %cond3A_287 = arith.cmpi ne, %convert_element_type3A_285, %cond3A_286 : i32
        scf.if %cond3A_287 {
          %add3A_346 = arith.constant 2 : i32
          %add3A_347 = arith.addi %add3A_274, %add3A_346 : i32
          %add3A_348 = arith.addi %mul3A_0, %add3A_347 : i32
          %mul3A_349 = arith.constant 80 : i32
          %mul3A_350 = arith.muli %add3A_348, %mul3A_349 : i32
          %dma_start3A_351 = arith.constant 2 : i32
          %dma_start3A_352 = arith.constant 0 : i32
          %dma_start3A_353 = tpu.memref_slice %arg8[%dma_start3A_351, %dma_start3A_352] : memref<4x80xi32, #tpu.memory_space<vmem>> -> memref<1x80xi32, #tpu.memory_space<vmem>>
          %dma_start3A_354 = tpu.memref_squeeze %dma_start3A_353 : memref<1x80xi32, #tpu.memory_space<vmem>> -> memref<80xi32, #tpu.memory_space<vmem>>
          %dma_start3A_355 = tpu.memref_slice %arg4[%mul3A_350] : memref<320000xi32, #tpu.memory_space<hbm>> -> memref<80xi32, #tpu.memory_space<hbm>>
          %dma_start3A_356 = arith.constant 0 : i32
          %dma_start3A_357 = tpu.memref_slice %arg8[%dma_start3A_351, %dma_start3A_356] : memref<4x80xi32, #tpu.memory_space<vmem>> -> memref<1x80xi32, #tpu.memory_space<vmem>>
          %dma_start3A_358 = tpu.memref_squeeze %dma_start3A_357 : memref<1x80xi32, #tpu.memory_space<vmem>> -> memref<80xi32, #tpu.memory_space<vmem>>
          %dma_start3A_359 = tpu.memref_slice %arg4[%mul3A_350] : memref<320000xi32, #tpu.memory_space<hbm>> -> memref<80xi32, #tpu.memory_space<hbm>>
          tpu.enqueue_dma source(%dma_start3A_359 : memref<80xi32, #tpu.memory_space<hbm>>) target(%dma_start3A_358 : memref<80xi32, #tpu.memory_space<vmem>>) target_semaphore(%arg23 : memref<!tpu.dma_semaphore, #tpu.memory_space<semaphore_mem>>)
          %dma_start3A_360 = arith.constant 2 : i32
          %dma_start3A_361 = arith.constant 0 : i32
          %dma_start3A_362 = tpu.memref_slice %arg9[%dma_start3A_360, %dma_start3A_361] : memref<4x80xi32, #tpu.memory_space<vmem>> -> memref<1x80xi32, #tpu.memory_space<vmem>>
          %dma_start3A_363 = tpu.memref_squeeze %dma_start3A_362 : memref<1x80xi32, #tpu.memory_space<vmem>> -> memref<80xi32, #tpu.memory_space<vmem>>
          %dma_start3A_364 = tpu.memref_slice %arg5[%mul3A_350] : memref<320000xi32, #tpu.memory_space<hbm>> -> memref<80xi32, #tpu.memory_space<hbm>>
          %dma_start3A_365 = arith.constant 0 : i32
          %dma_start3A_366 = tpu.memref_slice %arg9[%dma_start3A_360, %dma_start3A_365] : memref<4x80xi32, #tpu.memory_space<vmem>> -> memref<1x80xi32, #tpu.memory_space<vmem>>
          %dma_start3A_367 = tpu.memref_squeeze %dma_start3A_366 : memref<1x80xi32, #tpu.memory_space<vmem>> -> memref<80xi32, #tpu.memory_space<vmem>>
          %dma_start3A_368 = tpu.memref_slice %arg5[%mul3A_350] : memref<320000xi32, #tpu.memory_space<hbm>> -> memref<80xi32, #tpu.memory_space<hbm>>
          tpu.enqueue_dma source(%dma_start3A_368 : memref<80xi32, #tpu.memory_space<hbm>>) target(%dma_start3A_367 : memref<80xi32, #tpu.memory_space<vmem>>) target_semaphore(%arg23 : memref<!tpu.dma_semaphore, #tpu.memory_space<semaphore_mem>>)
          %dma_wait3A_369 = arith.constant 2 : i32
          %dma_wait3A_370 = arith.constant 0 : i32
          %dma_wait3A_371 = tpu.memref_slice %arg8[%dma_wait3A_369, %dma_wait3A_370] : memref<4x80xi32, #tpu.memory_space<vmem>> -> memref<1x80xi32, #tpu.memory_space<vmem>>
          %dma_wait3A_372 = tpu.memref_squeeze %dma_wait3A_371 : memref<1x80xi32, #tpu.memory_space<vmem>> -> memref<80xi32, #tpu.memory_space<vmem>>
          %dma_wait3A_373 = tpu.memref_slice %arg4[%mul3A_350] : memref<320000xi32, #tpu.memory_space<hbm>> -> memref<80xi32, #tpu.memory_space<hbm>>
          %dma_wait3A_374 = arith.constant 0 : i32
          %dma_wait3A_375 = tpu.memref_slice %arg8[%dma_wait3A_369, %dma_wait3A_374] : memref<4x80xi32, #tpu.memory_space<vmem>> -> memref<1x80xi32, #tpu.memory_space<vmem>>
          %dma_wait3A_376 = tpu.memref_squeeze %dma_wait3A_375 : memref<1x80xi32, #tpu.memory_space<vmem>> -> memref<80xi32, #tpu.memory_space<vmem>>
          %dma_wait3A_377 = tpu.memref_slice %arg4[%mul3A_350] : memref<320000xi32, #tpu.memory_space<hbm>> -> memref<80xi32, #tpu.memory_space<hbm>>
          tpu.wait_dma2 semaphore(%arg23 : memref<!tpu.dma_semaphore, #tpu.memory_space<semaphore_mem>>) src(%dma_wait3A_377 : memref<80xi32, #tpu.memory_space<hbm>>) dst(%dma_wait3A_376 : memref<80xi32, #tpu.memory_space<vmem>>)
          %dma_wait3A_378 = arith.constant 2 : i32
          %dma_wait3A_379 = arith.constant 0 : i32
          %dma_wait3A_380 = tpu.memref_slice %arg9[%dma_wait3A_378, %dma_wait3A_379] : memref<4x80xi32, #tpu.memory_space<vmem>> -> memref<1x80xi32, #tpu.memory_space<vmem>>
          %dma_wait3A_381 = tpu.memref_squeeze %dma_wait3A_380 : memref<1x80xi32, #tpu.memory_space<vmem>> -> memref<80xi32, #tpu.memory_space<vmem>>
          %dma_wait3A_382 = tpu.memref_slice %arg5[%mul3A_350] : memref<320000xi32, #tpu.memory_space<hbm>> -> memref<80xi32, #tpu.memory_space<hbm>>
          %dma_wait3A_383 = arith.constant 0 : i32
          %dma_wait3A_384 = tpu.memref_slice %arg9[%dma_wait3A_378, %dma_wait3A_383] : memref<4x80xi32, #tpu.memory_space<vmem>> -> memref<1x80xi32, #tpu.memory_space<vmem>>
          %dma_wait3A_385 = tpu.memref_squeeze %dma_wait3A_384 : memref<1x80xi32, #tpu.memory_space<vmem>> -> memref<80xi32, #tpu.memory_space<vmem>>
          %dma_wait3A_386 = tpu.memref_slice %arg5[%mul3A_350] : memref<320000xi32, #tpu.memory_space<hbm>> -> memref<80xi32, #tpu.memory_space<hbm>>
          tpu.wait_dma2 semaphore(%arg23 : memref<!tpu.dma_semaphore, #tpu.memory_space<semaphore_mem>>) src(%dma_wait3A_386 : memref<80xi32, #tpu.memory_space<hbm>>) dst(%dma_wait3A_385 : memref<80xi32, #tpu.memory_space<vmem>>)
          %add3A_387 = arith.constant 2 : i32
          %add3A_388 = arith.addi %add3A_274, %add3A_387 : i32
          %dma_start3A_389 = arith.constant 2 : i32
          %dma_start3A_390 = arith.constant 0 : i32
          %dma_start3A_391 = tpu.memref_slice %arg8[%dma_start3A_389, %dma_start3A_390] : memref<4x80xi32, #tpu.memory_space<vmem>> -> memref<1x80xi32, #tpu.memory_space<vmem>>
          %dma_start3A_392 = tpu.memref_squeeze %dma_start3A_391 : memref<1x80xi32, #tpu.memory_space<vmem>> -> memref<80xi32, #tpu.memory_space<vmem>>
          %dma_start3A_393 = arith.constant 0 : i32
          %dma_start3A_394 = arith.constant 0 : i32
          %dma_start3A_395 = tpu.memref_slice %arg2[%dma_start3A_393, %dma_start3A_394] : memref<10000x128xf32, #tpu.memory_space<hbm>> -> memref<10000x128xf32, #tpu.memory_space<hbm>>
          tpu.enqueue_indirect_dma source(%dma_start3A_395 : memref<10000x128xf32, #tpu.memory_space<hbm>>) target(%arg12 : memref<80x128xf32, #tpu.memory_space<vmem>>) offsets(%dma_start3A_392 : memref<80xi32, #tpu.memory_space<vmem>>) semaphore(%arg17 : memref<!tpu.dma_semaphore, #tpu.memory_space<semaphore_mem>>)
        } else {
        }
        %run_scoped3A_288 = arith.constant 0 : i32
        "tpu.region"() ({
          %run_scoped3A_346 = tpu.sem_alloc : memref<!tpu.dma_semaphore, #tpu.memory_space<semaphore_mem>>
          %dma_start3A_347 = arith.constant 0 : i32
          %dma_start3A_348 = tpu.memref_slice %arg9[%run_scoped3A_288, %dma_start3A_347] : memref<4x80xi32, #tpu.memory_space<vmem>> -> memref<1x80xi32, #tpu.memory_space<vmem>>
          %dma_start3A_349 = tpu.memref_squeeze %dma_start3A_348 : memref<1x80xi32, #tpu.memory_space<vmem>> -> memref<80xi32, #tpu.memory_space<vmem>>
          %dma_start3A_350 = arith.constant 0 : i32
          %dma_start3A_351 = arith.constant 0 : i32
          %dma_start3A_352 = tpu.memref_slice %arg14[%dma_start3A_350, %dma_start3A_351] : memref<10240x128xf32, #tpu.memory_space<vmem_shared>> -> memref<10240x128xf32, #tpu.memory_space<vmem_shared>>
          tpu.enqueue_indirect_dma source(%arg10 : memref<80x128xf32, #tpu.memory_space<vmem>>) target(%dma_start3A_352 : memref<10240x128xf32, #tpu.memory_space<vmem_shared>>) offsets(%dma_start3A_349 : memref<80xi32, #tpu.memory_space<vmem>>) semaphore(%run_scoped3A_346 : memref<!tpu.dma_semaphore, #tpu.memory_space<semaphore_mem>>) {add = true}
          %dma_wait3A_353 = arith.constant 0 : i32
          %dma_wait3A_354 = tpu.memref_slice %arg9[%run_scoped3A_288, %dma_wait3A_353] : memref<4x80xi32, #tpu.memory_space<vmem>> -> memref<1x80xi32, #tpu.memory_space<vmem>>
          %dma_wait3A_355 = tpu.memref_squeeze %dma_wait3A_354 : memref<1x80xi32, #tpu.memory_space<vmem>> -> memref<80xi32, #tpu.memory_space<vmem>>
          %dma_wait3A_356 = arith.constant 0 : i32
          %dma_wait3A_357 = arith.constant 0 : i32
          %dma_wait3A_358 = tpu.memref_slice %arg14[%dma_wait3A_356, %dma_wait3A_357] : memref<10240x128xf32, #tpu.memory_space<vmem_shared>> -> memref<10240x128xf32, #tpu.memory_space<vmem_shared>>
          tpu.wait_indirect_dma semaphore(%run_scoped3A_346 : memref<!tpu.dma_semaphore, #tpu.memory_space<semaphore_mem>>) src(%arg10 : memref<80x128xf32, #tpu.memory_space<vmem>>) dst(%dma_wait3A_358 : memref<10240x128xf32, #tpu.memory_space<vmem_shared>>)
          tpu.yield
        }) : () -> ()
        %mul3A_289 = arith.constant 4 : i32
        %mul3A_290 = arith.muli %scan3A_270, %mul3A_289 : i32
        %add3A_291 = arith.constant 1 : i32
        %add3A_292 = arith.addi %mul3A_290, %add3A_291 : i32
        %dma_wait3A_293 = arith.constant 1 : i32
        %dma_wait3A_294 = arith.constant 0 : i32
        %dma_wait3A_295 = tpu.memref_slice %arg8[%dma_wait3A_293, %dma_wait3A_294] : memref<4x80xi32, #tpu.memory_space<vmem>> -> memref<1x80xi32, #tpu.memory_space<vmem>>
        %dma_wait3A_296 = tpu.memref_squeeze %dma_wait3A_295 : memref<1x80xi32, #tpu.memory_space<vmem>> -> memref<80xi32, #tpu.memory_space<vmem>>
        %dma_wait3A_297 = arith.constant 0 : i32
        %dma_wait3A_298 = arith.constant 0 : i32
        %dma_wait3A_299 = tpu.memref_slice %arg2[%dma_wait3A_297, %dma_wait3A_298] : memref<10000x128xf32, #tpu.memory_space<hbm>> -> memref<10000x128xf32, #tpu.memory_space<hbm>>
        tpu.wait_indirect_dma semaphore(%arg16 : memref<!tpu.dma_semaphore, #tpu.memory_space<semaphore_mem>>) src(%dma_wait3A_299 : memref<10000x128xf32, #tpu.memory_space<hbm>>) dst(%arg11 : memref<80x128xf32, #tpu.memory_space<vmem>>)
        %add3A_300 = arith.constant 2 : i32
        %add3A_301 = arith.addi %add3A_292, %add3A_300 : i32
        %lt3A_302 = arith.constant 250 : i32
        %lt3A_303 = arith.cmpi slt, %add3A_301, %lt3A_302 : i32
        %convert_element_type3A_304 = arith.extui %lt3A_303 : i1 to i32
        %cond3A_305 = arith.constant 0 : i32
        %cond3A_306 = arith.cmpi ne, %convert_element_type3A_304, %cond3A_305 : i32
        scf.if %cond3A_306 {
          %add3A_346 = arith.constant 2 : i32
          %add3A_347 = arith.addi %add3A_292, %add3A_346 : i32
          %add3A_348 = arith.addi %mul3A_0, %add3A_347 : i32
          %mul3A_349 = arith.constant 80 : i32
          %mul3A_350 = arith.muli %add3A_348, %mul3A_349 : i32
          %dma_start3A_351 = arith.constant 3 : i32
          %dma_start3A_352 = arith.constant 0 : i32
          %dma_start3A_353 = tpu.memref_slice %arg8[%dma_start3A_351, %dma_start3A_352] : memref<4x80xi32, #tpu.memory_space<vmem>> -> memref<1x80xi32, #tpu.memory_space<vmem>>
          %dma_start3A_354 = tpu.memref_squeeze %dma_start3A_353 : memref<1x80xi32, #tpu.memory_space<vmem>> -> memref<80xi32, #tpu.memory_space<vmem>>
          %dma_start3A_355 = tpu.memref_slice %arg4[%mul3A_350] : memref<320000xi32, #tpu.memory_space<hbm>> -> memref<80xi32, #tpu.memory_space<hbm>>
          %dma_start3A_356 = arith.constant 0 : i32
          %dma_start3A_357 = tpu.memref_slice %arg8[%dma_start3A_351, %dma_start3A_356] : memref<4x80xi32, #tpu.memory_space<vmem>> -> memref<1x80xi32, #tpu.memory_space<vmem>>
          %dma_start3A_358 = tpu.memref_squeeze %dma_start3A_357 : memref<1x80xi32, #tpu.memory_space<vmem>> -> memref<80xi32, #tpu.memory_space<vmem>>
          %dma_start3A_359 = tpu.memref_slice %arg4[%mul3A_350] : memref<320000xi32, #tpu.memory_space<hbm>> -> memref<80xi32, #tpu.memory_space<hbm>>
          tpu.enqueue_dma source(%dma_start3A_359 : memref<80xi32, #tpu.memory_space<hbm>>) target(%dma_start3A_358 : memref<80xi32, #tpu.memory_space<vmem>>) target_semaphore(%arg23 : memref<!tpu.dma_semaphore, #tpu.memory_space<semaphore_mem>>)
          %dma_start3A_360 = arith.constant 3 : i32
          %dma_start3A_361 = arith.constant 0 : i32
          %dma_start3A_362 = tpu.memref_slice %arg9[%dma_start3A_360, %dma_start3A_361] : memref<4x80xi32, #tpu.memory_space<vmem>> -> memref<1x80xi32, #tpu.memory_space<vmem>>
          %dma_start3A_363 = tpu.memref_squeeze %dma_start3A_362 : memref<1x80xi32, #tpu.memory_space<vmem>> -> memref<80xi32, #tpu.memory_space<vmem>>
          %dma_start3A_364 = tpu.memref_slice %arg5[%mul3A_350] : memref<320000xi32, #tpu.memory_space<hbm>> -> memref<80xi32, #tpu.memory_space<hbm>>
          %dma_start3A_365 = arith.constant 0 : i32
          %dma_start3A_366 = tpu.memref_slice %arg9[%dma_start3A_360, %dma_start3A_365] : memref<4x80xi32, #tpu.memory_space<vmem>> -> memref<1x80xi32, #tpu.memory_space<vmem>>
          %dma_start3A_367 = tpu.memref_squeeze %dma_start3A_366 : memref<1x80xi32, #tpu.memory_space<vmem>> -> memref<80xi32, #tpu.memory_space<vmem>>
          %dma_start3A_368 = tpu.memref_slice %arg5[%mul3A_350] : memref<320000xi32, #tpu.memory_space<hbm>> -> memref<80xi32, #tpu.memory_space<hbm>>
          tpu.enqueue_dma source(%dma_start3A_368 : memref<80xi32, #tpu.memory_space<hbm>>) target(%dma_start3A_367 : memref<80xi32, #tpu.memory_space<vmem>>) target_semaphore(%arg23 : memref<!tpu.dma_semaphore, #tpu.memory_space<semaphore_mem>>)
          %dma_wait3A_369 = arith.constant 3 : i32
          %dma_wait3A_370 = arith.constant 0 : i32
          %dma_wait3A_371 = tpu.memref_slice %arg8[%dma_wait3A_369, %dma_wait3A_370] : memref<4x80xi32, #tpu.memory_space<vmem>> -> memref<1x80xi32, #tpu.memory_space<vmem>>
          %dma_wait3A_372 = tpu.memref_squeeze %dma_wait3A_371 : memref<1x80xi32, #tpu.memory_space<vmem>> -> memref<80xi32, #tpu.memory_space<vmem>>
          %dma_wait3A_373 = tpu.memref_slice %arg4[%mul3A_350] : memref<320000xi32, #tpu.memory_space<hbm>> -> memref<80xi32, #tpu.memory_space<hbm>>
          %dma_wait3A_374 = arith.constant 0 : i32
          %dma_wait3A_375 = tpu.memref_slice %arg8[%dma_wait3A_369, %dma_wait3A_374] : memref<4x80xi32, #tpu.memory_space<vmem>> -> memref<1x80xi32, #tpu.memory_space<vmem>>
          %dma_wait3A_376 = tpu.memref_squeeze %dma_wait3A_375 : memref<1x80xi32, #tpu.memory_space<vmem>> -> memref<80xi32, #tpu.memory_space<vmem>>
          %dma_wait3A_377 = tpu.memref_slice %arg4[%mul3A_350] : memref<320000xi32, #tpu.memory_space<hbm>> -> memref<80xi32, #tpu.memory_space<hbm>>
          tpu.wait_dma2 semaphore(%arg23 : memref<!tpu.dma_semaphore, #tpu.memory_space<semaphore_mem>>) src(%dma_wait3A_377 : memref<80xi32, #tpu.memory_space<hbm>>) dst(%dma_wait3A_376 : memref<80xi32, #tpu.memory_space<vmem>>)
          %dma_wait3A_378 = arith.constant 3 : i32
          %dma_wait3A_379 = arith.constant 0 : i32
          %dma_wait3A_380 = tpu.memref_slice %arg9[%dma_wait3A_378, %dma_wait3A_379] : memref<4x80xi32, #tpu.memory_space<vmem>> -> memref<1x80xi32, #tpu.memory_space<vmem>>
          %dma_wait3A_381 = tpu.memref_squeeze %dma_wait3A_380 : memref<1x80xi32, #tpu.memory_space<vmem>> -> memref<80xi32, #tpu.memory_space<vmem>>
          %dma_wait3A_382 = tpu.memref_slice %arg5[%mul3A_350] : memref<320000xi32, #tpu.memory_space<hbm>> -> memref<80xi32, #tpu.memory_space<hbm>>
          %dma_wait3A_383 = arith.constant 0 : i32
          %dma_wait3A_384 = tpu.memref_slice %arg9[%dma_wait3A_378, %dma_wait3A_383] : memref<4x80xi32, #tpu.memory_space<vmem>> -> memref<1x80xi32, #tpu.memory_space<vmem>>
          %dma_wait3A_385 = tpu.memref_squeeze %dma_wait3A_384 : memref<1x80xi32, #tpu.memory_space<vmem>> -> memref<80xi32, #tpu.memory_space<vmem>>
          %dma_wait3A_386 = tpu.memref_slice %arg5[%mul3A_350] : memref<320000xi32, #tpu.memory_space<hbm>> -> memref<80xi32, #tpu.memory_space<hbm>>
          tpu.wait_dma2 semaphore(%arg23 : memref<!tpu.dma_semaphore, #tpu.memory_space<semaphore_mem>>) src(%dma_wait3A_386 : memref<80xi32, #tpu.memory_space<hbm>>) dst(%dma_wait3A_385 : memref<80xi32, #tpu.memory_space<vmem>>)
          %add3A_387 = arith.constant 2 : i32
          %add3A_388 = arith.addi %add3A_292, %add3A_387 : i32
          %dma_start3A_389 = arith.constant 3 : i32
          %dma_start3A_390 = arith.constant 0 : i32
          %dma_start3A_391 = tpu.memref_slice %arg8[%dma_start3A_389, %dma_start3A_390] : memref<4x80xi32, #tpu.memory_space<vmem>> -> memref<1x80xi32, #tpu.memory_space<vmem>>
          %dma_start3A_392 = tpu.memref_squeeze %dma_start3A_391 : memref<1x80xi32, #tpu.memory_space<vmem>> -> memref<80xi32, #tpu.memory_space<vmem>>
          %dma_start3A_393 = arith.constant 0 : i32
          %dma_start3A_394 = arith.constant 0 : i32
          %dma_start3A_395 = tpu.memref_slice %arg2[%dma_start3A_393, %dma_start3A_394] : memref<10000x128xf32, #tpu.memory_space<hbm>> -> memref<10000x128xf32, #tpu.memory_space<hbm>>
          tpu.enqueue_indirect_dma source(%dma_start3A_395 : memref<10000x128xf32, #tpu.memory_space<hbm>>) target(%arg13 : memref<80x128xf32, #tpu.memory_space<vmem>>) offsets(%dma_start3A_392 : memref<80xi32, #tpu.memory_space<vmem>>) semaphore(%arg18 : memref<!tpu.dma_semaphore, #tpu.memory_space<semaphore_mem>>)
        } else {
        }
        %run_scoped3A_307 = arith.constant 1 : i32
        "tpu.region"() ({
          %run_scoped3A_346 = tpu.sem_alloc : memref<!tpu.dma_semaphore, #tpu.memory_space<semaphore_mem>>
          %dma_start3A_347 = arith.constant 0 : i32
          %dma_start3A_348 = tpu.memref_slice %arg9[%run_scoped3A_307, %dma_start3A_347] : memref<4x80xi32, #tpu.memory_space<vmem>> -> memref<1x80xi32, #tpu.memory_space<vmem>>
          %dma_start3A_349 = tpu.memref_squeeze %dma_start3A_348 : memref<1x80xi32, #tpu.memory_space<vmem>> -> memref<80xi32, #tpu.memory_space<vmem>>
          %dma_start3A_350 = arith.constant 0 : i32
          %dma_start3A_351 = arith.constant 0 : i32
          %dma_start3A_352 = tpu.memref_slice %arg14[%dma_start3A_350, %dma_start3A_351] : memref<10240x128xf32, #tpu.memory_space<vmem_shared>> -> memref<10240x128xf32, #tpu.memory_space<vmem_shared>>
          tpu.enqueue_indirect_dma source(%arg11 : memref<80x128xf32, #tpu.memory_space<vmem>>) target(%dma_start3A_352 : memref<10240x128xf32, #tpu.memory_space<vmem_shared>>) offsets(%dma_start3A_349 : memref<80xi32, #tpu.memory_space<vmem>>) semaphore(%run_scoped3A_346 : memref<!tpu.dma_semaphore, #tpu.memory_space<semaphore_mem>>) {add = true}
          %dma_wait3A_353 = arith.constant 0 : i32
          %dma_wait3A_354 = tpu.memref_slice %arg9[%run_scoped3A_307, %dma_wait3A_353] : memref<4x80xi32, #tpu.memory_space<vmem>> -> memref<1x80xi32, #tpu.memory_space<vmem>>
          %dma_wait3A_355 = tpu.memref_squeeze %dma_wait3A_354 : memref<1x80xi32, #tpu.memory_space<vmem>> -> memref<80xi32, #tpu.memory_space<vmem>>
          %dma_wait3A_356 = arith.constant 0 : i32
          %dma_wait3A_357 = arith.constant 0 : i32
          %dma_wait3A_358 = tpu.memref_slice %arg14[%dma_wait3A_356, %dma_wait3A_357] : memref<10240x128xf32, #tpu.memory_space<vmem_shared>> -> memref<10240x128xf32, #tpu.memory_space<vmem_shared>>
          tpu.wait_indirect_dma semaphore(%run_scoped3A_346 : memref<!tpu.dma_semaphore, #tpu.memory_space<semaphore_mem>>) src(%arg11 : memref<80x128xf32, #tpu.memory_space<vmem>>) dst(%dma_wait3A_358 : memref<10240x128xf32, #tpu.memory_space<vmem_shared>>)
          tpu.yield
        }) : () -> ()
        %mul3A_308 = arith.constant 4 : i32
        %mul3A_309 = arith.muli %scan3A_270, %mul3A_308 : i32
        %add3A_310 = arith.constant 2 : i32
        %add3A_311 = arith.addi %mul3A_309, %add3A_310 : i32
        %dma_wait3A_312 = arith.constant 2 : i32
        %dma_wait3A_313 = arith.constant 0 : i32
        %dma_wait3A_314 = tpu.memref_slice %arg8[%dma_wait3A_312, %dma_wait3A_313] : memref<4x80xi32, #tpu.memory_space<vmem>> -> memref<1x80xi32, #tpu.memory_space<vmem>>
        %dma_wait3A_315 = tpu.memref_squeeze %dma_wait3A_314 : memref<1x80xi32, #tpu.memory_space<vmem>> -> memref<80xi32, #tpu.memory_space<vmem>>
        %dma_wait3A_316 = arith.constant 0 : i32
        %dma_wait3A_317 = arith.constant 0 : i32
        %dma_wait3A_318 = tpu.memref_slice %arg2[%dma_wait3A_316, %dma_wait3A_317] : memref<10000x128xf32, #tpu.memory_space<hbm>> -> memref<10000x128xf32, #tpu.memory_space<hbm>>
        tpu.wait_indirect_dma semaphore(%arg17 : memref<!tpu.dma_semaphore, #tpu.memory_space<semaphore_mem>>) src(%dma_wait3A_318 : memref<10000x128xf32, #tpu.memory_space<hbm>>) dst(%arg12 : memref<80x128xf32, #tpu.memory_space<vmem>>)
        %add3A_319 = arith.constant 2 : i32
        %add3A_320 = arith.addi %add3A_311, %add3A_319 : i32
        %lt3A_321 = arith.constant 250 : i32
        %lt3A_322 = arith.cmpi slt, %add3A_320, %lt3A_321 : i32
        %convert_element_type3A_323 = arith.extui %lt3A_322 : i1 to i32
        %cond3A_324 = arith.constant 0 : i32
        %cond3A_325 = arith.cmpi ne, %convert_element_type3A_323, %cond3A_324 : i32
        scf.if %cond3A_325 {
          %add3A_346 = arith.constant 2 : i32
          %add3A_347 = arith.addi %add3A_311, %add3A_346 : i32
          %add3A_348 = arith.addi %mul3A_0, %add3A_347 : i32
          %mul3A_349 = arith.constant 80 : i32
          %mul3A_350 = arith.muli %add3A_348, %mul3A_349 : i32
          %dma_start3A_351 = arith.constant 0 : i32
          %dma_start3A_352 = arith.constant 0 : i32
          %dma_start3A_353 = tpu.memref_slice %arg8[%dma_start3A_351, %dma_start3A_352] : memref<4x80xi32, #tpu.memory_space<vmem>> -> memref<1x80xi32, #tpu.memory_space<vmem>>
          %dma_start3A_354 = tpu.memref_squeeze %dma_start3A_353 : memref<1x80xi32, #tpu.memory_space<vmem>> -> memref<80xi32, #tpu.memory_space<vmem>>
          %dma_start3A_355 = tpu.memref_slice %arg4[%mul3A_350] : memref<320000xi32, #tpu.memory_space<hbm>> -> memref<80xi32, #tpu.memory_space<hbm>>
          %dma_start3A_356 = arith.constant 0 : i32
          %dma_start3A_357 = tpu.memref_slice %arg8[%dma_start3A_351, %dma_start3A_356] : memref<4x80xi32, #tpu.memory_space<vmem>> -> memref<1x80xi32, #tpu.memory_space<vmem>>
          %dma_start3A_358 = tpu.memref_squeeze %dma_start3A_357 : memref<1x80xi32, #tpu.memory_space<vmem>> -> memref<80xi32, #tpu.memory_space<vmem>>
          %dma_start3A_359 = tpu.memref_slice %arg4[%mul3A_350] : memref<320000xi32, #tpu.memory_space<hbm>> -> memref<80xi32, #tpu.memory_space<hbm>>
          tpu.enqueue_dma source(%dma_start3A_359 : memref<80xi32, #tpu.memory_space<hbm>>) target(%dma_start3A_358 : memref<80xi32, #tpu.memory_space<vmem>>) target_semaphore(%arg23 : memref<!tpu.dma_semaphore, #tpu.memory_space<semaphore_mem>>)
          %dma_start3A_360 = arith.constant 0 : i32
          %dma_start3A_361 = arith.constant 0 : i32
          %dma_start3A_362 = tpu.memref_slice %arg9[%dma_start3A_360, %dma_start3A_361] : memref<4x80xi32, #tpu.memory_space<vmem>> -> memref<1x80xi32, #tpu.memory_space<vmem>>
          %dma_start3A_363 = tpu.memref_squeeze %dma_start3A_362 : memref<1x80xi32, #tpu.memory_space<vmem>> -> memref<80xi32, #tpu.memory_space<vmem>>
          %dma_start3A_364 = tpu.memref_slice %arg5[%mul3A_350] : memref<320000xi32, #tpu.memory_space<hbm>> -> memref<80xi32, #tpu.memory_space<hbm>>
          %dma_start3A_365 = arith.constant 0 : i32
          %dma_start3A_366 = tpu.memref_slice %arg9[%dma_start3A_360, %dma_start3A_365] : memref<4x80xi32, #tpu.memory_space<vmem>> -> memref<1x80xi32, #tpu.memory_space<vmem>>
          %dma_start3A_367 = tpu.memref_squeeze %dma_start3A_366 : memref<1x80xi32, #tpu.memory_space<vmem>> -> memref<80xi32, #tpu.memory_space<vmem>>
          %dma_start3A_368 = tpu.memref_slice %arg5[%mul3A_350] : memref<320000xi32, #tpu.memory_space<hbm>> -> memref<80xi32, #tpu.memory_space<hbm>>
          tpu.enqueue_dma source(%dma_start3A_368 : memref<80xi32, #tpu.memory_space<hbm>>) target(%dma_start3A_367 : memref<80xi32, #tpu.memory_space<vmem>>) target_semaphore(%arg23 : memref<!tpu.dma_semaphore, #tpu.memory_space<semaphore_mem>>)
          %dma_wait3A_369 = arith.constant 0 : i32
          %dma_wait3A_370 = arith.constant 0 : i32
          %dma_wait3A_371 = tpu.memref_slice %arg8[%dma_wait3A_369, %dma_wait3A_370] : memref<4x80xi32, #tpu.memory_space<vmem>> -> memref<1x80xi32, #tpu.memory_space<vmem>>
          %dma_wait3A_372 = tpu.memref_squeeze %dma_wait3A_371 : memref<1x80xi32, #tpu.memory_space<vmem>> -> memref<80xi32, #tpu.memory_space<vmem>>
          %dma_wait3A_373 = tpu.memref_slice %arg4[%mul3A_350] : memref<320000xi32, #tpu.memory_space<hbm>> -> memref<80xi32, #tpu.memory_space<hbm>>
          %dma_wait3A_374 = arith.constant 0 : i32
          %dma_wait3A_375 = tpu.memref_slice %arg8[%dma_wait3A_369, %dma_wait3A_374] : memref<4x80xi32, #tpu.memory_space<vmem>> -> memref<1x80xi32, #tpu.memory_space<vmem>>
          %dma_wait3A_376 = tpu.memref_squeeze %dma_wait3A_375 : memref<1x80xi32, #tpu.memory_space<vmem>> -> memref<80xi32, #tpu.memory_space<vmem>>
          %dma_wait3A_377 = tpu.memref_slice %arg4[%mul3A_350] : memref<320000xi32, #tpu.memory_space<hbm>> -> memref<80xi32, #tpu.memory_space<hbm>>
          tpu.wait_dma2 semaphore(%arg23 : memref<!tpu.dma_semaphore, #tpu.memory_space<semaphore_mem>>) src(%dma_wait3A_377 : memref<80xi32, #tpu.memory_space<hbm>>) dst(%dma_wait3A_376 : memref<80xi32, #tpu.memory_space<vmem>>)
          %dma_wait3A_378 = arith.constant 0 : i32
          %dma_wait3A_379 = arith.constant 0 : i32
          %dma_wait3A_380 = tpu.memref_slice %arg9[%dma_wait3A_378, %dma_wait3A_379] : memref<4x80xi32, #tpu.memory_space<vmem>> -> memref<1x80xi32, #tpu.memory_space<vmem>>
          %dma_wait3A_381 = tpu.memref_squeeze %dma_wait3A_380 : memref<1x80xi32, #tpu.memory_space<vmem>> -> memref<80xi32, #tpu.memory_space<vmem>>
          %dma_wait3A_382 = tpu.memref_slice %arg5[%mul3A_350] : memref<320000xi32, #tpu.memory_space<hbm>> -> memref<80xi32, #tpu.memory_space<hbm>>
          %dma_wait3A_383 = arith.constant 0 : i32
          %dma_wait3A_384 = tpu.memref_slice %arg9[%dma_wait3A_378, %dma_wait3A_383] : memref<4x80xi32, #tpu.memory_space<vmem>> -> memref<1x80xi32, #tpu.memory_space<vmem>>
          %dma_wait3A_385 = tpu.memref_squeeze %dma_wait3A_384 : memref<1x80xi32, #tpu.memory_space<vmem>> -> memref<80xi32, #tpu.memory_space<vmem>>
          %dma_wait3A_386 = tpu.memref_slice %arg5[%mul3A_350] : memref<320000xi32, #tpu.memory_space<hbm>> -> memref<80xi32, #tpu.memory_space<hbm>>
          tpu.wait_dma2 semaphore(%arg23 : memref<!tpu.dma_semaphore, #tpu.memory_space<semaphore_mem>>) src(%dma_wait3A_386 : memref<80xi32, #tpu.memory_space<hbm>>) dst(%dma_wait3A_385 : memref<80xi32, #tpu.memory_space<vmem>>)
          %add3A_387 = arith.constant 2 : i32
          %add3A_388 = arith.addi %add3A_311, %add3A_387 : i32
          %dma_start3A_389 = arith.constant 0 : i32
          %dma_start3A_390 = arith.constant 0 : i32
          %dma_start3A_391 = tpu.memref_slice %arg8[%dma_start3A_389, %dma_start3A_390] : memref<4x80xi32, #tpu.memory_space<vmem>> -> memref<1x80xi32, #tpu.memory_space<vmem>>
          %dma_start3A_392 = tpu.memref_squeeze %dma_start3A_391 : memref<1x80xi32, #tpu.memory_space<vmem>> -> memref<80xi32, #tpu.memory_space<vmem>>
          %dma_start3A_393 = arith.constant 0 : i32
          %dma_start3A_394 = arith.constant 0 : i32
          %dma_start3A_395 = tpu.memref_slice %arg2[%dma_start3A_393, %dma_start3A_394] : memref<10000x128xf32, #tpu.memory_space<hbm>> -> memref<10000x128xf32, #tpu.memory_space<hbm>>
          tpu.enqueue_indirect_dma source(%dma_start3A_395 : memref<10000x128xf32, #tpu.memory_space<hbm>>) target(%arg10 : memref<80x128xf32, #tpu.memory_space<vmem>>) offsets(%dma_start3A_392 : memref<80xi32, #tpu.memory_space<vmem>>) semaphore(%arg15 : memref<!tpu.dma_semaphore, #tpu.memory_space<semaphore_mem>>)
        } else {
        }
        %run_scoped3A_326 = arith.constant 2 : i32
        "tpu.region"() ({
          %run_scoped3A_346 = tpu.sem_alloc : memref<!tpu.dma_semaphore, #tpu.memory_space<semaphore_mem>>
          %dma_start3A_347 = arith.constant 0 : i32
          %dma_start3A_348 = tpu.memref_slice %arg9[%run_scoped3A_326, %dma_start3A_347] : memref<4x80xi32, #tpu.memory_space<vmem>> -> memref<1x80xi32, #tpu.memory_space<vmem>>
          %dma_start3A_349 = tpu.memref_squeeze %dma_start3A_348 : memref<1x80xi32, #tpu.memory_space<vmem>> -> memref<80xi32, #tpu.memory_space<vmem>>
          %dma_start3A_350 = arith.constant 0 : i32
          %dma_start3A_351 = arith.constant 0 : i32
          %dma_start3A_352 = tpu.memref_slice %arg14[%dma_start3A_350, %dma_start3A_351] : memref<10240x128xf32, #tpu.memory_space<vmem_shared>> -> memref<10240x128xf32, #tpu.memory_space<vmem_shared>>
          tpu.enqueue_indirect_dma source(%arg12 : memref<80x128xf32, #tpu.memory_space<vmem>>) target(%dma_start3A_352 : memref<10240x128xf32, #tpu.memory_space<vmem_shared>>) offsets(%dma_start3A_349 : memref<80xi32, #tpu.memory_space<vmem>>) semaphore(%run_scoped3A_346 : memref<!tpu.dma_semaphore, #tpu.memory_space<semaphore_mem>>) {add = true}
          %dma_wait3A_353 = arith.constant 0 : i32
          %dma_wait3A_354 = tpu.memref_slice %arg9[%run_scoped3A_326, %dma_wait3A_353] : memref<4x80xi32, #tpu.memory_space<vmem>> -> memref<1x80xi32, #tpu.memory_space<vmem>>
          %dma_wait3A_355 = tpu.memref_squeeze %dma_wait3A_354 : memref<1x80xi32, #tpu.memory_space<vmem>> -> memref<80xi32, #tpu.memory_space<vmem>>
          %dma_wait3A_356 = arith.constant 0 : i32
          %dma_wait3A_357 = arith.constant 0 : i32
          %dma_wait3A_358 = tpu.memref_slice %arg14[%dma_wait3A_356, %dma_wait3A_357] : memref<10240x128xf32, #tpu.memory_space<vmem_shared>> -> memref<10240x128xf32, #tpu.memory_space<vmem_shared>>
          tpu.wait_indirect_dma semaphore(%run_scoped3A_346 : memref<!tpu.dma_semaphore, #tpu.memory_space<semaphore_mem>>) src(%arg12 : memref<80x128xf32, #tpu.memory_space<vmem>>) dst(%dma_wait3A_358 : memref<10240x128xf32, #tpu.memory_space<vmem_shared>>)
          tpu.yield
        }) : () -> ()
        %mul3A_327 = arith.constant 4 : i32
        %mul3A_328 = arith.muli %scan3A_270, %mul3A_327 : i32
        %add3A_329 = arith.constant 3 : i32
        %add3A_330 = arith.addi %mul3A_328, %add3A_329 : i32
        %dma_wait3A_331 = arith.constant 3 : i32
        %dma_wait3A_332 = arith.constant 0 : i32
        %dma_wait3A_333 = tpu.memref_slice %arg8[%dma_wait3A_331, %dma_wait3A_332] : memref<4x80xi32, #tpu.memory_space<vmem>> -> memref<1x80xi32, #tpu.memory_space<vmem>>
        %dma_wait3A_334 = tpu.memref_squeeze %dma_wait3A_333 : memref<1x80xi32, #tpu.memory_space<vmem>> -> memref<80xi32, #tpu.memory_space<vmem>>
        %dma_wait3A_335 = arith.constant 0 : i32
        %dma_wait3A_336 = arith.constant 0 : i32
        %dma_wait3A_337 = tpu.memref_slice %arg2[%dma_wait3A_335, %dma_wait3A_336] : memref<10000x128xf32, #tpu.memory_space<hbm>> -> memref<10000x128xf32, #tpu.memory_space<hbm>>
        tpu.wait_indirect_dma semaphore(%arg18 : memref<!tpu.dma_semaphore, #tpu.memory_space<semaphore_mem>>) src(%dma_wait3A_337 : memref<10000x128xf32, #tpu.memory_space<hbm>>) dst(%arg13 : memref<80x128xf32, #tpu.memory_space<vmem>>)
        %add3A_338 = arith.constant 2 : i32
        %add3A_339 = arith.addi %add3A_330, %add3A_338 : i32
        %lt3A_340 = arith.constant 250 : i32
        %lt3A_341 = arith.cmpi slt, %add3A_339, %lt3A_340 : i32
        %convert_element_type3A_342 = arith.extui %lt3A_341 : i1 to i32
        %cond3A_343 = arith.constant 0 : i32
        %cond3A_344 = arith.cmpi ne, %convert_element_type3A_342, %cond3A_343 : i32
        scf.if %cond3A_344 {
          %add3A_346 = arith.constant 2 : i32
          %add3A_347 = arith.addi %add3A_330, %add3A_346 : i32
          %add3A_348 = arith.addi %mul3A_0, %add3A_347 : i32
          %mul3A_349 = arith.constant 80 : i32
          %mul3A_350 = arith.muli %add3A_348, %mul3A_349 : i32
          %dma_start3A_351 = arith.constant 1 : i32
          %dma_start3A_352 = arith.constant 0 : i32
          %dma_start3A_353 = tpu.memref_slice %arg8[%dma_start3A_351, %dma_start3A_352] : memref<4x80xi32, #tpu.memory_space<vmem>> -> memref<1x80xi32, #tpu.memory_space<vmem>>
          %dma_start3A_354 = tpu.memref_squeeze %dma_start3A_353 : memref<1x80xi32, #tpu.memory_space<vmem>> -> memref<80xi32, #tpu.memory_space<vmem>>
          %dma_start3A_355 = tpu.memref_slice %arg4[%mul3A_350] : memref<320000xi32, #tpu.memory_space<hbm>> -> memref<80xi32, #tpu.memory_space<hbm>>
          %dma_start3A_356 = arith.constant 0 : i32
          %dma_start3A_357 = tpu.memref_slice %arg8[%dma_start3A_351, %dma_start3A_356] : memref<4x80xi32, #tpu.memory_space<vmem>> -> memref<1x80xi32, #tpu.memory_space<vmem>>
          %dma_start3A_358 = tpu.memref_squeeze %dma_start3A_357 : memref<1x80xi32, #tpu.memory_space<vmem>> -> memref<80xi32, #tpu.memory_space<vmem>>
          %dma_start3A_359 = tpu.memref_slice %arg4[%mul3A_350] : memref<320000xi32, #tpu.memory_space<hbm>> -> memref<80xi32, #tpu.memory_space<hbm>>
          tpu.enqueue_dma source(%dma_start3A_359 : memref<80xi32, #tpu.memory_space<hbm>>) target(%dma_start3A_358 : memref<80xi32, #tpu.memory_space<vmem>>) target_semaphore(%arg23 : memref<!tpu.dma_semaphore, #tpu.memory_space<semaphore_mem>>)
          %dma_start3A_360 = arith.constant 1 : i32
          %dma_start3A_361 = arith.constant 0 : i32
          %dma_start3A_362 = tpu.memref_slice %arg9[%dma_start3A_360, %dma_start3A_361] : memref<4x80xi32, #tpu.memory_space<vmem>> -> memref<1x80xi32, #tpu.memory_space<vmem>>
          %dma_start3A_363 = tpu.memref_squeeze %dma_start3A_362 : memref<1x80xi32, #tpu.memory_space<vmem>> -> memref<80xi32, #tpu.memory_space<vmem>>
          %dma_start3A_364 = tpu.memref_slice %arg5[%mul3A_350] : memref<320000xi32, #tpu.memory_space<hbm>> -> memref<80xi32, #tpu.memory_space<hbm>>
          %dma_start3A_365 = arith.constant 0 : i32
          %dma_start3A_366 = tpu.memref_slice %arg9[%dma_start3A_360, %dma_start3A_365] : memref<4x80xi32, #tpu.memory_space<vmem>> -> memref<1x80xi32, #tpu.memory_space<vmem>>
          %dma_start3A_367 = tpu.memref_squeeze %dma_start3A_366 : memref<1x80xi32, #tpu.memory_space<vmem>> -> memref<80xi32, #tpu.memory_space<vmem>>
          %dma_start3A_368 = tpu.memref_slice %arg5[%mul3A_350] : memref<320000xi32, #tpu.memory_space<hbm>> -> memref<80xi32, #tpu.memory_space<hbm>>
          tpu.enqueue_dma source(%dma_start3A_368 : memref<80xi32, #tpu.memory_space<hbm>>) target(%dma_start3A_367 : memref<80xi32, #tpu.memory_space<vmem>>) target_semaphore(%arg23 : memref<!tpu.dma_semaphore, #tpu.memory_space<semaphore_mem>>)
          %dma_wait3A_369 = arith.constant 1 : i32
          %dma_wait3A_370 = arith.constant 0 : i32
          %dma_wait3A_371 = tpu.memref_slice %arg8[%dma_wait3A_369, %dma_wait3A_370] : memref<4x80xi32, #tpu.memory_space<vmem>> -> memref<1x80xi32, #tpu.memory_space<vmem>>
          %dma_wait3A_372 = tpu.memref_squeeze %dma_wait3A_371 : memref<1x80xi32, #tpu.memory_space<vmem>> -> memref<80xi32, #tpu.memory_space<vmem>>
          %dma_wait3A_373 = tpu.memref_slice %arg4[%mul3A_350] : memref<320000xi32, #tpu.memory_space<hbm>> -> memref<80xi32, #tpu.memory_space<hbm>>
          %dma_wait3A_374 = arith.constant 0 : i32
          %dma_wait3A_375 = tpu.memref_slice %arg8[%dma_wait3A_369, %dma_wait3A_374] : memref<4x80xi32, #tpu.memory_space<vmem>> -> memref<1x80xi32, #tpu.memory_space<vmem>>
          %dma_wait3A_376 = tpu.memref_squeeze %dma_wait3A_375 : memref<1x80xi32, #tpu.memory_space<vmem>> -> memref<80xi32, #tpu.memory_space<vmem>>
          %dma_wait3A_377 = tpu.memref_slice %arg4[%mul3A_350] : memref<320000xi32, #tpu.memory_space<hbm>> -> memref<80xi32, #tpu.memory_space<hbm>>
          tpu.wait_dma2 semaphore(%arg23 : memref<!tpu.dma_semaphore, #tpu.memory_space<semaphore_mem>>) src(%dma_wait3A_377 : memref<80xi32, #tpu.memory_space<hbm>>) dst(%dma_wait3A_376 : memref<80xi32, #tpu.memory_space<vmem>>)
          %dma_wait3A_378 = arith.constant 1 : i32
          %dma_wait3A_379 = arith.constant 0 : i32
          %dma_wait3A_380 = tpu.memref_slice %arg9[%dma_wait3A_378, %dma_wait3A_379] : memref<4x80xi32, #tpu.memory_space<vmem>> -> memref<1x80xi32, #tpu.memory_space<vmem>>
          %dma_wait3A_381 = tpu.memref_squeeze %dma_wait3A_380 : memref<1x80xi32, #tpu.memory_space<vmem>> -> memref<80xi32, #tpu.memory_space<vmem>>
          %dma_wait3A_382 = tpu.memref_slice %arg5[%mul3A_350] : memref<320000xi32, #tpu.memory_space<hbm>> -> memref<80xi32, #tpu.memory_space<hbm>>
          %dma_wait3A_383 = arith.constant 0 : i32
          %dma_wait3A_384 = tpu.memref_slice %arg9[%dma_wait3A_378, %dma_wait3A_383] : memref<4x80xi32, #tpu.memory_space<vmem>> -> memref<1x80xi32, #tpu.memory_space<vmem>>
          %dma_wait3A_385 = tpu.memref_squeeze %dma_wait3A_384 : memref<1x80xi32, #tpu.memory_space<vmem>> -> memref<80xi32, #tpu.memory_space<vmem>>
          %dma_wait3A_386 = tpu.memref_slice %arg5[%mul3A_350] : memref<320000xi32, #tpu.memory_space<hbm>> -> memref<80xi32, #tpu.memory_space<hbm>>
          tpu.wait_dma2 semaphore(%arg23 : memref<!tpu.dma_semaphore, #tpu.memory_space<semaphore_mem>>) src(%dma_wait3A_386 : memref<80xi32, #tpu.memory_space<hbm>>) dst(%dma_wait3A_385 : memref<80xi32, #tpu.memory_space<vmem>>)
          %add3A_387 = arith.constant 2 : i32
          %add3A_388 = arith.addi %add3A_330, %add3A_387 : i32
          %dma_start3A_389 = arith.constant 1 : i32
          %dma_start3A_390 = arith.constant 0 : i32
          %dma_start3A_391 = tpu.memref_slice %arg8[%dma_start3A_389, %dma_start3A_390] : memref<4x80xi32, #tpu.memory_space<vmem>> -> memref<1x80xi32, #tpu.memory_space<vmem>>
          %dma_start3A_392 = tpu.memref_squeeze %dma_start3A_391 : memref<1x80xi32, #tpu.memory_space<vmem>> -> memref<80xi32, #tpu.memory_space<vmem>>
          %dma_start3A_393 = arith.constant 0 : i32
          %dma_start3A_394 = arith.constant 0 : i32
          %dma_start3A_395 = tpu.memref_slice %arg2[%dma_start3A_393, %dma_start3A_394] : memref<10000x128xf32, #tpu.memory_space<hbm>> -> memref<10000x128xf32, #tpu.memory_space<hbm>>
          tpu.enqueue_indirect_dma source(%dma_start3A_395 : memref<10000x128xf32, #tpu.memory_space<hbm>>) target(%arg11 : memref<80x128xf32, #tpu.memory_space<vmem>>) offsets(%dma_start3A_392 : memref<80xi32, #tpu.memory_space<vmem>>) semaphore(%arg16 : memref<!tpu.dma_semaphore, #tpu.memory_space<semaphore_mem>>)
        } else {
        }
        %run_scoped3A_345 = arith.constant 3 : i32
        "tpu.region"() ({
          %run_scoped3A_346 = tpu.sem_alloc : memref<!tpu.dma_semaphore, #tpu.memory_space<semaphore_mem>>
          %dma_start3A_347 = arith.constant 0 : i32
          %dma_start3A_348 = tpu.memref_slice %arg9[%run_scoped3A_345, %dma_start3A_347] : memref<4x80xi32, #tpu.memory_space<vmem>> -> memref<1x80xi32, #tpu.memory_space<vmem>>
          %dma_start3A_349 = tpu.memref_squeeze %dma_start3A_348 : memref<1x80xi32, #tpu.memory_space<vmem>> -> memref<80xi32, #tpu.memory_space<vmem>>
          %dma_start3A_350 = arith.constant 0 : i32
          %dma_start3A_351 = arith.constant 0 : i32
          %dma_start3A_352 = tpu.memref_slice %arg14[%dma_start3A_350, %dma_start3A_351] : memref<10240x128xf32, #tpu.memory_space<vmem_shared>> -> memref<10240x128xf32, #tpu.memory_space<vmem_shared>>
          tpu.enqueue_indirect_dma source(%arg13 : memref<80x128xf32, #tpu.memory_space<vmem>>) target(%dma_start3A_352 : memref<10240x128xf32, #tpu.memory_space<vmem_shared>>) offsets(%dma_start3A_349 : memref<80xi32, #tpu.memory_space<vmem>>) semaphore(%run_scoped3A_346 : memref<!tpu.dma_semaphore, #tpu.memory_space<semaphore_mem>>) {add = true}
          %dma_wait3A_353 = arith.constant 0 : i32
          %dma_wait3A_354 = tpu.memref_slice %arg9[%run_scoped3A_345, %dma_wait3A_353] : memref<4x80xi32, #tpu.memory_space<vmem>> -> memref<1x80xi32, #tpu.memory_space<vmem>>
          %dma_wait3A_355 = tpu.memref_squeeze %dma_wait3A_354 : memref<1x80xi32, #tpu.memory_space<vmem>> -> memref<80xi32, #tpu.memory_space<vmem>>
          %dma_wait3A_356 = arith.constant 0 : i32
          %dma_wait3A_357 = arith.constant 0 : i32
          %dma_wait3A_358 = tpu.memref_slice %arg14[%dma_wait3A_356, %dma_wait3A_357] : memref<10240x128xf32, #tpu.memory_space<vmem_shared>> -> memref<10240x128xf32, #tpu.memory_space<vmem_shared>>
          tpu.wait_indirect_dma semaphore(%run_scoped3A_346 : memref<!tpu.dma_semaphore, #tpu.memory_space<semaphore_mem>>) src(%arg13 : memref<80x128xf32, #tpu.memory_space<vmem>>) dst(%dma_wait3A_358 : memref<10240x128xf32, #tpu.memory_space<vmem_shared>>)
          tpu.yield
        }) : () -> ()
      }
      %scan3A_254 = arith.constant 62 : i32
      %dma_wait3A_255 = arith.constant 0 : i32
      %dma_wait3A_256 = arith.constant 0 : i32
      %dma_wait3A_257 = tpu.memref_slice %arg8[%dma_wait3A_255, %dma_wait3A_256] : memref<4x80xi32, #tpu.memory_space<vmem>> -> memref<1x80xi32, #tpu.memory_space<vmem>>
      %dma_wait3A_258 = tpu.memref_squeeze %dma_wait3A_257 : memref<1x80xi32, #tpu.memory_space<vmem>> -> memref<80xi32, #tpu.memory_space<vmem>>
      %dma_wait3A_259 = arith.constant 0 : i32
      %dma_wait3A_260 = arith.constant 0 : i32
      %dma_wait3A_261 = tpu.memref_slice %arg2[%dma_wait3A_259, %dma_wait3A_260] : memref<10000x128xf32, #tpu.memory_space<hbm>> -> memref<10000x128xf32, #tpu.memory_space<hbm>>
      tpu.wait_indirect_dma semaphore(%arg15 : memref<!tpu.dma_semaphore, #tpu.memory_space<semaphore_mem>>) src(%dma_wait3A_261 : memref<10000x128xf32, #tpu.memory_space<hbm>>) dst(%arg10 : memref<80x128xf32, #tpu.memory_space<vmem>>)
      %run_scoped3A = arith.constant 0 : i32
      "tpu.region"() ({
        %run_scoped3A_270 = tpu.sem_alloc : memref<!tpu.dma_semaphore, #tpu.memory_space<semaphore_mem>>
        %dma_start3A_271 = arith.constant 0 : i32
        %dma_start3A_272 = tpu.memref_slice %arg9[%run_scoped3A, %dma_start3A_271] : memref<4x80xi32, #tpu.memory_space<vmem>> -> memref<1x80xi32, #tpu.memory_space<vmem>>
        %dma_start3A_273 = tpu.memref_squeeze %dma_start3A_272 : memref<1x80xi32, #tpu.memory_space<vmem>> -> memref<80xi32, #tpu.memory_space<vmem>>
        %dma_start3A_274 = arith.constant 0 : i32
        %dma_start3A_275 = arith.constant 0 : i32
        %dma_start3A_276 = tpu.memref_slice %arg14[%dma_start3A_274, %dma_start3A_275] : memref<10240x128xf32, #tpu.memory_space<vmem_shared>> -> memref<10240x128xf32, #tpu.memory_space<vmem_shared>>
        tpu.enqueue_indirect_dma source(%arg10 : memref<80x128xf32, #tpu.memory_space<vmem>>) target(%dma_start3A_276 : memref<10240x128xf32, #tpu.memory_space<vmem_shared>>) offsets(%dma_start3A_273 : memref<80xi32, #tpu.memory_space<vmem>>) semaphore(%run_scoped3A_270 : memref<!tpu.dma_semaphore, #tpu.memory_space<semaphore_mem>>) {add = true}
        %dma_wait3A_277 = arith.constant 0 : i32
        %dma_wait3A_278 = tpu.memref_slice %arg9[%run_scoped3A, %dma_wait3A_277] : memref<4x80xi32, #tpu.memory_space<vmem>> -> memref<1x80xi32, #tpu.memory_space<vmem>>
        %dma_wait3A_279 = tpu.memref_squeeze %dma_wait3A_278 : memref<1x80xi32, #tpu.memory_space<vmem>> -> memref<80xi32, #tpu.memory_space<vmem>>
        %dma_wait3A_280 = arith.constant 0 : i32
        %dma_wait3A_281 = arith.constant 0 : i32
        %dma_wait3A_282 = tpu.memref_slice %arg14[%dma_wait3A_280, %dma_wait3A_281] : memref<10240x128xf32, #tpu.memory_space<vmem_shared>> -> memref<10240x128xf32, #tpu.memory_space<vmem_shared>>
        tpu.wait_indirect_dma semaphore(%run_scoped3A_270 : memref<!tpu.dma_semaphore, #tpu.memory_space<semaphore_mem>>) src(%arg10 : memref<80x128xf32, #tpu.memory_space<vmem>>) dst(%dma_wait3A_282 : memref<10240x128xf32, #tpu.memory_space<vmem_shared>>)
        tpu.yield
      }) : () -> ()
      %dma_wait3A_262 = arith.constant 1 : i32
      %dma_wait3A_263 = arith.constant 0 : i32
      %dma_wait3A_264 = tpu.memref_slice %arg8[%dma_wait3A_262, %dma_wait3A_263] : memref<4x80xi32, #tpu.memory_space<vmem>> -> memref<1x80xi32, #tpu.memory_space<vmem>>
      %dma_wait3A_265 = tpu.memref_squeeze %dma_wait3A_264 : memref<1x80xi32, #tpu.memory_space<vmem>> -> memref<80xi32, #tpu.memory_space<vmem>>
      %dma_wait3A_266 = arith.constant 0 : i32
      %dma_wait3A_267 = arith.constant 0 : i32
      %dma_wait3A_268 = tpu.memref_slice %arg2[%dma_wait3A_266, %dma_wait3A_267] : memref<10000x128xf32, #tpu.memory_space<hbm>> -> memref<10000x128xf32, #tpu.memory_space<hbm>>
      tpu.wait_indirect_dma semaphore(%arg16 : memref<!tpu.dma_semaphore, #tpu.memory_space<semaphore_mem>>) src(%dma_wait3A_268 : memref<10000x128xf32, #tpu.memory_space<hbm>>) dst(%arg11 : memref<80x128xf32, #tpu.memory_space<vmem>>)
      %run_scoped3A_269 = arith.constant 1 : i32
      "tpu.region"() ({
        %run_scoped3A_270 = tpu.sem_alloc : memref<!tpu.dma_semaphore, #tpu.memory_space<semaphore_mem>>
        %dma_start3A_271 = arith.constant 0 : i32
        %dma_start3A_272 = tpu.memref_slice %arg9[%run_scoped3A_269, %dma_start3A_271] : memref<4x80xi32, #tpu.memory_space<vmem>> -> memref<1x80xi32, #tpu.memory_space<vmem>>
        %dma_start3A_273 = tpu.memref_squeeze %dma_start3A_272 : memref<1x80xi32, #tpu.memory_space<vmem>> -> memref<80xi32, #tpu.memory_space<vmem>>
        %dma_start3A_274 = arith.constant 0 : i32
        %dma_start3A_275 = arith.constant 0 : i32
        %dma_start3A_276 = tpu.memref_slice %arg14[%dma_start3A_274, %dma_start3A_275] : memref<10240x128xf32, #tpu.memory_space<vmem_shared>> -> memref<10240x128xf32, #tpu.memory_space<vmem_shared>>
        tpu.enqueue_indirect_dma source(%arg11 : memref<80x128xf32, #tpu.memory_space<vmem>>) target(%dma_start3A_276 : memref<10240x128xf32, #tpu.memory_space<vmem_shared>>) offsets(%dma_start3A_273 : memref<80xi32, #tpu.memory_space<vmem>>) semaphore(%run_scoped3A_270 : memref<!tpu.dma_semaphore, #tpu.memory_space<semaphore_mem>>) {add = true}
        %dma_wait3A_277 = arith.constant 0 : i32
        %dma_wait3A_278 = tpu.memref_slice %arg9[%run_scoped3A_269, %dma_wait3A_277] : memref<4x80xi32, #tpu.memory_space<vmem>> -> memref<1x80xi32, #tpu.memory_space<vmem>>
        %dma_wait3A_279 = tpu.memref_squeeze %dma_wait3A_278 : memref<1x80xi32, #tpu.memory_space<vmem>> -> memref<80xi32, #tpu.memory_space<vmem>>
        %dma_wait3A_280 = arith.constant 0 : i32
        %dma_wait3A_281 = arith.constant 0 : i32
        %dma_wait3A_282 = tpu.memref_slice %arg14[%dma_wait3A_280, %dma_wait3A_281] : memref<10240x128xf32, #tpu.memory_space<vmem_shared>> -> memref<10240x128xf32, #tpu.memory_space<vmem_shared>>
        tpu.wait_indirect_dma semaphore(%run_scoped3A_270 : memref<!tpu.dma_semaphore, #tpu.memory_space<semaphore_mem>>) src(%arg11 : memref<80x128xf32, #tpu.memory_space<vmem>>) dst(%dma_wait3A_282 : memref<10240x128xf32, #tpu.memory_space<vmem_shared>>)
        tpu.yield
      }) : () -> ()
    } else {
    }
    %eq3A_39 = arith.constant 1 : i32
    %eq3A_40 = arith.cmpi eq, %arg0, %eq3A_39 : i32
    %convert_element_type3A_41 = arith.extui %eq3A_40 : i1 to i32
    %cond3A_42 = arith.constant 0 : i32
    %cond3A_43 = arith.cmpi ne, %convert_element_type3A_41, %cond3A_42 : i32
    scf.if %cond3A_43 {
      %add3A_157 = arith.constant 0 : i32
      %add3A_158 = arith.addi %mul3A_0, %add3A_157 : i32
      %mul3A_159 = arith.constant 80 : i32
      %mul3A_160 = arith.muli %add3A_158, %mul3A_159 : i32
      %dma_start3A = arith.constant 0 : i32
      %dma_start3A_161 = arith.constant 0 : i32
      %dma_start3A_162 = tpu.memref_slice %arg8[%dma_start3A, %dma_start3A_161] : memref<4x80xi32, #tpu.memory_space<vmem>> -> memref<1x80xi32, #tpu.memory_space<vmem>>
      %dma_start3A_163 = tpu.memref_squeeze %dma_start3A_162 : memref<1x80xi32, #tpu.memory_space<vmem>> -> memref<80xi32, #tpu.memory_space<vmem>>
      %dma_start3A_164 = tpu.memref_slice %arg4[%mul3A_160] : memref<320000xi32, #tpu.memory_space<hbm>> -> memref<80xi32, #tpu.memory_space<hbm>>
      %dma_start3A_165 = arith.constant 0 : i32
      %dma_start3A_166 = tpu.memref_slice %arg8[%dma_start3A, %dma_start3A_165] : memref<4x80xi32, #tpu.memory_space<vmem>> -> memref<1x80xi32, #tpu.memory_space<vmem>>
      %dma_start3A_167 = tpu.memref_squeeze %dma_start3A_166 : memref<1x80xi32, #tpu.memory_space<vmem>> -> memref<80xi32, #tpu.memory_space<vmem>>
      %dma_start3A_168 = tpu.memref_slice %arg4[%mul3A_160] : memref<320000xi32, #tpu.memory_space<hbm>> -> memref<80xi32, #tpu.memory_space<hbm>>
      tpu.enqueue_dma source(%dma_start3A_168 : memref<80xi32, #tpu.memory_space<hbm>>) target(%dma_start3A_167 : memref<80xi32, #tpu.memory_space<vmem>>) target_semaphore(%arg23 : memref<!tpu.dma_semaphore, #tpu.memory_space<semaphore_mem>>)
      %dma_start3A_169 = arith.constant 0 : i32
      %dma_start3A_170 = arith.constant 0 : i32
      %dma_start3A_171 = tpu.memref_slice %arg9[%dma_start3A_169, %dma_start3A_170] : memref<4x80xi32, #tpu.memory_space<vmem>> -> memref<1x80xi32, #tpu.memory_space<vmem>>
      %dma_start3A_172 = tpu.memref_squeeze %dma_start3A_171 : memref<1x80xi32, #tpu.memory_space<vmem>> -> memref<80xi32, #tpu.memory_space<vmem>>
      %dma_start3A_173 = tpu.memref_slice %arg5[%mul3A_160] : memref<320000xi32, #tpu.memory_space<hbm>> -> memref<80xi32, #tpu.memory_space<hbm>>
      %dma_start3A_174 = arith.constant 0 : i32
      %dma_start3A_175 = tpu.memref_slice %arg9[%dma_start3A_169, %dma_start3A_174] : memref<4x80xi32, #tpu.memory_space<vmem>> -> memref<1x80xi32, #tpu.memory_space<vmem>>
      %dma_start3A_176 = tpu.memref_squeeze %dma_start3A_175 : memref<1x80xi32, #tpu.memory_space<vmem>> -> memref<80xi32, #tpu.memory_space<vmem>>
      %dma_start3A_177 = tpu.memref_slice %arg5[%mul3A_160] : memref<320000xi32, #tpu.memory_space<hbm>> -> memref<80xi32, #tpu.memory_space<hbm>>
      tpu.enqueue_dma source(%dma_start3A_177 : memref<80xi32, #tpu.memory_space<hbm>>) target(%dma_start3A_176 : memref<80xi32, #tpu.memory_space<vmem>>) target_semaphore(%arg23 : memref<!tpu.dma_semaphore, #tpu.memory_space<semaphore_mem>>)
      %dma_wait3A = arith.constant 0 : i32
      %dma_wait3A_178 = arith.constant 0 : i32
      %dma_wait3A_179 = tpu.memref_slice %arg8[%dma_wait3A, %dma_wait3A_178] : memref<4x80xi32, #tpu.memory_space<vmem>> -> memref<1x80xi32, #tpu.memory_space<vmem>>
      %dma_wait3A_180 = tpu.memref_squeeze %dma_wait3A_179 : memref<1x80xi32, #tpu.memory_space<vmem>> -> memref<80xi32, #tpu.memory_space<vmem>>
      %dma_wait3A_181 = tpu.memref_slice %arg4[%mul3A_160] : memref<320000xi32, #tpu.memory_space<hbm>> -> memref<80xi32, #tpu.memory_space<hbm>>
      %dma_wait3A_182 = arith.constant 0 : i32
      %dma_wait3A_183 = tpu.memref_slice %arg8[%dma_wait3A, %dma_wait3A_182] : memref<4x80xi32, #tpu.memory_space<vmem>> -> memref<1x80xi32, #tpu.memory_space<vmem>>
      %dma_wait3A_184 = tpu.memref_squeeze %dma_wait3A_183 : memref<1x80xi32, #tpu.memory_space<vmem>> -> memref<80xi32, #tpu.memory_space<vmem>>
      %dma_wait3A_185 = tpu.memref_slice %arg4[%mul3A_160] : memref<320000xi32, #tpu.memory_space<hbm>> -> memref<80xi32, #tpu.memory_space<hbm>>
      tpu.wait_dma2 semaphore(%arg23 : memref<!tpu.dma_semaphore, #tpu.memory_space<semaphore_mem>>) src(%dma_wait3A_185 : memref<80xi32, #tpu.memory_space<hbm>>) dst(%dma_wait3A_184 : memref<80xi32, #tpu.memory_space<vmem>>)
      %dma_wait3A_186 = arith.constant 0 : i32
      %dma_wait3A_187 = arith.constant 0 : i32
      %dma_wait3A_188 = tpu.memref_slice %arg9[%dma_wait3A_186, %dma_wait3A_187] : memref<4x80xi32, #tpu.memory_space<vmem>> -> memref<1x80xi32, #tpu.memory_space<vmem>>
      %dma_wait3A_189 = tpu.memref_squeeze %dma_wait3A_188 : memref<1x80xi32, #tpu.memory_space<vmem>> -> memref<80xi32, #tpu.memory_space<vmem>>
      %dma_wait3A_190 = tpu.memref_slice %arg5[%mul3A_160] : memref<320000xi32, #tpu.memory_space<hbm>> -> memref<80xi32, #tpu.memory_space<hbm>>
      %dma_wait3A_191 = arith.constant 0 : i32
      %dma_wait3A_192 = tpu.memref_slice %arg9[%dma_wait3A_186, %dma_wait3A_191] : memref<4x80xi32, #tpu.memory_space<vmem>> -> memref<1x80xi32, #tpu.memory_space<vmem>>
      %dma_wait3A_193 = tpu.memref_squeeze %dma_wait3A_192 : memref<1x80xi32, #tpu.memory_space<vmem>> -> memref<80xi32, #tpu.memory_space<vmem>>
      %dma_wait3A_194 = tpu.memref_slice %arg5[%mul3A_160] : memref<320000xi32, #tpu.memory_space<hbm>> -> memref<80xi32, #tpu.memory_space<hbm>>
      tpu.wait_dma2 semaphore(%arg23 : memref<!tpu.dma_semaphore, #tpu.memory_space<semaphore_mem>>) src(%dma_wait3A_194 : memref<80xi32, #tpu.memory_space<hbm>>) dst(%dma_wait3A_193 : memref<80xi32, #tpu.memory_space<vmem>>)
      %dma_start3A_195 = arith.constant 0 : i32
      %dma_start3A_196 = arith.constant 0 : i32
      %dma_start3A_197 = tpu.memref_slice %arg8[%dma_start3A_195, %dma_start3A_196] : memref<4x80xi32, #tpu.memory_space<vmem>> -> memref<1x80xi32, #tpu.memory_space<vmem>>
      %dma_start3A_198 = tpu.memref_squeeze %dma_start3A_197 : memref<1x80xi32, #tpu.memory_space<vmem>> -> memref<80xi32, #tpu.memory_space<vmem>>
      %dma_start3A_199 = arith.constant 0 : i32
      %dma_start3A_200 = arith.constant 0 : i32
      %dma_start3A_201 = tpu.memref_slice %arg3[%dma_start3A_199, %dma_start3A_200] : memref<10000x128xf32, #tpu.memory_space<hbm>> -> memref<10000x128xf32, #tpu.memory_space<hbm>>
      tpu.enqueue_indirect_dma source(%dma_start3A_201 : memref<10000x128xf32, #tpu.memory_space<hbm>>) target(%arg10 : memref<80x128xf32, #tpu.memory_space<vmem>>) offsets(%dma_start3A_198 : memref<80xi32, #tpu.memory_space<vmem>>) semaphore(%arg15 : memref<!tpu.dma_semaphore, #tpu.memory_space<semaphore_mem>>)
      %add3A_202 = arith.constant 1 : i32
      %add3A_203 = arith.addi %mul3A_0, %add3A_202 : i32
      %mul3A_204 = arith.constant 80 : i32
      %mul3A_205 = arith.muli %add3A_203, %mul3A_204 : i32
      %dma_start3A_206 = arith.constant 1 : i32
      %dma_start3A_207 = arith.constant 0 : i32
      %dma_start3A_208 = tpu.memref_slice %arg8[%dma_start3A_206, %dma_start3A_207] : memref<4x80xi32, #tpu.memory_space<vmem>> -> memref<1x80xi32, #tpu.memory_space<vmem>>
      %dma_start3A_209 = tpu.memref_squeeze %dma_start3A_208 : memref<1x80xi32, #tpu.memory_space<vmem>> -> memref<80xi32, #tpu.memory_space<vmem>>
      %dma_start3A_210 = tpu.memref_slice %arg4[%mul3A_205] : memref<320000xi32, #tpu.memory_space<hbm>> -> memref<80xi32, #tpu.memory_space<hbm>>
      %dma_start3A_211 = arith.constant 0 : i32
      %dma_start3A_212 = tpu.memref_slice %arg8[%dma_start3A_206, %dma_start3A_211] : memref<4x80xi32, #tpu.memory_space<vmem>> -> memref<1x80xi32, #tpu.memory_space<vmem>>
      %dma_start3A_213 = tpu.memref_squeeze %dma_start3A_212 : memref<1x80xi32, #tpu.memory_space<vmem>> -> memref<80xi32, #tpu.memory_space<vmem>>
      %dma_start3A_214 = tpu.memref_slice %arg4[%mul3A_205] : memref<320000xi32, #tpu.memory_space<hbm>> -> memref<80xi32, #tpu.memory_space<hbm>>
      tpu.enqueue_dma source(%dma_start3A_214 : memref<80xi32, #tpu.memory_space<hbm>>) target(%dma_start3A_213 : memref<80xi32, #tpu.memory_space<vmem>>) target_semaphore(%arg23 : memref<!tpu.dma_semaphore, #tpu.memory_space<semaphore_mem>>)
      %dma_start3A_215 = arith.constant 1 : i32
      %dma_start3A_216 = arith.constant 0 : i32
      %dma_start3A_217 = tpu.memref_slice %arg9[%dma_start3A_215, %dma_start3A_216] : memref<4x80xi32, #tpu.memory_space<vmem>> -> memref<1x80xi32, #tpu.memory_space<vmem>>
      %dma_start3A_218 = tpu.memref_squeeze %dma_start3A_217 : memref<1x80xi32, #tpu.memory_space<vmem>> -> memref<80xi32, #tpu.memory_space<vmem>>
      %dma_start3A_219 = tpu.memref_slice %arg5[%mul3A_205] : memref<320000xi32, #tpu.memory_space<hbm>> -> memref<80xi32, #tpu.memory_space<hbm>>
      %dma_start3A_220 = arith.constant 0 : i32
      %dma_start3A_221 = tpu.memref_slice %arg9[%dma_start3A_215, %dma_start3A_220] : memref<4x80xi32, #tpu.memory_space<vmem>> -> memref<1x80xi32, #tpu.memory_space<vmem>>
      %dma_start3A_222 = tpu.memref_squeeze %dma_start3A_221 : memref<1x80xi32, #tpu.memory_space<vmem>> -> memref<80xi32, #tpu.memory_space<vmem>>
      %dma_start3A_223 = tpu.memref_slice %arg5[%mul3A_205] : memref<320000xi32, #tpu.memory_space<hbm>> -> memref<80xi32, #tpu.memory_space<hbm>>
      tpu.enqueue_dma source(%dma_start3A_223 : memref<80xi32, #tpu.memory_space<hbm>>) target(%dma_start3A_222 : memref<80xi32, #tpu.memory_space<vmem>>) target_semaphore(%arg23 : memref<!tpu.dma_semaphore, #tpu.memory_space<semaphore_mem>>)
      %dma_wait3A_224 = arith.constant 1 : i32
      %dma_wait3A_225 = arith.constant 0 : i32
      %dma_wait3A_226 = tpu.memref_slice %arg8[%dma_wait3A_224, %dma_wait3A_225] : memref<4x80xi32, #tpu.memory_space<vmem>> -> memref<1x80xi32, #tpu.memory_space<vmem>>
      %dma_wait3A_227 = tpu.memref_squeeze %dma_wait3A_226 : memref<1x80xi32, #tpu.memory_space<vmem>> -> memref<80xi32, #tpu.memory_space<vmem>>
      %dma_wait3A_228 = tpu.memref_slice %arg4[%mul3A_205] : memref<320000xi32, #tpu.memory_space<hbm>> -> memref<80xi32, #tpu.memory_space<hbm>>
      %dma_wait3A_229 = arith.constant 0 : i32
      %dma_wait3A_230 = tpu.memref_slice %arg8[%dma_wait3A_224, %dma_wait3A_229] : memref<4x80xi32, #tpu.memory_space<vmem>> -> memref<1x80xi32, #tpu.memory_space<vmem>>
      %dma_wait3A_231 = tpu.memref_squeeze %dma_wait3A_230 : memref<1x80xi32, #tpu.memory_space<vmem>> -> memref<80xi32, #tpu.memory_space<vmem>>
      %dma_wait3A_232 = tpu.memref_slice %arg4[%mul3A_205] : memref<320000xi32, #tpu.memory_space<hbm>> -> memref<80xi32, #tpu.memory_space<hbm>>
      tpu.wait_dma2 semaphore(%arg23 : memref<!tpu.dma_semaphore, #tpu.memory_space<semaphore_mem>>) src(%dma_wait3A_232 : memref<80xi32, #tpu.memory_space<hbm>>) dst(%dma_wait3A_231 : memref<80xi32, #tpu.memory_space<vmem>>)
      %dma_wait3A_233 = arith.constant 1 : i32
      %dma_wait3A_234 = arith.constant 0 : i32
      %dma_wait3A_235 = tpu.memref_slice %arg9[%dma_wait3A_233, %dma_wait3A_234] : memref<4x80xi32, #tpu.memory_space<vmem>> -> memref<1x80xi32, #tpu.memory_space<vmem>>
      %dma_wait3A_236 = tpu.memref_squeeze %dma_wait3A_235 : memref<1x80xi32, #tpu.memory_space<vmem>> -> memref<80xi32, #tpu.memory_space<vmem>>
      %dma_wait3A_237 = tpu.memref_slice %arg5[%mul3A_205] : memref<320000xi32, #tpu.memory_space<hbm>> -> memref<80xi32, #tpu.memory_space<hbm>>
      %dma_wait3A_238 = arith.constant 0 : i32
      %dma_wait3A_239 = tpu.memref_slice %arg9[%dma_wait3A_233, %dma_wait3A_238] : memref<4x80xi32, #tpu.memory_space<vmem>> -> memref<1x80xi32, #tpu.memory_space<vmem>>
      %dma_wait3A_240 = tpu.memref_squeeze %dma_wait3A_239 : memref<1x80xi32, #tpu.memory_space<vmem>> -> memref<80xi32, #tpu.memory_space<vmem>>
      %dma_wait3A_241 = tpu.memref_slice %arg5[%mul3A_205] : memref<320000xi32, #tpu.memory_space<hbm>> -> memref<80xi32, #tpu.memory_space<hbm>>
      tpu.wait_dma2 semaphore(%arg23 : memref<!tpu.dma_semaphore, #tpu.memory_space<semaphore_mem>>) src(%dma_wait3A_241 : memref<80xi32, #tpu.memory_space<hbm>>) dst(%dma_wait3A_240 : memref<80xi32, #tpu.memory_space<vmem>>)
      %dma_start3A_242 = arith.constant 1 : i32
      %dma_start3A_243 = arith.constant 0 : i32
      %dma_start3A_244 = tpu.memref_slice %arg8[%dma_start3A_242, %dma_start3A_243] : memref<4x80xi32, #tpu.memory_space<vmem>> -> memref<1x80xi32, #tpu.memory_space<vmem>>
      %dma_start3A_245 = tpu.memref_squeeze %dma_start3A_244 : memref<1x80xi32, #tpu.memory_space<vmem>> -> memref<80xi32, #tpu.memory_space<vmem>>
      %dma_start3A_246 = arith.constant 0 : i32
      %dma_start3A_247 = arith.constant 0 : i32
      %dma_start3A_248 = tpu.memref_slice %arg3[%dma_start3A_246, %dma_start3A_247] : memref<10000x128xf32, #tpu.memory_space<hbm>> -> memref<10000x128xf32, #tpu.memory_space<hbm>>
      tpu.enqueue_indirect_dma source(%dma_start3A_248 : memref<10000x128xf32, #tpu.memory_space<hbm>>) target(%arg11 : memref<80x128xf32, #tpu.memory_space<vmem>>) offsets(%dma_start3A_245 : memref<80xi32, #tpu.memory_space<vmem>>) semaphore(%arg16 : memref<!tpu.dma_semaphore, #tpu.memory_space<semaphore_mem>>)
      %scan3A_249 = arith.constant 0 : i32
      %scan3A_250 = arith.constant 0 : i32
      %scan3A_251 = arith.constant 62 : i32
      %scan3A_252 = arith.addi %scan3A_250, %scan3A_251 : i32
      %scan3A_253 = arith.constant 1 : i32
      scf.for %scan3A_270 = %scan3A_250 to %scan3A_252 step %scan3A_253  : i32 {
        %mul3A_271 = arith.constant 4 : i32
        %mul3A_272 = arith.muli %scan3A_270, %mul3A_271 : i32
        %add3A_273 = arith.constant 0 : i32
        %add3A_274 = arith.addi %mul3A_272, %add3A_273 : i32
        %dma_wait3A_275 = arith.constant 0 : i32
        %dma_wait3A_276 = arith.constant 0 : i32
        %dma_wait3A_277 = tpu.memref_slice %arg8[%dma_wait3A_275, %dma_wait3A_276] : memref<4x80xi32, #tpu.memory_space<vmem>> -> memref<1x80xi32, #tpu.memory_space<vmem>>
        %dma_wait3A_278 = tpu.memref_squeeze %dma_wait3A_277 : memref<1x80xi32, #tpu.memory_space<vmem>> -> memref<80xi32, #tpu.memory_space<vmem>>
        %dma_wait3A_279 = arith.constant 0 : i32
        %dma_wait3A_280 = arith.constant 0 : i32
        %dma_wait3A_281 = tpu.memref_slice %arg3[%dma_wait3A_279, %dma_wait3A_280] : memref<10000x128xf32, #tpu.memory_space<hbm>> -> memref<10000x128xf32, #tpu.memory_space<hbm>>
        tpu.wait_indirect_dma semaphore(%arg15 : memref<!tpu.dma_semaphore, #tpu.memory_space<semaphore_mem>>) src(%dma_wait3A_281 : memref<10000x128xf32, #tpu.memory_space<hbm>>) dst(%arg10 : memref<80x128xf32, #tpu.memory_space<vmem>>)
        %add3A_282 = arith.constant 2 : i32
        %add3A_283 = arith.addi %add3A_274, %add3A_282 : i32
        %lt3A = arith.constant 250 : i32
        %lt3A_284 = arith.cmpi slt, %add3A_283, %lt3A : i32
        %convert_element_type3A_285 = arith.extui %lt3A_284 : i1 to i32
        %cond3A_286 = arith.constant 0 : i32
        %cond3A_287 = arith.cmpi ne, %convert_element_type3A_285, %cond3A_286 : i32
        scf.if %cond3A_287 {
          %add3A_346 = arith.constant 2 : i32
          %add3A_347 = arith.addi %add3A_274, %add3A_346 : i32
          %add3A_348 = arith.addi %mul3A_0, %add3A_347 : i32
          %mul3A_349 = arith.constant 80 : i32
          %mul3A_350 = arith.muli %add3A_348, %mul3A_349 : i32
          %dma_start3A_351 = arith.constant 2 : i32
          %dma_start3A_352 = arith.constant 0 : i32
          %dma_start3A_353 = tpu.memref_slice %arg8[%dma_start3A_351, %dma_start3A_352] : memref<4x80xi32, #tpu.memory_space<vmem>> -> memref<1x80xi32, #tpu.memory_space<vmem>>
          %dma_start3A_354 = tpu.memref_squeeze %dma_start3A_353 : memref<1x80xi32, #tpu.memory_space<vmem>> -> memref<80xi32, #tpu.memory_space<vmem>>
          %dma_start3A_355 = tpu.memref_slice %arg4[%mul3A_350] : memref<320000xi32, #tpu.memory_space<hbm>> -> memref<80xi32, #tpu.memory_space<hbm>>
          %dma_start3A_356 = arith.constant 0 : i32
          %dma_start3A_357 = tpu.memref_slice %arg8[%dma_start3A_351, %dma_start3A_356] : memref<4x80xi32, #tpu.memory_space<vmem>> -> memref<1x80xi32, #tpu.memory_space<vmem>>
          %dma_start3A_358 = tpu.memref_squeeze %dma_start3A_357 : memref<1x80xi32, #tpu.memory_space<vmem>> -> memref<80xi32, #tpu.memory_space<vmem>>
          %dma_start3A_359 = tpu.memref_slice %arg4[%mul3A_350] : memref<320000xi32, #tpu.memory_space<hbm>> -> memref<80xi32, #tpu.memory_space<hbm>>
          tpu.enqueue_dma source(%dma_start3A_359 : memref<80xi32, #tpu.memory_space<hbm>>) target(%dma_start3A_358 : memref<80xi32, #tpu.memory_space<vmem>>) target_semaphore(%arg23 : memref<!tpu.dma_semaphore, #tpu.memory_space<semaphore_mem>>)
          %dma_start3A_360 = arith.constant 2 : i32
          %dma_start3A_361 = arith.constant 0 : i32
          %dma_start3A_362 = tpu.memref_slice %arg9[%dma_start3A_360, %dma_start3A_361] : memref<4x80xi32, #tpu.memory_space<vmem>> -> memref<1x80xi32, #tpu.memory_space<vmem>>
          %dma_start3A_363 = tpu.memref_squeeze %dma_start3A_362 : memref<1x80xi32, #tpu.memory_space<vmem>> -> memref<80xi32, #tpu.memory_space<vmem>>
          %dma_start3A_364 = tpu.memref_slice %arg5[%mul3A_350] : memref<320000xi32, #tpu.memory_space<hbm>> -> memref<80xi32, #tpu.memory_space<hbm>>
          %dma_start3A_365 = arith.constant 0 : i32
          %dma_start3A_366 = tpu.memref_slice %arg9[%dma_start3A_360, %dma_start3A_365] : memref<4x80xi32, #tpu.memory_space<vmem>> -> memref<1x80xi32, #tpu.memory_space<vmem>>
          %dma_start3A_367 = tpu.memref_squeeze %dma_start3A_366 : memref<1x80xi32, #tpu.memory_space<vmem>> -> memref<80xi32, #tpu.memory_space<vmem>>
          %dma_start3A_368 = tpu.memref_slice %arg5[%mul3A_350] : memref<320000xi32, #tpu.memory_space<hbm>> -> memref<80xi32, #tpu.memory_space<hbm>>
          tpu.enqueue_dma source(%dma_start3A_368 : memref<80xi32, #tpu.memory_space<hbm>>) target(%dma_start3A_367 : memref<80xi32, #tpu.memory_space<vmem>>) target_semaphore(%arg23 : memref<!tpu.dma_semaphore, #tpu.memory_space<semaphore_mem>>)
          %dma_wait3A_369 = arith.constant 2 : i32
          %dma_wait3A_370 = arith.constant 0 : i32
          %dma_wait3A_371 = tpu.memref_slice %arg8[%dma_wait3A_369, %dma_wait3A_370] : memref<4x80xi32, #tpu.memory_space<vmem>> -> memref<1x80xi32, #tpu.memory_space<vmem>>
          %dma_wait3A_372 = tpu.memref_squeeze %dma_wait3A_371 : memref<1x80xi32, #tpu.memory_space<vmem>> -> memref<80xi32, #tpu.memory_space<vmem>>
          %dma_wait3A_373 = tpu.memref_slice %arg4[%mul3A_350] : memref<320000xi32, #tpu.memory_space<hbm>> -> memref<80xi32, #tpu.memory_space<hbm>>
          %dma_wait3A_374 = arith.constant 0 : i32
          %dma_wait3A_375 = tpu.memref_slice %arg8[%dma_wait3A_369, %dma_wait3A_374] : memref<4x80xi32, #tpu.memory_space<vmem>> -> memref<1x80xi32, #tpu.memory_space<vmem>>
          %dma_wait3A_376 = tpu.memref_squeeze %dma_wait3A_375 : memref<1x80xi32, #tpu.memory_space<vmem>> -> memref<80xi32, #tpu.memory_space<vmem>>
          %dma_wait3A_377 = tpu.memref_slice %arg4[%mul3A_350] : memref<320000xi32, #tpu.memory_space<hbm>> -> memref<80xi32, #tpu.memory_space<hbm>>
          tpu.wait_dma2 semaphore(%arg23 : memref<!tpu.dma_semaphore, #tpu.memory_space<semaphore_mem>>) src(%dma_wait3A_377 : memref<80xi32, #tpu.memory_space<hbm>>) dst(%dma_wait3A_376 : memref<80xi32, #tpu.memory_space<vmem>>)
          %dma_wait3A_378 = arith.constant 2 : i32
          %dma_wait3A_379 = arith.constant 0 : i32
          %dma_wait3A_380 = tpu.memref_slice %arg9[%dma_wait3A_378, %dma_wait3A_379] : memref<4x80xi32, #tpu.memory_space<vmem>> -> memref<1x80xi32, #tpu.memory_space<vmem>>
          %dma_wait3A_381 = tpu.memref_squeeze %dma_wait3A_380 : memref<1x80xi32, #tpu.memory_space<vmem>> -> memref<80xi32, #tpu.memory_space<vmem>>
          %dma_wait3A_382 = tpu.memref_slice %arg5[%mul3A_350] : memref<320000xi32, #tpu.memory_space<hbm>> -> memref<80xi32, #tpu.memory_space<hbm>>
          %dma_wait3A_383 = arith.constant 0 : i32
          %dma_wait3A_384 = tpu.memref_slice %arg9[%dma_wait3A_378, %dma_wait3A_383] : memref<4x80xi32, #tpu.memory_space<vmem>> -> memref<1x80xi32, #tpu.memory_space<vmem>>
          %dma_wait3A_385 = tpu.memref_squeeze %dma_wait3A_384 : memref<1x80xi32, #tpu.memory_space<vmem>> -> memref<80xi32, #tpu.memory_space<vmem>>
          %dma_wait3A_386 = tpu.memref_slice %arg5[%mul3A_350] : memref<320000xi32, #tpu.memory_space<hbm>> -> memref<80xi32, #tpu.memory_space<hbm>>
          tpu.wait_dma2 semaphore(%arg23 : memref<!tpu.dma_semaphore, #tpu.memory_space<semaphore_mem>>) src(%dma_wait3A_386 : memref<80xi32, #tpu.memory_space<hbm>>) dst(%dma_wait3A_385 : memref<80xi32, #tpu.memory_space<vmem>>)
          %add3A_387 = arith.constant 2 : i32
          %add3A_388 = arith.addi %add3A_274, %add3A_387 : i32
          %dma_start3A_389 = arith.constant 2 : i32
          %dma_start3A_390 = arith.constant 0 : i32
          %dma_start3A_391 = tpu.memref_slice %arg8[%dma_start3A_389, %dma_start3A_390] : memref<4x80xi32, #tpu.memory_space<vmem>> -> memref<1x80xi32, #tpu.memory_space<vmem>>
          %dma_start3A_392 = tpu.memref_squeeze %dma_start3A_391 : memref<1x80xi32, #tpu.memory_space<vmem>> -> memref<80xi32, #tpu.memory_space<vmem>>
          %dma_start3A_393 = arith.constant 0 : i32
          %dma_start3A_394 = arith.constant 0 : i32
          %dma_start3A_395 = tpu.memref_slice %arg3[%dma_start3A_393, %dma_start3A_394] : memref<10000x128xf32, #tpu.memory_space<hbm>> -> memref<10000x128xf32, #tpu.memory_space<hbm>>
          tpu.enqueue_indirect_dma source(%dma_start3A_395 : memref<10000x128xf32, #tpu.memory_space<hbm>>) target(%arg12 : memref<80x128xf32, #tpu.memory_space<vmem>>) offsets(%dma_start3A_392 : memref<80xi32, #tpu.memory_space<vmem>>) semaphore(%arg17 : memref<!tpu.dma_semaphore, #tpu.memory_space<semaphore_mem>>)
        } else {
        }
        %run_scoped3A_288 = arith.constant 0 : i32
        "tpu.region"() ({
          %run_scoped3A_346 = tpu.sem_alloc : memref<!tpu.dma_semaphore, #tpu.memory_space<semaphore_mem>>
          %dma_start3A_347 = arith.constant 0 : i32
          %dma_start3A_348 = tpu.memref_slice %arg9[%run_scoped3A_288, %dma_start3A_347] : memref<4x80xi32, #tpu.memory_space<vmem>> -> memref<1x80xi32, #tpu.memory_space<vmem>>
          %dma_start3A_349 = tpu.memref_squeeze %dma_start3A_348 : memref<1x80xi32, #tpu.memory_space<vmem>> -> memref<80xi32, #tpu.memory_space<vmem>>
          %dma_start3A_350 = arith.constant 0 : i32
          %dma_start3A_351 = arith.constant 0 : i32
          %dma_start3A_352 = tpu.memref_slice %arg14[%dma_start3A_350, %dma_start3A_351] : memref<10240x128xf32, #tpu.memory_space<vmem_shared>> -> memref<10240x128xf32, #tpu.memory_space<vmem_shared>>
          tpu.enqueue_indirect_dma source(%arg10 : memref<80x128xf32, #tpu.memory_space<vmem>>) target(%dma_start3A_352 : memref<10240x128xf32, #tpu.memory_space<vmem_shared>>) offsets(%dma_start3A_349 : memref<80xi32, #tpu.memory_space<vmem>>) semaphore(%run_scoped3A_346 : memref<!tpu.dma_semaphore, #tpu.memory_space<semaphore_mem>>) {add = true}
          %dma_wait3A_353 = arith.constant 0 : i32
          %dma_wait3A_354 = tpu.memref_slice %arg9[%run_scoped3A_288, %dma_wait3A_353] : memref<4x80xi32, #tpu.memory_space<vmem>> -> memref<1x80xi32, #tpu.memory_space<vmem>>
          %dma_wait3A_355 = tpu.memref_squeeze %dma_wait3A_354 : memref<1x80xi32, #tpu.memory_space<vmem>> -> memref<80xi32, #tpu.memory_space<vmem>>
          %dma_wait3A_356 = arith.constant 0 : i32
          %dma_wait3A_357 = arith.constant 0 : i32
          %dma_wait3A_358 = tpu.memref_slice %arg14[%dma_wait3A_356, %dma_wait3A_357] : memref<10240x128xf32, #tpu.memory_space<vmem_shared>> -> memref<10240x128xf32, #tpu.memory_space<vmem_shared>>
          tpu.wait_indirect_dma semaphore(%run_scoped3A_346 : memref<!tpu.dma_semaphore, #tpu.memory_space<semaphore_mem>>) src(%arg10 : memref<80x128xf32, #tpu.memory_space<vmem>>) dst(%dma_wait3A_358 : memref<10240x128xf32, #tpu.memory_space<vmem_shared>>)
          tpu.yield
        }) : () -> ()
        %mul3A_289 = arith.constant 4 : i32
        %mul3A_290 = arith.muli %scan3A_270, %mul3A_289 : i32
        %add3A_291 = arith.constant 1 : i32
        %add3A_292 = arith.addi %mul3A_290, %add3A_291 : i32
        %dma_wait3A_293 = arith.constant 1 : i32
        %dma_wait3A_294 = arith.constant 0 : i32
        %dma_wait3A_295 = tpu.memref_slice %arg8[%dma_wait3A_293, %dma_wait3A_294] : memref<4x80xi32, #tpu.memory_space<vmem>> -> memref<1x80xi32, #tpu.memory_space<vmem>>
        %dma_wait3A_296 = tpu.memref_squeeze %dma_wait3A_295 : memref<1x80xi32, #tpu.memory_space<vmem>> -> memref<80xi32, #tpu.memory_space<vmem>>
        %dma_wait3A_297 = arith.constant 0 : i32
        %dma_wait3A_298 = arith.constant 0 : i32
        %dma_wait3A_299 = tpu.memref_slice %arg3[%dma_wait3A_297, %dma_wait3A_298] : memref<10000x128xf32, #tpu.memory_space<hbm>> -> memref<10000x128xf32, #tpu.memory_space<hbm>>
        tpu.wait_indirect_dma semaphore(%arg16 : memref<!tpu.dma_semaphore, #tpu.memory_space<semaphore_mem>>) src(%dma_wait3A_299 : memref<10000x128xf32, #tpu.memory_space<hbm>>) dst(%arg11 : memref<80x128xf32, #tpu.memory_space<vmem>>)
        %add3A_300 = arith.constant 2 : i32
        %add3A_301 = arith.addi %add3A_292, %add3A_300 : i32
        %lt3A_302 = arith.constant 250 : i32
        %lt3A_303 = arith.cmpi slt, %add3A_301, %lt3A_302 : i32
        %convert_element_type3A_304 = arith.extui %lt3A_303 : i1 to i32
        %cond3A_305 = arith.constant 0 : i32
        %cond3A_306 = arith.cmpi ne, %convert_element_type3A_304, %cond3A_305 : i32
        scf.if %cond3A_306 {
          %add3A_346 = arith.constant 2 : i32
          %add3A_347 = arith.addi %add3A_292, %add3A_346 : i32
          %add3A_348 = arith.addi %mul3A_0, %add3A_347 : i32
          %mul3A_349 = arith.constant 80 : i32
          %mul3A_350 = arith.muli %add3A_348, %mul3A_349 : i32
          %dma_start3A_351 = arith.constant 3 : i32
          %dma_start3A_352 = arith.constant 0 : i32
          %dma_start3A_353 = tpu.memref_slice %arg8[%dma_start3A_351, %dma_start3A_352] : memref<4x80xi32, #tpu.memory_space<vmem>> -> memref<1x80xi32, #tpu.memory_space<vmem>>
          %dma_start3A_354 = tpu.memref_squeeze %dma_start3A_353 : memref<1x80xi32, #tpu.memory_space<vmem>> -> memref<80xi32, #tpu.memory_space<vmem>>
          %dma_start3A_355 = tpu.memref_slice %arg4[%mul3A_350] : memref<320000xi32, #tpu.memory_space<hbm>> -> memref<80xi32, #tpu.memory_space<hbm>>
          %dma_start3A_356 = arith.constant 0 : i32
          %dma_start3A_357 = tpu.memref_slice %arg8[%dma_start3A_351, %dma_start3A_356] : memref<4x80xi32, #tpu.memory_space<vmem>> -> memref<1x80xi32, #tpu.memory_space<vmem>>
          %dma_start3A_358 = tpu.memref_squeeze %dma_start3A_357 : memref<1x80xi32, #tpu.memory_space<vmem>> -> memref<80xi32, #tpu.memory_space<vmem>>
          %dma_start3A_359 = tpu.memref_slice %arg4[%mul3A_350] : memref<320000xi32, #tpu.memory_space<hbm>> -> memref<80xi32, #tpu.memory_space<hbm>>
          tpu.enqueue_dma source(%dma_start3A_359 : memref<80xi32, #tpu.memory_space<hbm>>) target(%dma_start3A_358 : memref<80xi32, #tpu.memory_space<vmem>>) target_semaphore(%arg23 : memref<!tpu.dma_semaphore, #tpu.memory_space<semaphore_mem>>)
          %dma_start3A_360 = arith.constant 3 : i32
          %dma_start3A_361 = arith.constant 0 : i32
          %dma_start3A_362 = tpu.memref_slice %arg9[%dma_start3A_360, %dma_start3A_361] : memref<4x80xi32, #tpu.memory_space<vmem>> -> memref<1x80xi32, #tpu.memory_space<vmem>>
          %dma_start3A_363 = tpu.memref_squeeze %dma_start3A_362 : memref<1x80xi32, #tpu.memory_space<vmem>> -> memref<80xi32, #tpu.memory_space<vmem>>
          %dma_start3A_364 = tpu.memref_slice %arg5[%mul3A_350] : memref<320000xi32, #tpu.memory_space<hbm>> -> memref<80xi32, #tpu.memory_space<hbm>>
          %dma_start3A_365 = arith.constant 0 : i32
          %dma_start3A_366 = tpu.memref_slice %arg9[%dma_start3A_360, %dma_start3A_365] : memref<4x80xi32, #tpu.memory_space<vmem>> -> memref<1x80xi32, #tpu.memory_space<vmem>>
          %dma_start3A_367 = tpu.memref_squeeze %dma_start3A_366 : memref<1x80xi32, #tpu.memory_space<vmem>> -> memref<80xi32, #tpu.memory_space<vmem>>
          %dma_start3A_368 = tpu.memref_slice %arg5[%mul3A_350] : memref<320000xi32, #tpu.memory_space<hbm>> -> memref<80xi32, #tpu.memory_space<hbm>>
          tpu.enqueue_dma source(%dma_start3A_368 : memref<80xi32, #tpu.memory_space<hbm>>) target(%dma_start3A_367 : memref<80xi32, #tpu.memory_space<vmem>>) target_semaphore(%arg23 : memref<!tpu.dma_semaphore, #tpu.memory_space<semaphore_mem>>)
          %dma_wait3A_369 = arith.constant 3 : i32
          %dma_wait3A_370 = arith.constant 0 : i32
          %dma_wait3A_371 = tpu.memref_slice %arg8[%dma_wait3A_369, %dma_wait3A_370] : memref<4x80xi32, #tpu.memory_space<vmem>> -> memref<1x80xi32, #tpu.memory_space<vmem>>
          %dma_wait3A_372 = tpu.memref_squeeze %dma_wait3A_371 : memref<1x80xi32, #tpu.memory_space<vmem>> -> memref<80xi32, #tpu.memory_space<vmem>>
          %dma_wait3A_373 = tpu.memref_slice %arg4[%mul3A_350] : memref<320000xi32, #tpu.memory_space<hbm>> -> memref<80xi32, #tpu.memory_space<hbm>>
          %dma_wait3A_374 = arith.constant 0 : i32
          %dma_wait3A_375 = tpu.memref_slice %arg8[%dma_wait3A_369, %dma_wait3A_374] : memref<4x80xi32, #tpu.memory_space<vmem>> -> memref<1x80xi32, #tpu.memory_space<vmem>>
          %dma_wait3A_376 = tpu.memref_squeeze %dma_wait3A_375 : memref<1x80xi32, #tpu.memory_space<vmem>> -> memref<80xi32, #tpu.memory_space<vmem>>
          %dma_wait3A_377 = tpu.memref_slice %arg4[%mul3A_350] : memref<320000xi32, #tpu.memory_space<hbm>> -> memref<80xi32, #tpu.memory_space<hbm>>
          tpu.wait_dma2 semaphore(%arg23 : memref<!tpu.dma_semaphore, #tpu.memory_space<semaphore_mem>>) src(%dma_wait3A_377 : memref<80xi32, #tpu.memory_space<hbm>>) dst(%dma_wait3A_376 : memref<80xi32, #tpu.memory_space<vmem>>)
          %dma_wait3A_378 = arith.constant 3 : i32
          %dma_wait3A_379 = arith.constant 0 : i32
          %dma_wait3A_380 = tpu.memref_slice %arg9[%dma_wait3A_378, %dma_wait3A_379] : memref<4x80xi32, #tpu.memory_space<vmem>> -> memref<1x80xi32, #tpu.memory_space<vmem>>
          %dma_wait3A_381 = tpu.memref_squeeze %dma_wait3A_380 : memref<1x80xi32, #tpu.memory_space<vmem>> -> memref<80xi32, #tpu.memory_space<vmem>>
          %dma_wait3A_382 = tpu.memref_slice %arg5[%mul3A_350] : memref<320000xi32, #tpu.memory_space<hbm>> -> memref<80xi32, #tpu.memory_space<hbm>>
          %dma_wait3A_383 = arith.constant 0 : i32
          %dma_wait3A_384 = tpu.memref_slice %arg9[%dma_wait3A_378, %dma_wait3A_383] : memref<4x80xi32, #tpu.memory_space<vmem>> -> memref<1x80xi32, #tpu.memory_space<vmem>>
          %dma_wait3A_385 = tpu.memref_squeeze %dma_wait3A_384 : memref<1x80xi32, #tpu.memory_space<vmem>> -> memref<80xi32, #tpu.memory_space<vmem>>
          %dma_wait3A_386 = tpu.memref_slice %arg5[%mul3A_350] : memref<320000xi32, #tpu.memory_space<hbm>> -> memref<80xi32, #tpu.memory_space<hbm>>
          tpu.wait_dma2 semaphore(%arg23 : memref<!tpu.dma_semaphore, #tpu.memory_space<semaphore_mem>>) src(%dma_wait3A_386 : memref<80xi32, #tpu.memory_space<hbm>>) dst(%dma_wait3A_385 : memref<80xi32, #tpu.memory_space<vmem>>)
          %add3A_387 = arith.constant 2 : i32
          %add3A_388 = arith.addi %add3A_292, %add3A_387 : i32
          %dma_start3A_389 = arith.constant 3 : i32
          %dma_start3A_390 = arith.constant 0 : i32
          %dma_start3A_391 = tpu.memref_slice %arg8[%dma_start3A_389, %dma_start3A_390] : memref<4x80xi32, #tpu.memory_space<vmem>> -> memref<1x80xi32, #tpu.memory_space<vmem>>
          %dma_start3A_392 = tpu.memref_squeeze %dma_start3A_391 : memref<1x80xi32, #tpu.memory_space<vmem>> -> memref<80xi32, #tpu.memory_space<vmem>>
          %dma_start3A_393 = arith.constant 0 : i32
          %dma_start3A_394 = arith.constant 0 : i32
          %dma_start3A_395 = tpu.memref_slice %arg3[%dma_start3A_393, %dma_start3A_394] : memref<10000x128xf32, #tpu.memory_space<hbm>> -> memref<10000x128xf32, #tpu.memory_space<hbm>>
          tpu.enqueue_indirect_dma source(%dma_start3A_395 : memref<10000x128xf32, #tpu.memory_space<hbm>>) target(%arg13 : memref<80x128xf32, #tpu.memory_space<vmem>>) offsets(%dma_start3A_392 : memref<80xi32, #tpu.memory_space<vmem>>) semaphore(%arg18 : memref<!tpu.dma_semaphore, #tpu.memory_space<semaphore_mem>>)
        } else {
        }
        %run_scoped3A_307 = arith.constant 1 : i32
        "tpu.region"() ({
          %run_scoped3A_346 = tpu.sem_alloc : memref<!tpu.dma_semaphore, #tpu.memory_space<semaphore_mem>>
          %dma_start3A_347 = arith.constant 0 : i32
          %dma_start3A_348 = tpu.memref_slice %arg9[%run_scoped3A_307, %dma_start3A_347] : memref<4x80xi32, #tpu.memory_space<vmem>> -> memref<1x80xi32, #tpu.memory_space<vmem>>
          %dma_start3A_349 = tpu.memref_squeeze %dma_start3A_348 : memref<1x80xi32, #tpu.memory_space<vmem>> -> memref<80xi32, #tpu.memory_space<vmem>>
          %dma_start3A_350 = arith.constant 0 : i32
          %dma_start3A_351 = arith.constant 0 : i32
          %dma_start3A_352 = tpu.memref_slice %arg14[%dma_start3A_350, %dma_start3A_351] : memref<10240x128xf32, #tpu.memory_space<vmem_shared>> -> memref<10240x128xf32, #tpu.memory_space<vmem_shared>>
          tpu.enqueue_indirect_dma source(%arg11 : memref<80x128xf32, #tpu.memory_space<vmem>>) target(%dma_start3A_352 : memref<10240x128xf32, #tpu.memory_space<vmem_shared>>) offsets(%dma_start3A_349 : memref<80xi32, #tpu.memory_space<vmem>>) semaphore(%run_scoped3A_346 : memref<!tpu.dma_semaphore, #tpu.memory_space<semaphore_mem>>) {add = true}
          %dma_wait3A_353 = arith.constant 0 : i32
          %dma_wait3A_354 = tpu.memref_slice %arg9[%run_scoped3A_307, %dma_wait3A_353] : memref<4x80xi32, #tpu.memory_space<vmem>> -> memref<1x80xi32, #tpu.memory_space<vmem>>
          %dma_wait3A_355 = tpu.memref_squeeze %dma_wait3A_354 : memref<1x80xi32, #tpu.memory_space<vmem>> -> memref<80xi32, #tpu.memory_space<vmem>>
          %dma_wait3A_356 = arith.constant 0 : i32
          %dma_wait3A_357 = arith.constant 0 : i32
          %dma_wait3A_358 = tpu.memref_slice %arg14[%dma_wait3A_356, %dma_wait3A_357] : memref<10240x128xf32, #tpu.memory_space<vmem_shared>> -> memref<10240x128xf32, #tpu.memory_space<vmem_shared>>
          tpu.wait_indirect_dma semaphore(%run_scoped3A_346 : memref<!tpu.dma_semaphore, #tpu.memory_space<semaphore_mem>>) src(%arg11 : memref<80x128xf32, #tpu.memory_space<vmem>>) dst(%dma_wait3A_358 : memref<10240x128xf32, #tpu.memory_space<vmem_shared>>)
          tpu.yield
        }) : () -> ()
        %mul3A_308 = arith.constant 4 : i32
        %mul3A_309 = arith.muli %scan3A_270, %mul3A_308 : i32
        %add3A_310 = arith.constant 2 : i32
        %add3A_311 = arith.addi %mul3A_309, %add3A_310 : i32
        %dma_wait3A_312 = arith.constant 2 : i32
        %dma_wait3A_313 = arith.constant 0 : i32
        %dma_wait3A_314 = tpu.memref_slice %arg8[%dma_wait3A_312, %dma_wait3A_313] : memref<4x80xi32, #tpu.memory_space<vmem>> -> memref<1x80xi32, #tpu.memory_space<vmem>>
        %dma_wait3A_315 = tpu.memref_squeeze %dma_wait3A_314 : memref<1x80xi32, #tpu.memory_space<vmem>> -> memref<80xi32, #tpu.memory_space<vmem>>
        %dma_wait3A_316 = arith.constant 0 : i32
        %dma_wait3A_317 = arith.constant 0 : i32
        %dma_wait3A_318 = tpu.memref_slice %arg3[%dma_wait3A_316, %dma_wait3A_317] : memref<10000x128xf32, #tpu.memory_space<hbm>> -> memref<10000x128xf32, #tpu.memory_space<hbm>>
        tpu.wait_indirect_dma semaphore(%arg17 : memref<!tpu.dma_semaphore, #tpu.memory_space<semaphore_mem>>) src(%dma_wait3A_318 : memref<10000x128xf32, #tpu.memory_space<hbm>>) dst(%arg12 : memref<80x128xf32, #tpu.memory_space<vmem>>)
        %add3A_319 = arith.constant 2 : i32
        %add3A_320 = arith.addi %add3A_311, %add3A_319 : i32
        %lt3A_321 = arith.constant 250 : i32
        %lt3A_322 = arith.cmpi slt, %add3A_320, %lt3A_321 : i32
        %convert_element_type3A_323 = arith.extui %lt3A_322 : i1 to i32
        %cond3A_324 = arith.constant 0 : i32
        %cond3A_325 = arith.cmpi ne, %convert_element_type3A_323, %cond3A_324 : i32
        scf.if %cond3A_325 {
          %add3A_346 = arith.constant 2 : i32
          %add3A_347 = arith.addi %add3A_311, %add3A_346 : i32
          %add3A_348 = arith.addi %mul3A_0, %add3A_347 : i32
          %mul3A_349 = arith.constant 80 : i32
          %mul3A_350 = arith.muli %add3A_348, %mul3A_349 : i32
          %dma_start3A_351 = arith.constant 0 : i32
          %dma_start3A_352 = arith.constant 0 : i32
          %dma_start3A_353 = tpu.memref_slice %arg8[%dma_start3A_351, %dma_start3A_352] : memref<4x80xi32, #tpu.memory_space<vmem>> -> memref<1x80xi32, #tpu.memory_space<vmem>>
          %dma_start3A_354 = tpu.memref_squeeze %dma_start3A_353 : memref<1x80xi32, #tpu.memory_space<vmem>> -> memref<80xi32, #tpu.memory_space<vmem>>
          %dma_start3A_355 = tpu.memref_slice %arg4[%mul3A_350] : memref<320000xi32, #tpu.memory_space<hbm>> -> memref<80xi32, #tpu.memory_space<hbm>>
          %dma_start3A_356 = arith.constant 0 : i32
          %dma_start3A_357 = tpu.memref_slice %arg8[%dma_start3A_351, %dma_start3A_356] : memref<4x80xi32, #tpu.memory_space<vmem>> -> memref<1x80xi32, #tpu.memory_space<vmem>>
          %dma_start3A_358 = tpu.memref_squeeze %dma_start3A_357 : memref<1x80xi32, #tpu.memory_space<vmem>> -> memref<80xi32, #tpu.memory_space<vmem>>
          %dma_start3A_359 = tpu.memref_slice %arg4[%mul3A_350] : memref<320000xi32, #tpu.memory_space<hbm>> -> memref<80xi32, #tpu.memory_space<hbm>>
          tpu.enqueue_dma source(%dma_start3A_359 : memref<80xi32, #tpu.memory_space<hbm>>) target(%dma_start3A_358 : memref<80xi32, #tpu.memory_space<vmem>>) target_semaphore(%arg23 : memref<!tpu.dma_semaphore, #tpu.memory_space<semaphore_mem>>)
          %dma_start3A_360 = arith.constant 0 : i32
          %dma_start3A_361 = arith.constant 0 : i32
          %dma_start3A_362 = tpu.memref_slice %arg9[%dma_start3A_360, %dma_start3A_361] : memref<4x80xi32, #tpu.memory_space<vmem>> -> memref<1x80xi32, #tpu.memory_space<vmem>>
          %dma_start3A_363 = tpu.memref_squeeze %dma_start3A_362 : memref<1x80xi32, #tpu.memory_space<vmem>> -> memref<80xi32, #tpu.memory_space<vmem>>
          %dma_start3A_364 = tpu.memref_slice %arg5[%mul3A_350] : memref<320000xi32, #tpu.memory_space<hbm>> -> memref<80xi32, #tpu.memory_space<hbm>>
          %dma_start3A_365 = arith.constant 0 : i32
          %dma_start3A_366 = tpu.memref_slice %arg9[%dma_start3A_360, %dma_start3A_365] : memref<4x80xi32, #tpu.memory_space<vmem>> -> memref<1x80xi32, #tpu.memory_space<vmem>>
          %dma_start3A_367 = tpu.memref_squeeze %dma_start3A_366 : memref<1x80xi32, #tpu.memory_space<vmem>> -> memref<80xi32, #tpu.memory_space<vmem>>
          %dma_start3A_368 = tpu.memref_slice %arg5[%mul3A_350] : memref<320000xi32, #tpu.memory_space<hbm>> -> memref<80xi32, #tpu.memory_space<hbm>>
          tpu.enqueue_dma source(%dma_start3A_368 : memref<80xi32, #tpu.memory_space<hbm>>) target(%dma_start3A_367 : memref<80xi32, #tpu.memory_space<vmem>>) target_semaphore(%arg23 : memref<!tpu.dma_semaphore, #tpu.memory_space<semaphore_mem>>)
          %dma_wait3A_369 = arith.constant 0 : i32
          %dma_wait3A_370 = arith.constant 0 : i32
          %dma_wait3A_371 = tpu.memref_slice %arg8[%dma_wait3A_369, %dma_wait3A_370] : memref<4x80xi32, #tpu.memory_space<vmem>> -> memref<1x80xi32, #tpu.memory_space<vmem>>
          %dma_wait3A_372 = tpu.memref_squeeze %dma_wait3A_371 : memref<1x80xi32, #tpu.memory_space<vmem>> -> memref<80xi32, #tpu.memory_space<vmem>>
          %dma_wait3A_373 = tpu.memref_slice %arg4[%mul3A_350] : memref<320000xi32, #tpu.memory_space<hbm>> -> memref<80xi32, #tpu.memory_space<hbm>>
          %dma_wait3A_374 = arith.constant 0 : i32
          %dma_wait3A_375 = tpu.memref_slice %arg8[%dma_wait3A_369, %dma_wait3A_374] : memref<4x80xi32, #tpu.memory_space<vmem>> -> memref<1x80xi32, #tpu.memory_space<vmem>>
          %dma_wait3A_376 = tpu.memref_squeeze %dma_wait3A_375 : memref<1x80xi32, #tpu.memory_space<vmem>> -> memref<80xi32, #tpu.memory_space<vmem>>
          %dma_wait3A_377 = tpu.memref_slice %arg4[%mul3A_350] : memref<320000xi32, #tpu.memory_space<hbm>> -> memref<80xi32, #tpu.memory_space<hbm>>
          tpu.wait_dma2 semaphore(%arg23 : memref<!tpu.dma_semaphore, #tpu.memory_space<semaphore_mem>>) src(%dma_wait3A_377 : memref<80xi32, #tpu.memory_space<hbm>>) dst(%dma_wait3A_376 : memref<80xi32, #tpu.memory_space<vmem>>)
          %dma_wait3A_378 = arith.constant 0 : i32
          %dma_wait3A_379 = arith.constant 0 : i32
          %dma_wait3A_380 = tpu.memref_slice %arg9[%dma_wait3A_378, %dma_wait3A_379] : memref<4x80xi32, #tpu.memory_space<vmem>> -> memref<1x80xi32, #tpu.memory_space<vmem>>
          %dma_wait3A_381 = tpu.memref_squeeze %dma_wait3A_380 : memref<1x80xi32, #tpu.memory_space<vmem>> -> memref<80xi32, #tpu.memory_space<vmem>>
          %dma_wait3A_382 = tpu.memref_slice %arg5[%mul3A_350] : memref<320000xi32, #tpu.memory_space<hbm>> -> memref<80xi32, #tpu.memory_space<hbm>>
          %dma_wait3A_383 = arith.constant 0 : i32
          %dma_wait3A_384 = tpu.memref_slice %arg9[%dma_wait3A_378, %dma_wait3A_383] : memref<4x80xi32, #tpu.memory_space<vmem>> -> memref<1x80xi32, #tpu.memory_space<vmem>>
          %dma_wait3A_385 = tpu.memref_squeeze %dma_wait3A_384 : memref<1x80xi32, #tpu.memory_space<vmem>> -> memref<80xi32, #tpu.memory_space<vmem>>
          %dma_wait3A_386 = tpu.memref_slice %arg5[%mul3A_350] : memref<320000xi32, #tpu.memory_space<hbm>> -> memref<80xi32, #tpu.memory_space<hbm>>
          tpu.wait_dma2 semaphore(%arg23 : memref<!tpu.dma_semaphore, #tpu.memory_space<semaphore_mem>>) src(%dma_wait3A_386 : memref<80xi32, #tpu.memory_space<hbm>>) dst(%dma_wait3A_385 : memref<80xi32, #tpu.memory_space<vmem>>)
          %add3A_387 = arith.constant 2 : i32
          %add3A_388 = arith.addi %add3A_311, %add3A_387 : i32
          %dma_start3A_389 = arith.constant 0 : i32
          %dma_start3A_390 = arith.constant 0 : i32
          %dma_start3A_391 = tpu.memref_slice %arg8[%dma_start3A_389, %dma_start3A_390] : memref<4x80xi32, #tpu.memory_space<vmem>> -> memref<1x80xi32, #tpu.memory_space<vmem>>
          %dma_start3A_392 = tpu.memref_squeeze %dma_start3A_391 : memref<1x80xi32, #tpu.memory_space<vmem>> -> memref<80xi32, #tpu.memory_space<vmem>>
          %dma_start3A_393 = arith.constant 0 : i32
          %dma_start3A_394 = arith.constant 0 : i32
          %dma_start3A_395 = tpu.memref_slice %arg3[%dma_start3A_393, %dma_start3A_394] : memref<10000x128xf32, #tpu.memory_space<hbm>> -> memref<10000x128xf32, #tpu.memory_space<hbm>>
          tpu.enqueue_indirect_dma source(%dma_start3A_395 : memref<10000x128xf32, #tpu.memory_space<hbm>>) target(%arg10 : memref<80x128xf32, #tpu.memory_space<vmem>>) offsets(%dma_start3A_392 : memref<80xi32, #tpu.memory_space<vmem>>) semaphore(%arg15 : memref<!tpu.dma_semaphore, #tpu.memory_space<semaphore_mem>>)
        } else {
        }
        %run_scoped3A_326 = arith.constant 2 : i32
        "tpu.region"() ({
          %run_scoped3A_346 = tpu.sem_alloc : memref<!tpu.dma_semaphore, #tpu.memory_space<semaphore_mem>>
          %dma_start3A_347 = arith.constant 0 : i32
          %dma_start3A_348 = tpu.memref_slice %arg9[%run_scoped3A_326, %dma_start3A_347] : memref<4x80xi32, #tpu.memory_space<vmem>> -> memref<1x80xi32, #tpu.memory_space<vmem>>
          %dma_start3A_349 = tpu.memref_squeeze %dma_start3A_348 : memref<1x80xi32, #tpu.memory_space<vmem>> -> memref<80xi32, #tpu.memory_space<vmem>>
          %dma_start3A_350 = arith.constant 0 : i32
          %dma_start3A_351 = arith.constant 0 : i32
          %dma_start3A_352 = tpu.memref_slice %arg14[%dma_start3A_350, %dma_start3A_351] : memref<10240x128xf32, #tpu.memory_space<vmem_shared>> -> memref<10240x128xf32, #tpu.memory_space<vmem_shared>>
          tpu.enqueue_indirect_dma source(%arg12 : memref<80x128xf32, #tpu.memory_space<vmem>>) target(%dma_start3A_352 : memref<10240x128xf32, #tpu.memory_space<vmem_shared>>) offsets(%dma_start3A_349 : memref<80xi32, #tpu.memory_space<vmem>>) semaphore(%run_scoped3A_346 : memref<!tpu.dma_semaphore, #tpu.memory_space<semaphore_mem>>) {add = true}
          %dma_wait3A_353 = arith.constant 0 : i32
          %dma_wait3A_354 = tpu.memref_slice %arg9[%run_scoped3A_326, %dma_wait3A_353] : memref<4x80xi32, #tpu.memory_space<vmem>> -> memref<1x80xi32, #tpu.memory_space<vmem>>
          %dma_wait3A_355 = tpu.memref_squeeze %dma_wait3A_354 : memref<1x80xi32, #tpu.memory_space<vmem>> -> memref<80xi32, #tpu.memory_space<vmem>>
          %dma_wait3A_356 = arith.constant 0 : i32
          %dma_wait3A_357 = arith.constant 0 : i32
          %dma_wait3A_358 = tpu.memref_slice %arg14[%dma_wait3A_356, %dma_wait3A_357] : memref<10240x128xf32, #tpu.memory_space<vmem_shared>> -> memref<10240x128xf32, #tpu.memory_space<vmem_shared>>
          tpu.wait_indirect_dma semaphore(%run_scoped3A_346 : memref<!tpu.dma_semaphore, #tpu.memory_space<semaphore_mem>>) src(%arg12 : memref<80x128xf32, #tpu.memory_space<vmem>>) dst(%dma_wait3A_358 : memref<10240x128xf32, #tpu.memory_space<vmem_shared>>)
          tpu.yield
        }) : () -> ()
        %mul3A_327 = arith.constant 4 : i32
        %mul3A_328 = arith.muli %scan3A_270, %mul3A_327 : i32
        %add3A_329 = arith.constant 3 : i32
        %add3A_330 = arith.addi %mul3A_328, %add3A_329 : i32
        %dma_wait3A_331 = arith.constant 3 : i32
        %dma_wait3A_332 = arith.constant 0 : i32
        %dma_wait3A_333 = tpu.memref_slice %arg8[%dma_wait3A_331, %dma_wait3A_332] : memref<4x80xi32, #tpu.memory_space<vmem>> -> memref<1x80xi32, #tpu.memory_space<vmem>>
        %dma_wait3A_334 = tpu.memref_squeeze %dma_wait3A_333 : memref<1x80xi32, #tpu.memory_space<vmem>> -> memref<80xi32, #tpu.memory_space<vmem>>
        %dma_wait3A_335 = arith.constant 0 : i32
        %dma_wait3A_336 = arith.constant 0 : i32
        %dma_wait3A_337 = tpu.memref_slice %arg3[%dma_wait3A_335, %dma_wait3A_336] : memref<10000x128xf32, #tpu.memory_space<hbm>> -> memref<10000x128xf32, #tpu.memory_space<hbm>>
        tpu.wait_indirect_dma semaphore(%arg18 : memref<!tpu.dma_semaphore, #tpu.memory_space<semaphore_mem>>) src(%dma_wait3A_337 : memref<10000x128xf32, #tpu.memory_space<hbm>>) dst(%arg13 : memref<80x128xf32, #tpu.memory_space<vmem>>)
        %add3A_338 = arith.constant 2 : i32
        %add3A_339 = arith.addi %add3A_330, %add3A_338 : i32
        %lt3A_340 = arith.constant 250 : i32
        %lt3A_341 = arith.cmpi slt, %add3A_339, %lt3A_340 : i32
        %convert_element_type3A_342 = arith.extui %lt3A_341 : i1 to i32
        %cond3A_343 = arith.constant 0 : i32
        %cond3A_344 = arith.cmpi ne, %convert_element_type3A_342, %cond3A_343 : i32
        scf.if %cond3A_344 {
          %add3A_346 = arith.constant 2 : i32
          %add3A_347 = arith.addi %add3A_330, %add3A_346 : i32
          %add3A_348 = arith.addi %mul3A_0, %add3A_347 : i32
          %mul3A_349 = arith.constant 80 : i32
          %mul3A_350 = arith.muli %add3A_348, %mul3A_349 : i32
          %dma_start3A_351 = arith.constant 1 : i32
          %dma_start3A_352 = arith.constant 0 : i32
          %dma_start3A_353 = tpu.memref_slice %arg8[%dma_start3A_351, %dma_start3A_352] : memref<4x80xi32, #tpu.memory_space<vmem>> -> memref<1x80xi32, #tpu.memory_space<vmem>>
          %dma_start3A_354 = tpu.memref_squeeze %dma_start3A_353 : memref<1x80xi32, #tpu.memory_space<vmem>> -> memref<80xi32, #tpu.memory_space<vmem>>
          %dma_start3A_355 = tpu.memref_slice %arg4[%mul3A_350] : memref<320000xi32, #tpu.memory_space<hbm>> -> memref<80xi32, #tpu.memory_space<hbm>>
          %dma_start3A_356 = arith.constant 0 : i32
          %dma_start3A_357 = tpu.memref_slice %arg8[%dma_start3A_351, %dma_start3A_356] : memref<4x80xi32, #tpu.memory_space<vmem>> -> memref<1x80xi32, #tpu.memory_space<vmem>>
          %dma_start3A_358 = tpu.memref_squeeze %dma_start3A_357 : memref<1x80xi32, #tpu.memory_space<vmem>> -> memref<80xi32, #tpu.memory_space<vmem>>
          %dma_start3A_359 = tpu.memref_slice %arg4[%mul3A_350] : memref<320000xi32, #tpu.memory_space<hbm>> -> memref<80xi32, #tpu.memory_space<hbm>>
          tpu.enqueue_dma source(%dma_start3A_359 : memref<80xi32, #tpu.memory_space<hbm>>) target(%dma_start3A_358 : memref<80xi32, #tpu.memory_space<vmem>>) target_semaphore(%arg23 : memref<!tpu.dma_semaphore, #tpu.memory_space<semaphore_mem>>)
          %dma_start3A_360 = arith.constant 1 : i32
          %dma_start3A_361 = arith.constant 0 : i32
          %dma_start3A_362 = tpu.memref_slice %arg9[%dma_start3A_360, %dma_start3A_361] : memref<4x80xi32, #tpu.memory_space<vmem>> -> memref<1x80xi32, #tpu.memory_space<vmem>>
          %dma_start3A_363 = tpu.memref_squeeze %dma_start3A_362 : memref<1x80xi32, #tpu.memory_space<vmem>> -> memref<80xi32, #tpu.memory_space<vmem>>
          %dma_start3A_364 = tpu.memref_slice %arg5[%mul3A_350] : memref<320000xi32, #tpu.memory_space<hbm>> -> memref<80xi32, #tpu.memory_space<hbm>>
          %dma_start3A_365 = arith.constant 0 : i32
          %dma_start3A_366 = tpu.memref_slice %arg9[%dma_start3A_360, %dma_start3A_365] : memref<4x80xi32, #tpu.memory_space<vmem>> -> memref<1x80xi32, #tpu.memory_space<vmem>>
          %dma_start3A_367 = tpu.memref_squeeze %dma_start3A_366 : memref<1x80xi32, #tpu.memory_space<vmem>> -> memref<80xi32, #tpu.memory_space<vmem>>
          %dma_start3A_368 = tpu.memref_slice %arg5[%mul3A_350] : memref<320000xi32, #tpu.memory_space<hbm>> -> memref<80xi32, #tpu.memory_space<hbm>>
          tpu.enqueue_dma source(%dma_start3A_368 : memref<80xi32, #tpu.memory_space<hbm>>) target(%dma_start3A_367 : memref<80xi32, #tpu.memory_space<vmem>>) target_semaphore(%arg23 : memref<!tpu.dma_semaphore, #tpu.memory_space<semaphore_mem>>)
          %dma_wait3A_369 = arith.constant 1 : i32
          %dma_wait3A_370 = arith.constant 0 : i32
          %dma_wait3A_371 = tpu.memref_slice %arg8[%dma_wait3A_369, %dma_wait3A_370] : memref<4x80xi32, #tpu.memory_space<vmem>> -> memref<1x80xi32, #tpu.memory_space<vmem>>
          %dma_wait3A_372 = tpu.memref_squeeze %dma_wait3A_371 : memref<1x80xi32, #tpu.memory_space<vmem>> -> memref<80xi32, #tpu.memory_space<vmem>>
          %dma_wait3A_373 = tpu.memref_slice %arg4[%mul3A_350] : memref<320000xi32, #tpu.memory_space<hbm>> -> memref<80xi32, #tpu.memory_space<hbm>>
          %dma_wait3A_374 = arith.constant 0 : i32
          %dma_wait3A_375 = tpu.memref_slice %arg8[%dma_wait3A_369, %dma_wait3A_374] : memref<4x80xi32, #tpu.memory_space<vmem>> -> memref<1x80xi32, #tpu.memory_space<vmem>>
          %dma_wait3A_376 = tpu.memref_squeeze %dma_wait3A_375 : memref<1x80xi32, #tpu.memory_space<vmem>> -> memref<80xi32, #tpu.memory_space<vmem>>
          %dma_wait3A_377 = tpu.memref_slice %arg4[%mul3A_350] : memref<320000xi32, #tpu.memory_space<hbm>> -> memref<80xi32, #tpu.memory_space<hbm>>
          tpu.wait_dma2 semaphore(%arg23 : memref<!tpu.dma_semaphore, #tpu.memory_space<semaphore_mem>>) src(%dma_wait3A_377 : memref<80xi32, #tpu.memory_space<hbm>>) dst(%dma_wait3A_376 : memref<80xi32, #tpu.memory_space<vmem>>)
          %dma_wait3A_378 = arith.constant 1 : i32
          %dma_wait3A_379 = arith.constant 0 : i32
          %dma_wait3A_380 = tpu.memref_slice %arg9[%dma_wait3A_378, %dma_wait3A_379] : memref<4x80xi32, #tpu.memory_space<vmem>> -> memref<1x80xi32, #tpu.memory_space<vmem>>
          %dma_wait3A_381 = tpu.memref_squeeze %dma_wait3A_380 : memref<1x80xi32, #tpu.memory_space<vmem>> -> memref<80xi32, #tpu.memory_space<vmem>>
          %dma_wait3A_382 = tpu.memref_slice %arg5[%mul3A_350] : memref<320000xi32, #tpu.memory_space<hbm>> -> memref<80xi32, #tpu.memory_space<hbm>>
          %dma_wait3A_383 = arith.constant 0 : i32
          %dma_wait3A_384 = tpu.memref_slice %arg9[%dma_wait3A_378, %dma_wait3A_383] : memref<4x80xi32, #tpu.memory_space<vmem>> -> memref<1x80xi32, #tpu.memory_space<vmem>>
          %dma_wait3A_385 = tpu.memref_squeeze %dma_wait3A_384 : memref<1x80xi32, #tpu.memory_space<vmem>> -> memref<80xi32, #tpu.memory_space<vmem>>
          %dma_wait3A_386 = tpu.memref_slice %arg5[%mul3A_350] : memref<320000xi32, #tpu.memory_space<hbm>> -> memref<80xi32, #tpu.memory_space<hbm>>
          tpu.wait_dma2 semaphore(%arg23 : memref<!tpu.dma_semaphore, #tpu.memory_space<semaphore_mem>>) src(%dma_wait3A_386 : memref<80xi32, #tpu.memory_space<hbm>>) dst(%dma_wait3A_385 : memref<80xi32, #tpu.memory_space<vmem>>)
          %add3A_387 = arith.constant 2 : i32
          %add3A_388 = arith.addi %add3A_330, %add3A_387 : i32
          %dma_start3A_389 = arith.constant 1 : i32
          %dma_start3A_390 = arith.constant 0 : i32
          %dma_start3A_391 = tpu.memref_slice %arg8[%dma_start3A_389, %dma_start3A_390] : memref<4x80xi32, #tpu.memory_space<vmem>> -> memref<1x80xi32, #tpu.memory_space<vmem>>
          %dma_start3A_392 = tpu.memref_squeeze %dma_start3A_391 : memref<1x80xi32, #tpu.memory_space<vmem>> -> memref<80xi32, #tpu.memory_space<vmem>>
          %dma_start3A_393 = arith.constant 0 : i32
          %dma_start3A_394 = arith.constant 0 : i32
          %dma_start3A_395 = tpu.memref_slice %arg3[%dma_start3A_393, %dma_start3A_394] : memref<10000x128xf32, #tpu.memory_space<hbm>> -> memref<10000x128xf32, #tpu.memory_space<hbm>>
          tpu.enqueue_indirect_dma source(%dma_start3A_395 : memref<10000x128xf32, #tpu.memory_space<hbm>>) target(%arg11 : memref<80x128xf32, #tpu.memory_space<vmem>>) offsets(%dma_start3A_392 : memref<80xi32, #tpu.memory_space<vmem>>) semaphore(%arg16 : memref<!tpu.dma_semaphore, #tpu.memory_space<semaphore_mem>>)
        } else {
        }
        %run_scoped3A_345 = arith.constant 3 : i32
        "tpu.region"() ({
          %run_scoped3A_346 = tpu.sem_alloc : memref<!tpu.dma_semaphore, #tpu.memory_space<semaphore_mem>>
          %dma_start3A_347 = arith.constant 0 : i32
          %dma_start3A_348 = tpu.memref_slice %arg9[%run_scoped3A_345, %dma_start3A_347] : memref<4x80xi32, #tpu.memory_space<vmem>> -> memref<1x80xi32, #tpu.memory_space<vmem>>
          %dma_start3A_349 = tpu.memref_squeeze %dma_start3A_348 : memref<1x80xi32, #tpu.memory_space<vmem>> -> memref<80xi32, #tpu.memory_space<vmem>>
          %dma_start3A_350 = arith.constant 0 : i32
          %dma_start3A_351 = arith.constant 0 : i32
          %dma_start3A_352 = tpu.memref_slice %arg14[%dma_start3A_350, %dma_start3A_351] : memref<10240x128xf32, #tpu.memory_space<vmem_shared>> -> memref<10240x128xf32, #tpu.memory_space<vmem_shared>>
          tpu.enqueue_indirect_dma source(%arg13 : memref<80x128xf32, #tpu.memory_space<vmem>>) target(%dma_start3A_352 : memref<10240x128xf32, #tpu.memory_space<vmem_shared>>) offsets(%dma_start3A_349 : memref<80xi32, #tpu.memory_space<vmem>>) semaphore(%run_scoped3A_346 : memref<!tpu.dma_semaphore, #tpu.memory_space<semaphore_mem>>) {add = true}
          %dma_wait3A_353 = arith.constant 0 : i32
          %dma_wait3A_354 = tpu.memref_slice %arg9[%run_scoped3A_345, %dma_wait3A_353] : memref<4x80xi32, #tpu.memory_space<vmem>> -> memref<1x80xi32, #tpu.memory_space<vmem>>
          %dma_wait3A_355 = tpu.memref_squeeze %dma_wait3A_354 : memref<1x80xi32, #tpu.memory_space<vmem>> -> memref<80xi32, #tpu.memory_space<vmem>>
          %dma_wait3A_356 = arith.constant 0 : i32
          %dma_wait3A_357 = arith.constant 0 : i32
          %dma_wait3A_358 = tpu.memref_slice %arg14[%dma_wait3A_356, %dma_wait3A_357] : memref<10240x128xf32, #tpu.memory_space<vmem_shared>> -> memref<10240x128xf32, #tpu.memory_space<vmem_shared>>
          tpu.wait_indirect_dma semaphore(%run_scoped3A_346 : memref<!tpu.dma_semaphore, #tpu.memory_space<semaphore_mem>>) src(%arg13 : memref<80x128xf32, #tpu.memory_space<vmem>>) dst(%dma_wait3A_358 : memref<10240x128xf32, #tpu.memory_space<vmem_shared>>)
          tpu.yield
        }) : () -> ()
      }
      %scan3A_254 = arith.constant 62 : i32
      %dma_wait3A_255 = arith.constant 0 : i32
      %dma_wait3A_256 = arith.constant 0 : i32
      %dma_wait3A_257 = tpu.memref_slice %arg8[%dma_wait3A_255, %dma_wait3A_256] : memref<4x80xi32, #tpu.memory_space<vmem>> -> memref<1x80xi32, #tpu.memory_space<vmem>>
      %dma_wait3A_258 = tpu.memref_squeeze %dma_wait3A_257 : memref<1x80xi32, #tpu.memory_space<vmem>> -> memref<80xi32, #tpu.memory_space<vmem>>
      %dma_wait3A_259 = arith.constant 0 : i32
      %dma_wait3A_260 = arith.constant 0 : i32
      %dma_wait3A_261 = tpu.memref_slice %arg3[%dma_wait3A_259, %dma_wait3A_260] : memref<10000x128xf32, #tpu.memory_space<hbm>> -> memref<10000x128xf32, #tpu.memory_space<hbm>>
      tpu.wait_indirect_dma semaphore(%arg15 : memref<!tpu.dma_semaphore, #tpu.memory_space<semaphore_mem>>) src(%dma_wait3A_261 : memref<10000x128xf32, #tpu.memory_space<hbm>>) dst(%arg10 : memref<80x128xf32, #tpu.memory_space<vmem>>)
      %run_scoped3A = arith.constant 0 : i32
      "tpu.region"() ({
        %run_scoped3A_270 = tpu.sem_alloc : memref<!tpu.dma_semaphore, #tpu.memory_space<semaphore_mem>>
        %dma_start3A_271 = arith.constant 0 : i32
        %dma_start3A_272 = tpu.memref_slice %arg9[%run_scoped3A, %dma_start3A_271] : memref<4x80xi32, #tpu.memory_space<vmem>> -> memref<1x80xi32, #tpu.memory_space<vmem>>
        %dma_start3A_273 = tpu.memref_squeeze %dma_start3A_272 : memref<1x80xi32, #tpu.memory_space<vmem>> -> memref<80xi32, #tpu.memory_space<vmem>>
        %dma_start3A_274 = arith.constant 0 : i32
        %dma_start3A_275 = arith.constant 0 : i32
        %dma_start3A_276 = tpu.memref_slice %arg14[%dma_start3A_274, %dma_start3A_275] : memref<10240x128xf32, #tpu.memory_space<vmem_shared>> -> memref<10240x128xf32, #tpu.memory_space<vmem_shared>>
        tpu.enqueue_indirect_dma source(%arg10 : memref<80x128xf32, #tpu.memory_space<vmem>>) target(%dma_start3A_276 : memref<10240x128xf32, #tpu.memory_space<vmem_shared>>) offsets(%dma_start3A_273 : memref<80xi32, #tpu.memory_space<vmem>>) semaphore(%run_scoped3A_270 : memref<!tpu.dma_semaphore, #tpu.memory_space<semaphore_mem>>) {add = true}
        %dma_wait3A_277 = arith.constant 0 : i32
        %dma_wait3A_278 = tpu.memref_slice %arg9[%run_scoped3A, %dma_wait3A_277] : memref<4x80xi32, #tpu.memory_space<vmem>> -> memref<1x80xi32, #tpu.memory_space<vmem>>
        %dma_wait3A_279 = tpu.memref_squeeze %dma_wait3A_278 : memref<1x80xi32, #tpu.memory_space<vmem>> -> memref<80xi32, #tpu.memory_space<vmem>>
        %dma_wait3A_280 = arith.constant 0 : i32
        %dma_wait3A_281 = arith.constant 0 : i32
        %dma_wait3A_282 = tpu.memref_slice %arg14[%dma_wait3A_280, %dma_wait3A_281] : memref<10240x128xf32, #tpu.memory_space<vmem_shared>> -> memref<10240x128xf32, #tpu.memory_space<vmem_shared>>
        tpu.wait_indirect_dma semaphore(%run_scoped3A_270 : memref<!tpu.dma_semaphore, #tpu.memory_space<semaphore_mem>>) src(%arg10 : memref<80x128xf32, #tpu.memory_space<vmem>>) dst(%dma_wait3A_282 : memref<10240x128xf32, #tpu.memory_space<vmem_shared>>)
        tpu.yield
      }) : () -> ()
      %dma_wait3A_262 = arith.constant 1 : i32
      %dma_wait3A_263 = arith.constant 0 : i32
      %dma_wait3A_264 = tpu.memref_slice %arg8[%dma_wait3A_262, %dma_wait3A_263] : memref<4x80xi32, #tpu.memory_space<vmem>> -> memref<1x80xi32, #tpu.memory_space<vmem>>
      %dma_wait3A_265 = tpu.memref_squeeze %dma_wait3A_264 : memref<1x80xi32, #tpu.memory_space<vmem>> -> memref<80xi32, #tpu.memory_space<vmem>>
      %dma_wait3A_266 = arith.constant 0 : i32
      %dma_wait3A_267 = arith.constant 0 : i32
      %dma_wait3A_268 = tpu.memref_slice %arg3[%dma_wait3A_266, %dma_wait3A_267] : memref<10000x128xf32, #tpu.memory_space<hbm>> -> memref<10000x128xf32, #tpu.memory_space<hbm>>
      tpu.wait_indirect_dma semaphore(%arg16 : memref<!tpu.dma_semaphore, #tpu.memory_space<semaphore_mem>>) src(%dma_wait3A_268 : memref<10000x128xf32, #tpu.memory_space<hbm>>) dst(%arg11 : memref<80x128xf32, #tpu.memory_space<vmem>>)
      %run_scoped3A_269 = arith.constant 1 : i32
      "tpu.region"() ({
        %run_scoped3A_270 = tpu.sem_alloc : memref<!tpu.dma_semaphore, #tpu.memory_space<semaphore_mem>>
        %dma_start3A_271 = arith.constant 0 : i32
        %dma_start3A_272 = tpu.memref_slice %arg9[%run_scoped3A_269, %dma_start3A_271] : memref<4x80xi32, #tpu.memory_space<vmem>> -> memref<1x80xi32, #tpu.memory_space<vmem>>
        %dma_start3A_273 = tpu.memref_squeeze %dma_start3A_272 : memref<1x80xi32, #tpu.memory_space<vmem>> -> memref<80xi32, #tpu.memory_space<vmem>>
        %dma_start3A_274 = arith.constant 0 : i32
        %dma_start3A_275 = arith.constant 0 : i32
        %dma_start3A_276 = tpu.memref_slice %arg14[%dma_start3A_274, %dma_start3A_275] : memref<10240x128xf32, #tpu.memory_space<vmem_shared>> -> memref<10240x128xf32, #tpu.memory_space<vmem_shared>>
        tpu.enqueue_indirect_dma source(%arg11 : memref<80x128xf32, #tpu.memory_space<vmem>>) target(%dma_start3A_276 : memref<10240x128xf32, #tpu.memory_space<vmem_shared>>) offsets(%dma_start3A_273 : memref<80xi32, #tpu.memory_space<vmem>>) semaphore(%run_scoped3A_270 : memref<!tpu.dma_semaphore, #tpu.memory_space<semaphore_mem>>) {add = true}
        %dma_wait3A_277 = arith.constant 0 : i32
        %dma_wait3A_278 = tpu.memref_slice %arg9[%run_scoped3A_269, %dma_wait3A_277] : memref<4x80xi32, #tpu.memory_space<vmem>> -> memref<1x80xi32, #tpu.memory_space<vmem>>
        %dma_wait3A_279 = tpu.memref_squeeze %dma_wait3A_278 : memref<1x80xi32, #tpu.memory_space<vmem>> -> memref<80xi32, #tpu.memory_space<vmem>>
        %dma_wait3A_280 = arith.constant 0 : i32
        %dma_wait3A_281 = arith.constant 0 : i32
        %dma_wait3A_282 = tpu.memref_slice %arg14[%dma_wait3A_280, %dma_wait3A_281] : memref<10240x128xf32, #tpu.memory_space<vmem_shared>> -> memref<10240x128xf32, #tpu.memory_space<vmem_shared>>
        tpu.wait_indirect_dma semaphore(%run_scoped3A_270 : memref<!tpu.dma_semaphore, #tpu.memory_space<semaphore_mem>>) src(%arg11 : memref<80x128xf32, #tpu.memory_space<vmem>>) dst(%dma_wait3A_282 : memref<10240x128xf32, #tpu.memory_space<vmem_shared>>)
        tpu.yield
      }) : () -> ()
    } else {
    }
    %barrier3A_44 = arith.constant 0 : index
    tpu.barrier barrier_id(%barrier3A_44)
    %mul3A_45 = arith.constant 640 : i32
    %mul3A_46 = arith.muli %arg1, %mul3A_45 : i32
    %add3A_47 = arith.constant 0 : i32
    %add3A_48 = arith.addi %mul3A_46, %add3A_47 : i32
    %eq3A_49 = arith.constant 0 : i32
    %eq3A_50 = arith.cmpi eq, %arg0, %eq3A_49 : i32
    %convert_element_type3A_51 = arith.extui %eq3A_50 : i1 to i32
    %cond3A_52 = arith.constant 0 : i32
    %cond3A_53 = arith.cmpi ne, %convert_element_type3A_51, %cond3A_52 : i32
    scf.if %cond3A_53 {
      "tpu.region"() ({
        %run_scoped3A = tpu.sem_alloc : memref<!tpu.dma_semaphore, #tpu.memory_space<semaphore_mem>>
        %dma_start3A = arith.constant 0 : i32
        %dma_start3A_157 = tpu.memref_slice %arg6[%add3A_48, %dma_start3A] : memref<10240x128xf32, #tpu.memory_space<hbm>> -> memref<80x128xf32, #tpu.memory_space<hbm>>
        %dma_start3A_158 = arith.constant 0 : i32
        %dma_start3A_159 = tpu.memref_slice %arg14[%add3A_48, %dma_start3A_158] : memref<10240x128xf32, #tpu.memory_space<vmem_shared>> -> memref<80x128xf32, #tpu.memory_space<vmem_shared>>
        tpu.enqueue_dma source(%dma_start3A_159 : memref<80x128xf32, #tpu.memory_space<vmem_shared>>) target(%dma_start3A_157 : memref<80x128xf32, #tpu.memory_space<hbm>>) target_semaphore(%run_scoped3A : memref<!tpu.dma_semaphore, #tpu.memory_space<semaphore_mem>>)
        %dma_wait3A = arith.constant 0 : i32
        %dma_wait3A_160 = tpu.memref_slice %arg6[%add3A_48, %dma_wait3A] : memref<10240x128xf32, #tpu.memory_space<hbm>> -> memref<80x128xf32, #tpu.memory_space<hbm>>
        %dma_wait3A_161 = arith.constant 0 : i32
        %dma_wait3A_162 = tpu.memref_slice %arg14[%add3A_48, %dma_wait3A_161] : memref<10240x128xf32, #tpu.memory_space<vmem_shared>> -> memref<80x128xf32, #tpu.memory_space<vmem_shared>>
        tpu.wait_dma2 semaphore(%run_scoped3A : memref<!tpu.dma_semaphore, #tpu.memory_space<semaphore_mem>>) src(%dma_wait3A_162 : memref<80x128xf32, #tpu.memory_space<vmem_shared>>) dst(%dma_wait3A_160 : memref<80x128xf32, #tpu.memory_space<hbm>>)
        tpu.yield
      }) : () -> ()
    } else {
    }
    %eq3A_54 = arith.constant 1 : i32
    %eq3A_55 = arith.cmpi eq, %arg0, %eq3A_54 : i32
    %convert_element_type3A_56 = arith.extui %eq3A_55 : i1 to i32
    %cond3A_57 = arith.constant 0 : i32
    %cond3A_58 = arith.cmpi ne, %convert_element_type3A_56, %cond3A_57 : i32
    scf.if %cond3A_58 {
      "tpu.region"() ({
        %run_scoped3A = tpu.sem_alloc : memref<!tpu.dma_semaphore, #tpu.memory_space<semaphore_mem>>
        %dma_start3A = arith.constant 0 : i32
        %dma_start3A_157 = tpu.memref_slice %arg7[%add3A_48, %dma_start3A] : memref<10240x128xf32, #tpu.memory_space<hbm>> -> memref<80x128xf32, #tpu.memory_space<hbm>>
        %dma_start3A_158 = arith.constant 0 : i32
        %dma_start3A_159 = tpu.memref_slice %arg14[%add3A_48, %dma_start3A_158] : memref<10240x128xf32, #tpu.memory_space<vmem_shared>> -> memref<80x128xf32, #tpu.memory_space<vmem_shared>>
        tpu.enqueue_dma source(%dma_start3A_159 : memref<80x128xf32, #tpu.memory_space<vmem_shared>>) target(%dma_start3A_157 : memref<80x128xf32, #tpu.memory_space<hbm>>) target_semaphore(%run_scoped3A : memref<!tpu.dma_semaphore, #tpu.memory_space<semaphore_mem>>)
        %dma_wait3A = arith.constant 0 : i32
        %dma_wait3A_160 = tpu.memref_slice %arg7[%add3A_48, %dma_wait3A] : memref<10240x128xf32, #tpu.memory_space<hbm>> -> memref<80x128xf32, #tpu.memory_space<hbm>>
        %dma_wait3A_161 = arith.constant 0 : i32
        %dma_wait3A_162 = tpu.memref_slice %arg14[%add3A_48, %dma_wait3A_161] : memref<10240x128xf32, #tpu.memory_space<vmem_shared>> -> memref<80x128xf32, #tpu.memory_space<vmem_shared>>
        tpu.wait_dma2 semaphore(%run_scoped3A : memref<!tpu.dma_semaphore, #tpu.memory_space<semaphore_mem>>) src(%dma_wait3A_162 : memref<80x128xf32, #tpu.memory_space<vmem_shared>>) dst(%dma_wait3A_160 : memref<80x128xf32, #tpu.memory_space<hbm>>)
        tpu.yield
      }) : () -> ()
    } else {
    }
    %mul3A_59 = arith.constant 640 : i32
    %mul3A_60 = arith.muli %arg1, %mul3A_59 : i32
    %add3A_61 = arith.constant 80 : i32
    %add3A_62 = arith.addi %mul3A_60, %add3A_61 : i32
    %eq3A_63 = arith.constant 0 : i32
    %eq3A_64 = arith.cmpi eq, %arg0, %eq3A_63 : i32
    %convert_element_type3A_65 = arith.extui %eq3A_64 : i1 to i32
    %cond3A_66 = arith.constant 0 : i32
    %cond3A_67 = arith.cmpi ne, %convert_element_type3A_65, %cond3A_66 : i32
    scf.if %cond3A_67 {
      "tpu.region"() ({
        %run_scoped3A = tpu.sem_alloc : memref<!tpu.dma_semaphore, #tpu.memory_space<semaphore_mem>>
        %dma_start3A = arith.constant 0 : i32
        %dma_start3A_157 = tpu.memref_slice %arg6[%add3A_62, %dma_start3A] : memref<10240x128xf32, #tpu.memory_space<hbm>> -> memref<80x128xf32, #tpu.memory_space<hbm>>
        %dma_start3A_158 = arith.constant 0 : i32
        %dma_start3A_159 = tpu.memref_slice %arg14[%add3A_62, %dma_start3A_158] : memref<10240x128xf32, #tpu.memory_space<vmem_shared>> -> memref<80x128xf32, #tpu.memory_space<vmem_shared>>
        tpu.enqueue_dma source(%dma_start3A_159 : memref<80x128xf32, #tpu.memory_space<vmem_shared>>) target(%dma_start3A_157 : memref<80x128xf32, #tpu.memory_space<hbm>>) target_semaphore(%run_scoped3A : memref<!tpu.dma_semaphore, #tpu.memory_space<semaphore_mem>>)
        %dma_wait3A = arith.constant 0 : i32
        %dma_wait3A_160 = tpu.memref_slice %arg6[%add3A_62, %dma_wait3A] : memref<10240x128xf32, #tpu.memory_space<hbm>> -> memref<80x128xf32, #tpu.memory_space<hbm>>
        %dma_wait3A_161 = arith.constant 0 : i32
        %dma_wait3A_162 = tpu.memref_slice %arg14[%add3A_62, %dma_wait3A_161] : memref<10240x128xf32, #tpu.memory_space<vmem_shared>> -> memref<80x128xf32, #tpu.memory_space<vmem_shared>>
        tpu.wait_dma2 semaphore(%run_scoped3A : memref<!tpu.dma_semaphore, #tpu.memory_space<semaphore_mem>>) src(%dma_wait3A_162 : memref<80x128xf32, #tpu.memory_space<vmem_shared>>) dst(%dma_wait3A_160 : memref<80x128xf32, #tpu.memory_space<hbm>>)
        tpu.yield
      }) : () -> ()
    } else {
    }
    %eq3A_68 = arith.constant 1 : i32
    %eq3A_69 = arith.cmpi eq, %arg0, %eq3A_68 : i32
    %convert_element_type3A_70 = arith.extui %eq3A_69 : i1 to i32
    %cond3A_71 = arith.constant 0 : i32
    %cond3A_72 = arith.cmpi ne, %convert_element_type3A_70, %cond3A_71 : i32
    scf.if %cond3A_72 {
      "tpu.region"() ({
        %run_scoped3A = tpu.sem_alloc : memref<!tpu.dma_semaphore, #tpu.memory_space<semaphore_mem>>
        %dma_start3A = arith.constant 0 : i32
        %dma_start3A_157 = tpu.memref_slice %arg7[%add3A_62, %dma_start3A] : memref<10240x128xf32, #tpu.memory_space<hbm>> -> memref<80x128xf32, #tpu.memory_space<hbm>>
        %dma_start3A_158 = arith.constant 0 : i32
        %dma_start3A_159 = tpu.memref_slice %arg14[%add3A_62, %dma_start3A_158] : memref<10240x128xf32, #tpu.memory_space<vmem_shared>> -> memref<80x128xf32, #tpu.memory_space<vmem_shared>>
        tpu.enqueue_dma source(%dma_start3A_159 : memref<80x128xf32, #tpu.memory_space<vmem_shared>>) target(%dma_start3A_157 : memref<80x128xf32, #tpu.memory_space<hbm>>) target_semaphore(%run_scoped3A : memref<!tpu.dma_semaphore, #tpu.memory_space<semaphore_mem>>)
        %dma_wait3A = arith.constant 0 : i32
        %dma_wait3A_160 = tpu.memref_slice %arg7[%add3A_62, %dma_wait3A] : memref<10240x128xf32, #tpu.memory_space<hbm>> -> memref<80x128xf32, #tpu.memory_space<hbm>>
        %dma_wait3A_161 = arith.constant 0 : i32
        %dma_wait3A_162 = tpu.memref_slice %arg14[%add3A_62, %dma_wait3A_161] : memref<10240x128xf32, #tpu.memory_space<vmem_shared>> -> memref<80x128xf32, #tpu.memory_space<vmem_shared>>
        tpu.wait_dma2 semaphore(%run_scoped3A : memref<!tpu.dma_semaphore, #tpu.memory_space<semaphore_mem>>) src(%dma_wait3A_162 : memref<80x128xf32, #tpu.memory_space<vmem_shared>>) dst(%dma_wait3A_160 : memref<80x128xf32, #tpu.memory_space<hbm>>)
        tpu.yield
      }) : () -> ()
    } else {
    }
    %mul3A_73 = arith.constant 640 : i32
    %mul3A_74 = arith.muli %arg1, %mul3A_73 : i32
    %add3A_75 = arith.constant 160 : i32
    %add3A_76 = arith.addi %mul3A_74, %add3A_75 : i32
    %eq3A_77 = arith.constant 0 : i32
    %eq3A_78 = arith.cmpi eq, %arg0, %eq3A_77 : i32
    %convert_element_type3A_79 = arith.extui %eq3A_78 : i1 to i32
    %cond3A_80 = arith.constant 0 : i32
    %cond3A_81 = arith.cmpi ne, %convert_element_type3A_79, %cond3A_80 : i32
    scf.if %cond3A_81 {
      "tpu.region"() ({
        %run_scoped3A = tpu.sem_alloc : memref<!tpu.dma_semaphore, #tpu.memory_space<semaphore_mem>>
        %dma_start3A = arith.constant 0 : i32
        %dma_start3A_157 = tpu.memref_slice %arg6[%add3A_76, %dma_start3A] : memref<10240x128xf32, #tpu.memory_space<hbm>> -> memref<80x128xf32, #tpu.memory_space<hbm>>
        %dma_start3A_158 = arith.constant 0 : i32
        %dma_start3A_159 = tpu.memref_slice %arg14[%add3A_76, %dma_start3A_158] : memref<10240x128xf32, #tpu.memory_space<vmem_shared>> -> memref<80x128xf32, #tpu.memory_space<vmem_shared>>
        tpu.enqueue_dma source(%dma_start3A_159 : memref<80x128xf32, #tpu.memory_space<vmem_shared>>) target(%dma_start3A_157 : memref<80x128xf32, #tpu.memory_space<hbm>>) target_semaphore(%run_scoped3A : memref<!tpu.dma_semaphore, #tpu.memory_space<semaphore_mem>>)
        %dma_wait3A = arith.constant 0 : i32
        %dma_wait3A_160 = tpu.memref_slice %arg6[%add3A_76, %dma_wait3A] : memref<10240x128xf32, #tpu.memory_space<hbm>> -> memref<80x128xf32, #tpu.memory_space<hbm>>
        %dma_wait3A_161 = arith.constant 0 : i32
        %dma_wait3A_162 = tpu.memref_slice %arg14[%add3A_76, %dma_wait3A_161] : memref<10240x128xf32, #tpu.memory_space<vmem_shared>> -> memref<80x128xf32, #tpu.memory_space<vmem_shared>>
        tpu.wait_dma2 semaphore(%run_scoped3A : memref<!tpu.dma_semaphore, #tpu.memory_space<semaphore_mem>>) src(%dma_wait3A_162 : memref<80x128xf32, #tpu.memory_space<vmem_shared>>) dst(%dma_wait3A_160 : memref<80x128xf32, #tpu.memory_space<hbm>>)
        tpu.yield
      }) : () -> ()
    } else {
    }
    %eq3A_82 = arith.constant 1 : i32
    %eq3A_83 = arith.cmpi eq, %arg0, %eq3A_82 : i32
    %convert_element_type3A_84 = arith.extui %eq3A_83 : i1 to i32
    %cond3A_85 = arith.constant 0 : i32
    %cond3A_86 = arith.cmpi ne, %convert_element_type3A_84, %cond3A_85 : i32
    scf.if %cond3A_86 {
      "tpu.region"() ({
        %run_scoped3A = tpu.sem_alloc : memref<!tpu.dma_semaphore, #tpu.memory_space<semaphore_mem>>
        %dma_start3A = arith.constant 0 : i32
        %dma_start3A_157 = tpu.memref_slice %arg7[%add3A_76, %dma_start3A] : memref<10240x128xf32, #tpu.memory_space<hbm>> -> memref<80x128xf32, #tpu.memory_space<hbm>>
        %dma_start3A_158 = arith.constant 0 : i32
        %dma_start3A_159 = tpu.memref_slice %arg14[%add3A_76, %dma_start3A_158] : memref<10240x128xf32, #tpu.memory_space<vmem_shared>> -> memref<80x128xf32, #tpu.memory_space<vmem_shared>>
        tpu.enqueue_dma source(%dma_start3A_159 : memref<80x128xf32, #tpu.memory_space<vmem_shared>>) target(%dma_start3A_157 : memref<80x128xf32, #tpu.memory_space<hbm>>) target_semaphore(%run_scoped3A : memref<!tpu.dma_semaphore, #tpu.memory_space<semaphore_mem>>)
        %dma_wait3A = arith.constant 0 : i32
        %dma_wait3A_160 = tpu.memref_slice %arg7[%add3A_76, %dma_wait3A] : memref<10240x128xf32, #tpu.memory_space<hbm>> -> memref<80x128xf32, #tpu.memory_space<hbm>>
        %dma_wait3A_161 = arith.constant 0 : i32
        %dma_wait3A_162 = tpu.memref_slice %arg14[%add3A_76, %dma_wait3A_161] : memref<10240x128xf32, #tpu.memory_space<vmem_shared>> -> memref<80x128xf32, #tpu.memory_space<vmem_shared>>
        tpu.wait_dma2 semaphore(%run_scoped3A : memref<!tpu.dma_semaphore, #tpu.memory_space<semaphore_mem>>) src(%dma_wait3A_162 : memref<80x128xf32, #tpu.memory_space<vmem_shared>>) dst(%dma_wait3A_160 : memref<80x128xf32, #tpu.memory_space<hbm>>)
        tpu.yield
      }) : () -> ()
    } else {
    }
    %mul3A_87 = arith.constant 640 : i32
    %mul3A_88 = arith.muli %arg1, %mul3A_87 : i32
    %add3A_89 = arith.constant 240 : i32
    %add3A_90 = arith.addi %mul3A_88, %add3A_89 : i32
    %eq3A_91 = arith.constant 0 : i32
    %eq3A_92 = arith.cmpi eq, %arg0, %eq3A_91 : i32
    %convert_element_type3A_93 = arith.extui %eq3A_92 : i1 to i32
    %cond3A_94 = arith.constant 0 : i32
    %cond3A_95 = arith.cmpi ne, %convert_element_type3A_93, %cond3A_94 : i32
    scf.if %cond3A_95 {
      "tpu.region"() ({
        %run_scoped3A = tpu.sem_alloc : memref<!tpu.dma_semaphore, #tpu.memory_space<semaphore_mem>>
        %dma_start3A = arith.constant 0 : i32
        %dma_start3A_157 = tpu.memref_slice %arg6[%add3A_90, %dma_start3A] : memref<10240x128xf32, #tpu.memory_space<hbm>> -> memref<80x128xf32, #tpu.memory_space<hbm>>
        %dma_start3A_158 = arith.constant 0 : i32
        %dma_start3A_159 = tpu.memref_slice %arg14[%add3A_90, %dma_start3A_158] : memref<10240x128xf32, #tpu.memory_space<vmem_shared>> -> memref<80x128xf32, #tpu.memory_space<vmem_shared>>
        tpu.enqueue_dma source(%dma_start3A_159 : memref<80x128xf32, #tpu.memory_space<vmem_shared>>) target(%dma_start3A_157 : memref<80x128xf32, #tpu.memory_space<hbm>>) target_semaphore(%run_scoped3A : memref<!tpu.dma_semaphore, #tpu.memory_space<semaphore_mem>>)
        %dma_wait3A = arith.constant 0 : i32
        %dma_wait3A_160 = tpu.memref_slice %arg6[%add3A_90, %dma_wait3A] : memref<10240x128xf32, #tpu.memory_space<hbm>> -> memref<80x128xf32, #tpu.memory_space<hbm>>
        %dma_wait3A_161 = arith.constant 0 : i32
        %dma_wait3A_162 = tpu.memref_slice %arg14[%add3A_90, %dma_wait3A_161] : memref<10240x128xf32, #tpu.memory_space<vmem_shared>> -> memref<80x128xf32, #tpu.memory_space<vmem_shared>>
        tpu.wait_dma2 semaphore(%run_scoped3A : memref<!tpu.dma_semaphore, #tpu.memory_space<semaphore_mem>>) src(%dma_wait3A_162 : memref<80x128xf32, #tpu.memory_space<vmem_shared>>) dst(%dma_wait3A_160 : memref<80x128xf32, #tpu.memory_space<hbm>>)
        tpu.yield
      }) : () -> ()
    } else {
    }
    %eq3A_96 = arith.constant 1 : i32
    %eq3A_97 = arith.cmpi eq, %arg0, %eq3A_96 : i32
    %convert_element_type3A_98 = arith.extui %eq3A_97 : i1 to i32
    %cond3A_99 = arith.constant 0 : i32
    %cond3A_100 = arith.cmpi ne, %convert_element_type3A_98, %cond3A_99 : i32
    scf.if %cond3A_100 {
      "tpu.region"() ({
        %run_scoped3A = tpu.sem_alloc : memref<!tpu.dma_semaphore, #tpu.memory_space<semaphore_mem>>
        %dma_start3A = arith.constant 0 : i32
        %dma_start3A_157 = tpu.memref_slice %arg7[%add3A_90, %dma_start3A] : memref<10240x128xf32, #tpu.memory_space<hbm>> -> memref<80x128xf32, #tpu.memory_space<hbm>>
        %dma_start3A_158 = arith.constant 0 : i32
        %dma_start3A_159 = tpu.memref_slice %arg14[%add3A_90, %dma_start3A_158] : memref<10240x128xf32, #tpu.memory_space<vmem_shared>> -> memref<80x128xf32, #tpu.memory_space<vmem_shared>>
        tpu.enqueue_dma source(%dma_start3A_159 : memref<80x128xf32, #tpu.memory_space<vmem_shared>>) target(%dma_start3A_157 : memref<80x128xf32, #tpu.memory_space<hbm>>) target_semaphore(%run_scoped3A : memref<!tpu.dma_semaphore, #tpu.memory_space<semaphore_mem>>)
        %dma_wait3A = arith.constant 0 : i32
        %dma_wait3A_160 = tpu.memref_slice %arg7[%add3A_90, %dma_wait3A] : memref<10240x128xf32, #tpu.memory_space<hbm>> -> memref<80x128xf32, #tpu.memory_space<hbm>>
        %dma_wait3A_161 = arith.constant 0 : i32
        %dma_wait3A_162 = tpu.memref_slice %arg14[%add3A_90, %dma_wait3A_161] : memref<10240x128xf32, #tpu.memory_space<vmem_shared>> -> memref<80x128xf32, #tpu.memory_space<vmem_shared>>
        tpu.wait_dma2 semaphore(%run_scoped3A : memref<!tpu.dma_semaphore, #tpu.memory_space<semaphore_mem>>) src(%dma_wait3A_162 : memref<80x128xf32, #tpu.memory_space<vmem_shared>>) dst(%dma_wait3A_160 : memref<80x128xf32, #tpu.memory_space<hbm>>)
        tpu.yield
      }) : () -> ()
    } else {
    }
    %mul3A_101 = arith.constant 640 : i32
    %mul3A_102 = arith.muli %arg1, %mul3A_101 : i32
    %add3A_103 = arith.constant 320 : i32
    %add3A_104 = arith.addi %mul3A_102, %add3A_103 : i32
    %eq3A_105 = arith.constant 0 : i32
    %eq3A_106 = arith.cmpi eq, %arg0, %eq3A_105 : i32
    %convert_element_type3A_107 = arith.extui %eq3A_106 : i1 to i32
    %cond3A_108 = arith.constant 0 : i32
    %cond3A_109 = arith.cmpi ne, %convert_element_type3A_107, %cond3A_108 : i32
    scf.if %cond3A_109 {
      "tpu.region"() ({
        %run_scoped3A = tpu.sem_alloc : memref<!tpu.dma_semaphore, #tpu.memory_space<semaphore_mem>>
        %dma_start3A = arith.constant 0 : i32
        %dma_start3A_157 = tpu.memref_slice %arg6[%add3A_104, %dma_start3A] : memref<10240x128xf32, #tpu.memory_space<hbm>> -> memref<80x128xf32, #tpu.memory_space<hbm>>
        %dma_start3A_158 = arith.constant 0 : i32
        %dma_start3A_159 = tpu.memref_slice %arg14[%add3A_104, %dma_start3A_158] : memref<10240x128xf32, #tpu.memory_space<vmem_shared>> -> memref<80x128xf32, #tpu.memory_space<vmem_shared>>
        tpu.enqueue_dma source(%dma_start3A_159 : memref<80x128xf32, #tpu.memory_space<vmem_shared>>) target(%dma_start3A_157 : memref<80x128xf32, #tpu.memory_space<hbm>>) target_semaphore(%run_scoped3A : memref<!tpu.dma_semaphore, #tpu.memory_space<semaphore_mem>>)
        %dma_wait3A = arith.constant 0 : i32
        %dma_wait3A_160 = tpu.memref_slice %arg6[%add3A_104, %dma_wait3A] : memref<10240x128xf32, #tpu.memory_space<hbm>> -> memref<80x128xf32, #tpu.memory_space<hbm>>
        %dma_wait3A_161 = arith.constant 0 : i32
        %dma_wait3A_162 = tpu.memref_slice %arg14[%add3A_104, %dma_wait3A_161] : memref<10240x128xf32, #tpu.memory_space<vmem_shared>> -> memref<80x128xf32, #tpu.memory_space<vmem_shared>>
        tpu.wait_dma2 semaphore(%run_scoped3A : memref<!tpu.dma_semaphore, #tpu.memory_space<semaphore_mem>>) src(%dma_wait3A_162 : memref<80x128xf32, #tpu.memory_space<vmem_shared>>) dst(%dma_wait3A_160 : memref<80x128xf32, #tpu.memory_space<hbm>>)
        tpu.yield
      }) : () -> ()
    } else {
    }
    %eq3A_110 = arith.constant 1 : i32
    %eq3A_111 = arith.cmpi eq, %arg0, %eq3A_110 : i32
    %convert_element_type3A_112 = arith.extui %eq3A_111 : i1 to i32
    %cond3A_113 = arith.constant 0 : i32
    %cond3A_114 = arith.cmpi ne, %convert_element_type3A_112, %cond3A_113 : i32
    scf.if %cond3A_114 {
      "tpu.region"() ({
        %run_scoped3A = tpu.sem_alloc : memref<!tpu.dma_semaphore, #tpu.memory_space<semaphore_mem>>
        %dma_start3A = arith.constant 0 : i32
        %dma_start3A_157 = tpu.memref_slice %arg7[%add3A_104, %dma_start3A] : memref<10240x128xf32, #tpu.memory_space<hbm>> -> memref<80x128xf32, #tpu.memory_space<hbm>>
        %dma_start3A_158 = arith.constant 0 : i32
        %dma_start3A_159 = tpu.memref_slice %arg14[%add3A_104, %dma_start3A_158] : memref<10240x128xf32, #tpu.memory_space<vmem_shared>> -> memref<80x128xf32, #tpu.memory_space<vmem_shared>>
        tpu.enqueue_dma source(%dma_start3A_159 : memref<80x128xf32, #tpu.memory_space<vmem_shared>>) target(%dma_start3A_157 : memref<80x128xf32, #tpu.memory_space<hbm>>) target_semaphore(%run_scoped3A : memref<!tpu.dma_semaphore, #tpu.memory_space<semaphore_mem>>)
        %dma_wait3A = arith.constant 0 : i32
        %dma_wait3A_160 = tpu.memref_slice %arg7[%add3A_104, %dma_wait3A] : memref<10240x128xf32, #tpu.memory_space<hbm>> -> memref<80x128xf32, #tpu.memory_space<hbm>>
        %dma_wait3A_161 = arith.constant 0 : i32
        %dma_wait3A_162 = tpu.memref_slice %arg14[%add3A_104, %dma_wait3A_161] : memref<10240x128xf32, #tpu.memory_space<vmem_shared>> -> memref<80x128xf32, #tpu.memory_space<vmem_shared>>
        tpu.wait_dma2 semaphore(%run_scoped3A : memref<!tpu.dma_semaphore, #tpu.memory_space<semaphore_mem>>) src(%dma_wait3A_162 : memref<80x128xf32, #tpu.memory_space<vmem_shared>>) dst(%dma_wait3A_160 : memref<80x128xf32, #tpu.memory_space<hbm>>)
        tpu.yield
      }) : () -> ()
    } else {
    }
    %mul3A_115 = arith.constant 640 : i32
    %mul3A_116 = arith.muli %arg1, %mul3A_115 : i32
    %add3A_117 = arith.constant 400 : i32
    %add3A_118 = arith.addi %mul3A_116, %add3A_117 : i32
    %eq3A_119 = arith.constant 0 : i32
    %eq3A_120 = arith.cmpi eq, %arg0, %eq3A_119 : i32
    %convert_element_type3A_121 = arith.extui %eq3A_120 : i1 to i32
    %cond3A_122 = arith.constant 0 : i32
    %cond3A_123 = arith.cmpi ne, %convert_element_type3A_121, %cond3A_122 : i32
    scf.if %cond3A_123 {
      "tpu.region"() ({
        %run_scoped3A = tpu.sem_alloc : memref<!tpu.dma_semaphore, #tpu.memory_space<semaphore_mem>>
        %dma_start3A = arith.constant 0 : i32
        %dma_start3A_157 = tpu.memref_slice %arg6[%add3A_118, %dma_start3A] : memref<10240x128xf32, #tpu.memory_space<hbm>> -> memref<80x128xf32, #tpu.memory_space<hbm>>
        %dma_start3A_158 = arith.constant 0 : i32
        %dma_start3A_159 = tpu.memref_slice %arg14[%add3A_118, %dma_start3A_158] : memref<10240x128xf32, #tpu.memory_space<vmem_shared>> -> memref<80x128xf32, #tpu.memory_space<vmem_shared>>
        tpu.enqueue_dma source(%dma_start3A_159 : memref<80x128xf32, #tpu.memory_space<vmem_shared>>) target(%dma_start3A_157 : memref<80x128xf32, #tpu.memory_space<hbm>>) target_semaphore(%run_scoped3A : memref<!tpu.dma_semaphore, #tpu.memory_space<semaphore_mem>>)
        %dma_wait3A = arith.constant 0 : i32
        %dma_wait3A_160 = tpu.memref_slice %arg6[%add3A_118, %dma_wait3A] : memref<10240x128xf32, #tpu.memory_space<hbm>> -> memref<80x128xf32, #tpu.memory_space<hbm>>
        %dma_wait3A_161 = arith.constant 0 : i32
        %dma_wait3A_162 = tpu.memref_slice %arg14[%add3A_118, %dma_wait3A_161] : memref<10240x128xf32, #tpu.memory_space<vmem_shared>> -> memref<80x128xf32, #tpu.memory_space<vmem_shared>>
        tpu.wait_dma2 semaphore(%run_scoped3A : memref<!tpu.dma_semaphore, #tpu.memory_space<semaphore_mem>>) src(%dma_wait3A_162 : memref<80x128xf32, #tpu.memory_space<vmem_shared>>) dst(%dma_wait3A_160 : memref<80x128xf32, #tpu.memory_space<hbm>>)
        tpu.yield
      }) : () -> ()
    } else {
    }
    %eq3A_124 = arith.constant 1 : i32
    %eq3A_125 = arith.cmpi eq, %arg0, %eq3A_124 : i32
    %convert_element_type3A_126 = arith.extui %eq3A_125 : i1 to i32
    %cond3A_127 = arith.constant 0 : i32
    %cond3A_128 = arith.cmpi ne, %convert_element_type3A_126, %cond3A_127 : i32
    scf.if %cond3A_128 {
      "tpu.region"() ({
        %run_scoped3A = tpu.sem_alloc : memref<!tpu.dma_semaphore, #tpu.memory_space<semaphore_mem>>
        %dma_start3A = arith.constant 0 : i32
        %dma_start3A_157 = tpu.memref_slice %arg7[%add3A_118, %dma_start3A] : memref<10240x128xf32, #tpu.memory_space<hbm>> -> memref<80x128xf32, #tpu.memory_space<hbm>>
        %dma_start3A_158 = arith.constant 0 : i32
        %dma_start3A_159 = tpu.memref_slice %arg14[%add3A_118, %dma_start3A_158] : memref<10240x128xf32, #tpu.memory_space<vmem_shared>> -> memref<80x128xf32, #tpu.memory_space<vmem_shared>>
        tpu.enqueue_dma source(%dma_start3A_159 : memref<80x128xf32, #tpu.memory_space<vmem_shared>>) target(%dma_start3A_157 : memref<80x128xf32, #tpu.memory_space<hbm>>) target_semaphore(%run_scoped3A : memref<!tpu.dma_semaphore, #tpu.memory_space<semaphore_mem>>)
        %dma_wait3A = arith.constant 0 : i32
        %dma_wait3A_160 = tpu.memref_slice %arg7[%add3A_118, %dma_wait3A] : memref<10240x128xf32, #tpu.memory_space<hbm>> -> memref<80x128xf32, #tpu.memory_space<hbm>>
        %dma_wait3A_161 = arith.constant 0 : i32
        %dma_wait3A_162 = tpu.memref_slice %arg14[%add3A_118, %dma_wait3A_161] : memref<10240x128xf32, #tpu.memory_space<vmem_shared>> -> memref<80x128xf32, #tpu.memory_space<vmem_shared>>
        tpu.wait_dma2 semaphore(%run_scoped3A : memref<!tpu.dma_semaphore, #tpu.memory_space<semaphore_mem>>) src(%dma_wait3A_162 : memref<80x128xf32, #tpu.memory_space<vmem_shared>>) dst(%dma_wait3A_160 : memref<80x128xf32, #tpu.memory_space<hbm>>)
        tpu.yield
      }) : () -> ()
    } else {
    }
    %mul3A_129 = arith.constant 640 : i32
    %mul3A_130 = arith.muli %arg1, %mul3A_129 : i32
    %add3A_131 = arith.constant 480 : i32
    %add3A_132 = arith.addi %mul3A_130, %add3A_131 : i32
    %eq3A_133 = arith.constant 0 : i32
    %eq3A_134 = arith.cmpi eq, %arg0, %eq3A_133 : i32
    %convert_element_type3A_135 = arith.extui %eq3A_134 : i1 to i32
    %cond3A_136 = arith.constant 0 : i32
    %cond3A_137 = arith.cmpi ne, %convert_element_type3A_135, %cond3A_136 : i32
    scf.if %cond3A_137 {
      "tpu.region"() ({
        %run_scoped3A = tpu.sem_alloc : memref<!tpu.dma_semaphore, #tpu.memory_space<semaphore_mem>>
        %dma_start3A = arith.constant 0 : i32
        %dma_start3A_157 = tpu.memref_slice %arg6[%add3A_132, %dma_start3A] : memref<10240x128xf32, #tpu.memory_space<hbm>> -> memref<80x128xf32, #tpu.memory_space<hbm>>
        %dma_start3A_158 = arith.constant 0 : i32
        %dma_start3A_159 = tpu.memref_slice %arg14[%add3A_132, %dma_start3A_158] : memref<10240x128xf32, #tpu.memory_space<vmem_shared>> -> memref<80x128xf32, #tpu.memory_space<vmem_shared>>
        tpu.enqueue_dma source(%dma_start3A_159 : memref<80x128xf32, #tpu.memory_space<vmem_shared>>) target(%dma_start3A_157 : memref<80x128xf32, #tpu.memory_space<hbm>>) target_semaphore(%run_scoped3A : memref<!tpu.dma_semaphore, #tpu.memory_space<semaphore_mem>>)
        %dma_wait3A = arith.constant 0 : i32
        %dma_wait3A_160 = tpu.memref_slice %arg6[%add3A_132, %dma_wait3A] : memref<10240x128xf32, #tpu.memory_space<hbm>> -> memref<80x128xf32, #tpu.memory_space<hbm>>
        %dma_wait3A_161 = arith.constant 0 : i32
        %dma_wait3A_162 = tpu.memref_slice %arg14[%add3A_132, %dma_wait3A_161] : memref<10240x128xf32, #tpu.memory_space<vmem_shared>> -> memref<80x128xf32, #tpu.memory_space<vmem_shared>>
        tpu.wait_dma2 semaphore(%run_scoped3A : memref<!tpu.dma_semaphore, #tpu.memory_space<semaphore_mem>>) src(%dma_wait3A_162 : memref<80x128xf32, #tpu.memory_space<vmem_shared>>) dst(%dma_wait3A_160 : memref<80x128xf32, #tpu.memory_space<hbm>>)
        tpu.yield
      }) : () -> ()
    } else {
    }
    %eq3A_138 = arith.constant 1 : i32
    %eq3A_139 = arith.cmpi eq, %arg0, %eq3A_138 : i32
    %convert_element_type3A_140 = arith.extui %eq3A_139 : i1 to i32
    %cond3A_141 = arith.constant 0 : i32
    %cond3A_142 = arith.cmpi ne, %convert_element_type3A_140, %cond3A_141 : i32
    scf.if %cond3A_142 {
      "tpu.region"() ({
        %run_scoped3A = tpu.sem_alloc : memref<!tpu.dma_semaphore, #tpu.memory_space<semaphore_mem>>
        %dma_start3A = arith.constant 0 : i32
        %dma_start3A_157 = tpu.memref_slice %arg7[%add3A_132, %dma_start3A] : memref<10240x128xf32, #tpu.memory_space<hbm>> -> memref<80x128xf32, #tpu.memory_space<hbm>>
        %dma_start3A_158 = arith.constant 0 : i32
        %dma_start3A_159 = tpu.memref_slice %arg14[%add3A_132, %dma_start3A_158] : memref<10240x128xf32, #tpu.memory_space<vmem_shared>> -> memref<80x128xf32, #tpu.memory_space<vmem_shared>>
        tpu.enqueue_dma source(%dma_start3A_159 : memref<80x128xf32, #tpu.memory_space<vmem_shared>>) target(%dma_start3A_157 : memref<80x128xf32, #tpu.memory_space<hbm>>) target_semaphore(%run_scoped3A : memref<!tpu.dma_semaphore, #tpu.memory_space<semaphore_mem>>)
        %dma_wait3A = arith.constant 0 : i32
        %dma_wait3A_160 = tpu.memref_slice %arg7[%add3A_132, %dma_wait3A] : memref<10240x128xf32, #tpu.memory_space<hbm>> -> memref<80x128xf32, #tpu.memory_space<hbm>>
        %dma_wait3A_161 = arith.constant 0 : i32
        %dma_wait3A_162 = tpu.memref_slice %arg14[%add3A_132, %dma_wait3A_161] : memref<10240x128xf32, #tpu.memory_space<vmem_shared>> -> memref<80x128xf32, #tpu.memory_space<vmem_shared>>
        tpu.wait_dma2 semaphore(%run_scoped3A : memref<!tpu.dma_semaphore, #tpu.memory_space<semaphore_mem>>) src(%dma_wait3A_162 : memref<80x128xf32, #tpu.memory_space<vmem_shared>>) dst(%dma_wait3A_160 : memref<80x128xf32, #tpu.memory_space<hbm>>)
        tpu.yield
      }) : () -> ()
    } else {
    }
    %mul3A_143 = arith.constant 640 : i32
    %mul3A_144 = arith.muli %arg1, %mul3A_143 : i32
    %add3A_145 = arith.constant 560 : i32
    %add3A_146 = arith.addi %mul3A_144, %add3A_145 : i32
    %eq3A_147 = arith.constant 0 : i32
    %eq3A_148 = arith.cmpi eq, %arg0, %eq3A_147 : i32
    %convert_element_type3A_149 = arith.extui %eq3A_148 : i1 to i32
    %cond3A_150 = arith.constant 0 : i32
    %cond3A_151 = arith.cmpi ne, %convert_element_type3A_149, %cond3A_150 : i32
    scf.if %cond3A_151 {
      "tpu.region"() ({
        %run_scoped3A = tpu.sem_alloc : memref<!tpu.dma_semaphore, #tpu.memory_space<semaphore_mem>>
        %dma_start3A = arith.constant 0 : i32
        %dma_start3A_157 = tpu.memref_slice %arg6[%add3A_146, %dma_start3A] : memref<10240x128xf32, #tpu.memory_space<hbm>> -> memref<80x128xf32, #tpu.memory_space<hbm>>
        %dma_start3A_158 = arith.constant 0 : i32
        %dma_start3A_159 = tpu.memref_slice %arg14[%add3A_146, %dma_start3A_158] : memref<10240x128xf32, #tpu.memory_space<vmem_shared>> -> memref<80x128xf32, #tpu.memory_space<vmem_shared>>
        tpu.enqueue_dma source(%dma_start3A_159 : memref<80x128xf32, #tpu.memory_space<vmem_shared>>) target(%dma_start3A_157 : memref<80x128xf32, #tpu.memory_space<hbm>>) target_semaphore(%run_scoped3A : memref<!tpu.dma_semaphore, #tpu.memory_space<semaphore_mem>>)
        %dma_wait3A = arith.constant 0 : i32
        %dma_wait3A_160 = tpu.memref_slice %arg6[%add3A_146, %dma_wait3A] : memref<10240x128xf32, #tpu.memory_space<hbm>> -> memref<80x128xf32, #tpu.memory_space<hbm>>
        %dma_wait3A_161 = arith.constant 0 : i32
        %dma_wait3A_162 = tpu.memref_slice %arg14[%add3A_146, %dma_wait3A_161] : memref<10240x128xf32, #tpu.memory_space<vmem_shared>> -> memref<80x128xf32, #tpu.memory_space<vmem_shared>>
        tpu.wait_dma2 semaphore(%run_scoped3A : memref<!tpu.dma_semaphore, #tpu.memory_space<semaphore_mem>>) src(%dma_wait3A_162 : memref<80x128xf32, #tpu.memory_space<vmem_shared>>) dst(%dma_wait3A_160 : memref<80x128xf32, #tpu.memory_space<hbm>>)
        tpu.yield
      }) : () -> ()
    } else {
    }
    %eq3A_152 = arith.constant 1 : i32
    %eq3A_153 = arith.cmpi eq, %arg0, %eq3A_152 : i32
    %convert_element_type3A_154 = arith.extui %eq3A_153 : i1 to i32
    %cond3A_155 = arith.constant 0 : i32
    %cond3A_156 = arith.cmpi ne, %convert_element_type3A_154, %cond3A_155 : i32
    scf.if %cond3A_156 {
      "tpu.region"() ({
        %run_scoped3A = tpu.sem_alloc : memref<!tpu.dma_semaphore, #tpu.memory_space<semaphore_mem>>
        %dma_start3A = arith.constant 0 : i32
        %dma_start3A_157 = tpu.memref_slice %arg7[%add3A_146, %dma_start3A] : memref<10240x128xf32, #tpu.memory_space<hbm>> -> memref<80x128xf32, #tpu.memory_space<hbm>>
        %dma_start3A_158 = arith.constant 0 : i32
        %dma_start3A_159 = tpu.memref_slice %arg14[%add3A_146, %dma_start3A_158] : memref<10240x128xf32, #tpu.memory_space<vmem_shared>> -> memref<80x128xf32, #tpu.memory_space<vmem_shared>>
        tpu.enqueue_dma source(%dma_start3A_159 : memref<80x128xf32, #tpu.memory_space<vmem_shared>>) target(%dma_start3A_157 : memref<80x128xf32, #tpu.memory_space<hbm>>) target_semaphore(%run_scoped3A : memref<!tpu.dma_semaphore, #tpu.memory_space<semaphore_mem>>)
        %dma_wait3A = arith.constant 0 : i32
        %dma_wait3A_160 = tpu.memref_slice %arg7[%add3A_146, %dma_wait3A] : memref<10240x128xf32, #tpu.memory_space<hbm>> -> memref<80x128xf32, #tpu.memory_space<hbm>>
        %dma_wait3A_161 = arith.constant 0 : i32
        %dma_wait3A_162 = tpu.memref_slice %arg14[%add3A_146, %dma_wait3A_161] : memref<10240x128xf32, #tpu.memory_space<vmem_shared>> -> memref<80x128xf32, #tpu.memory_space<vmem_shared>>
        tpu.wait_dma2 semaphore(%run_scoped3A : memref<!tpu.dma_semaphore, #tpu.memory_space<semaphore_mem>>) src(%dma_wait3A_162 : memref<80x128xf32, #tpu.memory_space<vmem_shared>>) dst(%dma_wait3A_160 : memref<80x128xf32, #tpu.memory_space<hbm>>)
        tpu.yield
      }) : () -> ()
    } else {
    }
    return
  }
}

#map = affine_map<(d0, d1) -> (0, 0)>
#map1 = affine_map<(d0, d1) -> (0)>
module attributes {stable_mosaic.version = 14 : i64} {
  func.func @scat_kernel(%arg0: i32, %arg1: i32, %arg2: memref<10000x128xf32, #tpu.memory_space<hbm>>, %arg3: memref<10000x128xf32, #tpu.memory_space<hbm>>, %arg4: memref<320000xi32, #tpu.memory_space<hbm>>, %arg5: memref<320000xi32, #tpu.memory_space<hbm>>, %arg6: memref<10240x128xf32, #tpu.memory_space<hbm>>, %arg7: memref<10240x128xf32, #tpu.memory_space<hbm>>, %arg8: memref<4x80xi32, #tpu.memory_space<vmem>>, %arg9: memref<4x80xi32, #tpu.memory_space<vmem>>, %arg10: memref<80x128xf32, #tpu.memory_space<vmem>>, %arg11: memref<80x128xf32, #tpu.memory_space<vmem>>, %arg12: memref<80x128xf32, #tpu.memory_space<vmem>>, %arg13: memref<80x128xf32, #tpu.memory_space<vmem>>, %arg14: memref<10240x128xf32, #tpu.memory_space<vmem_shared>>, %arg15: memref<!tpu.dma_semaphore, #tpu.memory_space<semaphore_mem>>, %arg16: memref<!tpu.dma_semaphore, #tpu.memory_space<semaphore_mem>>, %arg17: memref<!tpu.dma_semaphore, #tpu.memory_space<semaphore_mem>>, %arg18: memref<!tpu.dma_semaphore, #tpu.memory_space<semaphore_mem>>, %arg19: memref<!tpu.dma_semaphore, #tpu.memory_space<semaphore_mem>>, %arg20: memref<!tpu.dma_semaphore, #tpu.memory_space<semaphore_mem>>, %arg21: memref<!tpu.dma_semaphore, #tpu.memory_space<semaphore_mem>>, %arg22: memref<!tpu.dma_semaphore, #tpu.memory_space<semaphore_mem>>, %arg23: memref<!tpu.dma_semaphore, #tpu.memory_space<semaphore_mem>>) attributes {dimension_semantics = [#tpu.dimension_semantics<core_parallel>, #tpu.dimension_semantics<subcore_parallel>], iteration_bounds = array<i64: 2, 16>, scalar_prefetch = 0 : i64, scratch_operands = 16 : i64, tpu.core_type = #tpu.core_type<sc_vector_subcore>, window_params = [{transform_indices = #map}, {transform_indices = #map}, {transform_indices = #map1}, {transform_indices = #map1}, {transform_indices = #map}, {transform_indices = #map}]} {
    %mul3A = arith.constant 16 : i32
    %mul3A_0 = arith.muli %arg0, %mul3A : i32
    %add3A = arith.addi %mul3A_0, %arg1 : i32
    %mul3A_1 = arith.constant 125 : i32
    %mul3A_2 = arith.muli %add3A, %mul3A_1 : i32
    %scan3A = arith.constant 0 : i32
    %scan3A_3 = arith.constant 0 : i32
    %scan3A_4 = arith.constant 80 : i32
    %scan3A_5 = arith.addi %scan3A_3, %scan3A_4 : i32
    %scan3A_6 = arith.constant 1 : i32
    scf.for %scan3A_160 = %scan3A_3 to %scan3A_5 step %scan3A_6  : i32 {
      %broadcast_in_dim3A = arith.constant 0.000000e+00 : f32
      %broadcast_in_dim3A_161 = vector.broadcast %broadcast_in_dim3A : f32 to vector<16xf32>
      %swap3A = arith.index_cast %scan3A_160 : i32 to index
      %swap3A_162 = arith.constant 0 : index
      %swap3A_163 = tpu.vector_load %arg10[%swap3A, %swap3A_162] {strides = array<i32>} : memref<80x128xf32, #tpu.memory_space<vmem>>, vector<1x16xf32>,
      %swap3A_164 = vector.shape_cast %swap3A_163 : vector<1x16xf32> to vector<16xf32>
      %swap3A_165 = vector.shape_cast %broadcast_in_dim3A_161 : vector<16xf32> to vector<1x16xf32>
      tpu.vector_store %arg10[%swap3A, %swap3A_162], %swap3A_165 {strides = array<i32>} : memref<80x128xf32, #tpu.memory_space<vmem>>, vector<1x16xf32>,
      %broadcast_in_dim3A_166 = arith.constant 0.000000e+00 : f32
      %broadcast_in_dim3A_167 = vector.broadcast %broadcast_in_dim3A_166 : f32 to vector<16xf32>
      %swap3A_168 = arith.index_cast %scan3A_160 : i32 to index
      %swap3A_169 = arith.constant 16 : index
      %swap3A_170 = tpu.vector_load %arg10[%swap3A_168, %swap3A_169] {strides = array<i32>} : memref<80x128xf32, #tpu.memory_space<vmem>>, vector<1x16xf32>,
      %swap3A_171 = vector.shape_cast %swap3A_170 : vector<1x16xf32> to vector<16xf32>
      %swap3A_172 = vector.shape_cast %broadcast_in_dim3A_167 : vector<16xf32> to vector<1x16xf32>
      tpu.vector_store %arg10[%swap3A_168, %swap3A_169], %swap3A_172 {strides = array<i32>} : memref<80x128xf32, #tpu.memory_space<vmem>>, vector<1x16xf32>,
      %broadcast_in_dim3A_173 = arith.constant 0.000000e+00 : f32
      %broadcast_in_dim3A_174 = vector.broadcast %broadcast_in_dim3A_173 : f32 to vector<16xf32>
      %swap3A_175 = arith.index_cast %scan3A_160 : i32 to index
      %swap3A_176 = arith.constant 32 : index
      %swap3A_177 = tpu.vector_load %arg10[%swap3A_175, %swap3A_176] {strides = array<i32>} : memref<80x128xf32, #tpu.memory_space<vmem>>, vector<1x16xf32>,
      %swap3A_178 = vector.shape_cast %swap3A_177 : vector<1x16xf32> to vector<16xf32>
      %swap3A_179 = vector.shape_cast %broadcast_in_dim3A_174 : vector<16xf32> to vector<1x16xf32>
      tpu.vector_store %arg10[%swap3A_175, %swap3A_176], %swap3A_179 {strides = array<i32>} : memref<80x128xf32, #tpu.memory_space<vmem>>, vector<1x16xf32>,
      %broadcast_in_dim3A_180 = arith.constant 0.000000e+00 : f32
      %broadcast_in_dim3A_181 = vector.broadcast %broadcast_in_dim3A_180 : f32 to vector<16xf32>
      %swap3A_182 = arith.index_cast %scan3A_160 : i32 to index
      %swap3A_183 = arith.constant 48 : index
      %swap3A_184 = tpu.vector_load %arg10[%swap3A_182, %swap3A_183] {strides = array<i32>} : memref<80x128xf32, #tpu.memory_space<vmem>>, vector<1x16xf32>,
      %swap3A_185 = vector.shape_cast %swap3A_184 : vector<1x16xf32> to vector<16xf32>
      %swap3A_186 = vector.shape_cast %broadcast_in_dim3A_181 : vector<16xf32> to vector<1x16xf32>
      tpu.vector_store %arg10[%swap3A_182, %swap3A_183], %swap3A_186 {strides = array<i32>} : memref<80x128xf32, #tpu.memory_space<vmem>>, vector<1x16xf32>,
      %broadcast_in_dim3A_187 = arith.constant 0.000000e+00 : f32
      %broadcast_in_dim3A_188 = vector.broadcast %broadcast_in_dim3A_187 : f32 to vector<16xf32>
      %swap3A_189 = arith.index_cast %scan3A_160 : i32 to index
      %swap3A_190 = arith.constant 64 : index
      %swap3A_191 = tpu.vector_load %arg10[%swap3A_189, %swap3A_190] {strides = array<i32>} : memref<80x128xf32, #tpu.memory_space<vmem>>, vector<1x16xf32>,
      %swap3A_192 = vector.shape_cast %swap3A_191 : vector<1x16xf32> to vector<16xf32>
      %swap3A_193 = vector.shape_cast %broadcast_in_dim3A_188 : vector<16xf32> to vector<1x16xf32>
      tpu.vector_store %arg10[%swap3A_189, %swap3A_190], %swap3A_193 {strides = array<i32>} : memref<80x128xf32, #tpu.memory_space<vmem>>, vector<1x16xf32>,
      %broadcast_in_dim3A_194 = arith.constant 0.000000e+00 : f32
      %broadcast_in_dim3A_195 = vector.broadcast %broadcast_in_dim3A_194 : f32 to vector<16xf32>
      %swap3A_196 = arith.index_cast %scan3A_160 : i32 to index
      %swap3A_197 = arith.constant 80 : index
      %swap3A_198 = tpu.vector_load %arg10[%swap3A_196, %swap3A_197] {strides = array<i32>} : memref<80x128xf32, #tpu.memory_space<vmem>>, vector<1x16xf32>,
      %swap3A_199 = vector.shape_cast %swap3A_198 : vector<1x16xf32> to vector<16xf32>
      %swap3A_200 = vector.shape_cast %broadcast_in_dim3A_195 : vector<16xf32> to vector<1x16xf32>
      tpu.vector_store %arg10[%swap3A_196, %swap3A_197], %swap3A_200 {strides = array<i32>} : memref<80x128xf32, #tpu.memory_space<vmem>>, vector<1x16xf32>,
      %broadcast_in_dim3A_201 = arith.constant 0.000000e+00 : f32
      %broadcast_in_dim3A_202 = vector.broadcast %broadcast_in_dim3A_201 : f32 to vector<16xf32>
      %swap3A_203 = arith.index_cast %scan3A_160 : i32 to index
      %swap3A_204 = arith.constant 96 : index
      %swap3A_205 = tpu.vector_load %arg10[%swap3A_203, %swap3A_204] {strides = array<i32>} : memref<80x128xf32, #tpu.memory_space<vmem>>, vector<1x16xf32>,
      %swap3A_206 = vector.shape_cast %swap3A_205 : vector<1x16xf32> to vector<16xf32>
      %swap3A_207 = vector.shape_cast %broadcast_in_dim3A_202 : vector<16xf32> to vector<1x16xf32>
      tpu.vector_store %arg10[%swap3A_203, %swap3A_204], %swap3A_207 {strides = array<i32>} : memref<80x128xf32, #tpu.memory_space<vmem>>, vector<1x16xf32>,
      %broadcast_in_dim3A_208 = arith.constant 0.000000e+00 : f32
      %broadcast_in_dim3A_209 = vector.broadcast %broadcast_in_dim3A_208 : f32 to vector<16xf32>
      %swap3A_210 = arith.index_cast %scan3A_160 : i32 to index
      %swap3A_211 = arith.constant 112 : index
      %swap3A_212 = tpu.vector_load %arg10[%swap3A_210, %swap3A_211] {strides = array<i32>} : memref<80x128xf32, #tpu.memory_space<vmem>>, vector<1x16xf32>,
      %swap3A_213 = vector.shape_cast %swap3A_212 : vector<1x16xf32> to vector<16xf32>
      %swap3A_214 = vector.shape_cast %broadcast_in_dim3A_209 : vector<16xf32> to vector<1x16xf32>
      tpu.vector_store %arg10[%swap3A_210, %swap3A_211], %swap3A_214 {strides = array<i32>} : memref<80x128xf32, #tpu.memory_space<vmem>>, vector<1x16xf32>,
    }
    %scan3A_7 = arith.constant 80 : i32
    %mul3A_8 = arith.constant 640 : i32
    %mul3A_9 = arith.muli %arg1, %mul3A_8 : i32
    %add3A_10 = arith.constant 0 : i32
    %add3A_11 = arith.addi %mul3A_9, %add3A_10 : i32
    "tpu.region"() ({
      %run_scoped3A = tpu.sem_alloc : memref<!tpu.dma_semaphore, #tpu.memory_space<semaphore_mem>>
      %dma_start3A = arith.constant 0 : i32
      %dma_start3A_160 = tpu.memref_slice %arg14[%add3A_11, %dma_start3A] : memref<10240x128xf32, #tpu.memory_space<vmem_shared>> -> memref<80x128xf32, #tpu.memory_space<vmem_shared>>
      %dma_start3A_161 = arith.constant 0 : i32
      %dma_start3A_162 = tpu.memref_slice %arg14[%add3A_11, %dma_start3A_161] : memref<10240x128xf32, #tpu.memory_space<vmem_shared>> -> memref<80x128xf32, #tpu.memory_space<vmem_shared>>
      tpu.enqueue_dma source(%arg10 : memref<80x128xf32, #tpu.memory_space<vmem>>) target(%dma_start3A_162 : memref<80x128xf32, #tpu.memory_space<vmem_shared>>) target_semaphore(%run_scoped3A : memref<!tpu.dma_semaphore, #tpu.memory_space<semaphore_mem>>)
      %dma_wait3A = arith.constant 0 : i32
      %dma_wait3A_163 = tpu.memref_slice %arg14[%add3A_11, %dma_wait3A] : memref<10240x128xf32, #tpu.memory_space<vmem_shared>> -> memref<80x128xf32, #tpu.memory_space<vmem_shared>>
      %dma_wait3A_164 = arith.constant 0 : i32
      %dma_wait3A_165 = tpu.memref_slice %arg14[%add3A_11, %dma_wait3A_164] : memref<10240x128xf32, #tpu.memory_space<vmem_shared>> -> memref<80x128xf32, #tpu.memory_space<vmem_shared>>
      tpu.wait_dma2 semaphore(%run_scoped3A : memref<!tpu.dma_semaphore, #tpu.memory_space<semaphore_mem>>) src(%arg10 : memref<80x128xf32, #tpu.memory_space<vmem>>) dst(%dma_wait3A_165 : memref<80x128xf32, #tpu.memory_space<vmem_shared>>)
      tpu.yield
    }) : () -> ()
    %mul3A_12 = arith.constant 640 : i32
    %mul3A_13 = arith.muli %arg1, %mul3A_12 : i32
    %add3A_14 = arith.constant 80 : i32
    %add3A_15 = arith.addi %mul3A_13, %add3A_14 : i32
    "tpu.region"() ({
      %run_scoped3A = tpu.sem_alloc : memref<!tpu.dma_semaphore, #tpu.memory_space<semaphore_mem>>
      %dma_start3A = arith.constant 0 : i32
      %dma_start3A_160 = tpu.memref_slice %arg14[%add3A_15, %dma_start3A] : memref<10240x128xf32, #tpu.memory_space<vmem_shared>> -> memref<80x128xf32, #tpu.memory_space<vmem_shared>>
      %dma_start3A_161 = arith.constant 0 : i32
      %dma_start3A_162 = tpu.memref_slice %arg14[%add3A_15, %dma_start3A_161] : memref<10240x128xf32, #tpu.memory_space<vmem_shared>> -> memref<80x128xf32, #tpu.memory_space<vmem_shared>>
      tpu.enqueue_dma source(%arg10 : memref<80x128xf32, #tpu.memory_space<vmem>>) target(%dma_start3A_162 : memref<80x128xf32, #tpu.memory_space<vmem_shared>>) target_semaphore(%run_scoped3A : memref<!tpu.dma_semaphore, #tpu.memory_space<semaphore_mem>>)
      %dma_wait3A = arith.constant 0 : i32
      %dma_wait3A_163 = tpu.memref_slice %arg14[%add3A_15, %dma_wait3A] : memref<10240x128xf32, #tpu.memory_space<vmem_shared>> -> memref<80x128xf32, #tpu.memory_space<vmem_shared>>
      %dma_wait3A_164 = arith.constant 0 : i32
      %dma_wait3A_165 = tpu.memref_slice %arg14[%add3A_15, %dma_wait3A_164] : memref<10240x128xf32, #tpu.memory_space<vmem_shared>> -> memref<80x128xf32, #tpu.memory_space<vmem_shared>>
      tpu.wait_dma2 semaphore(%run_scoped3A : memref<!tpu.dma_semaphore, #tpu.memory_space<semaphore_mem>>) src(%arg10 : memref<80x128xf32, #tpu.memory_space<vmem>>) dst(%dma_wait3A_165 : memref<80x128xf32, #tpu.memory_space<vmem_shared>>)
      tpu.yield
    }) : () -> ()
    %mul3A_16 = arith.constant 640 : i32
    %mul3A_17 = arith.muli %arg1, %mul3A_16 : i32
    %add3A_18 = arith.constant 160 : i32
    %add3A_19 = arith.addi %mul3A_17, %add3A_18 : i32
    "tpu.region"() ({
      %run_scoped3A = tpu.sem_alloc : memref<!tpu.dma_semaphore, #tpu.memory_space<semaphore_mem>>
      %dma_start3A = arith.constant 0 : i32
      %dma_start3A_160 = tpu.memref_slice %arg14[%add3A_19, %dma_start3A] : memref<10240x128xf32, #tpu.memory_space<vmem_shared>> -> memref<80x128xf32, #tpu.memory_space<vmem_shared>>
      %dma_start3A_161 = arith.constant 0 : i32
      %dma_start3A_162 = tpu.memref_slice %arg14[%add3A_19, %dma_start3A_161] : memref<10240x128xf32, #tpu.memory_space<vmem_shared>> -> memref<80x128xf32, #tpu.memory_space<vmem_shared>>
      tpu.enqueue_dma source(%arg10 : memref<80x128xf32, #tpu.memory_space<vmem>>) target(%dma_start3A_162 : memref<80x128xf32, #tpu.memory_space<vmem_shared>>) target_semaphore(%run_scoped3A : memref<!tpu.dma_semaphore, #tpu.memory_space<semaphore_mem>>)
      %dma_wait3A = arith.constant 0 : i32
      %dma_wait3A_163 = tpu.memref_slice %arg14[%add3A_19, %dma_wait3A] : memref<10240x128xf32, #tpu.memory_space<vmem_shared>> -> memref<80x128xf32, #tpu.memory_space<vmem_shared>>
      %dma_wait3A_164 = arith.constant 0 : i32
      %dma_wait3A_165 = tpu.memref_slice %arg14[%add3A_19, %dma_wait3A_164] : memref<10240x128xf32, #tpu.memory_space<vmem_shared>> -> memref<80x128xf32, #tpu.memory_space<vmem_shared>>
      tpu.wait_dma2 semaphore(%run_scoped3A : memref<!tpu.dma_semaphore, #tpu.memory_space<semaphore_mem>>) src(%arg10 : memref<80x128xf32, #tpu.memory_space<vmem>>) dst(%dma_wait3A_165 : memref<80x128xf32, #tpu.memory_space<vmem_shared>>)
      tpu.yield
    }) : () -> ()
    %mul3A_20 = arith.constant 640 : i32
    %mul3A_21 = arith.muli %arg1, %mul3A_20 : i32
    %add3A_22 = arith.constant 240 : i32
    %add3A_23 = arith.addi %mul3A_21, %add3A_22 : i32
    "tpu.region"() ({
      %run_scoped3A = tpu.sem_alloc : memref<!tpu.dma_semaphore, #tpu.memory_space<semaphore_mem>>
      %dma_start3A = arith.constant 0 : i32
      %dma_start3A_160 = tpu.memref_slice %arg14[%add3A_23, %dma_start3A] : memref<10240x128xf32, #tpu.memory_space<vmem_shared>> -> memref<80x128xf32, #tpu.memory_space<vmem_shared>>
      %dma_start3A_161 = arith.constant 0 : i32
      %dma_start3A_162 = tpu.memref_slice %arg14[%add3A_23, %dma_start3A_161] : memref<10240x128xf32, #tpu.memory_space<vmem_shared>> -> memref<80x128xf32, #tpu.memory_space<vmem_shared>>
      tpu.enqueue_dma source(%arg10 : memref<80x128xf32, #tpu.memory_space<vmem>>) target(%dma_start3A_162 : memref<80x128xf32, #tpu.memory_space<vmem_shared>>) target_semaphore(%run_scoped3A : memref<!tpu.dma_semaphore, #tpu.memory_space<semaphore_mem>>)
      %dma_wait3A = arith.constant 0 : i32
      %dma_wait3A_163 = tpu.memref_slice %arg14[%add3A_23, %dma_wait3A] : memref<10240x128xf32, #tpu.memory_space<vmem_shared>> -> memref<80x128xf32, #tpu.memory_space<vmem_shared>>
      %dma_wait3A_164 = arith.constant 0 : i32
      %dma_wait3A_165 = tpu.memref_slice %arg14[%add3A_23, %dma_wait3A_164] : memref<10240x128xf32, #tpu.memory_space<vmem_shared>> -> memref<80x128xf32, #tpu.memory_space<vmem_shared>>
      tpu.wait_dma2 semaphore(%run_scoped3A : memref<!tpu.dma_semaphore, #tpu.memory_space<semaphore_mem>>) src(%arg10 : memref<80x128xf32, #tpu.memory_space<vmem>>) dst(%dma_wait3A_165 : memref<80x128xf32, #tpu.memory_space<vmem_shared>>)
      tpu.yield
    }) : () -> ()
    %mul3A_24 = arith.constant 640 : i32
    %mul3A_25 = arith.muli %arg1, %mul3A_24 : i32
    %add3A_26 = arith.constant 320 : i32
    %add3A_27 = arith.addi %mul3A_25, %add3A_26 : i32
    "tpu.region"() ({
      %run_scoped3A = tpu.sem_alloc : memref<!tpu.dma_semaphore, #tpu.memory_space<semaphore_mem>>
      %dma_start3A = arith.constant 0 : i32
      %dma_start3A_160 = tpu.memref_slice %arg14[%add3A_27, %dma_start3A] : memref<10240x128xf32, #tpu.memory_space<vmem_shared>> -> memref<80x128xf32, #tpu.memory_space<vmem_shared>>
      %dma_start3A_161 = arith.constant 0 : i32
      %dma_start3A_162 = tpu.memref_slice %arg14[%add3A_27, %dma_start3A_161] : memref<10240x128xf32, #tpu.memory_space<vmem_shared>> -> memref<80x128xf32, #tpu.memory_space<vmem_shared>>
      tpu.enqueue_dma source(%arg10 : memref<80x128xf32, #tpu.memory_space<vmem>>) target(%dma_start3A_162 : memref<80x128xf32, #tpu.memory_space<vmem_shared>>) target_semaphore(%run_scoped3A : memref<!tpu.dma_semaphore, #tpu.memory_space<semaphore_mem>>)
      %dma_wait3A = arith.constant 0 : i32
      %dma_wait3A_163 = tpu.memref_slice %arg14[%add3A_27, %dma_wait3A] : memref<10240x128xf32, #tpu.memory_space<vmem_shared>> -> memref<80x128xf32, #tpu.memory_space<vmem_shared>>
      %dma_wait3A_164 = arith.constant 0 : i32
      %dma_wait3A_165 = tpu.memref_slice %arg14[%add3A_27, %dma_wait3A_164] : memref<10240x128xf32, #tpu.memory_space<vmem_shared>> -> memref<80x128xf32, #tpu.memory_space<vmem_shared>>
      tpu.wait_dma2 semaphore(%run_scoped3A : memref<!tpu.dma_semaphore, #tpu.memory_space<semaphore_mem>>) src(%arg10 : memref<80x128xf32, #tpu.memory_space<vmem>>) dst(%dma_wait3A_165 : memref<80x128xf32, #tpu.memory_space<vmem_shared>>)
      tpu.yield
    }) : () -> ()
    %mul3A_28 = arith.constant 640 : i32
    %mul3A_29 = arith.muli %arg1, %mul3A_28 : i32
    %add3A_30 = arith.constant 400 : i32
    %add3A_31 = arith.addi %mul3A_29, %add3A_30 : i32
    "tpu.region"() ({
      %run_scoped3A = tpu.sem_alloc : memref<!tpu.dma_semaphore, #tpu.memory_space<semaphore_mem>>
      %dma_start3A = arith.constant 0 : i32
      %dma_start3A_160 = tpu.memref_slice %arg14[%add3A_31, %dma_start3A] : memref<10240x128xf32, #tpu.memory_space<vmem_shared>> -> memref<80x128xf32, #tpu.memory_space<vmem_shared>>
      %dma_start3A_161 = arith.constant 0 : i32
      %dma_start3A_162 = tpu.memref_slice %arg14[%add3A_31, %dma_start3A_161] : memref<10240x128xf32, #tpu.memory_space<vmem_shared>> -> memref<80x128xf32, #tpu.memory_space<vmem_shared>>
      tpu.enqueue_dma source(%arg10 : memref<80x128xf32, #tpu.memory_space<vmem>>) target(%dma_start3A_162 : memref<80x128xf32, #tpu.memory_space<vmem_shared>>) target_semaphore(%run_scoped3A : memref<!tpu.dma_semaphore, #tpu.memory_space<semaphore_mem>>)
      %dma_wait3A = arith.constant 0 : i32
      %dma_wait3A_163 = tpu.memref_slice %arg14[%add3A_31, %dma_wait3A] : memref<10240x128xf32, #tpu.memory_space<vmem_shared>> -> memref<80x128xf32, #tpu.memory_space<vmem_shared>>
      %dma_wait3A_164 = arith.constant 0 : i32
      %dma_wait3A_165 = tpu.memref_slice %arg14[%add3A_31, %dma_wait3A_164] : memref<10240x128xf32, #tpu.memory_space<vmem_shared>> -> memref<80x128xf32, #tpu.memory_space<vmem_shared>>
      tpu.wait_dma2 semaphore(%run_scoped3A : memref<!tpu.dma_semaphore, #tpu.memory_space<semaphore_mem>>) src(%arg10 : memref<80x128xf32, #tpu.memory_space<vmem>>) dst(%dma_wait3A_165 : memref<80x128xf32, #tpu.memory_space<vmem_shared>>)
      tpu.yield
    }) : () -> ()
    %mul3A_32 = arith.constant 640 : i32
    %mul3A_33 = arith.muli %arg1, %mul3A_32 : i32
    %add3A_34 = arith.constant 480 : i32
    %add3A_35 = arith.addi %mul3A_33, %add3A_34 : i32
    "tpu.region"() ({
      %run_scoped3A = tpu.sem_alloc : memref<!tpu.dma_semaphore, #tpu.memory_space<semaphore_mem>>
      %dma_start3A = arith.constant 0 : i32
      %dma_start3A_160 = tpu.memref_slice %arg14[%add3A_35, %dma_start3A] : memref<10240x128xf32, #tpu.memory_space<vmem_shared>> -> memref<80x128xf32, #tpu.memory_space<vmem_shared>>
      %dma_start3A_161 = arith.constant 0 : i32
      %dma_start3A_162 = tpu.memref_slice %arg14[%add3A_35, %dma_start3A_161] : memref<10240x128xf32, #tpu.memory_space<vmem_shared>> -> memref<80x128xf32, #tpu.memory_space<vmem_shared>>
      tpu.enqueue_dma source(%arg10 : memref<80x128xf32, #tpu.memory_space<vmem>>) target(%dma_start3A_162 : memref<80x128xf32, #tpu.memory_space<vmem_shared>>) target_semaphore(%run_scoped3A : memref<!tpu.dma_semaphore, #tpu.memory_space<semaphore_mem>>)
      %dma_wait3A = arith.constant 0 : i32
      %dma_wait3A_163 = tpu.memref_slice %arg14[%add3A_35, %dma_wait3A] : memref<10240x128xf32, #tpu.memory_space<vmem_shared>> -> memref<80x128xf32, #tpu.memory_space<vmem_shared>>
      %dma_wait3A_164 = arith.constant 0 : i32
      %dma_wait3A_165 = tpu.memref_slice %arg14[%add3A_35, %dma_wait3A_164] : memref<10240x128xf32, #tpu.memory_space<vmem_shared>> -> memref<80x128xf32, #tpu.memory_space<vmem_shared>>
      tpu.wait_dma2 semaphore(%run_scoped3A : memref<!tpu.dma_semaphore, #tpu.memory_space<semaphore_mem>>) src(%arg10 : memref<80x128xf32, #tpu.memory_space<vmem>>) dst(%dma_wait3A_165 : memref<80x128xf32, #tpu.memory_space<vmem_shared>>)
      tpu.yield
    }) : () -> ()
    %mul3A_36 = arith.constant 640 : i32
    %mul3A_37 = arith.muli %arg1, %mul3A_36 : i32
    %add3A_38 = arith.constant 560 : i32
    %add3A_39 = arith.addi %mul3A_37, %add3A_38 : i32
    "tpu.region"() ({
      %run_scoped3A = tpu.sem_alloc : memref<!tpu.dma_semaphore, #tpu.memory_space<semaphore_mem>>
      %dma_start3A = arith.constant 0 : i32
      %dma_start3A_160 = tpu.memref_slice %arg14[%add3A_39, %dma_start3A] : memref<10240x128xf32, #tpu.memory_space<vmem_shared>> -> memref<80x128xf32, #tpu.memory_space<vmem_shared>>
      %dma_start3A_161 = arith.constant 0 : i32
      %dma_start3A_162 = tpu.memref_slice %arg14[%add3A_39, %dma_start3A_161] : memref<10240x128xf32, #tpu.memory_space<vmem_shared>> -> memref<80x128xf32, #tpu.memory_space<vmem_shared>>
      tpu.enqueue_dma source(%arg10 : memref<80x128xf32, #tpu.memory_space<vmem>>) target(%dma_start3A_162 : memref<80x128xf32, #tpu.memory_space<vmem_shared>>) target_semaphore(%run_scoped3A : memref<!tpu.dma_semaphore, #tpu.memory_space<semaphore_mem>>)
      %dma_wait3A = arith.constant 0 : i32
      %dma_wait3A_163 = tpu.memref_slice %arg14[%add3A_39, %dma_wait3A] : memref<10240x128xf32, #tpu.memory_space<vmem_shared>> -> memref<80x128xf32, #tpu.memory_space<vmem_shared>>
      %dma_wait3A_164 = arith.constant 0 : i32
      %dma_wait3A_165 = tpu.memref_slice %arg14[%add3A_39, %dma_wait3A_164] : memref<10240x128xf32, #tpu.memory_space<vmem_shared>> -> memref<80x128xf32, #tpu.memory_space<vmem_shared>>
      tpu.wait_dma2 semaphore(%run_scoped3A : memref<!tpu.dma_semaphore, #tpu.memory_space<semaphore_mem>>) src(%arg10 : memref<80x128xf32, #tpu.memory_space<vmem>>) dst(%dma_wait3A_165 : memref<80x128xf32, #tpu.memory_space<vmem_shared>>)
      tpu.yield
    }) : () -> ()
    %barrier3A = arith.constant 0 : index
    tpu.barrier barrier_id(%barrier3A)
    %eq3A = arith.constant 0 : i32
    %eq3A_40 = arith.cmpi eq, %arg0, %eq3A : i32
    %convert_element_type3A = arith.extui %eq3A_40 : i1 to i32
    %cond3A = arith.constant 0 : i32
    %cond3A_41 = arith.cmpi ne, %convert_element_type3A, %cond3A : i32
    scf.if %cond3A_41 {
      %add3A_160 = arith.constant 0 : i32
      %add3A_161 = arith.addi %mul3A_2, %add3A_160 : i32
      %mul3A_162 = arith.constant 80 : i32
      %mul3A_163 = arith.muli %add3A_161, %mul3A_162 : i32
      %dma_start3A = arith.constant 0 : i32
      %dma_start3A_164 = arith.constant 0 : i32
      %dma_start3A_165 = tpu.memref_slice %arg8[%dma_start3A, %dma_start3A_164] : memref<4x80xi32, #tpu.memory_space<vmem>> -> memref<1x80xi32, #tpu.memory_space<vmem>>
      %dma_start3A_166 = tpu.memref_squeeze %dma_start3A_165 : memref<1x80xi32, #tpu.memory_space<vmem>> -> memref<80xi32, #tpu.memory_space<vmem>>
      %dma_start3A_167 = tpu.memref_slice %arg4[%mul3A_163] : memref<320000xi32, #tpu.memory_space<hbm>> -> memref<80xi32, #tpu.memory_space<hbm>>
      %dma_start3A_168 = arith.constant 0 : i32
      %dma_start3A_169 = tpu.memref_slice %arg8[%dma_start3A, %dma_start3A_168] : memref<4x80xi32, #tpu.memory_space<vmem>> -> memref<1x80xi32, #tpu.memory_space<vmem>>
      %dma_start3A_170 = tpu.memref_squeeze %dma_start3A_169 : memref<1x80xi32, #tpu.memory_space<vmem>> -> memref<80xi32, #tpu.memory_space<vmem>>
      %dma_start3A_171 = tpu.memref_slice %arg4[%mul3A_163] : memref<320000xi32, #tpu.memory_space<hbm>> -> memref<80xi32, #tpu.memory_space<hbm>>
      tpu.enqueue_dma source(%dma_start3A_171 : memref<80xi32, #tpu.memory_space<hbm>>) target(%dma_start3A_170 : memref<80xi32, #tpu.memory_space<vmem>>) target_semaphore(%arg23 : memref<!tpu.dma_semaphore, #tpu.memory_space<semaphore_mem>>)
      %dma_start3A_172 = arith.constant 0 : i32
      %dma_start3A_173 = arith.constant 0 : i32
      %dma_start3A_174 = tpu.memref_slice %arg9[%dma_start3A_172, %dma_start3A_173] : memref<4x80xi32, #tpu.memory_space<vmem>> -> memref<1x80xi32, #tpu.memory_space<vmem>>
      %dma_start3A_175 = tpu.memref_squeeze %dma_start3A_174 : memref<1x80xi32, #tpu.memory_space<vmem>> -> memref<80xi32, #tpu.memory_space<vmem>>
      %dma_start3A_176 = tpu.memref_slice %arg5[%mul3A_163] : memref<320000xi32, #tpu.memory_space<hbm>> -> memref<80xi32, #tpu.memory_space<hbm>>
      %dma_start3A_177 = arith.constant 0 : i32
      %dma_start3A_178 = tpu.memref_slice %arg9[%dma_start3A_172, %dma_start3A_177] : memref<4x80xi32, #tpu.memory_space<vmem>> -> memref<1x80xi32, #tpu.memory_space<vmem>>
      %dma_start3A_179 = tpu.memref_squeeze %dma_start3A_178 : memref<1x80xi32, #tpu.memory_space<vmem>> -> memref<80xi32, #tpu.memory_space<vmem>>
      %dma_start3A_180 = tpu.memref_slice %arg5[%mul3A_163] : memref<320000xi32, #tpu.memory_space<hbm>> -> memref<80xi32, #tpu.memory_space<hbm>>
      tpu.enqueue_dma source(%dma_start3A_180 : memref<80xi32, #tpu.memory_space<hbm>>) target(%dma_start3A_179 : memref<80xi32, #tpu.memory_space<vmem>>) target_semaphore(%arg23 : memref<!tpu.dma_semaphore, #tpu.memory_space<semaphore_mem>>)
      %dma_wait3A = arith.constant 0 : i32
      %dma_wait3A_181 = arith.constant 0 : i32
      %dma_wait3A_182 = tpu.memref_slice %arg8[%dma_wait3A, %dma_wait3A_181] : memref<4x80xi32, #tpu.memory_space<vmem>> -> memref<1x80xi32, #tpu.memory_space<vmem>>
      %dma_wait3A_183 = tpu.memref_squeeze %dma_wait3A_182 : memref<1x80xi32, #tpu.memory_space<vmem>> -> memref<80xi32, #tpu.memory_space<vmem>>
      %dma_wait3A_184 = tpu.memref_slice %arg4[%mul3A_163] : memref<320000xi32, #tpu.memory_space<hbm>> -> memref<80xi32, #tpu.memory_space<hbm>>
      %dma_wait3A_185 = arith.constant 0 : i32
      %dma_wait3A_186 = tpu.memref_slice %arg8[%dma_wait3A, %dma_wait3A_185] : memref<4x80xi32, #tpu.memory_space<vmem>> -> memref<1x80xi32, #tpu.memory_space<vmem>>
      %dma_wait3A_187 = tpu.memref_squeeze %dma_wait3A_186 : memref<1x80xi32, #tpu.memory_space<vmem>> -> memref<80xi32, #tpu.memory_space<vmem>>
      %dma_wait3A_188 = tpu.memref_slice %arg4[%mul3A_163] : memref<320000xi32, #tpu.memory_space<hbm>> -> memref<80xi32, #tpu.memory_space<hbm>>
      tpu.wait_dma2 semaphore(%arg23 : memref<!tpu.dma_semaphore, #tpu.memory_space<semaphore_mem>>) src(%dma_wait3A_188 : memref<80xi32, #tpu.memory_space<hbm>>) dst(%dma_wait3A_187 : memref<80xi32, #tpu.memory_space<vmem>>)
      %dma_wait3A_189 = arith.constant 0 : i32
      %dma_wait3A_190 = arith.constant 0 : i32
      %dma_wait3A_191 = tpu.memref_slice %arg9[%dma_wait3A_189, %dma_wait3A_190] : memref<4x80xi32, #tpu.memory_space<vmem>> -> memref<1x80xi32, #tpu.memory_space<vmem>>
      %dma_wait3A_192 = tpu.memref_squeeze %dma_wait3A_191 : memref<1x80xi32, #tpu.memory_space<vmem>> -> memref<80xi32, #tpu.memory_space<vmem>>
      %dma_wait3A_193 = tpu.memref_slice %arg5[%mul3A_163] : memref<320000xi32, #tpu.memory_space<hbm>> -> memref<80xi32, #tpu.memory_space<hbm>>
      %dma_wait3A_194 = arith.constant 0 : i32
      %dma_wait3A_195 = tpu.memref_slice %arg9[%dma_wait3A_189, %dma_wait3A_194] : memref<4x80xi32, #tpu.memory_space<vmem>> -> memref<1x80xi32, #tpu.memory_space<vmem>>
      %dma_wait3A_196 = tpu.memref_squeeze %dma_wait3A_195 : memref<1x80xi32, #tpu.memory_space<vmem>> -> memref<80xi32, #tpu.memory_space<vmem>>
      %dma_wait3A_197 = tpu.memref_slice %arg5[%mul3A_163] : memref<320000xi32, #tpu.memory_space<hbm>> -> memref<80xi32, #tpu.memory_space<hbm>>
      tpu.wait_dma2 semaphore(%arg23 : memref<!tpu.dma_semaphore, #tpu.memory_space<semaphore_mem>>) src(%dma_wait3A_197 : memref<80xi32, #tpu.memory_space<hbm>>) dst(%dma_wait3A_196 : memref<80xi32, #tpu.memory_space<vmem>>)
      %dma_start3A_198 = arith.constant 0 : i32
      %dma_start3A_199 = arith.constant 0 : i32
      %dma_start3A_200 = tpu.memref_slice %arg8[%dma_start3A_198, %dma_start3A_199] : memref<4x80xi32, #tpu.memory_space<vmem>> -> memref<1x80xi32, #tpu.memory_space<vmem>>
      %dma_start3A_201 = tpu.memref_squeeze %dma_start3A_200 : memref<1x80xi32, #tpu.memory_space<vmem>> -> memref<80xi32, #tpu.memory_space<vmem>>
      %dma_start3A_202 = arith.constant 0 : i32
      %dma_start3A_203 = arith.constant 0 : i32
      %dma_start3A_204 = tpu.memref_slice %arg2[%dma_start3A_202, %dma_start3A_203] : memref<10000x128xf32, #tpu.memory_space<hbm>> -> memref<10000x128xf32, #tpu.memory_space<hbm>>
      tpu.enqueue_indirect_dma source(%dma_start3A_204 : memref<10000x128xf32, #tpu.memory_space<hbm>>) target(%arg10 : memref<80x128xf32, #tpu.memory_space<vmem>>) offsets(%dma_start3A_201 : memref<80xi32, #tpu.memory_space<vmem>>) semaphore(%arg15 : memref<!tpu.dma_semaphore, #tpu.memory_space<semaphore_mem>>)
      %add3A_205 = arith.constant 1 : i32
      %add3A_206 = arith.addi %mul3A_2, %add3A_205 : i32
      %mul3A_207 = arith.constant 80 : i32
      %mul3A_208 = arith.muli %add3A_206, %mul3A_207 : i32
      %dma_start3A_209 = arith.constant 1 : i32
      %dma_start3A_210 = arith.constant 0 : i32
      %dma_start3A_211 = tpu.memref_slice %arg8[%dma_start3A_209, %dma_start3A_210] : memref<4x80xi32, #tpu.memory_space<vmem>> -> memref<1x80xi32, #tpu.memory_space<vmem>>
      %dma_start3A_212 = tpu.memref_squeeze %dma_start3A_211 : memref<1x80xi32, #tpu.memory_space<vmem>> -> memref<80xi32, #tpu.memory_space<vmem>>
      %dma_start3A_213 = tpu.memref_slice %arg4[%mul3A_208] : memref<320000xi32, #tpu.memory_space<hbm>> -> memref<80xi32, #tpu.memory_space<hbm>>
      %dma_start3A_214 = arith.constant 0 : i32
      %dma_start3A_215 = tpu.memref_slice %arg8[%dma_start3A_209, %dma_start3A_214] : memref<4x80xi32, #tpu.memory_space<vmem>> -> memref<1x80xi32, #tpu.memory_space<vmem>>
      %dma_start3A_216 = tpu.memref_squeeze %dma_start3A_215 : memref<1x80xi32, #tpu.memory_space<vmem>> -> memref<80xi32, #tpu.memory_space<vmem>>
      %dma_start3A_217 = tpu.memref_slice %arg4[%mul3A_208] : memref<320000xi32, #tpu.memory_space<hbm>> -> memref<80xi32, #tpu.memory_space<hbm>>
      tpu.enqueue_dma source(%dma_start3A_217 : memref<80xi32, #tpu.memory_space<hbm>>) target(%dma_start3A_216 : memref<80xi32, #tpu.memory_space<vmem>>) target_semaphore(%arg23 : memref<!tpu.dma_semaphore, #tpu.memory_space<semaphore_mem>>)
      %dma_start3A_218 = arith.constant 1 : i32
      %dma_start3A_219 = arith.constant 0 : i32
      %dma_start3A_220 = tpu.memref_slice %arg9[%dma_start3A_218, %dma_start3A_219] : memref<4x80xi32, #tpu.memory_space<vmem>> -> memref<1x80xi32, #tpu.memory_space<vmem>>
      %dma_start3A_221 = tpu.memref_squeeze %dma_start3A_220 : memref<1x80xi32, #tpu.memory_space<vmem>> -> memref<80xi32, #tpu.memory_space<vmem>>
      %dma_start3A_222 = tpu.memref_slice %arg5[%mul3A_208] : memref<320000xi32, #tpu.memory_space<hbm>> -> memref<80xi32, #tpu.memory_space<hbm>>
      %dma_start3A_223 = arith.constant 0 : i32
      %dma_start3A_224 = tpu.memref_slice %arg9[%dma_start3A_218, %dma_start3A_223] : memref<4x80xi32, #tpu.memory_space<vmem>> -> memref<1x80xi32, #tpu.memory_space<vmem>>
      %dma_start3A_225 = tpu.memref_squeeze %dma_start3A_224 : memref<1x80xi32, #tpu.memory_space<vmem>> -> memref<80xi32, #tpu.memory_space<vmem>>
      %dma_start3A_226 = tpu.memref_slice %arg5[%mul3A_208] : memref<320000xi32, #tpu.memory_space<hbm>> -> memref<80xi32, #tpu.memory_space<hbm>>
      tpu.enqueue_dma source(%dma_start3A_226 : memref<80xi32, #tpu.memory_space<hbm>>) target(%dma_start3A_225 : memref<80xi32, #tpu.memory_space<vmem>>) target_semaphore(%arg23 : memref<!tpu.dma_semaphore, #tpu.memory_space<semaphore_mem>>)
      %dma_wait3A_227 = arith.constant 1 : i32
      %dma_wait3A_228 = arith.constant 0 : i32
      %dma_wait3A_229 = tpu.memref_slice %arg8[%dma_wait3A_227, %dma_wait3A_228] : memref<4x80xi32, #tpu.memory_space<vmem>> -> memref<1x80xi32, #tpu.memory_space<vmem>>
      %dma_wait3A_230 = tpu.memref_squeeze %dma_wait3A_229 : memref<1x80xi32, #tpu.memory_space<vmem>> -> memref<80xi32, #tpu.memory_space<vmem>>
      %dma_wait3A_231 = tpu.memref_slice %arg4[%mul3A_208] : memref<320000xi32, #tpu.memory_space<hbm>> -> memref<80xi32, #tpu.memory_space<hbm>>
      %dma_wait3A_232 = arith.constant 0 : i32
      %dma_wait3A_233 = tpu.memref_slice %arg8[%dma_wait3A_227, %dma_wait3A_232] : memref<4x80xi32, #tpu.memory_space<vmem>> -> memref<1x80xi32, #tpu.memory_space<vmem>>
      %dma_wait3A_234 = tpu.memref_squeeze %dma_wait3A_233 : memref<1x80xi32, #tpu.memory_space<vmem>> -> memref<80xi32, #tpu.memory_space<vmem>>
      %dma_wait3A_235 = tpu.memref_slice %arg4[%mul3A_208] : memref<320000xi32, #tpu.memory_space<hbm>> -> memref<80xi32, #tpu.memory_space<hbm>>
      tpu.wait_dma2 semaphore(%arg23 : memref<!tpu.dma_semaphore, #tpu.memory_space<semaphore_mem>>) src(%dma_wait3A_235 : memref<80xi32, #tpu.memory_space<hbm>>) dst(%dma_wait3A_234 : memref<80xi32, #tpu.memory_space<vmem>>)
      %dma_wait3A_236 = arith.constant 1 : i32
      %dma_wait3A_237 = arith.constant 0 : i32
      %dma_wait3A_238 = tpu.memref_slice %arg9[%dma_wait3A_236, %dma_wait3A_237] : memref<4x80xi32, #tpu.memory_space<vmem>> -> memref<1x80xi32, #tpu.memory_space<vmem>>
      %dma_wait3A_239 = tpu.memref_squeeze %dma_wait3A_238 : memref<1x80xi32, #tpu.memory_space<vmem>> -> memref<80xi32, #tpu.memory_space<vmem>>
      %dma_wait3A_240 = tpu.memref_slice %arg5[%mul3A_208] : memref<320000xi32, #tpu.memory_space<hbm>> -> memref<80xi32, #tpu.memory_space<hbm>>
      %dma_wait3A_241 = arith.constant 0 : i32
      %dma_wait3A_242 = tpu.memref_slice %arg9[%dma_wait3A_236, %dma_wait3A_241] : memref<4x80xi32, #tpu.memory_space<vmem>> -> memref<1x80xi32, #tpu.memory_space<vmem>>
      %dma_wait3A_243 = tpu.memref_squeeze %dma_wait3A_242 : memref<1x80xi32, #tpu.memory_space<vmem>> -> memref<80xi32, #tpu.memory_space<vmem>>
      %dma_wait3A_244 = tpu.memref_slice %arg5[%mul3A_208] : memref<320000xi32, #tpu.memory_space<hbm>> -> memref<80xi32, #tpu.memory_space<hbm>>
      tpu.wait_dma2 semaphore(%arg23 : memref<!tpu.dma_semaphore, #tpu.memory_space<semaphore_mem>>) src(%dma_wait3A_244 : memref<80xi32, #tpu.memory_space<hbm>>) dst(%dma_wait3A_243 : memref<80xi32, #tpu.memory_space<vmem>>)
      %dma_start3A_245 = arith.constant 1 : i32
      %dma_start3A_246 = arith.constant 0 : i32
      %dma_start3A_247 = tpu.memref_slice %arg8[%dma_start3A_245, %dma_start3A_246] : memref<4x80xi32, #tpu.memory_space<vmem>> -> memref<1x80xi32, #tpu.memory_space<vmem>>
      %dma_start3A_248 = tpu.memref_squeeze %dma_start3A_247 : memref<1x80xi32, #tpu.memory_space<vmem>> -> memref<80xi32, #tpu.memory_space<vmem>>
      %dma_start3A_249 = arith.constant 0 : i32
      %dma_start3A_250 = arith.constant 0 : i32
      %dma_start3A_251 = tpu.memref_slice %arg2[%dma_start3A_249, %dma_start3A_250] : memref<10000x128xf32, #tpu.memory_space<hbm>> -> memref<10000x128xf32, #tpu.memory_space<hbm>>
      tpu.enqueue_indirect_dma source(%dma_start3A_251 : memref<10000x128xf32, #tpu.memory_space<hbm>>) target(%arg11 : memref<80x128xf32, #tpu.memory_space<vmem>>) offsets(%dma_start3A_248 : memref<80xi32, #tpu.memory_space<vmem>>) semaphore(%arg16 : memref<!tpu.dma_semaphore, #tpu.memory_space<semaphore_mem>>)
      %scan3A_252 = arith.constant 0 : i32
      %scan3A_253 = arith.constant 0 : i32
      %scan3A_254 = arith.constant 31 : i32
      %scan3A_255 = arith.addi %scan3A_253, %scan3A_254 : i32
      %scan3A_256 = arith.constant 1 : i32
      scf.for %scan3A_265 = %scan3A_253 to %scan3A_255 step %scan3A_256  : i32 {
        %mul3A_266 = arith.constant 4 : i32
        %mul3A_267 = arith.muli %scan3A_265, %mul3A_266 : i32
        %add3A_268 = arith.constant 0 : i32
        %add3A_269 = arith.addi %mul3A_267, %add3A_268 : i32
        %dma_wait3A_270 = arith.constant 0 : i32
        %dma_wait3A_271 = arith.constant 0 : i32
        %dma_wait3A_272 = tpu.memref_slice %arg8[%dma_wait3A_270, %dma_wait3A_271] : memref<4x80xi32, #tpu.memory_space<vmem>> -> memref<1x80xi32, #tpu.memory_space<vmem>>
        %dma_wait3A_273 = tpu.memref_squeeze %dma_wait3A_272 : memref<1x80xi32, #tpu.memory_space<vmem>> -> memref<80xi32, #tpu.memory_space<vmem>>
        %dma_wait3A_274 = arith.constant 0 : i32
        %dma_wait3A_275 = arith.constant 0 : i32
        %dma_wait3A_276 = tpu.memref_slice %arg2[%dma_wait3A_274, %dma_wait3A_275] : memref<10000x128xf32, #tpu.memory_space<hbm>> -> memref<10000x128xf32, #tpu.memory_space<hbm>>
        tpu.wait_indirect_dma semaphore(%arg15 : memref<!tpu.dma_semaphore, #tpu.memory_space<semaphore_mem>>) src(%dma_wait3A_276 : memref<10000x128xf32, #tpu.memory_space<hbm>>) dst(%arg10 : memref<80x128xf32, #tpu.memory_space<vmem>>)
        %add3A_277 = arith.constant 2 : i32
        %add3A_278 = arith.addi %add3A_269, %add3A_277 : i32
        %lt3A = arith.constant 125 : i32
        %lt3A_279 = arith.cmpi slt, %add3A_278, %lt3A : i32
        %convert_element_type3A_280 = arith.extui %lt3A_279 : i1 to i32
        %cond3A_281 = arith.constant 0 : i32
        %cond3A_282 = arith.cmpi ne, %convert_element_type3A_280, %cond3A_281 : i32
        scf.if %cond3A_282 {
          %add3A_341 = arith.constant 2 : i32
          %add3A_342 = arith.addi %add3A_269, %add3A_341 : i32
          %add3A_343 = arith.addi %mul3A_2, %add3A_342 : i32
          %mul3A_344 = arith.constant 80 : i32
          %mul3A_345 = arith.muli %add3A_343, %mul3A_344 : i32
          %dma_start3A_346 = arith.constant 2 : i32
          %dma_start3A_347 = arith.constant 0 : i32
          %dma_start3A_348 = tpu.memref_slice %arg8[%dma_start3A_346, %dma_start3A_347] : memref<4x80xi32, #tpu.memory_space<vmem>> -> memref<1x80xi32, #tpu.memory_space<vmem>>
          %dma_start3A_349 = tpu.memref_squeeze %dma_start3A_348 : memref<1x80xi32, #tpu.memory_space<vmem>> -> memref<80xi32, #tpu.memory_space<vmem>>
          %dma_start3A_350 = tpu.memref_slice %arg4[%mul3A_345] : memref<320000xi32, #tpu.memory_space<hbm>> -> memref<80xi32, #tpu.memory_space<hbm>>
          %dma_start3A_351 = arith.constant 0 : i32
          %dma_start3A_352 = tpu.memref_slice %arg8[%dma_start3A_346, %dma_start3A_351] : memref<4x80xi32, #tpu.memory_space<vmem>> -> memref<1x80xi32, #tpu.memory_space<vmem>>
          %dma_start3A_353 = tpu.memref_squeeze %dma_start3A_352 : memref<1x80xi32, #tpu.memory_space<vmem>> -> memref<80xi32, #tpu.memory_space<vmem>>
          %dma_start3A_354 = tpu.memref_slice %arg4[%mul3A_345] : memref<320000xi32, #tpu.memory_space<hbm>> -> memref<80xi32, #tpu.memory_space<hbm>>
          tpu.enqueue_dma source(%dma_start3A_354 : memref<80xi32, #tpu.memory_space<hbm>>) target(%dma_start3A_353 : memref<80xi32, #tpu.memory_space<vmem>>) target_semaphore(%arg23 : memref<!tpu.dma_semaphore, #tpu.memory_space<semaphore_mem>>)
          %dma_start3A_355 = arith.constant 2 : i32
          %dma_start3A_356 = arith.constant 0 : i32
          %dma_start3A_357 = tpu.memref_slice %arg9[%dma_start3A_355, %dma_start3A_356] : memref<4x80xi32, #tpu.memory_space<vmem>> -> memref<1x80xi32, #tpu.memory_space<vmem>>
          %dma_start3A_358 = tpu.memref_squeeze %dma_start3A_357 : memref<1x80xi32, #tpu.memory_space<vmem>> -> memref<80xi32, #tpu.memory_space<vmem>>
          %dma_start3A_359 = tpu.memref_slice %arg5[%mul3A_345] : memref<320000xi32, #tpu.memory_space<hbm>> -> memref<80xi32, #tpu.memory_space<hbm>>
          %dma_start3A_360 = arith.constant 0 : i32
          %dma_start3A_361 = tpu.memref_slice %arg9[%dma_start3A_355, %dma_start3A_360] : memref<4x80xi32, #tpu.memory_space<vmem>> -> memref<1x80xi32, #tpu.memory_space<vmem>>
          %dma_start3A_362 = tpu.memref_squeeze %dma_start3A_361 : memref<1x80xi32, #tpu.memory_space<vmem>> -> memref<80xi32, #tpu.memory_space<vmem>>
          %dma_start3A_363 = tpu.memref_slice %arg5[%mul3A_345] : memref<320000xi32, #tpu.memory_space<hbm>> -> memref<80xi32, #tpu.memory_space<hbm>>
          tpu.enqueue_dma source(%dma_start3A_363 : memref<80xi32, #tpu.memory_space<hbm>>) target(%dma_start3A_362 : memref<80xi32, #tpu.memory_space<vmem>>) target_semaphore(%arg23 : memref<!tpu.dma_semaphore, #tpu.memory_space<semaphore_mem>>)
          %dma_wait3A_364 = arith.constant 2 : i32
          %dma_wait3A_365 = arith.constant 0 : i32
          %dma_wait3A_366 = tpu.memref_slice %arg8[%dma_wait3A_364, %dma_wait3A_365] : memref<4x80xi32, #tpu.memory_space<vmem>> -> memref<1x80xi32, #tpu.memory_space<vmem>>
          %dma_wait3A_367 = tpu.memref_squeeze %dma_wait3A_366 : memref<1x80xi32, #tpu.memory_space<vmem>> -> memref<80xi32, #tpu.memory_space<vmem>>
          %dma_wait3A_368 = tpu.memref_slice %arg4[%mul3A_345] : memref<320000xi32, #tpu.memory_space<hbm>> -> memref<80xi32, #tpu.memory_space<hbm>>
          %dma_wait3A_369 = arith.constant 0 : i32
          %dma_wait3A_370 = tpu.memref_slice %arg8[%dma_wait3A_364, %dma_wait3A_369] : memref<4x80xi32, #tpu.memory_space<vmem>> -> memref<1x80xi32, #tpu.memory_space<vmem>>
          %dma_wait3A_371 = tpu.memref_squeeze %dma_wait3A_370 : memref<1x80xi32, #tpu.memory_space<vmem>> -> memref<80xi32, #tpu.memory_space<vmem>>
          %dma_wait3A_372 = tpu.memref_slice %arg4[%mul3A_345] : memref<320000xi32, #tpu.memory_space<hbm>> -> memref<80xi32, #tpu.memory_space<hbm>>
          tpu.wait_dma2 semaphore(%arg23 : memref<!tpu.dma_semaphore, #tpu.memory_space<semaphore_mem>>) src(%dma_wait3A_372 : memref<80xi32, #tpu.memory_space<hbm>>) dst(%dma_wait3A_371 : memref<80xi32, #tpu.memory_space<vmem>>)
          %dma_wait3A_373 = arith.constant 2 : i32
          %dma_wait3A_374 = arith.constant 0 : i32
          %dma_wait3A_375 = tpu.memref_slice %arg9[%dma_wait3A_373, %dma_wait3A_374] : memref<4x80xi32, #tpu.memory_space<vmem>> -> memref<1x80xi32, #tpu.memory_space<vmem>>
          %dma_wait3A_376 = tpu.memref_squeeze %dma_wait3A_375 : memref<1x80xi32, #tpu.memory_space<vmem>> -> memref<80xi32, #tpu.memory_space<vmem>>
          %dma_wait3A_377 = tpu.memref_slice %arg5[%mul3A_345] : memref<320000xi32, #tpu.memory_space<hbm>> -> memref<80xi32, #tpu.memory_space<hbm>>
          %dma_wait3A_378 = arith.constant 0 : i32
          %dma_wait3A_379 = tpu.memref_slice %arg9[%dma_wait3A_373, %dma_wait3A_378] : memref<4x80xi32, #tpu.memory_space<vmem>> -> memref<1x80xi32, #tpu.memory_space<vmem>>
          %dma_wait3A_380 = tpu.memref_squeeze %dma_wait3A_379 : memref<1x80xi32, #tpu.memory_space<vmem>> -> memref<80xi32, #tpu.memory_space<vmem>>
          %dma_wait3A_381 = tpu.memref_slice %arg5[%mul3A_345] : memref<320000xi32, #tpu.memory_space<hbm>> -> memref<80xi32, #tpu.memory_space<hbm>>
          tpu.wait_dma2 semaphore(%arg23 : memref<!tpu.dma_semaphore, #tpu.memory_space<semaphore_mem>>) src(%dma_wait3A_381 : memref<80xi32, #tpu.memory_space<hbm>>) dst(%dma_wait3A_380 : memref<80xi32, #tpu.memory_space<vmem>>)
          %add3A_382 = arith.constant 2 : i32
          %add3A_383 = arith.addi %add3A_269, %add3A_382 : i32
          %dma_start3A_384 = arith.constant 2 : i32
          %dma_start3A_385 = arith.constant 0 : i32
          %dma_start3A_386 = tpu.memref_slice %arg8[%dma_start3A_384, %dma_start3A_385] : memref<4x80xi32, #tpu.memory_space<vmem>> -> memref<1x80xi32, #tpu.memory_space<vmem>>
          %dma_start3A_387 = tpu.memref_squeeze %dma_start3A_386 : memref<1x80xi32, #tpu.memory_space<vmem>> -> memref<80xi32, #tpu.memory_space<vmem>>
          %dma_start3A_388 = arith.constant 0 : i32
          %dma_start3A_389 = arith.constant 0 : i32
          %dma_start3A_390 = tpu.memref_slice %arg2[%dma_start3A_388, %dma_start3A_389] : memref<10000x128xf32, #tpu.memory_space<hbm>> -> memref<10000x128xf32, #tpu.memory_space<hbm>>
          tpu.enqueue_indirect_dma source(%dma_start3A_390 : memref<10000x128xf32, #tpu.memory_space<hbm>>) target(%arg12 : memref<80x128xf32, #tpu.memory_space<vmem>>) offsets(%dma_start3A_387 : memref<80xi32, #tpu.memory_space<vmem>>) semaphore(%arg17 : memref<!tpu.dma_semaphore, #tpu.memory_space<semaphore_mem>>)
        } else {
        }
        %run_scoped3A_283 = arith.constant 0 : i32
        "tpu.region"() ({
          %run_scoped3A_341 = tpu.sem_alloc : memref<!tpu.dma_semaphore, #tpu.memory_space<semaphore_mem>>
          %dma_start3A_342 = arith.constant 0 : i32
          %dma_start3A_343 = tpu.memref_slice %arg9[%run_scoped3A_283, %dma_start3A_342] : memref<4x80xi32, #tpu.memory_space<vmem>> -> memref<1x80xi32, #tpu.memory_space<vmem>>
          %dma_start3A_344 = tpu.memref_squeeze %dma_start3A_343 : memref<1x80xi32, #tpu.memory_space<vmem>> -> memref<80xi32, #tpu.memory_space<vmem>>
          %dma_start3A_345 = arith.constant 0 : i32
          %dma_start3A_346 = arith.constant 0 : i32
          %dma_start3A_347 = tpu.memref_slice %arg14[%dma_start3A_345, %dma_start3A_346] : memref<10240x128xf32, #tpu.memory_space<vmem_shared>> -> memref<10240x128xf32, #tpu.memory_space<vmem_shared>>
          tpu.enqueue_indirect_dma source(%arg10 : memref<80x128xf32, #tpu.memory_space<vmem>>) target(%dma_start3A_347 : memref<10240x128xf32, #tpu.memory_space<vmem_shared>>) offsets(%dma_start3A_344 : memref<80xi32, #tpu.memory_space<vmem>>) semaphore(%run_scoped3A_341 : memref<!tpu.dma_semaphore, #tpu.memory_space<semaphore_mem>>) {add = true}
          %dma_wait3A_348 = arith.constant 0 : i32
          %dma_wait3A_349 = tpu.memref_slice %arg9[%run_scoped3A_283, %dma_wait3A_348] : memref<4x80xi32, #tpu.memory_space<vmem>> -> memref<1x80xi32, #tpu.memory_space<vmem>>
          %dma_wait3A_350 = tpu.memref_squeeze %dma_wait3A_349 : memref<1x80xi32, #tpu.memory_space<vmem>> -> memref<80xi32, #tpu.memory_space<vmem>>
          %dma_wait3A_351 = arith.constant 0 : i32
          %dma_wait3A_352 = arith.constant 0 : i32
          %dma_wait3A_353 = tpu.memref_slice %arg14[%dma_wait3A_351, %dma_wait3A_352] : memref<10240x128xf32, #tpu.memory_space<vmem_shared>> -> memref<10240x128xf32, #tpu.memory_space<vmem_shared>>
          tpu.wait_indirect_dma semaphore(%run_scoped3A_341 : memref<!tpu.dma_semaphore, #tpu.memory_space<semaphore_mem>>) src(%arg10 : memref<80x128xf32, #tpu.memory_space<vmem>>) dst(%dma_wait3A_353 : memref<10240x128xf32, #tpu.memory_space<vmem_shared>>)
          tpu.yield
        }) : () -> ()
        %mul3A_284 = arith.constant 4 : i32
        %mul3A_285 = arith.muli %scan3A_265, %mul3A_284 : i32
        %add3A_286 = arith.constant 1 : i32
        %add3A_287 = arith.addi %mul3A_285, %add3A_286 : i32
        %dma_wait3A_288 = arith.constant 1 : i32
        %dma_wait3A_289 = arith.constant 0 : i32
        %dma_wait3A_290 = tpu.memref_slice %arg8[%dma_wait3A_288, %dma_wait3A_289] : memref<4x80xi32, #tpu.memory_space<vmem>> -> memref<1x80xi32, #tpu.memory_space<vmem>>
        %dma_wait3A_291 = tpu.memref_squeeze %dma_wait3A_290 : memref<1x80xi32, #tpu.memory_space<vmem>> -> memref<80xi32, #tpu.memory_space<vmem>>
        %dma_wait3A_292 = arith.constant 0 : i32
        %dma_wait3A_293 = arith.constant 0 : i32
        %dma_wait3A_294 = tpu.memref_slice %arg2[%dma_wait3A_292, %dma_wait3A_293] : memref<10000x128xf32, #tpu.memory_space<hbm>> -> memref<10000x128xf32, #tpu.memory_space<hbm>>
        tpu.wait_indirect_dma semaphore(%arg16 : memref<!tpu.dma_semaphore, #tpu.memory_space<semaphore_mem>>) src(%dma_wait3A_294 : memref<10000x128xf32, #tpu.memory_space<hbm>>) dst(%arg11 : memref<80x128xf32, #tpu.memory_space<vmem>>)
        %add3A_295 = arith.constant 2 : i32
        %add3A_296 = arith.addi %add3A_287, %add3A_295 : i32
        %lt3A_297 = arith.constant 125 : i32
        %lt3A_298 = arith.cmpi slt, %add3A_296, %lt3A_297 : i32
        %convert_element_type3A_299 = arith.extui %lt3A_298 : i1 to i32
        %cond3A_300 = arith.constant 0 : i32
        %cond3A_301 = arith.cmpi ne, %convert_element_type3A_299, %cond3A_300 : i32
        scf.if %cond3A_301 {
          %add3A_341 = arith.constant 2 : i32
          %add3A_342 = arith.addi %add3A_287, %add3A_341 : i32
          %add3A_343 = arith.addi %mul3A_2, %add3A_342 : i32
          %mul3A_344 = arith.constant 80 : i32
          %mul3A_345 = arith.muli %add3A_343, %mul3A_344 : i32
          %dma_start3A_346 = arith.constant 3 : i32
          %dma_start3A_347 = arith.constant 0 : i32
          %dma_start3A_348 = tpu.memref_slice %arg8[%dma_start3A_346, %dma_start3A_347] : memref<4x80xi32, #tpu.memory_space<vmem>> -> memref<1x80xi32, #tpu.memory_space<vmem>>
          %dma_start3A_349 = tpu.memref_squeeze %dma_start3A_348 : memref<1x80xi32, #tpu.memory_space<vmem>> -> memref<80xi32, #tpu.memory_space<vmem>>
          %dma_start3A_350 = tpu.memref_slice %arg4[%mul3A_345] : memref<320000xi32, #tpu.memory_space<hbm>> -> memref<80xi32, #tpu.memory_space<hbm>>
          %dma_start3A_351 = arith.constant 0 : i32
          %dma_start3A_352 = tpu.memref_slice %arg8[%dma_start3A_346, %dma_start3A_351] : memref<4x80xi32, #tpu.memory_space<vmem>> -> memref<1x80xi32, #tpu.memory_space<vmem>>
          %dma_start3A_353 = tpu.memref_squeeze %dma_start3A_352 : memref<1x80xi32, #tpu.memory_space<vmem>> -> memref<80xi32, #tpu.memory_space<vmem>>
          %dma_start3A_354 = tpu.memref_slice %arg4[%mul3A_345] : memref<320000xi32, #tpu.memory_space<hbm>> -> memref<80xi32, #tpu.memory_space<hbm>>
          tpu.enqueue_dma source(%dma_start3A_354 : memref<80xi32, #tpu.memory_space<hbm>>) target(%dma_start3A_353 : memref<80xi32, #tpu.memory_space<vmem>>) target_semaphore(%arg23 : memref<!tpu.dma_semaphore, #tpu.memory_space<semaphore_mem>>)
          %dma_start3A_355 = arith.constant 3 : i32
          %dma_start3A_356 = arith.constant 0 : i32
          %dma_start3A_357 = tpu.memref_slice %arg9[%dma_start3A_355, %dma_start3A_356] : memref<4x80xi32, #tpu.memory_space<vmem>> -> memref<1x80xi32, #tpu.memory_space<vmem>>
          %dma_start3A_358 = tpu.memref_squeeze %dma_start3A_357 : memref<1x80xi32, #tpu.memory_space<vmem>> -> memref<80xi32, #tpu.memory_space<vmem>>
          %dma_start3A_359 = tpu.memref_slice %arg5[%mul3A_345] : memref<320000xi32, #tpu.memory_space<hbm>> -> memref<80xi32, #tpu.memory_space<hbm>>
          %dma_start3A_360 = arith.constant 0 : i32
          %dma_start3A_361 = tpu.memref_slice %arg9[%dma_start3A_355, %dma_start3A_360] : memref<4x80xi32, #tpu.memory_space<vmem>> -> memref<1x80xi32, #tpu.memory_space<vmem>>
          %dma_start3A_362 = tpu.memref_squeeze %dma_start3A_361 : memref<1x80xi32, #tpu.memory_space<vmem>> -> memref<80xi32, #tpu.memory_space<vmem>>
          %dma_start3A_363 = tpu.memref_slice %arg5[%mul3A_345] : memref<320000xi32, #tpu.memory_space<hbm>> -> memref<80xi32, #tpu.memory_space<hbm>>
          tpu.enqueue_dma source(%dma_start3A_363 : memref<80xi32, #tpu.memory_space<hbm>>) target(%dma_start3A_362 : memref<80xi32, #tpu.memory_space<vmem>>) target_semaphore(%arg23 : memref<!tpu.dma_semaphore, #tpu.memory_space<semaphore_mem>>)
          %dma_wait3A_364 = arith.constant 3 : i32
          %dma_wait3A_365 = arith.constant 0 : i32
          %dma_wait3A_366 = tpu.memref_slice %arg8[%dma_wait3A_364, %dma_wait3A_365] : memref<4x80xi32, #tpu.memory_space<vmem>> -> memref<1x80xi32, #tpu.memory_space<vmem>>
          %dma_wait3A_367 = tpu.memref_squeeze %dma_wait3A_366 : memref<1x80xi32, #tpu.memory_space<vmem>> -> memref<80xi32, #tpu.memory_space<vmem>>
          %dma_wait3A_368 = tpu.memref_slice %arg4[%mul3A_345] : memref<320000xi32, #tpu.memory_space<hbm>> -> memref<80xi32, #tpu.memory_space<hbm>>
          %dma_wait3A_369 = arith.constant 0 : i32
          %dma_wait3A_370 = tpu.memref_slice %arg8[%dma_wait3A_364, %dma_wait3A_369] : memref<4x80xi32, #tpu.memory_space<vmem>> -> memref<1x80xi32, #tpu.memory_space<vmem>>
          %dma_wait3A_371 = tpu.memref_squeeze %dma_wait3A_370 : memref<1x80xi32, #tpu.memory_space<vmem>> -> memref<80xi32, #tpu.memory_space<vmem>>
          %dma_wait3A_372 = tpu.memref_slice %arg4[%mul3A_345] : memref<320000xi32, #tpu.memory_space<hbm>> -> memref<80xi32, #tpu.memory_space<hbm>>
          tpu.wait_dma2 semaphore(%arg23 : memref<!tpu.dma_semaphore, #tpu.memory_space<semaphore_mem>>) src(%dma_wait3A_372 : memref<80xi32, #tpu.memory_space<hbm>>) dst(%dma_wait3A_371 : memref<80xi32, #tpu.memory_space<vmem>>)
          %dma_wait3A_373 = arith.constant 3 : i32
          %dma_wait3A_374 = arith.constant 0 : i32
          %dma_wait3A_375 = tpu.memref_slice %arg9[%dma_wait3A_373, %dma_wait3A_374] : memref<4x80xi32, #tpu.memory_space<vmem>> -> memref<1x80xi32, #tpu.memory_space<vmem>>
          %dma_wait3A_376 = tpu.memref_squeeze %dma_wait3A_375 : memref<1x80xi32, #tpu.memory_space<vmem>> -> memref<80xi32, #tpu.memory_space<vmem>>
          %dma_wait3A_377 = tpu.memref_slice %arg5[%mul3A_345] : memref<320000xi32, #tpu.memory_space<hbm>> -> memref<80xi32, #tpu.memory_space<hbm>>
          %dma_wait3A_378 = arith.constant 0 : i32
          %dma_wait3A_379 = tpu.memref_slice %arg9[%dma_wait3A_373, %dma_wait3A_378] : memref<4x80xi32, #tpu.memory_space<vmem>> -> memref<1x80xi32, #tpu.memory_space<vmem>>
          %dma_wait3A_380 = tpu.memref_squeeze %dma_wait3A_379 : memref<1x80xi32, #tpu.memory_space<vmem>> -> memref<80xi32, #tpu.memory_space<vmem>>
          %dma_wait3A_381 = tpu.memref_slice %arg5[%mul3A_345] : memref<320000xi32, #tpu.memory_space<hbm>> -> memref<80xi32, #tpu.memory_space<hbm>>
          tpu.wait_dma2 semaphore(%arg23 : memref<!tpu.dma_semaphore, #tpu.memory_space<semaphore_mem>>) src(%dma_wait3A_381 : memref<80xi32, #tpu.memory_space<hbm>>) dst(%dma_wait3A_380 : memref<80xi32, #tpu.memory_space<vmem>>)
          %add3A_382 = arith.constant 2 : i32
          %add3A_383 = arith.addi %add3A_287, %add3A_382 : i32
          %dma_start3A_384 = arith.constant 3 : i32
          %dma_start3A_385 = arith.constant 0 : i32
          %dma_start3A_386 = tpu.memref_slice %arg8[%dma_start3A_384, %dma_start3A_385] : memref<4x80xi32, #tpu.memory_space<vmem>> -> memref<1x80xi32, #tpu.memory_space<vmem>>
          %dma_start3A_387 = tpu.memref_squeeze %dma_start3A_386 : memref<1x80xi32, #tpu.memory_space<vmem>> -> memref<80xi32, #tpu.memory_space<vmem>>
          %dma_start3A_388 = arith.constant 0 : i32
          %dma_start3A_389 = arith.constant 0 : i32
          %dma_start3A_390 = tpu.memref_slice %arg2[%dma_start3A_388, %dma_start3A_389] : memref<10000x128xf32, #tpu.memory_space<hbm>> -> memref<10000x128xf32, #tpu.memory_space<hbm>>
          tpu.enqueue_indirect_dma source(%dma_start3A_390 : memref<10000x128xf32, #tpu.memory_space<hbm>>) target(%arg13 : memref<80x128xf32, #tpu.memory_space<vmem>>) offsets(%dma_start3A_387 : memref<80xi32, #tpu.memory_space<vmem>>) semaphore(%arg18 : memref<!tpu.dma_semaphore, #tpu.memory_space<semaphore_mem>>)
        } else {
        }
        %run_scoped3A_302 = arith.constant 1 : i32
        "tpu.region"() ({
          %run_scoped3A_341 = tpu.sem_alloc : memref<!tpu.dma_semaphore, #tpu.memory_space<semaphore_mem>>
          %dma_start3A_342 = arith.constant 0 : i32
          %dma_start3A_343 = tpu.memref_slice %arg9[%run_scoped3A_302, %dma_start3A_342] : memref<4x80xi32, #tpu.memory_space<vmem>> -> memref<1x80xi32, #tpu.memory_space<vmem>>
          %dma_start3A_344 = tpu.memref_squeeze %dma_start3A_343 : memref<1x80xi32, #tpu.memory_space<vmem>> -> memref<80xi32, #tpu.memory_space<vmem>>
          %dma_start3A_345 = arith.constant 0 : i32
          %dma_start3A_346 = arith.constant 0 : i32
          %dma_start3A_347 = tpu.memref_slice %arg14[%dma_start3A_345, %dma_start3A_346] : memref<10240x128xf32, #tpu.memory_space<vmem_shared>> -> memref<10240x128xf32, #tpu.memory_space<vmem_shared>>
          tpu.enqueue_indirect_dma source(%arg11 : memref<80x128xf32, #tpu.memory_space<vmem>>) target(%dma_start3A_347 : memref<10240x128xf32, #tpu.memory_space<vmem_shared>>) offsets(%dma_start3A_344 : memref<80xi32, #tpu.memory_space<vmem>>) semaphore(%run_scoped3A_341 : memref<!tpu.dma_semaphore, #tpu.memory_space<semaphore_mem>>) {add = true}
          %dma_wait3A_348 = arith.constant 0 : i32
          %dma_wait3A_349 = tpu.memref_slice %arg9[%run_scoped3A_302, %dma_wait3A_348] : memref<4x80xi32, #tpu.memory_space<vmem>> -> memref<1x80xi32, #tpu.memory_space<vmem>>
          %dma_wait3A_350 = tpu.memref_squeeze %dma_wait3A_349 : memref<1x80xi32, #tpu.memory_space<vmem>> -> memref<80xi32, #tpu.memory_space<vmem>>
          %dma_wait3A_351 = arith.constant 0 : i32
          %dma_wait3A_352 = arith.constant 0 : i32
          %dma_wait3A_353 = tpu.memref_slice %arg14[%dma_wait3A_351, %dma_wait3A_352] : memref<10240x128xf32, #tpu.memory_space<vmem_shared>> -> memref<10240x128xf32, #tpu.memory_space<vmem_shared>>
          tpu.wait_indirect_dma semaphore(%run_scoped3A_341 : memref<!tpu.dma_semaphore, #tpu.memory_space<semaphore_mem>>) src(%arg11 : memref<80x128xf32, #tpu.memory_space<vmem>>) dst(%dma_wait3A_353 : memref<10240x128xf32, #tpu.memory_space<vmem_shared>>)
          tpu.yield
        }) : () -> ()
        %mul3A_303 = arith.constant 4 : i32
        %mul3A_304 = arith.muli %scan3A_265, %mul3A_303 : i32
        %add3A_305 = arith.constant 2 : i32
        %add3A_306 = arith.addi %mul3A_304, %add3A_305 : i32
        %dma_wait3A_307 = arith.constant 2 : i32
        %dma_wait3A_308 = arith.constant 0 : i32
        %dma_wait3A_309 = tpu.memref_slice %arg8[%dma_wait3A_307, %dma_wait3A_308] : memref<4x80xi32, #tpu.memory_space<vmem>> -> memref<1x80xi32, #tpu.memory_space<vmem>>
        %dma_wait3A_310 = tpu.memref_squeeze %dma_wait3A_309 : memref<1x80xi32, #tpu.memory_space<vmem>> -> memref<80xi32, #tpu.memory_space<vmem>>
        %dma_wait3A_311 = arith.constant 0 : i32
        %dma_wait3A_312 = arith.constant 0 : i32
        %dma_wait3A_313 = tpu.memref_slice %arg2[%dma_wait3A_311, %dma_wait3A_312] : memref<10000x128xf32, #tpu.memory_space<hbm>> -> memref<10000x128xf32, #tpu.memory_space<hbm>>
        tpu.wait_indirect_dma semaphore(%arg17 : memref<!tpu.dma_semaphore, #tpu.memory_space<semaphore_mem>>) src(%dma_wait3A_313 : memref<10000x128xf32, #tpu.memory_space<hbm>>) dst(%arg12 : memref<80x128xf32, #tpu.memory_space<vmem>>)
        %add3A_314 = arith.constant 2 : i32
        %add3A_315 = arith.addi %add3A_306, %add3A_314 : i32
        %lt3A_316 = arith.constant 125 : i32
        %lt3A_317 = arith.cmpi slt, %add3A_315, %lt3A_316 : i32
        %convert_element_type3A_318 = arith.extui %lt3A_317 : i1 to i32
        %cond3A_319 = arith.constant 0 : i32
        %cond3A_320 = arith.cmpi ne, %convert_element_type3A_318, %cond3A_319 : i32
        scf.if %cond3A_320 {
          %add3A_341 = arith.constant 2 : i32
          %add3A_342 = arith.addi %add3A_306, %add3A_341 : i32
          %add3A_343 = arith.addi %mul3A_2, %add3A_342 : i32
          %mul3A_344 = arith.constant 80 : i32
          %mul3A_345 = arith.muli %add3A_343, %mul3A_344 : i32
          %dma_start3A_346 = arith.constant 0 : i32
          %dma_start3A_347 = arith.constant 0 : i32
          %dma_start3A_348 = tpu.memref_slice %arg8[%dma_start3A_346, %dma_start3A_347] : memref<4x80xi32, #tpu.memory_space<vmem>> -> memref<1x80xi32, #tpu.memory_space<vmem>>
          %dma_start3A_349 = tpu.memref_squeeze %dma_start3A_348 : memref<1x80xi32, #tpu.memory_space<vmem>> -> memref<80xi32, #tpu.memory_space<vmem>>
          %dma_start3A_350 = tpu.memref_slice %arg4[%mul3A_345] : memref<320000xi32, #tpu.memory_space<hbm>> -> memref<80xi32, #tpu.memory_space<hbm>>
          %dma_start3A_351 = arith.constant 0 : i32
          %dma_start3A_352 = tpu.memref_slice %arg8[%dma_start3A_346, %dma_start3A_351] : memref<4x80xi32, #tpu.memory_space<vmem>> -> memref<1x80xi32, #tpu.memory_space<vmem>>
          %dma_start3A_353 = tpu.memref_squeeze %dma_start3A_352 : memref<1x80xi32, #tpu.memory_space<vmem>> -> memref<80xi32, #tpu.memory_space<vmem>>
          %dma_start3A_354 = tpu.memref_slice %arg4[%mul3A_345] : memref<320000xi32, #tpu.memory_space<hbm>> -> memref<80xi32, #tpu.memory_space<hbm>>
          tpu.enqueue_dma source(%dma_start3A_354 : memref<80xi32, #tpu.memory_space<hbm>>) target(%dma_start3A_353 : memref<80xi32, #tpu.memory_space<vmem>>) target_semaphore(%arg23 : memref<!tpu.dma_semaphore, #tpu.memory_space<semaphore_mem>>)
          %dma_start3A_355 = arith.constant 0 : i32
          %dma_start3A_356 = arith.constant 0 : i32
          %dma_start3A_357 = tpu.memref_slice %arg9[%dma_start3A_355, %dma_start3A_356] : memref<4x80xi32, #tpu.memory_space<vmem>> -> memref<1x80xi32, #tpu.memory_space<vmem>>
          %dma_start3A_358 = tpu.memref_squeeze %dma_start3A_357 : memref<1x80xi32, #tpu.memory_space<vmem>> -> memref<80xi32, #tpu.memory_space<vmem>>
          %dma_start3A_359 = tpu.memref_slice %arg5[%mul3A_345] : memref<320000xi32, #tpu.memory_space<hbm>> -> memref<80xi32, #tpu.memory_space<hbm>>
          %dma_start3A_360 = arith.constant 0 : i32
          %dma_start3A_361 = tpu.memref_slice %arg9[%dma_start3A_355, %dma_start3A_360] : memref<4x80xi32, #tpu.memory_space<vmem>> -> memref<1x80xi32, #tpu.memory_space<vmem>>
          %dma_start3A_362 = tpu.memref_squeeze %dma_start3A_361 : memref<1x80xi32, #tpu.memory_space<vmem>> -> memref<80xi32, #tpu.memory_space<vmem>>
          %dma_start3A_363 = tpu.memref_slice %arg5[%mul3A_345] : memref<320000xi32, #tpu.memory_space<hbm>> -> memref<80xi32, #tpu.memory_space<hbm>>
          tpu.enqueue_dma source(%dma_start3A_363 : memref<80xi32, #tpu.memory_space<hbm>>) target(%dma_start3A_362 : memref<80xi32, #tpu.memory_space<vmem>>) target_semaphore(%arg23 : memref<!tpu.dma_semaphore, #tpu.memory_space<semaphore_mem>>)
          %dma_wait3A_364 = arith.constant 0 : i32
          %dma_wait3A_365 = arith.constant 0 : i32
          %dma_wait3A_366 = tpu.memref_slice %arg8[%dma_wait3A_364, %dma_wait3A_365] : memref<4x80xi32, #tpu.memory_space<vmem>> -> memref<1x80xi32, #tpu.memory_space<vmem>>
          %dma_wait3A_367 = tpu.memref_squeeze %dma_wait3A_366 : memref<1x80xi32, #tpu.memory_space<vmem>> -> memref<80xi32, #tpu.memory_space<vmem>>
          %dma_wait3A_368 = tpu.memref_slice %arg4[%mul3A_345] : memref<320000xi32, #tpu.memory_space<hbm>> -> memref<80xi32, #tpu.memory_space<hbm>>
          %dma_wait3A_369 = arith.constant 0 : i32
          %dma_wait3A_370 = tpu.memref_slice %arg8[%dma_wait3A_364, %dma_wait3A_369] : memref<4x80xi32, #tpu.memory_space<vmem>> -> memref<1x80xi32, #tpu.memory_space<vmem>>
          %dma_wait3A_371 = tpu.memref_squeeze %dma_wait3A_370 : memref<1x80xi32, #tpu.memory_space<vmem>> -> memref<80xi32, #tpu.memory_space<vmem>>
          %dma_wait3A_372 = tpu.memref_slice %arg4[%mul3A_345] : memref<320000xi32, #tpu.memory_space<hbm>> -> memref<80xi32, #tpu.memory_space<hbm>>
          tpu.wait_dma2 semaphore(%arg23 : memref<!tpu.dma_semaphore, #tpu.memory_space<semaphore_mem>>) src(%dma_wait3A_372 : memref<80xi32, #tpu.memory_space<hbm>>) dst(%dma_wait3A_371 : memref<80xi32, #tpu.memory_space<vmem>>)
          %dma_wait3A_373 = arith.constant 0 : i32
          %dma_wait3A_374 = arith.constant 0 : i32
          %dma_wait3A_375 = tpu.memref_slice %arg9[%dma_wait3A_373, %dma_wait3A_374] : memref<4x80xi32, #tpu.memory_space<vmem>> -> memref<1x80xi32, #tpu.memory_space<vmem>>
          %dma_wait3A_376 = tpu.memref_squeeze %dma_wait3A_375 : memref<1x80xi32, #tpu.memory_space<vmem>> -> memref<80xi32, #tpu.memory_space<vmem>>
          %dma_wait3A_377 = tpu.memref_slice %arg5[%mul3A_345] : memref<320000xi32, #tpu.memory_space<hbm>> -> memref<80xi32, #tpu.memory_space<hbm>>
          %dma_wait3A_378 = arith.constant 0 : i32
          %dma_wait3A_379 = tpu.memref_slice %arg9[%dma_wait3A_373, %dma_wait3A_378] : memref<4x80xi32, #tpu.memory_space<vmem>> -> memref<1x80xi32, #tpu.memory_space<vmem>>
          %dma_wait3A_380 = tpu.memref_squeeze %dma_wait3A_379 : memref<1x80xi32, #tpu.memory_space<vmem>> -> memref<80xi32, #tpu.memory_space<vmem>>
          %dma_wait3A_381 = tpu.memref_slice %arg5[%mul3A_345] : memref<320000xi32, #tpu.memory_space<hbm>> -> memref<80xi32, #tpu.memory_space<hbm>>
          tpu.wait_dma2 semaphore(%arg23 : memref<!tpu.dma_semaphore, #tpu.memory_space<semaphore_mem>>) src(%dma_wait3A_381 : memref<80xi32, #tpu.memory_space<hbm>>) dst(%dma_wait3A_380 : memref<80xi32, #tpu.memory_space<vmem>>)
          %add3A_382 = arith.constant 2 : i32
          %add3A_383 = arith.addi %add3A_306, %add3A_382 : i32
          %dma_start3A_384 = arith.constant 0 : i32
          %dma_start3A_385 = arith.constant 0 : i32
          %dma_start3A_386 = tpu.memref_slice %arg8[%dma_start3A_384, %dma_start3A_385] : memref<4x80xi32, #tpu.memory_space<vmem>> -> memref<1x80xi32, #tpu.memory_space<vmem>>
          %dma_start3A_387 = tpu.memref_squeeze %dma_start3A_386 : memref<1x80xi32, #tpu.memory_space<vmem>> -> memref<80xi32, #tpu.memory_space<vmem>>
          %dma_start3A_388 = arith.constant 0 : i32
          %dma_start3A_389 = arith.constant 0 : i32
          %dma_start3A_390 = tpu.memref_slice %arg2[%dma_start3A_388, %dma_start3A_389] : memref<10000x128xf32, #tpu.memory_space<hbm>> -> memref<10000x128xf32, #tpu.memory_space<hbm>>
          tpu.enqueue_indirect_dma source(%dma_start3A_390 : memref<10000x128xf32, #tpu.memory_space<hbm>>) target(%arg10 : memref<80x128xf32, #tpu.memory_space<vmem>>) offsets(%dma_start3A_387 : memref<80xi32, #tpu.memory_space<vmem>>) semaphore(%arg15 : memref<!tpu.dma_semaphore, #tpu.memory_space<semaphore_mem>>)
        } else {
        }
        %run_scoped3A_321 = arith.constant 2 : i32
        "tpu.region"() ({
          %run_scoped3A_341 = tpu.sem_alloc : memref<!tpu.dma_semaphore, #tpu.memory_space<semaphore_mem>>
          %dma_start3A_342 = arith.constant 0 : i32
          %dma_start3A_343 = tpu.memref_slice %arg9[%run_scoped3A_321, %dma_start3A_342] : memref<4x80xi32, #tpu.memory_space<vmem>> -> memref<1x80xi32, #tpu.memory_space<vmem>>
          %dma_start3A_344 = tpu.memref_squeeze %dma_start3A_343 : memref<1x80xi32, #tpu.memory_space<vmem>> -> memref<80xi32, #tpu.memory_space<vmem>>
          %dma_start3A_345 = arith.constant 0 : i32
          %dma_start3A_346 = arith.constant 0 : i32
          %dma_start3A_347 = tpu.memref_slice %arg14[%dma_start3A_345, %dma_start3A_346] : memref<10240x128xf32, #tpu.memory_space<vmem_shared>> -> memref<10240x128xf32, #tpu.memory_space<vmem_shared>>
          tpu.enqueue_indirect_dma source(%arg12 : memref<80x128xf32, #tpu.memory_space<vmem>>) target(%dma_start3A_347 : memref<10240x128xf32, #tpu.memory_space<vmem_shared>>) offsets(%dma_start3A_344 : memref<80xi32, #tpu.memory_space<vmem>>) semaphore(%run_scoped3A_341 : memref<!tpu.dma_semaphore, #tpu.memory_space<semaphore_mem>>) {add = true}
          %dma_wait3A_348 = arith.constant 0 : i32
          %dma_wait3A_349 = tpu.memref_slice %arg9[%run_scoped3A_321, %dma_wait3A_348] : memref<4x80xi32, #tpu.memory_space<vmem>> -> memref<1x80xi32, #tpu.memory_space<vmem>>
          %dma_wait3A_350 = tpu.memref_squeeze %dma_wait3A_349 : memref<1x80xi32, #tpu.memory_space<vmem>> -> memref<80xi32, #tpu.memory_space<vmem>>
          %dma_wait3A_351 = arith.constant 0 : i32
          %dma_wait3A_352 = arith.constant 0 : i32
          %dma_wait3A_353 = tpu.memref_slice %arg14[%dma_wait3A_351, %dma_wait3A_352] : memref<10240x128xf32, #tpu.memory_space<vmem_shared>> -> memref<10240x128xf32, #tpu.memory_space<vmem_shared>>
          tpu.wait_indirect_dma semaphore(%run_scoped3A_341 : memref<!tpu.dma_semaphore, #tpu.memory_space<semaphore_mem>>) src(%arg12 : memref<80x128xf32, #tpu.memory_space<vmem>>) dst(%dma_wait3A_353 : memref<10240x128xf32, #tpu.memory_space<vmem_shared>>)
          tpu.yield
        }) : () -> ()
        %mul3A_322 = arith.constant 4 : i32
        %mul3A_323 = arith.muli %scan3A_265, %mul3A_322 : i32
        %add3A_324 = arith.constant 3 : i32
        %add3A_325 = arith.addi %mul3A_323, %add3A_324 : i32
        %dma_wait3A_326 = arith.constant 3 : i32
        %dma_wait3A_327 = arith.constant 0 : i32
        %dma_wait3A_328 = tpu.memref_slice %arg8[%dma_wait3A_326, %dma_wait3A_327] : memref<4x80xi32, #tpu.memory_space<vmem>> -> memref<1x80xi32, #tpu.memory_space<vmem>>
        %dma_wait3A_329 = tpu.memref_squeeze %dma_wait3A_328 : memref<1x80xi32, #tpu.memory_space<vmem>> -> memref<80xi32, #tpu.memory_space<vmem>>
        %dma_wait3A_330 = arith.constant 0 : i32
        %dma_wait3A_331 = arith.constant 0 : i32
        %dma_wait3A_332 = tpu.memref_slice %arg2[%dma_wait3A_330, %dma_wait3A_331] : memref<10000x128xf32, #tpu.memory_space<hbm>> -> memref<10000x128xf32, #tpu.memory_space<hbm>>
        tpu.wait_indirect_dma semaphore(%arg18 : memref<!tpu.dma_semaphore, #tpu.memory_space<semaphore_mem>>) src(%dma_wait3A_332 : memref<10000x128xf32, #tpu.memory_space<hbm>>) dst(%arg13 : memref<80x128xf32, #tpu.memory_space<vmem>>)
        %add3A_333 = arith.constant 2 : i32
        %add3A_334 = arith.addi %add3A_325, %add3A_333 : i32
        %lt3A_335 = arith.constant 125 : i32
        %lt3A_336 = arith.cmpi slt, %add3A_334, %lt3A_335 : i32
        %convert_element_type3A_337 = arith.extui %lt3A_336 : i1 to i32
        %cond3A_338 = arith.constant 0 : i32
        %cond3A_339 = arith.cmpi ne, %convert_element_type3A_337, %cond3A_338 : i32
        scf.if %cond3A_339 {
          %add3A_341 = arith.constant 2 : i32
          %add3A_342 = arith.addi %add3A_325, %add3A_341 : i32
          %add3A_343 = arith.addi %mul3A_2, %add3A_342 : i32
          %mul3A_344 = arith.constant 80 : i32
          %mul3A_345 = arith.muli %add3A_343, %mul3A_344 : i32
          %dma_start3A_346 = arith.constant 1 : i32
          %dma_start3A_347 = arith.constant 0 : i32
          %dma_start3A_348 = tpu.memref_slice %arg8[%dma_start3A_346, %dma_start3A_347] : memref<4x80xi32, #tpu.memory_space<vmem>> -> memref<1x80xi32, #tpu.memory_space<vmem>>
          %dma_start3A_349 = tpu.memref_squeeze %dma_start3A_348 : memref<1x80xi32, #tpu.memory_space<vmem>> -> memref<80xi32, #tpu.memory_space<vmem>>
          %dma_start3A_350 = tpu.memref_slice %arg4[%mul3A_345] : memref<320000xi32, #tpu.memory_space<hbm>> -> memref<80xi32, #tpu.memory_space<hbm>>
          %dma_start3A_351 = arith.constant 0 : i32
          %dma_start3A_352 = tpu.memref_slice %arg8[%dma_start3A_346, %dma_start3A_351] : memref<4x80xi32, #tpu.memory_space<vmem>> -> memref<1x80xi32, #tpu.memory_space<vmem>>
          %dma_start3A_353 = tpu.memref_squeeze %dma_start3A_352 : memref<1x80xi32, #tpu.memory_space<vmem>> -> memref<80xi32, #tpu.memory_space<vmem>>
          %dma_start3A_354 = tpu.memref_slice %arg4[%mul3A_345] : memref<320000xi32, #tpu.memory_space<hbm>> -> memref<80xi32, #tpu.memory_space<hbm>>
          tpu.enqueue_dma source(%dma_start3A_354 : memref<80xi32, #tpu.memory_space<hbm>>) target(%dma_start3A_353 : memref<80xi32, #tpu.memory_space<vmem>>) target_semaphore(%arg23 : memref<!tpu.dma_semaphore, #tpu.memory_space<semaphore_mem>>)
          %dma_start3A_355 = arith.constant 1 : i32
          %dma_start3A_356 = arith.constant 0 : i32
          %dma_start3A_357 = tpu.memref_slice %arg9[%dma_start3A_355, %dma_start3A_356] : memref<4x80xi32, #tpu.memory_space<vmem>> -> memref<1x80xi32, #tpu.memory_space<vmem>>
          %dma_start3A_358 = tpu.memref_squeeze %dma_start3A_357 : memref<1x80xi32, #tpu.memory_space<vmem>> -> memref<80xi32, #tpu.memory_space<vmem>>
          %dma_start3A_359 = tpu.memref_slice %arg5[%mul3A_345] : memref<320000xi32, #tpu.memory_space<hbm>> -> memref<80xi32, #tpu.memory_space<hbm>>
          %dma_start3A_360 = arith.constant 0 : i32
          %dma_start3A_361 = tpu.memref_slice %arg9[%dma_start3A_355, %dma_start3A_360] : memref<4x80xi32, #tpu.memory_space<vmem>> -> memref<1x80xi32, #tpu.memory_space<vmem>>
          %dma_start3A_362 = tpu.memref_squeeze %dma_start3A_361 : memref<1x80xi32, #tpu.memory_space<vmem>> -> memref<80xi32, #tpu.memory_space<vmem>>
          %dma_start3A_363 = tpu.memref_slice %arg5[%mul3A_345] : memref<320000xi32, #tpu.memory_space<hbm>> -> memref<80xi32, #tpu.memory_space<hbm>>
          tpu.enqueue_dma source(%dma_start3A_363 : memref<80xi32, #tpu.memory_space<hbm>>) target(%dma_start3A_362 : memref<80xi32, #tpu.memory_space<vmem>>) target_semaphore(%arg23 : memref<!tpu.dma_semaphore, #tpu.memory_space<semaphore_mem>>)
          %dma_wait3A_364 = arith.constant 1 : i32
          %dma_wait3A_365 = arith.constant 0 : i32
          %dma_wait3A_366 = tpu.memref_slice %arg8[%dma_wait3A_364, %dma_wait3A_365] : memref<4x80xi32, #tpu.memory_space<vmem>> -> memref<1x80xi32, #tpu.memory_space<vmem>>
          %dma_wait3A_367 = tpu.memref_squeeze %dma_wait3A_366 : memref<1x80xi32, #tpu.memory_space<vmem>> -> memref<80xi32, #tpu.memory_space<vmem>>
          %dma_wait3A_368 = tpu.memref_slice %arg4[%mul3A_345] : memref<320000xi32, #tpu.memory_space<hbm>> -> memref<80xi32, #tpu.memory_space<hbm>>
          %dma_wait3A_369 = arith.constant 0 : i32
          %dma_wait3A_370 = tpu.memref_slice %arg8[%dma_wait3A_364, %dma_wait3A_369] : memref<4x80xi32, #tpu.memory_space<vmem>> -> memref<1x80xi32, #tpu.memory_space<vmem>>
          %dma_wait3A_371 = tpu.memref_squeeze %dma_wait3A_370 : memref<1x80xi32, #tpu.memory_space<vmem>> -> memref<80xi32, #tpu.memory_space<vmem>>
          %dma_wait3A_372 = tpu.memref_slice %arg4[%mul3A_345] : memref<320000xi32, #tpu.memory_space<hbm>> -> memref<80xi32, #tpu.memory_space<hbm>>
          tpu.wait_dma2 semaphore(%arg23 : memref<!tpu.dma_semaphore, #tpu.memory_space<semaphore_mem>>) src(%dma_wait3A_372 : memref<80xi32, #tpu.memory_space<hbm>>) dst(%dma_wait3A_371 : memref<80xi32, #tpu.memory_space<vmem>>)
          %dma_wait3A_373 = arith.constant 1 : i32
          %dma_wait3A_374 = arith.constant 0 : i32
          %dma_wait3A_375 = tpu.memref_slice %arg9[%dma_wait3A_373, %dma_wait3A_374] : memref<4x80xi32, #tpu.memory_space<vmem>> -> memref<1x80xi32, #tpu.memory_space<vmem>>
          %dma_wait3A_376 = tpu.memref_squeeze %dma_wait3A_375 : memref<1x80xi32, #tpu.memory_space<vmem>> -> memref<80xi32, #tpu.memory_space<vmem>>
          %dma_wait3A_377 = tpu.memref_slice %arg5[%mul3A_345] : memref<320000xi32, #tpu.memory_space<hbm>> -> memref<80xi32, #tpu.memory_space<hbm>>
          %dma_wait3A_378 = arith.constant 0 : i32
          %dma_wait3A_379 = tpu.memref_slice %arg9[%dma_wait3A_373, %dma_wait3A_378] : memref<4x80xi32, #tpu.memory_space<vmem>> -> memref<1x80xi32, #tpu.memory_space<vmem>>
          %dma_wait3A_380 = tpu.memref_squeeze %dma_wait3A_379 : memref<1x80xi32, #tpu.memory_space<vmem>> -> memref<80xi32, #tpu.memory_space<vmem>>
          %dma_wait3A_381 = tpu.memref_slice %arg5[%mul3A_345] : memref<320000xi32, #tpu.memory_space<hbm>> -> memref<80xi32, #tpu.memory_space<hbm>>
          tpu.wait_dma2 semaphore(%arg23 : memref<!tpu.dma_semaphore, #tpu.memory_space<semaphore_mem>>) src(%dma_wait3A_381 : memref<80xi32, #tpu.memory_space<hbm>>) dst(%dma_wait3A_380 : memref<80xi32, #tpu.memory_space<vmem>>)
          %add3A_382 = arith.constant 2 : i32
          %add3A_383 = arith.addi %add3A_325, %add3A_382 : i32
          %dma_start3A_384 = arith.constant 1 : i32
          %dma_start3A_385 = arith.constant 0 : i32
          %dma_start3A_386 = tpu.memref_slice %arg8[%dma_start3A_384, %dma_start3A_385] : memref<4x80xi32, #tpu.memory_space<vmem>> -> memref<1x80xi32, #tpu.memory_space<vmem>>
          %dma_start3A_387 = tpu.memref_squeeze %dma_start3A_386 : memref<1x80xi32, #tpu.memory_space<vmem>> -> memref<80xi32, #tpu.memory_space<vmem>>
          %dma_start3A_388 = arith.constant 0 : i32
          %dma_start3A_389 = arith.constant 0 : i32
          %dma_start3A_390 = tpu.memref_slice %arg2[%dma_start3A_388, %dma_start3A_389] : memref<10000x128xf32, #tpu.memory_space<hbm>> -> memref<10000x128xf32, #tpu.memory_space<hbm>>
          tpu.enqueue_indirect_dma source(%dma_start3A_390 : memref<10000x128xf32, #tpu.memory_space<hbm>>) target(%arg11 : memref<80x128xf32, #tpu.memory_space<vmem>>) offsets(%dma_start3A_387 : memref<80xi32, #tpu.memory_space<vmem>>) semaphore(%arg16 : memref<!tpu.dma_semaphore, #tpu.memory_space<semaphore_mem>>)
        } else {
        }
        %run_scoped3A_340 = arith.constant 3 : i32
        "tpu.region"() ({
          %run_scoped3A_341 = tpu.sem_alloc : memref<!tpu.dma_semaphore, #tpu.memory_space<semaphore_mem>>
          %dma_start3A_342 = arith.constant 0 : i32
          %dma_start3A_343 = tpu.memref_slice %arg9[%run_scoped3A_340, %dma_start3A_342] : memref<4x80xi32, #tpu.memory_space<vmem>> -> memref<1x80xi32, #tpu.memory_space<vmem>>
          %dma_start3A_344 = tpu.memref_squeeze %dma_start3A_343 : memref<1x80xi32, #tpu.memory_space<vmem>> -> memref<80xi32, #tpu.memory_space<vmem>>
          %dma_start3A_345 = arith.constant 0 : i32
          %dma_start3A_346 = arith.constant 0 : i32
          %dma_start3A_347 = tpu.memref_slice %arg14[%dma_start3A_345, %dma_start3A_346] : memref<10240x128xf32, #tpu.memory_space<vmem_shared>> -> memref<10240x128xf32, #tpu.memory_space<vmem_shared>>
          tpu.enqueue_indirect_dma source(%arg13 : memref<80x128xf32, #tpu.memory_space<vmem>>) target(%dma_start3A_347 : memref<10240x128xf32, #tpu.memory_space<vmem_shared>>) offsets(%dma_start3A_344 : memref<80xi32, #tpu.memory_space<vmem>>) semaphore(%run_scoped3A_341 : memref<!tpu.dma_semaphore, #tpu.memory_space<semaphore_mem>>) {add = true}
          %dma_wait3A_348 = arith.constant 0 : i32
          %dma_wait3A_349 = tpu.memref_slice %arg9[%run_scoped3A_340, %dma_wait3A_348] : memref<4x80xi32, #tpu.memory_space<vmem>> -> memref<1x80xi32, #tpu.memory_space<vmem>>
          %dma_wait3A_350 = tpu.memref_squeeze %dma_wait3A_349 : memref<1x80xi32, #tpu.memory_space<vmem>> -> memref<80xi32, #tpu.memory_space<vmem>>
          %dma_wait3A_351 = arith.constant 0 : i32
          %dma_wait3A_352 = arith.constant 0 : i32
          %dma_wait3A_353 = tpu.memref_slice %arg14[%dma_wait3A_351, %dma_wait3A_352] : memref<10240x128xf32, #tpu.memory_space<vmem_shared>> -> memref<10240x128xf32, #tpu.memory_space<vmem_shared>>
          tpu.wait_indirect_dma semaphore(%run_scoped3A_341 : memref<!tpu.dma_semaphore, #tpu.memory_space<semaphore_mem>>) src(%arg13 : memref<80x128xf32, #tpu.memory_space<vmem>>) dst(%dma_wait3A_353 : memref<10240x128xf32, #tpu.memory_space<vmem_shared>>)
          tpu.yield
        }) : () -> ()
      }
      %scan3A_257 = arith.constant 31 : i32
      %dma_wait3A_258 = arith.constant 0 : i32
      %dma_wait3A_259 = arith.constant 0 : i32
      %dma_wait3A_260 = tpu.memref_slice %arg8[%dma_wait3A_258, %dma_wait3A_259] : memref<4x80xi32, #tpu.memory_space<vmem>> -> memref<1x80xi32, #tpu.memory_space<vmem>>
      %dma_wait3A_261 = tpu.memref_squeeze %dma_wait3A_260 : memref<1x80xi32, #tpu.memory_space<vmem>> -> memref<80xi32, #tpu.memory_space<vmem>>
      %dma_wait3A_262 = arith.constant 0 : i32
      %dma_wait3A_263 = arith.constant 0 : i32
      %dma_wait3A_264 = tpu.memref_slice %arg2[%dma_wait3A_262, %dma_wait3A_263] : memref<10000x128xf32, #tpu.memory_space<hbm>> -> memref<10000x128xf32, #tpu.memory_space<hbm>>
      tpu.wait_indirect_dma semaphore(%arg15 : memref<!tpu.dma_semaphore, #tpu.memory_space<semaphore_mem>>) src(%dma_wait3A_264 : memref<10000x128xf32, #tpu.memory_space<hbm>>) dst(%arg10 : memref<80x128xf32, #tpu.memory_space<vmem>>)
      %run_scoped3A = arith.constant 0 : i32
      "tpu.region"() ({
        %run_scoped3A_265 = tpu.sem_alloc : memref<!tpu.dma_semaphore, #tpu.memory_space<semaphore_mem>>
        %dma_start3A_266 = arith.constant 0 : i32
        %dma_start3A_267 = tpu.memref_slice %arg9[%run_scoped3A, %dma_start3A_266] : memref<4x80xi32, #tpu.memory_space<vmem>> -> memref<1x80xi32, #tpu.memory_space<vmem>>
        %dma_start3A_268 = tpu.memref_squeeze %dma_start3A_267 : memref<1x80xi32, #tpu.memory_space<vmem>> -> memref<80xi32, #tpu.memory_space<vmem>>
        %dma_start3A_269 = arith.constant 0 : i32
        %dma_start3A_270 = arith.constant 0 : i32
        %dma_start3A_271 = tpu.memref_slice %arg14[%dma_start3A_269, %dma_start3A_270] : memref<10240x128xf32, #tpu.memory_space<vmem_shared>> -> memref<10240x128xf32, #tpu.memory_space<vmem_shared>>
        tpu.enqueue_indirect_dma source(%arg10 : memref<80x128xf32, #tpu.memory_space<vmem>>) target(%dma_start3A_271 : memref<10240x128xf32, #tpu.memory_space<vmem_shared>>) offsets(%dma_start3A_268 : memref<80xi32, #tpu.memory_space<vmem>>) semaphore(%run_scoped3A_265 : memref<!tpu.dma_semaphore, #tpu.memory_space<semaphore_mem>>) {add = true}
        %dma_wait3A_272 = arith.constant 0 : i32
        %dma_wait3A_273 = tpu.memref_slice %arg9[%run_scoped3A, %dma_wait3A_272] : memref<4x80xi32, #tpu.memory_space<vmem>> -> memref<1x80xi32, #tpu.memory_space<vmem>>
        %dma_wait3A_274 = tpu.memref_squeeze %dma_wait3A_273 : memref<1x80xi32, #tpu.memory_space<vmem>> -> memref<80xi32, #tpu.memory_space<vmem>>
        %dma_wait3A_275 = arith.constant 0 : i32
        %dma_wait3A_276 = arith.constant 0 : i32
        %dma_wait3A_277 = tpu.memref_slice %arg14[%dma_wait3A_275, %dma_wait3A_276] : memref<10240x128xf32, #tpu.memory_space<vmem_shared>> -> memref<10240x128xf32, #tpu.memory_space<vmem_shared>>
        tpu.wait_indirect_dma semaphore(%run_scoped3A_265 : memref<!tpu.dma_semaphore, #tpu.memory_space<semaphore_mem>>) src(%arg10 : memref<80x128xf32, #tpu.memory_space<vmem>>) dst(%dma_wait3A_277 : memref<10240x128xf32, #tpu.memory_space<vmem_shared>>)
        tpu.yield
      }) : () -> ()
    } else {
    }
    %eq3A_42 = arith.constant 1 : i32
    %eq3A_43 = arith.cmpi eq, %arg0, %eq3A_42 : i32
    %convert_element_type3A_44 = arith.extui %eq3A_43 : i1 to i32
    %cond3A_45 = arith.constant 0 : i32
    %cond3A_46 = arith.cmpi ne, %convert_element_type3A_44, %cond3A_45 : i32
    scf.if %cond3A_46 {
      %add3A_160 = arith.constant 0 : i32
      %add3A_161 = arith.addi %mul3A_2, %add3A_160 : i32
      %mul3A_162 = arith.constant 80 : i32
      %mul3A_163 = arith.muli %add3A_161, %mul3A_162 : i32
      %dma_start3A = arith.constant 0 : i32
      %dma_start3A_164 = arith.constant 0 : i32
      %dma_start3A_165 = tpu.memref_slice %arg8[%dma_start3A, %dma_start3A_164] : memref<4x80xi32, #tpu.memory_space<vmem>> -> memref<1x80xi32, #tpu.memory_space<vmem>>
      %dma_start3A_166 = tpu.memref_squeeze %dma_start3A_165 : memref<1x80xi32, #tpu.memory_space<vmem>> -> memref<80xi32, #tpu.memory_space<vmem>>
      %dma_start3A_167 = tpu.memref_slice %arg4[%mul3A_163] : memref<320000xi32, #tpu.memory_space<hbm>> -> memref<80xi32, #tpu.memory_space<hbm>>
      %dma_start3A_168 = arith.constant 0 : i32
      %dma_start3A_169 = tpu.memref_slice %arg8[%dma_start3A, %dma_start3A_168] : memref<4x80xi32, #tpu.memory_space<vmem>> -> memref<1x80xi32, #tpu.memory_space<vmem>>
      %dma_start3A_170 = tpu.memref_squeeze %dma_start3A_169 : memref<1x80xi32, #tpu.memory_space<vmem>> -> memref<80xi32, #tpu.memory_space<vmem>>
      %dma_start3A_171 = tpu.memref_slice %arg4[%mul3A_163] : memref<320000xi32, #tpu.memory_space<hbm>> -> memref<80xi32, #tpu.memory_space<hbm>>
      tpu.enqueue_dma source(%dma_start3A_171 : memref<80xi32, #tpu.memory_space<hbm>>) target(%dma_start3A_170 : memref<80xi32, #tpu.memory_space<vmem>>) target_semaphore(%arg23 : memref<!tpu.dma_semaphore, #tpu.memory_space<semaphore_mem>>)
      %dma_start3A_172 = arith.constant 0 : i32
      %dma_start3A_173 = arith.constant 0 : i32
      %dma_start3A_174 = tpu.memref_slice %arg9[%dma_start3A_172, %dma_start3A_173] : memref<4x80xi32, #tpu.memory_space<vmem>> -> memref<1x80xi32, #tpu.memory_space<vmem>>
      %dma_start3A_175 = tpu.memref_squeeze %dma_start3A_174 : memref<1x80xi32, #tpu.memory_space<vmem>> -> memref<80xi32, #tpu.memory_space<vmem>>
      %dma_start3A_176 = tpu.memref_slice %arg5[%mul3A_163] : memref<320000xi32, #tpu.memory_space<hbm>> -> memref<80xi32, #tpu.memory_space<hbm>>
      %dma_start3A_177 = arith.constant 0 : i32
      %dma_start3A_178 = tpu.memref_slice %arg9[%dma_start3A_172, %dma_start3A_177] : memref<4x80xi32, #tpu.memory_space<vmem>> -> memref<1x80xi32, #tpu.memory_space<vmem>>
      %dma_start3A_179 = tpu.memref_squeeze %dma_start3A_178 : memref<1x80xi32, #tpu.memory_space<vmem>> -> memref<80xi32, #tpu.memory_space<vmem>>
      %dma_start3A_180 = tpu.memref_slice %arg5[%mul3A_163] : memref<320000xi32, #tpu.memory_space<hbm>> -> memref<80xi32, #tpu.memory_space<hbm>>
      tpu.enqueue_dma source(%dma_start3A_180 : memref<80xi32, #tpu.memory_space<hbm>>) target(%dma_start3A_179 : memref<80xi32, #tpu.memory_space<vmem>>) target_semaphore(%arg23 : memref<!tpu.dma_semaphore, #tpu.memory_space<semaphore_mem>>)
      %dma_wait3A = arith.constant 0 : i32
      %dma_wait3A_181 = arith.constant 0 : i32
      %dma_wait3A_182 = tpu.memref_slice %arg8[%dma_wait3A, %dma_wait3A_181] : memref<4x80xi32, #tpu.memory_space<vmem>> -> memref<1x80xi32, #tpu.memory_space<vmem>>
      %dma_wait3A_183 = tpu.memref_squeeze %dma_wait3A_182 : memref<1x80xi32, #tpu.memory_space<vmem>> -> memref<80xi32, #tpu.memory_space<vmem>>
      %dma_wait3A_184 = tpu.memref_slice %arg4[%mul3A_163] : memref<320000xi32, #tpu.memory_space<hbm>> -> memref<80xi32, #tpu.memory_space<hbm>>
      %dma_wait3A_185 = arith.constant 0 : i32
      %dma_wait3A_186 = tpu.memref_slice %arg8[%dma_wait3A, %dma_wait3A_185] : memref<4x80xi32, #tpu.memory_space<vmem>> -> memref<1x80xi32, #tpu.memory_space<vmem>>
      %dma_wait3A_187 = tpu.memref_squeeze %dma_wait3A_186 : memref<1x80xi32, #tpu.memory_space<vmem>> -> memref<80xi32, #tpu.memory_space<vmem>>
      %dma_wait3A_188 = tpu.memref_slice %arg4[%mul3A_163] : memref<320000xi32, #tpu.memory_space<hbm>> -> memref<80xi32, #tpu.memory_space<hbm>>
      tpu.wait_dma2 semaphore(%arg23 : memref<!tpu.dma_semaphore, #tpu.memory_space<semaphore_mem>>) src(%dma_wait3A_188 : memref<80xi32, #tpu.memory_space<hbm>>) dst(%dma_wait3A_187 : memref<80xi32, #tpu.memory_space<vmem>>)
      %dma_wait3A_189 = arith.constant 0 : i32
      %dma_wait3A_190 = arith.constant 0 : i32
      %dma_wait3A_191 = tpu.memref_slice %arg9[%dma_wait3A_189, %dma_wait3A_190] : memref<4x80xi32, #tpu.memory_space<vmem>> -> memref<1x80xi32, #tpu.memory_space<vmem>>
      %dma_wait3A_192 = tpu.memref_squeeze %dma_wait3A_191 : memref<1x80xi32, #tpu.memory_space<vmem>> -> memref<80xi32, #tpu.memory_space<vmem>>
      %dma_wait3A_193 = tpu.memref_slice %arg5[%mul3A_163] : memref<320000xi32, #tpu.memory_space<hbm>> -> memref<80xi32, #tpu.memory_space<hbm>>
      %dma_wait3A_194 = arith.constant 0 : i32
      %dma_wait3A_195 = tpu.memref_slice %arg9[%dma_wait3A_189, %dma_wait3A_194] : memref<4x80xi32, #tpu.memory_space<vmem>> -> memref<1x80xi32, #tpu.memory_space<vmem>>
      %dma_wait3A_196 = tpu.memref_squeeze %dma_wait3A_195 : memref<1x80xi32, #tpu.memory_space<vmem>> -> memref<80xi32, #tpu.memory_space<vmem>>
      %dma_wait3A_197 = tpu.memref_slice %arg5[%mul3A_163] : memref<320000xi32, #tpu.memory_space<hbm>> -> memref<80xi32, #tpu.memory_space<hbm>>
      tpu.wait_dma2 semaphore(%arg23 : memref<!tpu.dma_semaphore, #tpu.memory_space<semaphore_mem>>) src(%dma_wait3A_197 : memref<80xi32, #tpu.memory_space<hbm>>) dst(%dma_wait3A_196 : memref<80xi32, #tpu.memory_space<vmem>>)
      %dma_start3A_198 = arith.constant 0 : i32
      %dma_start3A_199 = arith.constant 0 : i32
      %dma_start3A_200 = tpu.memref_slice %arg8[%dma_start3A_198, %dma_start3A_199] : memref<4x80xi32, #tpu.memory_space<vmem>> -> memref<1x80xi32, #tpu.memory_space<vmem>>
      %dma_start3A_201 = tpu.memref_squeeze %dma_start3A_200 : memref<1x80xi32, #tpu.memory_space<vmem>> -> memref<80xi32, #tpu.memory_space<vmem>>
      %dma_start3A_202 = arith.constant 0 : i32
      %dma_start3A_203 = arith.constant 0 : i32
      %dma_start3A_204 = tpu.memref_slice %arg3[%dma_start3A_202, %dma_start3A_203] : memref<10000x128xf32, #tpu.memory_space<hbm>> -> memref<10000x128xf32, #tpu.memory_space<hbm>>
      tpu.enqueue_indirect_dma source(%dma_start3A_204 : memref<10000x128xf32, #tpu.memory_space<hbm>>) target(%arg10 : memref<80x128xf32, #tpu.memory_space<vmem>>) offsets(%dma_start3A_201 : memref<80xi32, #tpu.memory_space<vmem>>) semaphore(%arg15 : memref<!tpu.dma_semaphore, #tpu.memory_space<semaphore_mem>>)
      %add3A_205 = arith.constant 1 : i32
      %add3A_206 = arith.addi %mul3A_2, %add3A_205 : i32
      %mul3A_207 = arith.constant 80 : i32
      %mul3A_208 = arith.muli %add3A_206, %mul3A_207 : i32
      %dma_start3A_209 = arith.constant 1 : i32
      %dma_start3A_210 = arith.constant 0 : i32
      %dma_start3A_211 = tpu.memref_slice %arg8[%dma_start3A_209, %dma_start3A_210] : memref<4x80xi32, #tpu.memory_space<vmem>> -> memref<1x80xi32, #tpu.memory_space<vmem>>
      %dma_start3A_212 = tpu.memref_squeeze %dma_start3A_211 : memref<1x80xi32, #tpu.memory_space<vmem>> -> memref<80xi32, #tpu.memory_space<vmem>>
      %dma_start3A_213 = tpu.memref_slice %arg4[%mul3A_208] : memref<320000xi32, #tpu.memory_space<hbm>> -> memref<80xi32, #tpu.memory_space<hbm>>
      %dma_start3A_214 = arith.constant 0 : i32
      %dma_start3A_215 = tpu.memref_slice %arg8[%dma_start3A_209, %dma_start3A_214] : memref<4x80xi32, #tpu.memory_space<vmem>> -> memref<1x80xi32, #tpu.memory_space<vmem>>
      %dma_start3A_216 = tpu.memref_squeeze %dma_start3A_215 : memref<1x80xi32, #tpu.memory_space<vmem>> -> memref<80xi32, #tpu.memory_space<vmem>>
      %dma_start3A_217 = tpu.memref_slice %arg4[%mul3A_208] : memref<320000xi32, #tpu.memory_space<hbm>> -> memref<80xi32, #tpu.memory_space<hbm>>
      tpu.enqueue_dma source(%dma_start3A_217 : memref<80xi32, #tpu.memory_space<hbm>>) target(%dma_start3A_216 : memref<80xi32, #tpu.memory_space<vmem>>) target_semaphore(%arg23 : memref<!tpu.dma_semaphore, #tpu.memory_space<semaphore_mem>>)
      %dma_start3A_218 = arith.constant 1 : i32
      %dma_start3A_219 = arith.constant 0 : i32
      %dma_start3A_220 = tpu.memref_slice %arg9[%dma_start3A_218, %dma_start3A_219] : memref<4x80xi32, #tpu.memory_space<vmem>> -> memref<1x80xi32, #tpu.memory_space<vmem>>
      %dma_start3A_221 = tpu.memref_squeeze %dma_start3A_220 : memref<1x80xi32, #tpu.memory_space<vmem>> -> memref<80xi32, #tpu.memory_space<vmem>>
      %dma_start3A_222 = tpu.memref_slice %arg5[%mul3A_208] : memref<320000xi32, #tpu.memory_space<hbm>> -> memref<80xi32, #tpu.memory_space<hbm>>
      %dma_start3A_223 = arith.constant 0 : i32
      %dma_start3A_224 = tpu.memref_slice %arg9[%dma_start3A_218, %dma_start3A_223] : memref<4x80xi32, #tpu.memory_space<vmem>> -> memref<1x80xi32, #tpu.memory_space<vmem>>
      %dma_start3A_225 = tpu.memref_squeeze %dma_start3A_224 : memref<1x80xi32, #tpu.memory_space<vmem>> -> memref<80xi32, #tpu.memory_space<vmem>>
      %dma_start3A_226 = tpu.memref_slice %arg5[%mul3A_208] : memref<320000xi32, #tpu.memory_space<hbm>> -> memref<80xi32, #tpu.memory_space<hbm>>
      tpu.enqueue_dma source(%dma_start3A_226 : memref<80xi32, #tpu.memory_space<hbm>>) target(%dma_start3A_225 : memref<80xi32, #tpu.memory_space<vmem>>) target_semaphore(%arg23 : memref<!tpu.dma_semaphore, #tpu.memory_space<semaphore_mem>>)
      %dma_wait3A_227 = arith.constant 1 : i32
      %dma_wait3A_228 = arith.constant 0 : i32
      %dma_wait3A_229 = tpu.memref_slice %arg8[%dma_wait3A_227, %dma_wait3A_228] : memref<4x80xi32, #tpu.memory_space<vmem>> -> memref<1x80xi32, #tpu.memory_space<vmem>>
      %dma_wait3A_230 = tpu.memref_squeeze %dma_wait3A_229 : memref<1x80xi32, #tpu.memory_space<vmem>> -> memref<80xi32, #tpu.memory_space<vmem>>
      %dma_wait3A_231 = tpu.memref_slice %arg4[%mul3A_208] : memref<320000xi32, #tpu.memory_space<hbm>> -> memref<80xi32, #tpu.memory_space<hbm>>
      %dma_wait3A_232 = arith.constant 0 : i32
      %dma_wait3A_233 = tpu.memref_slice %arg8[%dma_wait3A_227, %dma_wait3A_232] : memref<4x80xi32, #tpu.memory_space<vmem>> -> memref<1x80xi32, #tpu.memory_space<vmem>>
      %dma_wait3A_234 = tpu.memref_squeeze %dma_wait3A_233 : memref<1x80xi32, #tpu.memory_space<vmem>> -> memref<80xi32, #tpu.memory_space<vmem>>
      %dma_wait3A_235 = tpu.memref_slice %arg4[%mul3A_208] : memref<320000xi32, #tpu.memory_space<hbm>> -> memref<80xi32, #tpu.memory_space<hbm>>
      tpu.wait_dma2 semaphore(%arg23 : memref<!tpu.dma_semaphore, #tpu.memory_space<semaphore_mem>>) src(%dma_wait3A_235 : memref<80xi32, #tpu.memory_space<hbm>>) dst(%dma_wait3A_234 : memref<80xi32, #tpu.memory_space<vmem>>)
      %dma_wait3A_236 = arith.constant 1 : i32
      %dma_wait3A_237 = arith.constant 0 : i32
      %dma_wait3A_238 = tpu.memref_slice %arg9[%dma_wait3A_236, %dma_wait3A_237] : memref<4x80xi32, #tpu.memory_space<vmem>> -> memref<1x80xi32, #tpu.memory_space<vmem>>
      %dma_wait3A_239 = tpu.memref_squeeze %dma_wait3A_238 : memref<1x80xi32, #tpu.memory_space<vmem>> -> memref<80xi32, #tpu.memory_space<vmem>>
      %dma_wait3A_240 = tpu.memref_slice %arg5[%mul3A_208] : memref<320000xi32, #tpu.memory_space<hbm>> -> memref<80xi32, #tpu.memory_space<hbm>>
      %dma_wait3A_241 = arith.constant 0 : i32
      %dma_wait3A_242 = tpu.memref_slice %arg9[%dma_wait3A_236, %dma_wait3A_241] : memref<4x80xi32, #tpu.memory_space<vmem>> -> memref<1x80xi32, #tpu.memory_space<vmem>>
      %dma_wait3A_243 = tpu.memref_squeeze %dma_wait3A_242 : memref<1x80xi32, #tpu.memory_space<vmem>> -> memref<80xi32, #tpu.memory_space<vmem>>
      %dma_wait3A_244 = tpu.memref_slice %arg5[%mul3A_208] : memref<320000xi32, #tpu.memory_space<hbm>> -> memref<80xi32, #tpu.memory_space<hbm>>
      tpu.wait_dma2 semaphore(%arg23 : memref<!tpu.dma_semaphore, #tpu.memory_space<semaphore_mem>>) src(%dma_wait3A_244 : memref<80xi32, #tpu.memory_space<hbm>>) dst(%dma_wait3A_243 : memref<80xi32, #tpu.memory_space<vmem>>)
      %dma_start3A_245 = arith.constant 1 : i32
      %dma_start3A_246 = arith.constant 0 : i32
      %dma_start3A_247 = tpu.memref_slice %arg8[%dma_start3A_245, %dma_start3A_246] : memref<4x80xi32, #tpu.memory_space<vmem>> -> memref<1x80xi32, #tpu.memory_space<vmem>>
      %dma_start3A_248 = tpu.memref_squeeze %dma_start3A_247 : memref<1x80xi32, #tpu.memory_space<vmem>> -> memref<80xi32, #tpu.memory_space<vmem>>
      %dma_start3A_249 = arith.constant 0 : i32
      %dma_start3A_250 = arith.constant 0 : i32
      %dma_start3A_251 = tpu.memref_slice %arg3[%dma_start3A_249, %dma_start3A_250] : memref<10000x128xf32, #tpu.memory_space<hbm>> -> memref<10000x128xf32, #tpu.memory_space<hbm>>
      tpu.enqueue_indirect_dma source(%dma_start3A_251 : memref<10000x128xf32, #tpu.memory_space<hbm>>) target(%arg11 : memref<80x128xf32, #tpu.memory_space<vmem>>) offsets(%dma_start3A_248 : memref<80xi32, #tpu.memory_space<vmem>>) semaphore(%arg16 : memref<!tpu.dma_semaphore, #tpu.memory_space<semaphore_mem>>)
      %scan3A_252 = arith.constant 0 : i32
      %scan3A_253 = arith.constant 0 : i32
      %scan3A_254 = arith.constant 31 : i32
      %scan3A_255 = arith.addi %scan3A_253, %scan3A_254 : i32
      %scan3A_256 = arith.constant 1 : i32
      scf.for %scan3A_265 = %scan3A_253 to %scan3A_255 step %scan3A_256  : i32 {
        %mul3A_266 = arith.constant 4 : i32
        %mul3A_267 = arith.muli %scan3A_265, %mul3A_266 : i32
        %add3A_268 = arith.constant 0 : i32
        %add3A_269 = arith.addi %mul3A_267, %add3A_268 : i32
        %dma_wait3A_270 = arith.constant 0 : i32
        %dma_wait3A_271 = arith.constant 0 : i32
        %dma_wait3A_272 = tpu.memref_slice %arg8[%dma_wait3A_270, %dma_wait3A_271] : memref<4x80xi32, #tpu.memory_space<vmem>> -> memref<1x80xi32, #tpu.memory_space<vmem>>
        %dma_wait3A_273 = tpu.memref_squeeze %dma_wait3A_272 : memref<1x80xi32, #tpu.memory_space<vmem>> -> memref<80xi32, #tpu.memory_space<vmem>>
        %dma_wait3A_274 = arith.constant 0 : i32
        %dma_wait3A_275 = arith.constant 0 : i32
        %dma_wait3A_276 = tpu.memref_slice %arg3[%dma_wait3A_274, %dma_wait3A_275] : memref<10000x128xf32, #tpu.memory_space<hbm>> -> memref<10000x128xf32, #tpu.memory_space<hbm>>
        tpu.wait_indirect_dma semaphore(%arg15 : memref<!tpu.dma_semaphore, #tpu.memory_space<semaphore_mem>>) src(%dma_wait3A_276 : memref<10000x128xf32, #tpu.memory_space<hbm>>) dst(%arg10 : memref<80x128xf32, #tpu.memory_space<vmem>>)
        %add3A_277 = arith.constant 2 : i32
        %add3A_278 = arith.addi %add3A_269, %add3A_277 : i32
        %lt3A = arith.constant 125 : i32
        %lt3A_279 = arith.cmpi slt, %add3A_278, %lt3A : i32
        %convert_element_type3A_280 = arith.extui %lt3A_279 : i1 to i32
        %cond3A_281 = arith.constant 0 : i32
        %cond3A_282 = arith.cmpi ne, %convert_element_type3A_280, %cond3A_281 : i32
        scf.if %cond3A_282 {
          %add3A_341 = arith.constant 2 : i32
          %add3A_342 = arith.addi %add3A_269, %add3A_341 : i32
          %add3A_343 = arith.addi %mul3A_2, %add3A_342 : i32
          %mul3A_344 = arith.constant 80 : i32
          %mul3A_345 = arith.muli %add3A_343, %mul3A_344 : i32
          %dma_start3A_346 = arith.constant 2 : i32
          %dma_start3A_347 = arith.constant 0 : i32
          %dma_start3A_348 = tpu.memref_slice %arg8[%dma_start3A_346, %dma_start3A_347] : memref<4x80xi32, #tpu.memory_space<vmem>> -> memref<1x80xi32, #tpu.memory_space<vmem>>
          %dma_start3A_349 = tpu.memref_squeeze %dma_start3A_348 : memref<1x80xi32, #tpu.memory_space<vmem>> -> memref<80xi32, #tpu.memory_space<vmem>>
          %dma_start3A_350 = tpu.memref_slice %arg4[%mul3A_345] : memref<320000xi32, #tpu.memory_space<hbm>> -> memref<80xi32, #tpu.memory_space<hbm>>
          %dma_start3A_351 = arith.constant 0 : i32
          %dma_start3A_352 = tpu.memref_slice %arg8[%dma_start3A_346, %dma_start3A_351] : memref<4x80xi32, #tpu.memory_space<vmem>> -> memref<1x80xi32, #tpu.memory_space<vmem>>
          %dma_start3A_353 = tpu.memref_squeeze %dma_start3A_352 : memref<1x80xi32, #tpu.memory_space<vmem>> -> memref<80xi32, #tpu.memory_space<vmem>>
          %dma_start3A_354 = tpu.memref_slice %arg4[%mul3A_345] : memref<320000xi32, #tpu.memory_space<hbm>> -> memref<80xi32, #tpu.memory_space<hbm>>
          tpu.enqueue_dma source(%dma_start3A_354 : memref<80xi32, #tpu.memory_space<hbm>>) target(%dma_start3A_353 : memref<80xi32, #tpu.memory_space<vmem>>) target_semaphore(%arg23 : memref<!tpu.dma_semaphore, #tpu.memory_space<semaphore_mem>>)
          %dma_start3A_355 = arith.constant 2 : i32
          %dma_start3A_356 = arith.constant 0 : i32
          %dma_start3A_357 = tpu.memref_slice %arg9[%dma_start3A_355, %dma_start3A_356] : memref<4x80xi32, #tpu.memory_space<vmem>> -> memref<1x80xi32, #tpu.memory_space<vmem>>
          %dma_start3A_358 = tpu.memref_squeeze %dma_start3A_357 : memref<1x80xi32, #tpu.memory_space<vmem>> -> memref<80xi32, #tpu.memory_space<vmem>>
          %dma_start3A_359 = tpu.memref_slice %arg5[%mul3A_345] : memref<320000xi32, #tpu.memory_space<hbm>> -> memref<80xi32, #tpu.memory_space<hbm>>
          %dma_start3A_360 = arith.constant 0 : i32
          %dma_start3A_361 = tpu.memref_slice %arg9[%dma_start3A_355, %dma_start3A_360] : memref<4x80xi32, #tpu.memory_space<vmem>> -> memref<1x80xi32, #tpu.memory_space<vmem>>
          %dma_start3A_362 = tpu.memref_squeeze %dma_start3A_361 : memref<1x80xi32, #tpu.memory_space<vmem>> -> memref<80xi32, #tpu.memory_space<vmem>>
          %dma_start3A_363 = tpu.memref_slice %arg5[%mul3A_345] : memref<320000xi32, #tpu.memory_space<hbm>> -> memref<80xi32, #tpu.memory_space<hbm>>
          tpu.enqueue_dma source(%dma_start3A_363 : memref<80xi32, #tpu.memory_space<hbm>>) target(%dma_start3A_362 : memref<80xi32, #tpu.memory_space<vmem>>) target_semaphore(%arg23 : memref<!tpu.dma_semaphore, #tpu.memory_space<semaphore_mem>>)
          %dma_wait3A_364 = arith.constant 2 : i32
          %dma_wait3A_365 = arith.constant 0 : i32
          %dma_wait3A_366 = tpu.memref_slice %arg8[%dma_wait3A_364, %dma_wait3A_365] : memref<4x80xi32, #tpu.memory_space<vmem>> -> memref<1x80xi32, #tpu.memory_space<vmem>>
          %dma_wait3A_367 = tpu.memref_squeeze %dma_wait3A_366 : memref<1x80xi32, #tpu.memory_space<vmem>> -> memref<80xi32, #tpu.memory_space<vmem>>
          %dma_wait3A_368 = tpu.memref_slice %arg4[%mul3A_345] : memref<320000xi32, #tpu.memory_space<hbm>> -> memref<80xi32, #tpu.memory_space<hbm>>
          %dma_wait3A_369 = arith.constant 0 : i32
          %dma_wait3A_370 = tpu.memref_slice %arg8[%dma_wait3A_364, %dma_wait3A_369] : memref<4x80xi32, #tpu.memory_space<vmem>> -> memref<1x80xi32, #tpu.memory_space<vmem>>
          %dma_wait3A_371 = tpu.memref_squeeze %dma_wait3A_370 : memref<1x80xi32, #tpu.memory_space<vmem>> -> memref<80xi32, #tpu.memory_space<vmem>>
          %dma_wait3A_372 = tpu.memref_slice %arg4[%mul3A_345] : memref<320000xi32, #tpu.memory_space<hbm>> -> memref<80xi32, #tpu.memory_space<hbm>>
          tpu.wait_dma2 semaphore(%arg23 : memref<!tpu.dma_semaphore, #tpu.memory_space<semaphore_mem>>) src(%dma_wait3A_372 : memref<80xi32, #tpu.memory_space<hbm>>) dst(%dma_wait3A_371 : memref<80xi32, #tpu.memory_space<vmem>>)
          %dma_wait3A_373 = arith.constant 2 : i32
          %dma_wait3A_374 = arith.constant 0 : i32
          %dma_wait3A_375 = tpu.memref_slice %arg9[%dma_wait3A_373, %dma_wait3A_374] : memref<4x80xi32, #tpu.memory_space<vmem>> -> memref<1x80xi32, #tpu.memory_space<vmem>>
          %dma_wait3A_376 = tpu.memref_squeeze %dma_wait3A_375 : memref<1x80xi32, #tpu.memory_space<vmem>> -> memref<80xi32, #tpu.memory_space<vmem>>
          %dma_wait3A_377 = tpu.memref_slice %arg5[%mul3A_345] : memref<320000xi32, #tpu.memory_space<hbm>> -> memref<80xi32, #tpu.memory_space<hbm>>
          %dma_wait3A_378 = arith.constant 0 : i32
          %dma_wait3A_379 = tpu.memref_slice %arg9[%dma_wait3A_373, %dma_wait3A_378] : memref<4x80xi32, #tpu.memory_space<vmem>> -> memref<1x80xi32, #tpu.memory_space<vmem>>
          %dma_wait3A_380 = tpu.memref_squeeze %dma_wait3A_379 : memref<1x80xi32, #tpu.memory_space<vmem>> -> memref<80xi32, #tpu.memory_space<vmem>>
          %dma_wait3A_381 = tpu.memref_slice %arg5[%mul3A_345] : memref<320000xi32, #tpu.memory_space<hbm>> -> memref<80xi32, #tpu.memory_space<hbm>>
          tpu.wait_dma2 semaphore(%arg23 : memref<!tpu.dma_semaphore, #tpu.memory_space<semaphore_mem>>) src(%dma_wait3A_381 : memref<80xi32, #tpu.memory_space<hbm>>) dst(%dma_wait3A_380 : memref<80xi32, #tpu.memory_space<vmem>>)
          %add3A_382 = arith.constant 2 : i32
          %add3A_383 = arith.addi %add3A_269, %add3A_382 : i32
          %dma_start3A_384 = arith.constant 2 : i32
          %dma_start3A_385 = arith.constant 0 : i32
          %dma_start3A_386 = tpu.memref_slice %arg8[%dma_start3A_384, %dma_start3A_385] : memref<4x80xi32, #tpu.memory_space<vmem>> -> memref<1x80xi32, #tpu.memory_space<vmem>>
          %dma_start3A_387 = tpu.memref_squeeze %dma_start3A_386 : memref<1x80xi32, #tpu.memory_space<vmem>> -> memref<80xi32, #tpu.memory_space<vmem>>
          %dma_start3A_388 = arith.constant 0 : i32
          %dma_start3A_389 = arith.constant 0 : i32
          %dma_start3A_390 = tpu.memref_slice %arg3[%dma_start3A_388, %dma_start3A_389] : memref<10000x128xf32, #tpu.memory_space<hbm>> -> memref<10000x128xf32, #tpu.memory_space<hbm>>
          tpu.enqueue_indirect_dma source(%dma_start3A_390 : memref<10000x128xf32, #tpu.memory_space<hbm>>) target(%arg12 : memref<80x128xf32, #tpu.memory_space<vmem>>) offsets(%dma_start3A_387 : memref<80xi32, #tpu.memory_space<vmem>>) semaphore(%arg17 : memref<!tpu.dma_semaphore, #tpu.memory_space<semaphore_mem>>)
        } else {
        }
        %run_scoped3A_283 = arith.constant 0 : i32
        "tpu.region"() ({
          %run_scoped3A_341 = tpu.sem_alloc : memref<!tpu.dma_semaphore, #tpu.memory_space<semaphore_mem>>
          %dma_start3A_342 = arith.constant 0 : i32
          %dma_start3A_343 = tpu.memref_slice %arg9[%run_scoped3A_283, %dma_start3A_342] : memref<4x80xi32, #tpu.memory_space<vmem>> -> memref<1x80xi32, #tpu.memory_space<vmem>>
          %dma_start3A_344 = tpu.memref_squeeze %dma_start3A_343 : memref<1x80xi32, #tpu.memory_space<vmem>> -> memref<80xi32, #tpu.memory_space<vmem>>
          %dma_start3A_345 = arith.constant 0 : i32
          %dma_start3A_346 = arith.constant 0 : i32
          %dma_start3A_347 = tpu.memref_slice %arg14[%dma_start3A_345, %dma_start3A_346] : memref<10240x128xf32, #tpu.memory_space<vmem_shared>> -> memref<10240x128xf32, #tpu.memory_space<vmem_shared>>
          tpu.enqueue_indirect_dma source(%arg10 : memref<80x128xf32, #tpu.memory_space<vmem>>) target(%dma_start3A_347 : memref<10240x128xf32, #tpu.memory_space<vmem_shared>>) offsets(%dma_start3A_344 : memref<80xi32, #tpu.memory_space<vmem>>) semaphore(%run_scoped3A_341 : memref<!tpu.dma_semaphore, #tpu.memory_space<semaphore_mem>>) {add = true}
          %dma_wait3A_348 = arith.constant 0 : i32
          %dma_wait3A_349 = tpu.memref_slice %arg9[%run_scoped3A_283, %dma_wait3A_348] : memref<4x80xi32, #tpu.memory_space<vmem>> -> memref<1x80xi32, #tpu.memory_space<vmem>>
          %dma_wait3A_350 = tpu.memref_squeeze %dma_wait3A_349 : memref<1x80xi32, #tpu.memory_space<vmem>> -> memref<80xi32, #tpu.memory_space<vmem>>
          %dma_wait3A_351 = arith.constant 0 : i32
          %dma_wait3A_352 = arith.constant 0 : i32
          %dma_wait3A_353 = tpu.memref_slice %arg14[%dma_wait3A_351, %dma_wait3A_352] : memref<10240x128xf32, #tpu.memory_space<vmem_shared>> -> memref<10240x128xf32, #tpu.memory_space<vmem_shared>>
          tpu.wait_indirect_dma semaphore(%run_scoped3A_341 : memref<!tpu.dma_semaphore, #tpu.memory_space<semaphore_mem>>) src(%arg10 : memref<80x128xf32, #tpu.memory_space<vmem>>) dst(%dma_wait3A_353 : memref<10240x128xf32, #tpu.memory_space<vmem_shared>>)
          tpu.yield
        }) : () -> ()
        %mul3A_284 = arith.constant 4 : i32
        %mul3A_285 = arith.muli %scan3A_265, %mul3A_284 : i32
        %add3A_286 = arith.constant 1 : i32
        %add3A_287 = arith.addi %mul3A_285, %add3A_286 : i32
        %dma_wait3A_288 = arith.constant 1 : i32
        %dma_wait3A_289 = arith.constant 0 : i32
        %dma_wait3A_290 = tpu.memref_slice %arg8[%dma_wait3A_288, %dma_wait3A_289] : memref<4x80xi32, #tpu.memory_space<vmem>> -> memref<1x80xi32, #tpu.memory_space<vmem>>
        %dma_wait3A_291 = tpu.memref_squeeze %dma_wait3A_290 : memref<1x80xi32, #tpu.memory_space<vmem>> -> memref<80xi32, #tpu.memory_space<vmem>>
        %dma_wait3A_292 = arith.constant 0 : i32
        %dma_wait3A_293 = arith.constant 0 : i32
        %dma_wait3A_294 = tpu.memref_slice %arg3[%dma_wait3A_292, %dma_wait3A_293] : memref<10000x128xf32, #tpu.memory_space<hbm>> -> memref<10000x128xf32, #tpu.memory_space<hbm>>
        tpu.wait_indirect_dma semaphore(%arg16 : memref<!tpu.dma_semaphore, #tpu.memory_space<semaphore_mem>>) src(%dma_wait3A_294 : memref<10000x128xf32, #tpu.memory_space<hbm>>) dst(%arg11 : memref<80x128xf32, #tpu.memory_space<vmem>>)
        %add3A_295 = arith.constant 2 : i32
        %add3A_296 = arith.addi %add3A_287, %add3A_295 : i32
        %lt3A_297 = arith.constant 125 : i32
        %lt3A_298 = arith.cmpi slt, %add3A_296, %lt3A_297 : i32
        %convert_element_type3A_299 = arith.extui %lt3A_298 : i1 to i32
        %cond3A_300 = arith.constant 0 : i32
        %cond3A_301 = arith.cmpi ne, %convert_element_type3A_299, %cond3A_300 : i32
        scf.if %cond3A_301 {
          %add3A_341 = arith.constant 2 : i32
          %add3A_342 = arith.addi %add3A_287, %add3A_341 : i32
          %add3A_343 = arith.addi %mul3A_2, %add3A_342 : i32
          %mul3A_344 = arith.constant 80 : i32
          %mul3A_345 = arith.muli %add3A_343, %mul3A_344 : i32
          %dma_start3A_346 = arith.constant 3 : i32
          %dma_start3A_347 = arith.constant 0 : i32
          %dma_start3A_348 = tpu.memref_slice %arg8[%dma_start3A_346, %dma_start3A_347] : memref<4x80xi32, #tpu.memory_space<vmem>> -> memref<1x80xi32, #tpu.memory_space<vmem>>
          %dma_start3A_349 = tpu.memref_squeeze %dma_start3A_348 : memref<1x80xi32, #tpu.memory_space<vmem>> -> memref<80xi32, #tpu.memory_space<vmem>>
          %dma_start3A_350 = tpu.memref_slice %arg4[%mul3A_345] : memref<320000xi32, #tpu.memory_space<hbm>> -> memref<80xi32, #tpu.memory_space<hbm>>
          %dma_start3A_351 = arith.constant 0 : i32
          %dma_start3A_352 = tpu.memref_slice %arg8[%dma_start3A_346, %dma_start3A_351] : memref<4x80xi32, #tpu.memory_space<vmem>> -> memref<1x80xi32, #tpu.memory_space<vmem>>
          %dma_start3A_353 = tpu.memref_squeeze %dma_start3A_352 : memref<1x80xi32, #tpu.memory_space<vmem>> -> memref<80xi32, #tpu.memory_space<vmem>>
          %dma_start3A_354 = tpu.memref_slice %arg4[%mul3A_345] : memref<320000xi32, #tpu.memory_space<hbm>> -> memref<80xi32, #tpu.memory_space<hbm>>
          tpu.enqueue_dma source(%dma_start3A_354 : memref<80xi32, #tpu.memory_space<hbm>>) target(%dma_start3A_353 : memref<80xi32, #tpu.memory_space<vmem>>) target_semaphore(%arg23 : memref<!tpu.dma_semaphore, #tpu.memory_space<semaphore_mem>>)
          %dma_start3A_355 = arith.constant 3 : i32
          %dma_start3A_356 = arith.constant 0 : i32
          %dma_start3A_357 = tpu.memref_slice %arg9[%dma_start3A_355, %dma_start3A_356] : memref<4x80xi32, #tpu.memory_space<vmem>> -> memref<1x80xi32, #tpu.memory_space<vmem>>
          %dma_start3A_358 = tpu.memref_squeeze %dma_start3A_357 : memref<1x80xi32, #tpu.memory_space<vmem>> -> memref<80xi32, #tpu.memory_space<vmem>>
          %dma_start3A_359 = tpu.memref_slice %arg5[%mul3A_345] : memref<320000xi32, #tpu.memory_space<hbm>> -> memref<80xi32, #tpu.memory_space<hbm>>
          %dma_start3A_360 = arith.constant 0 : i32
          %dma_start3A_361 = tpu.memref_slice %arg9[%dma_start3A_355, %dma_start3A_360] : memref<4x80xi32, #tpu.memory_space<vmem>> -> memref<1x80xi32, #tpu.memory_space<vmem>>
          %dma_start3A_362 = tpu.memref_squeeze %dma_start3A_361 : memref<1x80xi32, #tpu.memory_space<vmem>> -> memref<80xi32, #tpu.memory_space<vmem>>
          %dma_start3A_363 = tpu.memref_slice %arg5[%mul3A_345] : memref<320000xi32, #tpu.memory_space<hbm>> -> memref<80xi32, #tpu.memory_space<hbm>>
          tpu.enqueue_dma source(%dma_start3A_363 : memref<80xi32, #tpu.memory_space<hbm>>) target(%dma_start3A_362 : memref<80xi32, #tpu.memory_space<vmem>>) target_semaphore(%arg23 : memref<!tpu.dma_semaphore, #tpu.memory_space<semaphore_mem>>)
          %dma_wait3A_364 = arith.constant 3 : i32
          %dma_wait3A_365 = arith.constant 0 : i32
          %dma_wait3A_366 = tpu.memref_slice %arg8[%dma_wait3A_364, %dma_wait3A_365] : memref<4x80xi32, #tpu.memory_space<vmem>> -> memref<1x80xi32, #tpu.memory_space<vmem>>
          %dma_wait3A_367 = tpu.memref_squeeze %dma_wait3A_366 : memref<1x80xi32, #tpu.memory_space<vmem>> -> memref<80xi32, #tpu.memory_space<vmem>>
          %dma_wait3A_368 = tpu.memref_slice %arg4[%mul3A_345] : memref<320000xi32, #tpu.memory_space<hbm>> -> memref<80xi32, #tpu.memory_space<hbm>>
          %dma_wait3A_369 = arith.constant 0 : i32
          %dma_wait3A_370 = tpu.memref_slice %arg8[%dma_wait3A_364, %dma_wait3A_369] : memref<4x80xi32, #tpu.memory_space<vmem>> -> memref<1x80xi32, #tpu.memory_space<vmem>>
          %dma_wait3A_371 = tpu.memref_squeeze %dma_wait3A_370 : memref<1x80xi32, #tpu.memory_space<vmem>> -> memref<80xi32, #tpu.memory_space<vmem>>
          %dma_wait3A_372 = tpu.memref_slice %arg4[%mul3A_345] : memref<320000xi32, #tpu.memory_space<hbm>> -> memref<80xi32, #tpu.memory_space<hbm>>
          tpu.wait_dma2 semaphore(%arg23 : memref<!tpu.dma_semaphore, #tpu.memory_space<semaphore_mem>>) src(%dma_wait3A_372 : memref<80xi32, #tpu.memory_space<hbm>>) dst(%dma_wait3A_371 : memref<80xi32, #tpu.memory_space<vmem>>)
          %dma_wait3A_373 = arith.constant 3 : i32
          %dma_wait3A_374 = arith.constant 0 : i32
          %dma_wait3A_375 = tpu.memref_slice %arg9[%dma_wait3A_373, %dma_wait3A_374] : memref<4x80xi32, #tpu.memory_space<vmem>> -> memref<1x80xi32, #tpu.memory_space<vmem>>
          %dma_wait3A_376 = tpu.memref_squeeze %dma_wait3A_375 : memref<1x80xi32, #tpu.memory_space<vmem>> -> memref<80xi32, #tpu.memory_space<vmem>>
          %dma_wait3A_377 = tpu.memref_slice %arg5[%mul3A_345] : memref<320000xi32, #tpu.memory_space<hbm>> -> memref<80xi32, #tpu.memory_space<hbm>>
          %dma_wait3A_378 = arith.constant 0 : i32
          %dma_wait3A_379 = tpu.memref_slice %arg9[%dma_wait3A_373, %dma_wait3A_378] : memref<4x80xi32, #tpu.memory_space<vmem>> -> memref<1x80xi32, #tpu.memory_space<vmem>>
          %dma_wait3A_380 = tpu.memref_squeeze %dma_wait3A_379 : memref<1x80xi32, #tpu.memory_space<vmem>> -> memref<80xi32, #tpu.memory_space<vmem>>
          %dma_wait3A_381 = tpu.memref_slice %arg5[%mul3A_345] : memref<320000xi32, #tpu.memory_space<hbm>> -> memref<80xi32, #tpu.memory_space<hbm>>
          tpu.wait_dma2 semaphore(%arg23 : memref<!tpu.dma_semaphore, #tpu.memory_space<semaphore_mem>>) src(%dma_wait3A_381 : memref<80xi32, #tpu.memory_space<hbm>>) dst(%dma_wait3A_380 : memref<80xi32, #tpu.memory_space<vmem>>)
          %add3A_382 = arith.constant 2 : i32
          %add3A_383 = arith.addi %add3A_287, %add3A_382 : i32
          %dma_start3A_384 = arith.constant 3 : i32
          %dma_start3A_385 = arith.constant 0 : i32
          %dma_start3A_386 = tpu.memref_slice %arg8[%dma_start3A_384, %dma_start3A_385] : memref<4x80xi32, #tpu.memory_space<vmem>> -> memref<1x80xi32, #tpu.memory_space<vmem>>
          %dma_start3A_387 = tpu.memref_squeeze %dma_start3A_386 : memref<1x80xi32, #tpu.memory_space<vmem>> -> memref<80xi32, #tpu.memory_space<vmem>>
          %dma_start3A_388 = arith.constant 0 : i32
          %dma_start3A_389 = arith.constant 0 : i32
          %dma_start3A_390 = tpu.memref_slice %arg3[%dma_start3A_388, %dma_start3A_389] : memref<10000x128xf32, #tpu.memory_space<hbm>> -> memref<10000x128xf32, #tpu.memory_space<hbm>>
          tpu.enqueue_indirect_dma source(%dma_start3A_390 : memref<10000x128xf32, #tpu.memory_space<hbm>>) target(%arg13 : memref<80x128xf32, #tpu.memory_space<vmem>>) offsets(%dma_start3A_387 : memref<80xi32, #tpu.memory_space<vmem>>) semaphore(%arg18 : memref<!tpu.dma_semaphore, #tpu.memory_space<semaphore_mem>>)
        } else {
        }
        %run_scoped3A_302 = arith.constant 1 : i32
        "tpu.region"() ({
          %run_scoped3A_341 = tpu.sem_alloc : memref<!tpu.dma_semaphore, #tpu.memory_space<semaphore_mem>>
          %dma_start3A_342 = arith.constant 0 : i32
          %dma_start3A_343 = tpu.memref_slice %arg9[%run_scoped3A_302, %dma_start3A_342] : memref<4x80xi32, #tpu.memory_space<vmem>> -> memref<1x80xi32, #tpu.memory_space<vmem>>
          %dma_start3A_344 = tpu.memref_squeeze %dma_start3A_343 : memref<1x80xi32, #tpu.memory_space<vmem>> -> memref<80xi32, #tpu.memory_space<vmem>>
          %dma_start3A_345 = arith.constant 0 : i32
          %dma_start3A_346 = arith.constant 0 : i32
          %dma_start3A_347 = tpu.memref_slice %arg14[%dma_start3A_345, %dma_start3A_346] : memref<10240x128xf32, #tpu.memory_space<vmem_shared>> -> memref<10240x128xf32, #tpu.memory_space<vmem_shared>>
          tpu.enqueue_indirect_dma source(%arg11 : memref<80x128xf32, #tpu.memory_space<vmem>>) target(%dma_start3A_347 : memref<10240x128xf32, #tpu.memory_space<vmem_shared>>) offsets(%dma_start3A_344 : memref<80xi32, #tpu.memory_space<vmem>>) semaphore(%run_scoped3A_341 : memref<!tpu.dma_semaphore, #tpu.memory_space<semaphore_mem>>) {add = true}
          %dma_wait3A_348 = arith.constant 0 : i32
          %dma_wait3A_349 = tpu.memref_slice %arg9[%run_scoped3A_302, %dma_wait3A_348] : memref<4x80xi32, #tpu.memory_space<vmem>> -> memref<1x80xi32, #tpu.memory_space<vmem>>
          %dma_wait3A_350 = tpu.memref_squeeze %dma_wait3A_349 : memref<1x80xi32, #tpu.memory_space<vmem>> -> memref<80xi32, #tpu.memory_space<vmem>>
          %dma_wait3A_351 = arith.constant 0 : i32
          %dma_wait3A_352 = arith.constant 0 : i32
          %dma_wait3A_353 = tpu.memref_slice %arg14[%dma_wait3A_351, %dma_wait3A_352] : memref<10240x128xf32, #tpu.memory_space<vmem_shared>> -> memref<10240x128xf32, #tpu.memory_space<vmem_shared>>
          tpu.wait_indirect_dma semaphore(%run_scoped3A_341 : memref<!tpu.dma_semaphore, #tpu.memory_space<semaphore_mem>>) src(%arg11 : memref<80x128xf32, #tpu.memory_space<vmem>>) dst(%dma_wait3A_353 : memref<10240x128xf32, #tpu.memory_space<vmem_shared>>)
          tpu.yield
        }) : () -> ()
        %mul3A_303 = arith.constant 4 : i32
        %mul3A_304 = arith.muli %scan3A_265, %mul3A_303 : i32
        %add3A_305 = arith.constant 2 : i32
        %add3A_306 = arith.addi %mul3A_304, %add3A_305 : i32
        %dma_wait3A_307 = arith.constant 2 : i32
        %dma_wait3A_308 = arith.constant 0 : i32
        %dma_wait3A_309 = tpu.memref_slice %arg8[%dma_wait3A_307, %dma_wait3A_308] : memref<4x80xi32, #tpu.memory_space<vmem>> -> memref<1x80xi32, #tpu.memory_space<vmem>>
        %dma_wait3A_310 = tpu.memref_squeeze %dma_wait3A_309 : memref<1x80xi32, #tpu.memory_space<vmem>> -> memref<80xi32, #tpu.memory_space<vmem>>
        %dma_wait3A_311 = arith.constant 0 : i32
        %dma_wait3A_312 = arith.constant 0 : i32
        %dma_wait3A_313 = tpu.memref_slice %arg3[%dma_wait3A_311, %dma_wait3A_312] : memref<10000x128xf32, #tpu.memory_space<hbm>> -> memref<10000x128xf32, #tpu.memory_space<hbm>>
        tpu.wait_indirect_dma semaphore(%arg17 : memref<!tpu.dma_semaphore, #tpu.memory_space<semaphore_mem>>) src(%dma_wait3A_313 : memref<10000x128xf32, #tpu.memory_space<hbm>>) dst(%arg12 : memref<80x128xf32, #tpu.memory_space<vmem>>)
        %add3A_314 = arith.constant 2 : i32
        %add3A_315 = arith.addi %add3A_306, %add3A_314 : i32
        %lt3A_316 = arith.constant 125 : i32
        %lt3A_317 = arith.cmpi slt, %add3A_315, %lt3A_316 : i32
        %convert_element_type3A_318 = arith.extui %lt3A_317 : i1 to i32
        %cond3A_319 = arith.constant 0 : i32
        %cond3A_320 = arith.cmpi ne, %convert_element_type3A_318, %cond3A_319 : i32
        scf.if %cond3A_320 {
          %add3A_341 = arith.constant 2 : i32
          %add3A_342 = arith.addi %add3A_306, %add3A_341 : i32
          %add3A_343 = arith.addi %mul3A_2, %add3A_342 : i32
          %mul3A_344 = arith.constant 80 : i32
          %mul3A_345 = arith.muli %add3A_343, %mul3A_344 : i32
          %dma_start3A_346 = arith.constant 0 : i32
          %dma_start3A_347 = arith.constant 0 : i32
          %dma_start3A_348 = tpu.memref_slice %arg8[%dma_start3A_346, %dma_start3A_347] : memref<4x80xi32, #tpu.memory_space<vmem>> -> memref<1x80xi32, #tpu.memory_space<vmem>>
          %dma_start3A_349 = tpu.memref_squeeze %dma_start3A_348 : memref<1x80xi32, #tpu.memory_space<vmem>> -> memref<80xi32, #tpu.memory_space<vmem>>
          %dma_start3A_350 = tpu.memref_slice %arg4[%mul3A_345] : memref<320000xi32, #tpu.memory_space<hbm>> -> memref<80xi32, #tpu.memory_space<hbm>>
          %dma_start3A_351 = arith.constant 0 : i32
          %dma_start3A_352 = tpu.memref_slice %arg8[%dma_start3A_346, %dma_start3A_351] : memref<4x80xi32, #tpu.memory_space<vmem>> -> memref<1x80xi32, #tpu.memory_space<vmem>>
          %dma_start3A_353 = tpu.memref_squeeze %dma_start3A_352 : memref<1x80xi32, #tpu.memory_space<vmem>> -> memref<80xi32, #tpu.memory_space<vmem>>
          %dma_start3A_354 = tpu.memref_slice %arg4[%mul3A_345] : memref<320000xi32, #tpu.memory_space<hbm>> -> memref<80xi32, #tpu.memory_space<hbm>>
          tpu.enqueue_dma source(%dma_start3A_354 : memref<80xi32, #tpu.memory_space<hbm>>) target(%dma_start3A_353 : memref<80xi32, #tpu.memory_space<vmem>>) target_semaphore(%arg23 : memref<!tpu.dma_semaphore, #tpu.memory_space<semaphore_mem>>)
          %dma_start3A_355 = arith.constant 0 : i32
          %dma_start3A_356 = arith.constant 0 : i32
          %dma_start3A_357 = tpu.memref_slice %arg9[%dma_start3A_355, %dma_start3A_356] : memref<4x80xi32, #tpu.memory_space<vmem>> -> memref<1x80xi32, #tpu.memory_space<vmem>>
          %dma_start3A_358 = tpu.memref_squeeze %dma_start3A_357 : memref<1x80xi32, #tpu.memory_space<vmem>> -> memref<80xi32, #tpu.memory_space<vmem>>
          %dma_start3A_359 = tpu.memref_slice %arg5[%mul3A_345] : memref<320000xi32, #tpu.memory_space<hbm>> -> memref<80xi32, #tpu.memory_space<hbm>>
          %dma_start3A_360 = arith.constant 0 : i32
          %dma_start3A_361 = tpu.memref_slice %arg9[%dma_start3A_355, %dma_start3A_360] : memref<4x80xi32, #tpu.memory_space<vmem>> -> memref<1x80xi32, #tpu.memory_space<vmem>>
          %dma_start3A_362 = tpu.memref_squeeze %dma_start3A_361 : memref<1x80xi32, #tpu.memory_space<vmem>> -> memref<80xi32, #tpu.memory_space<vmem>>
          %dma_start3A_363 = tpu.memref_slice %arg5[%mul3A_345] : memref<320000xi32, #tpu.memory_space<hbm>> -> memref<80xi32, #tpu.memory_space<hbm>>
          tpu.enqueue_dma source(%dma_start3A_363 : memref<80xi32, #tpu.memory_space<hbm>>) target(%dma_start3A_362 : memref<80xi32, #tpu.memory_space<vmem>>) target_semaphore(%arg23 : memref<!tpu.dma_semaphore, #tpu.memory_space<semaphore_mem>>)
          %dma_wait3A_364 = arith.constant 0 : i32
          %dma_wait3A_365 = arith.constant 0 : i32
          %dma_wait3A_366 = tpu.memref_slice %arg8[%dma_wait3A_364, %dma_wait3A_365] : memref<4x80xi32, #tpu.memory_space<vmem>> -> memref<1x80xi32, #tpu.memory_space<vmem>>
          %dma_wait3A_367 = tpu.memref_squeeze %dma_wait3A_366 : memref<1x80xi32, #tpu.memory_space<vmem>> -> memref<80xi32, #tpu.memory_space<vmem>>
          %dma_wait3A_368 = tpu.memref_slice %arg4[%mul3A_345] : memref<320000xi32, #tpu.memory_space<hbm>> -> memref<80xi32, #tpu.memory_space<hbm>>
          %dma_wait3A_369 = arith.constant 0 : i32
          %dma_wait3A_370 = tpu.memref_slice %arg8[%dma_wait3A_364, %dma_wait3A_369] : memref<4x80xi32, #tpu.memory_space<vmem>> -> memref<1x80xi32, #tpu.memory_space<vmem>>
          %dma_wait3A_371 = tpu.memref_squeeze %dma_wait3A_370 : memref<1x80xi32, #tpu.memory_space<vmem>> -> memref<80xi32, #tpu.memory_space<vmem>>
          %dma_wait3A_372 = tpu.memref_slice %arg4[%mul3A_345] : memref<320000xi32, #tpu.memory_space<hbm>> -> memref<80xi32, #tpu.memory_space<hbm>>
          tpu.wait_dma2 semaphore(%arg23 : memref<!tpu.dma_semaphore, #tpu.memory_space<semaphore_mem>>) src(%dma_wait3A_372 : memref<80xi32, #tpu.memory_space<hbm>>) dst(%dma_wait3A_371 : memref<80xi32, #tpu.memory_space<vmem>>)
          %dma_wait3A_373 = arith.constant 0 : i32
          %dma_wait3A_374 = arith.constant 0 : i32
          %dma_wait3A_375 = tpu.memref_slice %arg9[%dma_wait3A_373, %dma_wait3A_374] : memref<4x80xi32, #tpu.memory_space<vmem>> -> memref<1x80xi32, #tpu.memory_space<vmem>>
          %dma_wait3A_376 = tpu.memref_squeeze %dma_wait3A_375 : memref<1x80xi32, #tpu.memory_space<vmem>> -> memref<80xi32, #tpu.memory_space<vmem>>
          %dma_wait3A_377 = tpu.memref_slice %arg5[%mul3A_345] : memref<320000xi32, #tpu.memory_space<hbm>> -> memref<80xi32, #tpu.memory_space<hbm>>
          %dma_wait3A_378 = arith.constant 0 : i32
          %dma_wait3A_379 = tpu.memref_slice %arg9[%dma_wait3A_373, %dma_wait3A_378] : memref<4x80xi32, #tpu.memory_space<vmem>> -> memref<1x80xi32, #tpu.memory_space<vmem>>
          %dma_wait3A_380 = tpu.memref_squeeze %dma_wait3A_379 : memref<1x80xi32, #tpu.memory_space<vmem>> -> memref<80xi32, #tpu.memory_space<vmem>>
          %dma_wait3A_381 = tpu.memref_slice %arg5[%mul3A_345] : memref<320000xi32, #tpu.memory_space<hbm>> -> memref<80xi32, #tpu.memory_space<hbm>>
          tpu.wait_dma2 semaphore(%arg23 : memref<!tpu.dma_semaphore, #tpu.memory_space<semaphore_mem>>) src(%dma_wait3A_381 : memref<80xi32, #tpu.memory_space<hbm>>) dst(%dma_wait3A_380 : memref<80xi32, #tpu.memory_space<vmem>>)
          %add3A_382 = arith.constant 2 : i32
          %add3A_383 = arith.addi %add3A_306, %add3A_382 : i32
          %dma_start3A_384 = arith.constant 0 : i32
          %dma_start3A_385 = arith.constant 0 : i32
          %dma_start3A_386 = tpu.memref_slice %arg8[%dma_start3A_384, %dma_start3A_385] : memref<4x80xi32, #tpu.memory_space<vmem>> -> memref<1x80xi32, #tpu.memory_space<vmem>>
          %dma_start3A_387 = tpu.memref_squeeze %dma_start3A_386 : memref<1x80xi32, #tpu.memory_space<vmem>> -> memref<80xi32, #tpu.memory_space<vmem>>
          %dma_start3A_388 = arith.constant 0 : i32
          %dma_start3A_389 = arith.constant 0 : i32
          %dma_start3A_390 = tpu.memref_slice %arg3[%dma_start3A_388, %dma_start3A_389] : memref<10000x128xf32, #tpu.memory_space<hbm>> -> memref<10000x128xf32, #tpu.memory_space<hbm>>
          tpu.enqueue_indirect_dma source(%dma_start3A_390 : memref<10000x128xf32, #tpu.memory_space<hbm>>) target(%arg10 : memref<80x128xf32, #tpu.memory_space<vmem>>) offsets(%dma_start3A_387 : memref<80xi32, #tpu.memory_space<vmem>>) semaphore(%arg15 : memref<!tpu.dma_semaphore, #tpu.memory_space<semaphore_mem>>)
        } else {
        }
        %run_scoped3A_321 = arith.constant 2 : i32
        "tpu.region"() ({
          %run_scoped3A_341 = tpu.sem_alloc : memref<!tpu.dma_semaphore, #tpu.memory_space<semaphore_mem>>
          %dma_start3A_342 = arith.constant 0 : i32
          %dma_start3A_343 = tpu.memref_slice %arg9[%run_scoped3A_321, %dma_start3A_342] : memref<4x80xi32, #tpu.memory_space<vmem>> -> memref<1x80xi32, #tpu.memory_space<vmem>>
          %dma_start3A_344 = tpu.memref_squeeze %dma_start3A_343 : memref<1x80xi32, #tpu.memory_space<vmem>> -> memref<80xi32, #tpu.memory_space<vmem>>
          %dma_start3A_345 = arith.constant 0 : i32
          %dma_start3A_346 = arith.constant 0 : i32
          %dma_start3A_347 = tpu.memref_slice %arg14[%dma_start3A_345, %dma_start3A_346] : memref<10240x128xf32, #tpu.memory_space<vmem_shared>> -> memref<10240x128xf32, #tpu.memory_space<vmem_shared>>
          tpu.enqueue_indirect_dma source(%arg12 : memref<80x128xf32, #tpu.memory_space<vmem>>) target(%dma_start3A_347 : memref<10240x128xf32, #tpu.memory_space<vmem_shared>>) offsets(%dma_start3A_344 : memref<80xi32, #tpu.memory_space<vmem>>) semaphore(%run_scoped3A_341 : memref<!tpu.dma_semaphore, #tpu.memory_space<semaphore_mem>>) {add = true}
          %dma_wait3A_348 = arith.constant 0 : i32
          %dma_wait3A_349 = tpu.memref_slice %arg9[%run_scoped3A_321, %dma_wait3A_348] : memref<4x80xi32, #tpu.memory_space<vmem>> -> memref<1x80xi32, #tpu.memory_space<vmem>>
          %dma_wait3A_350 = tpu.memref_squeeze %dma_wait3A_349 : memref<1x80xi32, #tpu.memory_space<vmem>> -> memref<80xi32, #tpu.memory_space<vmem>>
          %dma_wait3A_351 = arith.constant 0 : i32
          %dma_wait3A_352 = arith.constant 0 : i32
          %dma_wait3A_353 = tpu.memref_slice %arg14[%dma_wait3A_351, %dma_wait3A_352] : memref<10240x128xf32, #tpu.memory_space<vmem_shared>> -> memref<10240x128xf32, #tpu.memory_space<vmem_shared>>
          tpu.wait_indirect_dma semaphore(%run_scoped3A_341 : memref<!tpu.dma_semaphore, #tpu.memory_space<semaphore_mem>>) src(%arg12 : memref<80x128xf32, #tpu.memory_space<vmem>>) dst(%dma_wait3A_353 : memref<10240x128xf32, #tpu.memory_space<vmem_shared>>)
          tpu.yield
        }) : () -> ()
        %mul3A_322 = arith.constant 4 : i32
        %mul3A_323 = arith.muli %scan3A_265, %mul3A_322 : i32
        %add3A_324 = arith.constant 3 : i32
        %add3A_325 = arith.addi %mul3A_323, %add3A_324 : i32
        %dma_wait3A_326 = arith.constant 3 : i32
        %dma_wait3A_327 = arith.constant 0 : i32
        %dma_wait3A_328 = tpu.memref_slice %arg8[%dma_wait3A_326, %dma_wait3A_327] : memref<4x80xi32, #tpu.memory_space<vmem>> -> memref<1x80xi32, #tpu.memory_space<vmem>>
        %dma_wait3A_329 = tpu.memref_squeeze %dma_wait3A_328 : memref<1x80xi32, #tpu.memory_space<vmem>> -> memref<80xi32, #tpu.memory_space<vmem>>
        %dma_wait3A_330 = arith.constant 0 : i32
        %dma_wait3A_331 = arith.constant 0 : i32
        %dma_wait3A_332 = tpu.memref_slice %arg3[%dma_wait3A_330, %dma_wait3A_331] : memref<10000x128xf32, #tpu.memory_space<hbm>> -> memref<10000x128xf32, #tpu.memory_space<hbm>>
        tpu.wait_indirect_dma semaphore(%arg18 : memref<!tpu.dma_semaphore, #tpu.memory_space<semaphore_mem>>) src(%dma_wait3A_332 : memref<10000x128xf32, #tpu.memory_space<hbm>>) dst(%arg13 : memref<80x128xf32, #tpu.memory_space<vmem>>)
        %add3A_333 = arith.constant 2 : i32
        %add3A_334 = arith.addi %add3A_325, %add3A_333 : i32
        %lt3A_335 = arith.constant 125 : i32
        %lt3A_336 = arith.cmpi slt, %add3A_334, %lt3A_335 : i32
        %convert_element_type3A_337 = arith.extui %lt3A_336 : i1 to i32
        %cond3A_338 = arith.constant 0 : i32
        %cond3A_339 = arith.cmpi ne, %convert_element_type3A_337, %cond3A_338 : i32
        scf.if %cond3A_339 {
          %add3A_341 = arith.constant 2 : i32
          %add3A_342 = arith.addi %add3A_325, %add3A_341 : i32
          %add3A_343 = arith.addi %mul3A_2, %add3A_342 : i32
          %mul3A_344 = arith.constant 80 : i32
          %mul3A_345 = arith.muli %add3A_343, %mul3A_344 : i32
          %dma_start3A_346 = arith.constant 1 : i32
          %dma_start3A_347 = arith.constant 0 : i32
          %dma_start3A_348 = tpu.memref_slice %arg8[%dma_start3A_346, %dma_start3A_347] : memref<4x80xi32, #tpu.memory_space<vmem>> -> memref<1x80xi32, #tpu.memory_space<vmem>>
          %dma_start3A_349 = tpu.memref_squeeze %dma_start3A_348 : memref<1x80xi32, #tpu.memory_space<vmem>> -> memref<80xi32, #tpu.memory_space<vmem>>
          %dma_start3A_350 = tpu.memref_slice %arg4[%mul3A_345] : memref<320000xi32, #tpu.memory_space<hbm>> -> memref<80xi32, #tpu.memory_space<hbm>>
          %dma_start3A_351 = arith.constant 0 : i32
          %dma_start3A_352 = tpu.memref_slice %arg8[%dma_start3A_346, %dma_start3A_351] : memref<4x80xi32, #tpu.memory_space<vmem>> -> memref<1x80xi32, #tpu.memory_space<vmem>>
          %dma_start3A_353 = tpu.memref_squeeze %dma_start3A_352 : memref<1x80xi32, #tpu.memory_space<vmem>> -> memref<80xi32, #tpu.memory_space<vmem>>
          %dma_start3A_354 = tpu.memref_slice %arg4[%mul3A_345] : memref<320000xi32, #tpu.memory_space<hbm>> -> memref<80xi32, #tpu.memory_space<hbm>>
          tpu.enqueue_dma source(%dma_start3A_354 : memref<80xi32, #tpu.memory_space<hbm>>) target(%dma_start3A_353 : memref<80xi32, #tpu.memory_space<vmem>>) target_semaphore(%arg23 : memref<!tpu.dma_semaphore, #tpu.memory_space<semaphore_mem>>)
          %dma_start3A_355 = arith.constant 1 : i32
          %dma_start3A_356 = arith.constant 0 : i32
          %dma_start3A_357 = tpu.memref_slice %arg9[%dma_start3A_355, %dma_start3A_356] : memref<4x80xi32, #tpu.memory_space<vmem>> -> memref<1x80xi32, #tpu.memory_space<vmem>>
          %dma_start3A_358 = tpu.memref_squeeze %dma_start3A_357 : memref<1x80xi32, #tpu.memory_space<vmem>> -> memref<80xi32, #tpu.memory_space<vmem>>
          %dma_start3A_359 = tpu.memref_slice %arg5[%mul3A_345] : memref<320000xi32, #tpu.memory_space<hbm>> -> memref<80xi32, #tpu.memory_space<hbm>>
          %dma_start3A_360 = arith.constant 0 : i32
          %dma_start3A_361 = tpu.memref_slice %arg9[%dma_start3A_355, %dma_start3A_360] : memref<4x80xi32, #tpu.memory_space<vmem>> -> memref<1x80xi32, #tpu.memory_space<vmem>>
          %dma_start3A_362 = tpu.memref_squeeze %dma_start3A_361 : memref<1x80xi32, #tpu.memory_space<vmem>> -> memref<80xi32, #tpu.memory_space<vmem>>
          %dma_start3A_363 = tpu.memref_slice %arg5[%mul3A_345] : memref<320000xi32, #tpu.memory_space<hbm>> -> memref<80xi32, #tpu.memory_space<hbm>>
          tpu.enqueue_dma source(%dma_start3A_363 : memref<80xi32, #tpu.memory_space<hbm>>) target(%dma_start3A_362 : memref<80xi32, #tpu.memory_space<vmem>>) target_semaphore(%arg23 : memref<!tpu.dma_semaphore, #tpu.memory_space<semaphore_mem>>)
          %dma_wait3A_364 = arith.constant 1 : i32
          %dma_wait3A_365 = arith.constant 0 : i32
          %dma_wait3A_366 = tpu.memref_slice %arg8[%dma_wait3A_364, %dma_wait3A_365] : memref<4x80xi32, #tpu.memory_space<vmem>> -> memref<1x80xi32, #tpu.memory_space<vmem>>
          %dma_wait3A_367 = tpu.memref_squeeze %dma_wait3A_366 : memref<1x80xi32, #tpu.memory_space<vmem>> -> memref<80xi32, #tpu.memory_space<vmem>>
          %dma_wait3A_368 = tpu.memref_slice %arg4[%mul3A_345] : memref<320000xi32, #tpu.memory_space<hbm>> -> memref<80xi32, #tpu.memory_space<hbm>>
          %dma_wait3A_369 = arith.constant 0 : i32
          %dma_wait3A_370 = tpu.memref_slice %arg8[%dma_wait3A_364, %dma_wait3A_369] : memref<4x80xi32, #tpu.memory_space<vmem>> -> memref<1x80xi32, #tpu.memory_space<vmem>>
          %dma_wait3A_371 = tpu.memref_squeeze %dma_wait3A_370 : memref<1x80xi32, #tpu.memory_space<vmem>> -> memref<80xi32, #tpu.memory_space<vmem>>
          %dma_wait3A_372 = tpu.memref_slice %arg4[%mul3A_345] : memref<320000xi32, #tpu.memory_space<hbm>> -> memref<80xi32, #tpu.memory_space<hbm>>
          tpu.wait_dma2 semaphore(%arg23 : memref<!tpu.dma_semaphore, #tpu.memory_space<semaphore_mem>>) src(%dma_wait3A_372 : memref<80xi32, #tpu.memory_space<hbm>>) dst(%dma_wait3A_371 : memref<80xi32, #tpu.memory_space<vmem>>)
          %dma_wait3A_373 = arith.constant 1 : i32
          %dma_wait3A_374 = arith.constant 0 : i32
          %dma_wait3A_375 = tpu.memref_slice %arg9[%dma_wait3A_373, %dma_wait3A_374] : memref<4x80xi32, #tpu.memory_space<vmem>> -> memref<1x80xi32, #tpu.memory_space<vmem>>
          %dma_wait3A_376 = tpu.memref_squeeze %dma_wait3A_375 : memref<1x80xi32, #tpu.memory_space<vmem>> -> memref<80xi32, #tpu.memory_space<vmem>>
          %dma_wait3A_377 = tpu.memref_slice %arg5[%mul3A_345] : memref<320000xi32, #tpu.memory_space<hbm>> -> memref<80xi32, #tpu.memory_space<hbm>>
          %dma_wait3A_378 = arith.constant 0 : i32
          %dma_wait3A_379 = tpu.memref_slice %arg9[%dma_wait3A_373, %dma_wait3A_378] : memref<4x80xi32, #tpu.memory_space<vmem>> -> memref<1x80xi32, #tpu.memory_space<vmem>>
          %dma_wait3A_380 = tpu.memref_squeeze %dma_wait3A_379 : memref<1x80xi32, #tpu.memory_space<vmem>> -> memref<80xi32, #tpu.memory_space<vmem>>
          %dma_wait3A_381 = tpu.memref_slice %arg5[%mul3A_345] : memref<320000xi32, #tpu.memory_space<hbm>> -> memref<80xi32, #tpu.memory_space<hbm>>
          tpu.wait_dma2 semaphore(%arg23 : memref<!tpu.dma_semaphore, #tpu.memory_space<semaphore_mem>>) src(%dma_wait3A_381 : memref<80xi32, #tpu.memory_space<hbm>>) dst(%dma_wait3A_380 : memref<80xi32, #tpu.memory_space<vmem>>)
          %add3A_382 = arith.constant 2 : i32
          %add3A_383 = arith.addi %add3A_325, %add3A_382 : i32
          %dma_start3A_384 = arith.constant 1 : i32
          %dma_start3A_385 = arith.constant 0 : i32
          %dma_start3A_386 = tpu.memref_slice %arg8[%dma_start3A_384, %dma_start3A_385] : memref<4x80xi32, #tpu.memory_space<vmem>> -> memref<1x80xi32, #tpu.memory_space<vmem>>
          %dma_start3A_387 = tpu.memref_squeeze %dma_start3A_386 : memref<1x80xi32, #tpu.memory_space<vmem>> -> memref<80xi32, #tpu.memory_space<vmem>>
          %dma_start3A_388 = arith.constant 0 : i32
          %dma_start3A_389 = arith.constant 0 : i32
          %dma_start3A_390 = tpu.memref_slice %arg3[%dma_start3A_388, %dma_start3A_389] : memref<10000x128xf32, #tpu.memory_space<hbm>> -> memref<10000x128xf32, #tpu.memory_space<hbm>>
          tpu.enqueue_indirect_dma source(%dma_start3A_390 : memref<10000x128xf32, #tpu.memory_space<hbm>>) target(%arg11 : memref<80x128xf32, #tpu.memory_space<vmem>>) offsets(%dma_start3A_387 : memref<80xi32, #tpu.memory_space<vmem>>) semaphore(%arg16 : memref<!tpu.dma_semaphore, #tpu.memory_space<semaphore_mem>>)
        } else {
        }
        %run_scoped3A_340 = arith.constant 3 : i32
        "tpu.region"() ({
          %run_scoped3A_341 = tpu.sem_alloc : memref<!tpu.dma_semaphore, #tpu.memory_space<semaphore_mem>>
          %dma_start3A_342 = arith.constant 0 : i32
          %dma_start3A_343 = tpu.memref_slice %arg9[%run_scoped3A_340, %dma_start3A_342] : memref<4x80xi32, #tpu.memory_space<vmem>> -> memref<1x80xi32, #tpu.memory_space<vmem>>
          %dma_start3A_344 = tpu.memref_squeeze %dma_start3A_343 : memref<1x80xi32, #tpu.memory_space<vmem>> -> memref<80xi32, #tpu.memory_space<vmem>>
          %dma_start3A_345 = arith.constant 0 : i32
          %dma_start3A_346 = arith.constant 0 : i32
          %dma_start3A_347 = tpu.memref_slice %arg14[%dma_start3A_345, %dma_start3A_346] : memref<10240x128xf32, #tpu.memory_space<vmem_shared>> -> memref<10240x128xf32, #tpu.memory_space<vmem_shared>>
          tpu.enqueue_indirect_dma source(%arg13 : memref<80x128xf32, #tpu.memory_space<vmem>>) target(%dma_start3A_347 : memref<10240x128xf32, #tpu.memory_space<vmem_shared>>) offsets(%dma_start3A_344 : memref<80xi32, #tpu.memory_space<vmem>>) semaphore(%run_scoped3A_341 : memref<!tpu.dma_semaphore, #tpu.memory_space<semaphore_mem>>) {add = true}
          %dma_wait3A_348 = arith.constant 0 : i32
          %dma_wait3A_349 = tpu.memref_slice %arg9[%run_scoped3A_340, %dma_wait3A_348] : memref<4x80xi32, #tpu.memory_space<vmem>> -> memref<1x80xi32, #tpu.memory_space<vmem>>
          %dma_wait3A_350 = tpu.memref_squeeze %dma_wait3A_349 : memref<1x80xi32, #tpu.memory_space<vmem>> -> memref<80xi32, #tpu.memory_space<vmem>>
          %dma_wait3A_351 = arith.constant 0 : i32
          %dma_wait3A_352 = arith.constant 0 : i32
          %dma_wait3A_353 = tpu.memref_slice %arg14[%dma_wait3A_351, %dma_wait3A_352] : memref<10240x128xf32, #tpu.memory_space<vmem_shared>> -> memref<10240x128xf32, #tpu.memory_space<vmem_shared>>
          tpu.wait_indirect_dma semaphore(%run_scoped3A_341 : memref<!tpu.dma_semaphore, #tpu.memory_space<semaphore_mem>>) src(%arg13 : memref<80x128xf32, #tpu.memory_space<vmem>>) dst(%dma_wait3A_353 : memref<10240x128xf32, #tpu.memory_space<vmem_shared>>)
          tpu.yield
        }) : () -> ()
      }
      %scan3A_257 = arith.constant 31 : i32
      %dma_wait3A_258 = arith.constant 0 : i32
      %dma_wait3A_259 = arith.constant 0 : i32
      %dma_wait3A_260 = tpu.memref_slice %arg8[%dma_wait3A_258, %dma_wait3A_259] : memref<4x80xi32, #tpu.memory_space<vmem>> -> memref<1x80xi32, #tpu.memory_space<vmem>>
      %dma_wait3A_261 = tpu.memref_squeeze %dma_wait3A_260 : memref<1x80xi32, #tpu.memory_space<vmem>> -> memref<80xi32, #tpu.memory_space<vmem>>
      %dma_wait3A_262 = arith.constant 0 : i32
      %dma_wait3A_263 = arith.constant 0 : i32
      %dma_wait3A_264 = tpu.memref_slice %arg3[%dma_wait3A_262, %dma_wait3A_263] : memref<10000x128xf32, #tpu.memory_space<hbm>> -> memref<10000x128xf32, #tpu.memory_space<hbm>>
      tpu.wait_indirect_dma semaphore(%arg15 : memref<!tpu.dma_semaphore, #tpu.memory_space<semaphore_mem>>) src(%dma_wait3A_264 : memref<10000x128xf32, #tpu.memory_space<hbm>>) dst(%arg10 : memref<80x128xf32, #tpu.memory_space<vmem>>)
      %run_scoped3A = arith.constant 0 : i32
      "tpu.region"() ({
        %run_scoped3A_265 = tpu.sem_alloc : memref<!tpu.dma_semaphore, #tpu.memory_space<semaphore_mem>>
        %dma_start3A_266 = arith.constant 0 : i32
        %dma_start3A_267 = tpu.memref_slice %arg9[%run_scoped3A, %dma_start3A_266] : memref<4x80xi32, #tpu.memory_space<vmem>> -> memref<1x80xi32, #tpu.memory_space<vmem>>
        %dma_start3A_268 = tpu.memref_squeeze %dma_start3A_267 : memref<1x80xi32, #tpu.memory_space<vmem>> -> memref<80xi32, #tpu.memory_space<vmem>>
        %dma_start3A_269 = arith.constant 0 : i32
        %dma_start3A_270 = arith.constant 0 : i32
        %dma_start3A_271 = tpu.memref_slice %arg14[%dma_start3A_269, %dma_start3A_270] : memref<10240x128xf32, #tpu.memory_space<vmem_shared>> -> memref<10240x128xf32, #tpu.memory_space<vmem_shared>>
        tpu.enqueue_indirect_dma source(%arg10 : memref<80x128xf32, #tpu.memory_space<vmem>>) target(%dma_start3A_271 : memref<10240x128xf32, #tpu.memory_space<vmem_shared>>) offsets(%dma_start3A_268 : memref<80xi32, #tpu.memory_space<vmem>>) semaphore(%run_scoped3A_265 : memref<!tpu.dma_semaphore, #tpu.memory_space<semaphore_mem>>) {add = true}
        %dma_wait3A_272 = arith.constant 0 : i32
        %dma_wait3A_273 = tpu.memref_slice %arg9[%run_scoped3A, %dma_wait3A_272] : memref<4x80xi32, #tpu.memory_space<vmem>> -> memref<1x80xi32, #tpu.memory_space<vmem>>
        %dma_wait3A_274 = tpu.memref_squeeze %dma_wait3A_273 : memref<1x80xi32, #tpu.memory_space<vmem>> -> memref<80xi32, #tpu.memory_space<vmem>>
        %dma_wait3A_275 = arith.constant 0 : i32
        %dma_wait3A_276 = arith.constant 0 : i32
        %dma_wait3A_277 = tpu.memref_slice %arg14[%dma_wait3A_275, %dma_wait3A_276] : memref<10240x128xf32, #tpu.memory_space<vmem_shared>> -> memref<10240x128xf32, #tpu.memory_space<vmem_shared>>
        tpu.wait_indirect_dma semaphore(%run_scoped3A_265 : memref<!tpu.dma_semaphore, #tpu.memory_space<semaphore_mem>>) src(%arg10 : memref<80x128xf32, #tpu.memory_space<vmem>>) dst(%dma_wait3A_277 : memref<10240x128xf32, #tpu.memory_space<vmem_shared>>)
        tpu.yield
      }) : () -> ()
    } else {
    }
    %barrier3A_47 = arith.constant 0 : index
    tpu.barrier barrier_id(%barrier3A_47)
    %mul3A_48 = arith.constant 640 : i32
    %mul3A_49 = arith.muli %arg1, %mul3A_48 : i32
    %add3A_50 = arith.constant 0 : i32
    %add3A_51 = arith.addi %mul3A_49, %add3A_50 : i32
    %eq3A_52 = arith.constant 0 : i32
    %eq3A_53 = arith.cmpi eq, %arg0, %eq3A_52 : i32
    %convert_element_type3A_54 = arith.extui %eq3A_53 : i1 to i32
    %cond3A_55 = arith.constant 0 : i32
    %cond3A_56 = arith.cmpi ne, %convert_element_type3A_54, %cond3A_55 : i32
    scf.if %cond3A_56 {
      "tpu.region"() ({
        %run_scoped3A = tpu.sem_alloc : memref<!tpu.dma_semaphore, #tpu.memory_space<semaphore_mem>>
        %dma_start3A = arith.constant 0 : i32
        %dma_start3A_160 = tpu.memref_slice %arg6[%add3A_51, %dma_start3A] : memref<10240x128xf32, #tpu.memory_space<hbm>> -> memref<80x128xf32, #tpu.memory_space<hbm>>
        %dma_start3A_161 = arith.constant 0 : i32
        %dma_start3A_162 = tpu.memref_slice %arg14[%add3A_51, %dma_start3A_161] : memref<10240x128xf32, #tpu.memory_space<vmem_shared>> -> memref<80x128xf32, #tpu.memory_space<vmem_shared>>
        tpu.enqueue_dma source(%dma_start3A_162 : memref<80x128xf32, #tpu.memory_space<vmem_shared>>) target(%dma_start3A_160 : memref<80x128xf32, #tpu.memory_space<hbm>>) target_semaphore(%run_scoped3A : memref<!tpu.dma_semaphore, #tpu.memory_space<semaphore_mem>>)
        %dma_wait3A = arith.constant 0 : i32
        %dma_wait3A_163 = tpu.memref_slice %arg6[%add3A_51, %dma_wait3A] : memref<10240x128xf32, #tpu.memory_space<hbm>> -> memref<80x128xf32, #tpu.memory_space<hbm>>
        %dma_wait3A_164 = arith.constant 0 : i32
        %dma_wait3A_165 = tpu.memref_slice %arg14[%add3A_51, %dma_wait3A_164] : memref<10240x128xf32, #tpu.memory_space<vmem_shared>> -> memref<80x128xf32, #tpu.memory_space<vmem_shared>>
        tpu.wait_dma2 semaphore(%run_scoped3A : memref<!tpu.dma_semaphore, #tpu.memory_space<semaphore_mem>>) src(%dma_wait3A_165 : memref<80x128xf32, #tpu.memory_space<vmem_shared>>) dst(%dma_wait3A_163 : memref<80x128xf32, #tpu.memory_space<hbm>>)
        tpu.yield
      }) : () -> ()
    } else {
    }
    %eq3A_57 = arith.constant 1 : i32
    %eq3A_58 = arith.cmpi eq, %arg0, %eq3A_57 : i32
    %convert_element_type3A_59 = arith.extui %eq3A_58 : i1 to i32
    %cond3A_60 = arith.constant 0 : i32
    %cond3A_61 = arith.cmpi ne, %convert_element_type3A_59, %cond3A_60 : i32
    scf.if %cond3A_61 {
      "tpu.region"() ({
        %run_scoped3A = tpu.sem_alloc : memref<!tpu.dma_semaphore, #tpu.memory_space<semaphore_mem>>
        %dma_start3A = arith.constant 0 : i32
        %dma_start3A_160 = tpu.memref_slice %arg7[%add3A_51, %dma_start3A] : memref<10240x128xf32, #tpu.memory_space<hbm>> -> memref<80x128xf32, #tpu.memory_space<hbm>>
        %dma_start3A_161 = arith.constant 0 : i32
        %dma_start3A_162 = tpu.memref_slice %arg14[%add3A_51, %dma_start3A_161] : memref<10240x128xf32, #tpu.memory_space<vmem_shared>> -> memref<80x128xf32, #tpu.memory_space<vmem_shared>>
        tpu.enqueue_dma source(%dma_start3A_162 : memref<80x128xf32, #tpu.memory_space<vmem_shared>>) target(%dma_start3A_160 : memref<80x128xf32, #tpu.memory_space<hbm>>) target_semaphore(%run_scoped3A : memref<!tpu.dma_semaphore, #tpu.memory_space<semaphore_mem>>)
        %dma_wait3A = arith.constant 0 : i32
        %dma_wait3A_163 = tpu.memref_slice %arg7[%add3A_51, %dma_wait3A] : memref<10240x128xf32, #tpu.memory_space<hbm>> -> memref<80x128xf32, #tpu.memory_space<hbm>>
        %dma_wait3A_164 = arith.constant 0 : i32
        %dma_wait3A_165 = tpu.memref_slice %arg14[%add3A_51, %dma_wait3A_164] : memref<10240x128xf32, #tpu.memory_space<vmem_shared>> -> memref<80x128xf32, #tpu.memory_space<vmem_shared>>
        tpu.wait_dma2 semaphore(%run_scoped3A : memref<!tpu.dma_semaphore, #tpu.memory_space<semaphore_mem>>) src(%dma_wait3A_165 : memref<80x128xf32, #tpu.memory_space<vmem_shared>>) dst(%dma_wait3A_163 : memref<80x128xf32, #tpu.memory_space<hbm>>)
        tpu.yield
      }) : () -> ()
    } else {
    }
    %mul3A_62 = arith.constant 640 : i32
    %mul3A_63 = arith.muli %arg1, %mul3A_62 : i32
    %add3A_64 = arith.constant 80 : i32
    %add3A_65 = arith.addi %mul3A_63, %add3A_64 : i32
    %eq3A_66 = arith.constant 0 : i32
    %eq3A_67 = arith.cmpi eq, %arg0, %eq3A_66 : i32
    %convert_element_type3A_68 = arith.extui %eq3A_67 : i1 to i32
    %cond3A_69 = arith.constant 0 : i32
    %cond3A_70 = arith.cmpi ne, %convert_element_type3A_68, %cond3A_69 : i32
    scf.if %cond3A_70 {
      "tpu.region"() ({
        %run_scoped3A = tpu.sem_alloc : memref<!tpu.dma_semaphore, #tpu.memory_space<semaphore_mem>>
        %dma_start3A = arith.constant 0 : i32
        %dma_start3A_160 = tpu.memref_slice %arg6[%add3A_65, %dma_start3A] : memref<10240x128xf32, #tpu.memory_space<hbm>> -> memref<80x128xf32, #tpu.memory_space<hbm>>
        %dma_start3A_161 = arith.constant 0 : i32
        %dma_start3A_162 = tpu.memref_slice %arg14[%add3A_65, %dma_start3A_161] : memref<10240x128xf32, #tpu.memory_space<vmem_shared>> -> memref<80x128xf32, #tpu.memory_space<vmem_shared>>
        tpu.enqueue_dma source(%dma_start3A_162 : memref<80x128xf32, #tpu.memory_space<vmem_shared>>) target(%dma_start3A_160 : memref<80x128xf32, #tpu.memory_space<hbm>>) target_semaphore(%run_scoped3A : memref<!tpu.dma_semaphore, #tpu.memory_space<semaphore_mem>>)
        %dma_wait3A = arith.constant 0 : i32
        %dma_wait3A_163 = tpu.memref_slice %arg6[%add3A_65, %dma_wait3A] : memref<10240x128xf32, #tpu.memory_space<hbm>> -> memref<80x128xf32, #tpu.memory_space<hbm>>
        %dma_wait3A_164 = arith.constant 0 : i32
        %dma_wait3A_165 = tpu.memref_slice %arg14[%add3A_65, %dma_wait3A_164] : memref<10240x128xf32, #tpu.memory_space<vmem_shared>> -> memref<80x128xf32, #tpu.memory_space<vmem_shared>>
        tpu.wait_dma2 semaphore(%run_scoped3A : memref<!tpu.dma_semaphore, #tpu.memory_space<semaphore_mem>>) src(%dma_wait3A_165 : memref<80x128xf32, #tpu.memory_space<vmem_shared>>) dst(%dma_wait3A_163 : memref<80x128xf32, #tpu.memory_space<hbm>>)
        tpu.yield
      }) : () -> ()
    } else {
    }
    %eq3A_71 = arith.constant 1 : i32
    %eq3A_72 = arith.cmpi eq, %arg0, %eq3A_71 : i32
    %convert_element_type3A_73 = arith.extui %eq3A_72 : i1 to i32
    %cond3A_74 = arith.constant 0 : i32
    %cond3A_75 = arith.cmpi ne, %convert_element_type3A_73, %cond3A_74 : i32
    scf.if %cond3A_75 {
      "tpu.region"() ({
        %run_scoped3A = tpu.sem_alloc : memref<!tpu.dma_semaphore, #tpu.memory_space<semaphore_mem>>
        %dma_start3A = arith.constant 0 : i32
        %dma_start3A_160 = tpu.memref_slice %arg7[%add3A_65, %dma_start3A] : memref<10240x128xf32, #tpu.memory_space<hbm>> -> memref<80x128xf32, #tpu.memory_space<hbm>>
        %dma_start3A_161 = arith.constant 0 : i32
        %dma_start3A_162 = tpu.memref_slice %arg14[%add3A_65, %dma_start3A_161] : memref<10240x128xf32, #tpu.memory_space<vmem_shared>> -> memref<80x128xf32, #tpu.memory_space<vmem_shared>>
        tpu.enqueue_dma source(%dma_start3A_162 : memref<80x128xf32, #tpu.memory_space<vmem_shared>>) target(%dma_start3A_160 : memref<80x128xf32, #tpu.memory_space<hbm>>) target_semaphore(%run_scoped3A : memref<!tpu.dma_semaphore, #tpu.memory_space<semaphore_mem>>)
        %dma_wait3A = arith.constant 0 : i32
        %dma_wait3A_163 = tpu.memref_slice %arg7[%add3A_65, %dma_wait3A] : memref<10240x128xf32, #tpu.memory_space<hbm>> -> memref<80x128xf32, #tpu.memory_space<hbm>>
        %dma_wait3A_164 = arith.constant 0 : i32
        %dma_wait3A_165 = tpu.memref_slice %arg14[%add3A_65, %dma_wait3A_164] : memref<10240x128xf32, #tpu.memory_space<vmem_shared>> -> memref<80x128xf32, #tpu.memory_space<vmem_shared>>
        tpu.wait_dma2 semaphore(%run_scoped3A : memref<!tpu.dma_semaphore, #tpu.memory_space<semaphore_mem>>) src(%dma_wait3A_165 : memref<80x128xf32, #tpu.memory_space<vmem_shared>>) dst(%dma_wait3A_163 : memref<80x128xf32, #tpu.memory_space<hbm>>)
        tpu.yield
      }) : () -> ()
    } else {
    }
    %mul3A_76 = arith.constant 640 : i32
    %mul3A_77 = arith.muli %arg1, %mul3A_76 : i32
    %add3A_78 = arith.constant 160 : i32
    %add3A_79 = arith.addi %mul3A_77, %add3A_78 : i32
    %eq3A_80 = arith.constant 0 : i32
    %eq3A_81 = arith.cmpi eq, %arg0, %eq3A_80 : i32
    %convert_element_type3A_82 = arith.extui %eq3A_81 : i1 to i32
    %cond3A_83 = arith.constant 0 : i32
    %cond3A_84 = arith.cmpi ne, %convert_element_type3A_82, %cond3A_83 : i32
    scf.if %cond3A_84 {
      "tpu.region"() ({
        %run_scoped3A = tpu.sem_alloc : memref<!tpu.dma_semaphore, #tpu.memory_space<semaphore_mem>>
        %dma_start3A = arith.constant 0 : i32
        %dma_start3A_160 = tpu.memref_slice %arg6[%add3A_79, %dma_start3A] : memref<10240x128xf32, #tpu.memory_space<hbm>> -> memref<80x128xf32, #tpu.memory_space<hbm>>
        %dma_start3A_161 = arith.constant 0 : i32
        %dma_start3A_162 = tpu.memref_slice %arg14[%add3A_79, %dma_start3A_161] : memref<10240x128xf32, #tpu.memory_space<vmem_shared>> -> memref<80x128xf32, #tpu.memory_space<vmem_shared>>
        tpu.enqueue_dma source(%dma_start3A_162 : memref<80x128xf32, #tpu.memory_space<vmem_shared>>) target(%dma_start3A_160 : memref<80x128xf32, #tpu.memory_space<hbm>>) target_semaphore(%run_scoped3A : memref<!tpu.dma_semaphore, #tpu.memory_space<semaphore_mem>>)
        %dma_wait3A = arith.constant 0 : i32
        %dma_wait3A_163 = tpu.memref_slice %arg6[%add3A_79, %dma_wait3A] : memref<10240x128xf32, #tpu.memory_space<hbm>> -> memref<80x128xf32, #tpu.memory_space<hbm>>
        %dma_wait3A_164 = arith.constant 0 : i32
        %dma_wait3A_165 = tpu.memref_slice %arg14[%add3A_79, %dma_wait3A_164] : memref<10240x128xf32, #tpu.memory_space<vmem_shared>> -> memref<80x128xf32, #tpu.memory_space<vmem_shared>>
        tpu.wait_dma2 semaphore(%run_scoped3A : memref<!tpu.dma_semaphore, #tpu.memory_space<semaphore_mem>>) src(%dma_wait3A_165 : memref<80x128xf32, #tpu.memory_space<vmem_shared>>) dst(%dma_wait3A_163 : memref<80x128xf32, #tpu.memory_space<hbm>>)
        tpu.yield
      }) : () -> ()
    } else {
    }
    %eq3A_85 = arith.constant 1 : i32
    %eq3A_86 = arith.cmpi eq, %arg0, %eq3A_85 : i32
    %convert_element_type3A_87 = arith.extui %eq3A_86 : i1 to i32
    %cond3A_88 = arith.constant 0 : i32
    %cond3A_89 = arith.cmpi ne, %convert_element_type3A_87, %cond3A_88 : i32
    scf.if %cond3A_89 {
      "tpu.region"() ({
        %run_scoped3A = tpu.sem_alloc : memref<!tpu.dma_semaphore, #tpu.memory_space<semaphore_mem>>
        %dma_start3A = arith.constant 0 : i32
        %dma_start3A_160 = tpu.memref_slice %arg7[%add3A_79, %dma_start3A] : memref<10240x128xf32, #tpu.memory_space<hbm>> -> memref<80x128xf32, #tpu.memory_space<hbm>>
        %dma_start3A_161 = arith.constant 0 : i32
        %dma_start3A_162 = tpu.memref_slice %arg14[%add3A_79, %dma_start3A_161] : memref<10240x128xf32, #tpu.memory_space<vmem_shared>> -> memref<80x128xf32, #tpu.memory_space<vmem_shared>>
        tpu.enqueue_dma source(%dma_start3A_162 : memref<80x128xf32, #tpu.memory_space<vmem_shared>>) target(%dma_start3A_160 : memref<80x128xf32, #tpu.memory_space<hbm>>) target_semaphore(%run_scoped3A : memref<!tpu.dma_semaphore, #tpu.memory_space<semaphore_mem>>)
        %dma_wait3A = arith.constant 0 : i32
        %dma_wait3A_163 = tpu.memref_slice %arg7[%add3A_79, %dma_wait3A] : memref<10240x128xf32, #tpu.memory_space<hbm>> -> memref<80x128xf32, #tpu.memory_space<hbm>>
        %dma_wait3A_164 = arith.constant 0 : i32
        %dma_wait3A_165 = tpu.memref_slice %arg14[%add3A_79, %dma_wait3A_164] : memref<10240x128xf32, #tpu.memory_space<vmem_shared>> -> memref<80x128xf32, #tpu.memory_space<vmem_shared>>
        tpu.wait_dma2 semaphore(%run_scoped3A : memref<!tpu.dma_semaphore, #tpu.memory_space<semaphore_mem>>) src(%dma_wait3A_165 : memref<80x128xf32, #tpu.memory_space<vmem_shared>>) dst(%dma_wait3A_163 : memref<80x128xf32, #tpu.memory_space<hbm>>)
        tpu.yield
      }) : () -> ()
    } else {
    }
    %mul3A_90 = arith.constant 640 : i32
    %mul3A_91 = arith.muli %arg1, %mul3A_90 : i32
    %add3A_92 = arith.constant 240 : i32
    %add3A_93 = arith.addi %mul3A_91, %add3A_92 : i32
    %eq3A_94 = arith.constant 0 : i32
    %eq3A_95 = arith.cmpi eq, %arg0, %eq3A_94 : i32
    %convert_element_type3A_96 = arith.extui %eq3A_95 : i1 to i32
    %cond3A_97 = arith.constant 0 : i32
    %cond3A_98 = arith.cmpi ne, %convert_element_type3A_96, %cond3A_97 : i32
    scf.if %cond3A_98 {
      "tpu.region"() ({
        %run_scoped3A = tpu.sem_alloc : memref<!tpu.dma_semaphore, #tpu.memory_space<semaphore_mem>>
        %dma_start3A = arith.constant 0 : i32
        %dma_start3A_160 = tpu.memref_slice %arg6[%add3A_93, %dma_start3A] : memref<10240x128xf32, #tpu.memory_space<hbm>> -> memref<80x128xf32, #tpu.memory_space<hbm>>
        %dma_start3A_161 = arith.constant 0 : i32
        %dma_start3A_162 = tpu.memref_slice %arg14[%add3A_93, %dma_start3A_161] : memref<10240x128xf32, #tpu.memory_space<vmem_shared>> -> memref<80x128xf32, #tpu.memory_space<vmem_shared>>
        tpu.enqueue_dma source(%dma_start3A_162 : memref<80x128xf32, #tpu.memory_space<vmem_shared>>) target(%dma_start3A_160 : memref<80x128xf32, #tpu.memory_space<hbm>>) target_semaphore(%run_scoped3A : memref<!tpu.dma_semaphore, #tpu.memory_space<semaphore_mem>>)
        %dma_wait3A = arith.constant 0 : i32
        %dma_wait3A_163 = tpu.memref_slice %arg6[%add3A_93, %dma_wait3A] : memref<10240x128xf32, #tpu.memory_space<hbm>> -> memref<80x128xf32, #tpu.memory_space<hbm>>
        %dma_wait3A_164 = arith.constant 0 : i32
        %dma_wait3A_165 = tpu.memref_slice %arg14[%add3A_93, %dma_wait3A_164] : memref<10240x128xf32, #tpu.memory_space<vmem_shared>> -> memref<80x128xf32, #tpu.memory_space<vmem_shared>>
        tpu.wait_dma2 semaphore(%run_scoped3A : memref<!tpu.dma_semaphore, #tpu.memory_space<semaphore_mem>>) src(%dma_wait3A_165 : memref<80x128xf32, #tpu.memory_space<vmem_shared>>) dst(%dma_wait3A_163 : memref<80x128xf32, #tpu.memory_space<hbm>>)
        tpu.yield
      }) : () -> ()
    } else {
    }
    %eq3A_99 = arith.constant 1 : i32
    %eq3A_100 = arith.cmpi eq, %arg0, %eq3A_99 : i32
    %convert_element_type3A_101 = arith.extui %eq3A_100 : i1 to i32
    %cond3A_102 = arith.constant 0 : i32
    %cond3A_103 = arith.cmpi ne, %convert_element_type3A_101, %cond3A_102 : i32
    scf.if %cond3A_103 {
      "tpu.region"() ({
        %run_scoped3A = tpu.sem_alloc : memref<!tpu.dma_semaphore, #tpu.memory_space<semaphore_mem>>
        %dma_start3A = arith.constant 0 : i32
        %dma_start3A_160 = tpu.memref_slice %arg7[%add3A_93, %dma_start3A] : memref<10240x128xf32, #tpu.memory_space<hbm>> -> memref<80x128xf32, #tpu.memory_space<hbm>>
        %dma_start3A_161 = arith.constant 0 : i32
        %dma_start3A_162 = tpu.memref_slice %arg14[%add3A_93, %dma_start3A_161] : memref<10240x128xf32, #tpu.memory_space<vmem_shared>> -> memref<80x128xf32, #tpu.memory_space<vmem_shared>>
        tpu.enqueue_dma source(%dma_start3A_162 : memref<80x128xf32, #tpu.memory_space<vmem_shared>>) target(%dma_start3A_160 : memref<80x128xf32, #tpu.memory_space<hbm>>) target_semaphore(%run_scoped3A : memref<!tpu.dma_semaphore, #tpu.memory_space<semaphore_mem>>)
        %dma_wait3A = arith.constant 0 : i32
        %dma_wait3A_163 = tpu.memref_slice %arg7[%add3A_93, %dma_wait3A] : memref<10240x128xf32, #tpu.memory_space<hbm>> -> memref<80x128xf32, #tpu.memory_space<hbm>>
        %dma_wait3A_164 = arith.constant 0 : i32
        %dma_wait3A_165 = tpu.memref_slice %arg14[%add3A_93, %dma_wait3A_164] : memref<10240x128xf32, #tpu.memory_space<vmem_shared>> -> memref<80x128xf32, #tpu.memory_space<vmem_shared>>
        tpu.wait_dma2 semaphore(%run_scoped3A : memref<!tpu.dma_semaphore, #tpu.memory_space<semaphore_mem>>) src(%dma_wait3A_165 : memref<80x128xf32, #tpu.memory_space<vmem_shared>>) dst(%dma_wait3A_163 : memref<80x128xf32, #tpu.memory_space<hbm>>)
        tpu.yield
      }) : () -> ()
    } else {
    }
    %mul3A_104 = arith.constant 640 : i32
    %mul3A_105 = arith.muli %arg1, %mul3A_104 : i32
    %add3A_106 = arith.constant 320 : i32
    %add3A_107 = arith.addi %mul3A_105, %add3A_106 : i32
    %eq3A_108 = arith.constant 0 : i32
    %eq3A_109 = arith.cmpi eq, %arg0, %eq3A_108 : i32
    %convert_element_type3A_110 = arith.extui %eq3A_109 : i1 to i32
    %cond3A_111 = arith.constant 0 : i32
    %cond3A_112 = arith.cmpi ne, %convert_element_type3A_110, %cond3A_111 : i32
    scf.if %cond3A_112 {
      "tpu.region"() ({
        %run_scoped3A = tpu.sem_alloc : memref<!tpu.dma_semaphore, #tpu.memory_space<semaphore_mem>>
        %dma_start3A = arith.constant 0 : i32
        %dma_start3A_160 = tpu.memref_slice %arg6[%add3A_107, %dma_start3A] : memref<10240x128xf32, #tpu.memory_space<hbm>> -> memref<80x128xf32, #tpu.memory_space<hbm>>
        %dma_start3A_161 = arith.constant 0 : i32
        %dma_start3A_162 = tpu.memref_slice %arg14[%add3A_107, %dma_start3A_161] : memref<10240x128xf32, #tpu.memory_space<vmem_shared>> -> memref<80x128xf32, #tpu.memory_space<vmem_shared>>
        tpu.enqueue_dma source(%dma_start3A_162 : memref<80x128xf32, #tpu.memory_space<vmem_shared>>) target(%dma_start3A_160 : memref<80x128xf32, #tpu.memory_space<hbm>>) target_semaphore(%run_scoped3A : memref<!tpu.dma_semaphore, #tpu.memory_space<semaphore_mem>>)
        %dma_wait3A = arith.constant 0 : i32
        %dma_wait3A_163 = tpu.memref_slice %arg6[%add3A_107, %dma_wait3A] : memref<10240x128xf32, #tpu.memory_space<hbm>> -> memref<80x128xf32, #tpu.memory_space<hbm>>
        %dma_wait3A_164 = arith.constant 0 : i32
        %dma_wait3A_165 = tpu.memref_slice %arg14[%add3A_107, %dma_wait3A_164] : memref<10240x128xf32, #tpu.memory_space<vmem_shared>> -> memref<80x128xf32, #tpu.memory_space<vmem_shared>>
        tpu.wait_dma2 semaphore(%run_scoped3A : memref<!tpu.dma_semaphore, #tpu.memory_space<semaphore_mem>>) src(%dma_wait3A_165 : memref<80x128xf32, #tpu.memory_space<vmem_shared>>) dst(%dma_wait3A_163 : memref<80x128xf32, #tpu.memory_space<hbm>>)
        tpu.yield
      }) : () -> ()
    } else {
    }
    %eq3A_113 = arith.constant 1 : i32
    %eq3A_114 = arith.cmpi eq, %arg0, %eq3A_113 : i32
    %convert_element_type3A_115 = arith.extui %eq3A_114 : i1 to i32
    %cond3A_116 = arith.constant 0 : i32
    %cond3A_117 = arith.cmpi ne, %convert_element_type3A_115, %cond3A_116 : i32
    scf.if %cond3A_117 {
      "tpu.region"() ({
        %run_scoped3A = tpu.sem_alloc : memref<!tpu.dma_semaphore, #tpu.memory_space<semaphore_mem>>
        %dma_start3A = arith.constant 0 : i32
        %dma_start3A_160 = tpu.memref_slice %arg7[%add3A_107, %dma_start3A] : memref<10240x128xf32, #tpu.memory_space<hbm>> -> memref<80x128xf32, #tpu.memory_space<hbm>>
        %dma_start3A_161 = arith.constant 0 : i32
        %dma_start3A_162 = tpu.memref_slice %arg14[%add3A_107, %dma_start3A_161] : memref<10240x128xf32, #tpu.memory_space<vmem_shared>> -> memref<80x128xf32, #tpu.memory_space<vmem_shared>>
        tpu.enqueue_dma source(%dma_start3A_162 : memref<80x128xf32, #tpu.memory_space<vmem_shared>>) target(%dma_start3A_160 : memref<80x128xf32, #tpu.memory_space<hbm>>) target_semaphore(%run_scoped3A : memref<!tpu.dma_semaphore, #tpu.memory_space<semaphore_mem>>)
        %dma_wait3A = arith.constant 0 : i32
        %dma_wait3A_163 = tpu.memref_slice %arg7[%add3A_107, %dma_wait3A] : memref<10240x128xf32, #tpu.memory_space<hbm>> -> memref<80x128xf32, #tpu.memory_space<hbm>>
        %dma_wait3A_164 = arith.constant 0 : i32
        %dma_wait3A_165 = tpu.memref_slice %arg14[%add3A_107, %dma_wait3A_164] : memref<10240x128xf32, #tpu.memory_space<vmem_shared>> -> memref<80x128xf32, #tpu.memory_space<vmem_shared>>
        tpu.wait_dma2 semaphore(%run_scoped3A : memref<!tpu.dma_semaphore, #tpu.memory_space<semaphore_mem>>) src(%dma_wait3A_165 : memref<80x128xf32, #tpu.memory_space<vmem_shared>>) dst(%dma_wait3A_163 : memref<80x128xf32, #tpu.memory_space<hbm>>)
        tpu.yield
      }) : () -> ()
    } else {
    }
    %mul3A_118 = arith.constant 640 : i32
    %mul3A_119 = arith.muli %arg1, %mul3A_118 : i32
    %add3A_120 = arith.constant 400 : i32
    %add3A_121 = arith.addi %mul3A_119, %add3A_120 : i32
    %eq3A_122 = arith.constant 0 : i32
    %eq3A_123 = arith.cmpi eq, %arg0, %eq3A_122 : i32
    %convert_element_type3A_124 = arith.extui %eq3A_123 : i1 to i32
    %cond3A_125 = arith.constant 0 : i32
    %cond3A_126 = arith.cmpi ne, %convert_element_type3A_124, %cond3A_125 : i32
    scf.if %cond3A_126 {
      "tpu.region"() ({
        %run_scoped3A = tpu.sem_alloc : memref<!tpu.dma_semaphore, #tpu.memory_space<semaphore_mem>>
        %dma_start3A = arith.constant 0 : i32
        %dma_start3A_160 = tpu.memref_slice %arg6[%add3A_121, %dma_start3A] : memref<10240x128xf32, #tpu.memory_space<hbm>> -> memref<80x128xf32, #tpu.memory_space<hbm>>
        %dma_start3A_161 = arith.constant 0 : i32
        %dma_start3A_162 = tpu.memref_slice %arg14[%add3A_121, %dma_start3A_161] : memref<10240x128xf32, #tpu.memory_space<vmem_shared>> -> memref<80x128xf32, #tpu.memory_space<vmem_shared>>
        tpu.enqueue_dma source(%dma_start3A_162 : memref<80x128xf32, #tpu.memory_space<vmem_shared>>) target(%dma_start3A_160 : memref<80x128xf32, #tpu.memory_space<hbm>>) target_semaphore(%run_scoped3A : memref<!tpu.dma_semaphore, #tpu.memory_space<semaphore_mem>>)
        %dma_wait3A = arith.constant 0 : i32
        %dma_wait3A_163 = tpu.memref_slice %arg6[%add3A_121, %dma_wait3A] : memref<10240x128xf32, #tpu.memory_space<hbm>> -> memref<80x128xf32, #tpu.memory_space<hbm>>
        %dma_wait3A_164 = arith.constant 0 : i32
        %dma_wait3A_165 = tpu.memref_slice %arg14[%add3A_121, %dma_wait3A_164] : memref<10240x128xf32, #tpu.memory_space<vmem_shared>> -> memref<80x128xf32, #tpu.memory_space<vmem_shared>>
        tpu.wait_dma2 semaphore(%run_scoped3A : memref<!tpu.dma_semaphore, #tpu.memory_space<semaphore_mem>>) src(%dma_wait3A_165 : memref<80x128xf32, #tpu.memory_space<vmem_shared>>) dst(%dma_wait3A_163 : memref<80x128xf32, #tpu.memory_space<hbm>>)
        tpu.yield
      }) : () -> ()
    } else {
    }
    %eq3A_127 = arith.constant 1 : i32
    %eq3A_128 = arith.cmpi eq, %arg0, %eq3A_127 : i32
    %convert_element_type3A_129 = arith.extui %eq3A_128 : i1 to i32
    %cond3A_130 = arith.constant 0 : i32
    %cond3A_131 = arith.cmpi ne, %convert_element_type3A_129, %cond3A_130 : i32
    scf.if %cond3A_131 {
      "tpu.region"() ({
        %run_scoped3A = tpu.sem_alloc : memref<!tpu.dma_semaphore, #tpu.memory_space<semaphore_mem>>
        %dma_start3A = arith.constant 0 : i32
        %dma_start3A_160 = tpu.memref_slice %arg7[%add3A_121, %dma_start3A] : memref<10240x128xf32, #tpu.memory_space<hbm>> -> memref<80x128xf32, #tpu.memory_space<hbm>>
        %dma_start3A_161 = arith.constant 0 : i32
        %dma_start3A_162 = tpu.memref_slice %arg14[%add3A_121, %dma_start3A_161] : memref<10240x128xf32, #tpu.memory_space<vmem_shared>> -> memref<80x128xf32, #tpu.memory_space<vmem_shared>>
        tpu.enqueue_dma source(%dma_start3A_162 : memref<80x128xf32, #tpu.memory_space<vmem_shared>>) target(%dma_start3A_160 : memref<80x128xf32, #tpu.memory_space<hbm>>) target_semaphore(%run_scoped3A : memref<!tpu.dma_semaphore, #tpu.memory_space<semaphore_mem>>)
        %dma_wait3A = arith.constant 0 : i32
        %dma_wait3A_163 = tpu.memref_slice %arg7[%add3A_121, %dma_wait3A] : memref<10240x128xf32, #tpu.memory_space<hbm>> -> memref<80x128xf32, #tpu.memory_space<hbm>>
        %dma_wait3A_164 = arith.constant 0 : i32
        %dma_wait3A_165 = tpu.memref_slice %arg14[%add3A_121, %dma_wait3A_164] : memref<10240x128xf32, #tpu.memory_space<vmem_shared>> -> memref<80x128xf32, #tpu.memory_space<vmem_shared>>
        tpu.wait_dma2 semaphore(%run_scoped3A : memref<!tpu.dma_semaphore, #tpu.memory_space<semaphore_mem>>) src(%dma_wait3A_165 : memref<80x128xf32, #tpu.memory_space<vmem_shared>>) dst(%dma_wait3A_163 : memref<80x128xf32, #tpu.memory_space<hbm>>)
        tpu.yield
      }) : () -> ()
    } else {
    }
    %mul3A_132 = arith.constant 640 : i32
    %mul3A_133 = arith.muli %arg1, %mul3A_132 : i32
    %add3A_134 = arith.constant 480 : i32
    %add3A_135 = arith.addi %mul3A_133, %add3A_134 : i32
    %eq3A_136 = arith.constant 0 : i32
    %eq3A_137 = arith.cmpi eq, %arg0, %eq3A_136 : i32
    %convert_element_type3A_138 = arith.extui %eq3A_137 : i1 to i32
    %cond3A_139 = arith.constant 0 : i32
    %cond3A_140 = arith.cmpi ne, %convert_element_type3A_138, %cond3A_139 : i32
    scf.if %cond3A_140 {
      "tpu.region"() ({
        %run_scoped3A = tpu.sem_alloc : memref<!tpu.dma_semaphore, #tpu.memory_space<semaphore_mem>>
        %dma_start3A = arith.constant 0 : i32
        %dma_start3A_160 = tpu.memref_slice %arg6[%add3A_135, %dma_start3A] : memref<10240x128xf32, #tpu.memory_space<hbm>> -> memref<80x128xf32, #tpu.memory_space<hbm>>
        %dma_start3A_161 = arith.constant 0 : i32
        %dma_start3A_162 = tpu.memref_slice %arg14[%add3A_135, %dma_start3A_161] : memref<10240x128xf32, #tpu.memory_space<vmem_shared>> -> memref<80x128xf32, #tpu.memory_space<vmem_shared>>
        tpu.enqueue_dma source(%dma_start3A_162 : memref<80x128xf32, #tpu.memory_space<vmem_shared>>) target(%dma_start3A_160 : memref<80x128xf32, #tpu.memory_space<hbm>>) target_semaphore(%run_scoped3A : memref<!tpu.dma_semaphore, #tpu.memory_space<semaphore_mem>>)
        %dma_wait3A = arith.constant 0 : i32
        %dma_wait3A_163 = tpu.memref_slice %arg6[%add3A_135, %dma_wait3A] : memref<10240x128xf32, #tpu.memory_space<hbm>> -> memref<80x128xf32, #tpu.memory_space<hbm>>
        %dma_wait3A_164 = arith.constant 0 : i32
        %dma_wait3A_165 = tpu.memref_slice %arg14[%add3A_135, %dma_wait3A_164] : memref<10240x128xf32, #tpu.memory_space<vmem_shared>> -> memref<80x128xf32, #tpu.memory_space<vmem_shared>>
        tpu.wait_dma2 semaphore(%run_scoped3A : memref<!tpu.dma_semaphore, #tpu.memory_space<semaphore_mem>>) src(%dma_wait3A_165 : memref<80x128xf32, #tpu.memory_space<vmem_shared>>) dst(%dma_wait3A_163 : memref<80x128xf32, #tpu.memory_space<hbm>>)
        tpu.yield
      }) : () -> ()
    } else {
    }
    %eq3A_141 = arith.constant 1 : i32
    %eq3A_142 = arith.cmpi eq, %arg0, %eq3A_141 : i32
    %convert_element_type3A_143 = arith.extui %eq3A_142 : i1 to i32
    %cond3A_144 = arith.constant 0 : i32
    %cond3A_145 = arith.cmpi ne, %convert_element_type3A_143, %cond3A_144 : i32
    scf.if %cond3A_145 {
      "tpu.region"() ({
        %run_scoped3A = tpu.sem_alloc : memref<!tpu.dma_semaphore, #tpu.memory_space<semaphore_mem>>
        %dma_start3A = arith.constant 0 : i32
        %dma_start3A_160 = tpu.memref_slice %arg7[%add3A_135, %dma_start3A] : memref<10240x128xf32, #tpu.memory_space<hbm>> -> memref<80x128xf32, #tpu.memory_space<hbm>>
        %dma_start3A_161 = arith.constant 0 : i32
        %dma_start3A_162 = tpu.memref_slice %arg14[%add3A_135, %dma_start3A_161] : memref<10240x128xf32, #tpu.memory_space<vmem_shared>> -> memref<80x128xf32, #tpu.memory_space<vmem_shared>>
        tpu.enqueue_dma source(%dma_start3A_162 : memref<80x128xf32, #tpu.memory_space<vmem_shared>>) target(%dma_start3A_160 : memref<80x128xf32, #tpu.memory_space<hbm>>) target_semaphore(%run_scoped3A : memref<!tpu.dma_semaphore, #tpu.memory_space<semaphore_mem>>)
        %dma_wait3A = arith.constant 0 : i32
        %dma_wait3A_163 = tpu.memref_slice %arg7[%add3A_135, %dma_wait3A] : memref<10240x128xf32, #tpu.memory_space<hbm>> -> memref<80x128xf32, #tpu.memory_space<hbm>>
        %dma_wait3A_164 = arith.constant 0 : i32
        %dma_wait3A_165 = tpu.memref_slice %arg14[%add3A_135, %dma_wait3A_164] : memref<10240x128xf32, #tpu.memory_space<vmem_shared>> -> memref<80x128xf32, #tpu.memory_space<vmem_shared>>
        tpu.wait_dma2 semaphore(%run_scoped3A : memref<!tpu.dma_semaphore, #tpu.memory_space<semaphore_mem>>) src(%dma_wait3A_165 : memref<80x128xf32, #tpu.memory_space<vmem_shared>>) dst(%dma_wait3A_163 : memref<80x128xf32, #tpu.memory_space<hbm>>)
        tpu.yield
      }) : () -> ()
    } else {
    }
    %mul3A_146 = arith.constant 640 : i32
    %mul3A_147 = arith.muli %arg1, %mul3A_146 : i32
    %add3A_148 = arith.constant 560 : i32
    %add3A_149 = arith.addi %mul3A_147, %add3A_148 : i32
    %eq3A_150 = arith.constant 0 : i32
    %eq3A_151 = arith.cmpi eq, %arg0, %eq3A_150 : i32
    %convert_element_type3A_152 = arith.extui %eq3A_151 : i1 to i32
    %cond3A_153 = arith.constant 0 : i32
    %cond3A_154 = arith.cmpi ne, %convert_element_type3A_152, %cond3A_153 : i32
    scf.if %cond3A_154 {
      "tpu.region"() ({
        %run_scoped3A = tpu.sem_alloc : memref<!tpu.dma_semaphore, #tpu.memory_space<semaphore_mem>>
        %dma_start3A = arith.constant 0 : i32
        %dma_start3A_160 = tpu.memref_slice %arg6[%add3A_149, %dma_start3A] : memref<10240x128xf32, #tpu.memory_space<hbm>> -> memref<80x128xf32, #tpu.memory_space<hbm>>
        %dma_start3A_161 = arith.constant 0 : i32
        %dma_start3A_162 = tpu.memref_slice %arg14[%add3A_149, %dma_start3A_161] : memref<10240x128xf32, #tpu.memory_space<vmem_shared>> -> memref<80x128xf32, #tpu.memory_space<vmem_shared>>
        tpu.enqueue_dma source(%dma_start3A_162 : memref<80x128xf32, #tpu.memory_space<vmem_shared>>) target(%dma_start3A_160 : memref<80x128xf32, #tpu.memory_space<hbm>>) target_semaphore(%run_scoped3A : memref<!tpu.dma_semaphore, #tpu.memory_space<semaphore_mem>>)
        %dma_wait3A = arith.constant 0 : i32
        %dma_wait3A_163 = tpu.memref_slice %arg6[%add3A_149, %dma_wait3A] : memref<10240x128xf32, #tpu.memory_space<hbm>> -> memref<80x128xf32, #tpu.memory_space<hbm>>
        %dma_wait3A_164 = arith.constant 0 : i32
        %dma_wait3A_165 = tpu.memref_slice %arg14[%add3A_149, %dma_wait3A_164] : memref<10240x128xf32, #tpu.memory_space<vmem_shared>> -> memref<80x128xf32, #tpu.memory_space<vmem_shared>>
        tpu.wait_dma2 semaphore(%run_scoped3A : memref<!tpu.dma_semaphore, #tpu.memory_space<semaphore_mem>>) src(%dma_wait3A_165 : memref<80x128xf32, #tpu.memory_space<vmem_shared>>) dst(%dma_wait3A_163 : memref<80x128xf32, #tpu.memory_space<hbm>>)
        tpu.yield
      }) : () -> ()
    } else {
    }
    %eq3A_155 = arith.constant 1 : i32
    %eq3A_156 = arith.cmpi eq, %arg0, %eq3A_155 : i32
    %convert_element_type3A_157 = arith.extui %eq3A_156 : i1 to i32
    %cond3A_158 = arith.constant 0 : i32
    %cond3A_159 = arith.cmpi ne, %convert_element_type3A_157, %cond3A_158 : i32
    scf.if %cond3A_159 {
      "tpu.region"() ({
        %run_scoped3A = tpu.sem_alloc : memref<!tpu.dma_semaphore, #tpu.memory_space<semaphore_mem>>
        %dma_start3A = arith.constant 0 : i32
        %dma_start3A_160 = tpu.memref_slice %arg7[%add3A_149, %dma_start3A] : memref<10240x128xf32, #tpu.memory_space<hbm>> -> memref<80x128xf32, #tpu.memory_space<hbm>>
        %dma_start3A_161 = arith.constant 0 : i32
        %dma_start3A_162 = tpu.memref_slice %arg14[%add3A_149, %dma_start3A_161] : memref<10240x128xf32, #tpu.memory_space<vmem_shared>> -> memref<80x128xf32, #tpu.memory_space<vmem_shared>>
        tpu.enqueue_dma source(%dma_start3A_162 : memref<80x128xf32, #tpu.memory_space<vmem_shared>>) target(%dma_start3A_160 : memref<80x128xf32, #tpu.memory_space<hbm>>) target_semaphore(%run_scoped3A : memref<!tpu.dma_semaphore, #tpu.memory_space<semaphore_mem>>)
        %dma_wait3A = arith.constant 0 : i32
        %dma_wait3A_163 = tpu.memref_slice %arg7[%add3A_149, %dma_wait3A] : memref<10240x128xf32, #tpu.memory_space<hbm>> -> memref<80x128xf32, #tpu.memory_space<hbm>>
        %dma_wait3A_164 = arith.constant 0 : i32
        %dma_wait3A_165 = tpu.memref_slice %arg14[%add3A_149, %dma_wait3A_164] : memref<10240x128xf32, #tpu.memory_space<vmem_shared>> -> memref<80x128xf32, #tpu.memory_space<vmem_shared>>
        tpu.wait_dma2 semaphore(%run_scoped3A : memref<!tpu.dma_semaphore, #tpu.memory_space<semaphore_mem>>) src(%dma_wait3A_165 : memref<80x128xf32, #tpu.memory_space<vmem_shared>>) dst(%dma_wait3A_163 : memref<80x128xf32, #tpu.memory_space<hbm>>)
        tpu.yield
      }) : () -> ()
    } else {
    }
    return
  }
}

module attributes {stable_mosaic.version = 14 : i64} {
  func.func @body(%arg0: memref<10000x128xf32, #tpu.memory_space<vmem>>, %arg1: memref<128x128xf32, #tpu.memory_space<vmem>>, %arg2: memref<20480xf32, #tpu.memory_space<vmem>>, %arg3: memref<10000x128xf32, #tpu.memory_space<vmem>>) attributes {dimension_semantics = [], scalar_prefetch = 0 : i64, scratch_operands = 0 : i64, tpu.core_type = #tpu.core_type<tc>} {
    %get3A = arith.constant 0 : index
    %get3A_0 = vector.load %arg2[%get3A] : memref<20480xf32, #tpu.memory_space<vmem>>, vector<20480xf32>
    %slice3A = vector.extract_strided_slice %get3A_0 {offsets = [0], sizes = [10000], strides = [1]} : vector<20480xf32> to vector<10000xf32>
    %slice3A_1 = vector.extract_strided_slice %get3A_0 {offsets = [10240], sizes = [10000], strides = [1]} : vector<20480xf32> to vector<10000xf32>
    %add3A = arith.addf %slice3A, %slice3A_1 : vector<10000xf32>
    %add3A_2 = arith.constant 1.000000e+00 : f32
    %add3A_3 = vector.broadcast %add3A_2 : f32 to vector<10000xf32>
    %add3A_4 = arith.addf %add3A, %add3A_3 : vector<10000xf32>
    %rsqrt3A = math.rsqrt %add3A_4 : vector<10000xf32>
    %get3A_5 = arith.constant 0 : index
    %get3A_6 = arith.constant 0 : index
    %get3A_7 = vector.load %arg0[%get3A_5, %get3A_6] : memref<10000x128xf32, #tpu.memory_space<vmem>>, vector<10000x128xf32>
    %get3A_8 = arith.constant 0 : index
    %get3A_9 = arith.constant 0 : index
    %get3A_10 = vector.load %arg1[%get3A_8, %get3A_9] : memref<128x128xf32, #tpu.memory_space<vmem>>, vector<128x128xf32>
    %dot_general3A = arith.constant dense<0.000000e+00> : vector<10000x128xf32>
    %dot_general3A_11 = tpu.matmul %get3A_7, %get3A_10, %dot_general3A {dimension_numbers = #tpu.dot_dimension_numbers<[1], [0], [0], [1], [0, 0, 1, 1], [], []>, transpose_lhs_hint = false} : vector<10000x128xf32>, vector<128x128xf32>, vector<10000x128xf32> -> vector<10000x128xf32>
    %broadcast_in_dim3A = vector.shape_cast %rsqrt3A : vector<10000xf32> to vector<10000x1xf32>
    %mul3A = vector.broadcast %broadcast_in_dim3A : vector<10000x1xf32> to vector<10000x128xf32>
    %mul3A_12 = arith.mulf %dot_general3A_11, %mul3A : vector<10000x128xf32>
    %swap3A = arith.constant 0 : index
    %swap3A_13 = arith.constant 0 : index
    %swap3A_14 = vector.load %arg3[%swap3A, %swap3A_13] : memref<10000x128xf32, #tpu.memory_space<vmem>>, vector<10000x128xf32>
    tpu.vector_store %arg3[%swap3A, %swap3A_13], %mul3A_12 {strides = array<i32>} : memref<10000x128xf32, #tpu.memory_space<vmem>>, vector<10000x128xf32>,
    return
  }
}

module attributes {stable_mosaic.version = 14 : i64} {
  func.func @body(%arg0: memref<10240x128xf32, #tpu.memory_space<vmem>>, %arg1: memref<10240x128xf32, #tpu.memory_space<vmem>>, %arg2: memref<10000x128xf32, #tpu.memory_space<vmem>>, %arg3: memref<20480xf32, #tpu.memory_space<vmem>>, %arg4: memref<128x256xf32, #tpu.memory_space<vmem>>, %arg5: memref<1x128xf32, #tpu.memory_space<vmem>>, %arg6: memref<10000x128xf32, #tpu.memory_space<vmem>>, %arg7: memref<10000x128xf32, #tpu.memory_space<vmem>>) attributes {dimension_semantics = [], scalar_prefetch = 0 : i64, scratch_operands = 0 : i64, tpu.core_type = #tpu.core_type<tc>} {
    %get3A = arith.constant 0 : index
    %get3A_0 = vector.load %arg3[%get3A] : memref<20480xf32, #tpu.memory_space<vmem>>, vector<20480xf32>
    %slice3A = vector.extract_strided_slice %get3A_0 {offsets = [0], sizes = [10000], strides = [1]} : vector<20480xf32> to vector<10000xf32>
    %slice3A_1 = vector.extract_strided_slice %get3A_0 {offsets = [10240], sizes = [10000], strides = [1]} : vector<20480xf32> to vector<10000xf32>
    %add3A = arith.addf %slice3A, %slice3A_1 : vector<10000xf32>
    %add3A_2 = arith.constant 1.000000e+00 : f32
    %add3A_3 = vector.broadcast %add3A_2 : f32 to vector<10000xf32>
    %add3A_4 = arith.addf %add3A, %add3A_3 : vector<10000xf32>
    %rsqrt3A = math.rsqrt %add3A_4 : vector<10000xf32>
    %get3A_5 = arith.constant 0 : index
    %get3A_6 = arith.constant 0 : index
    %get3A_7 = vector.load %arg0[%get3A_5, %get3A_6] : memref<10240x128xf32, #tpu.memory_space<vmem>>, vector<10000x128xf32>
    %get3A_8 = arith.constant 0 : index
    %get3A_9 = arith.constant 0 : index
    %get3A_10 = vector.load %arg1[%get3A_8, %get3A_9] : memref<10240x128xf32, #tpu.memory_space<vmem>>, vector<10000x128xf32>
    %add3A_11 = arith.addf %get3A_7, %get3A_10 : vector<10000x128xf32>
    %get3A_12 = arith.constant 0 : index
    %get3A_13 = arith.constant 0 : index
    %get3A_14 = vector.load %arg2[%get3A_12, %get3A_13] : memref<10000x128xf32, #tpu.memory_space<vmem>>, vector<10000x128xf32>
    %add3A_15 = arith.addf %add3A_11, %get3A_14 : vector<10000x128xf32>
    %broadcast_in_dim3A = vector.shape_cast %rsqrt3A : vector<10000xf32> to vector<10000x1xf32>
    %mul3A = vector.broadcast %broadcast_in_dim3A : vector<10000x1xf32> to vector<10000x128xf32>
    %mul3A_16 = arith.mulf %add3A_15, %mul3A : vector<10000x128xf32>
    %get3A_17 = arith.constant 0 : index
    %get3A_18 = arith.constant 0 : index
    %get3A_19 = vector.load %arg5[%get3A_17, %get3A_18] : memref<1x128xf32, #tpu.memory_space<vmem>>, vector<1x128xf32>
    %add3A_20 = vector.broadcast %get3A_19 : vector<1x128xf32> to vector<10000x128xf32>
    %add3A_21 = arith.addf %mul3A_16, %add3A_20 : vector<10000x128xf32>
    %max3A = arith.constant 0.000000e+00 : f32
    %max3A_22 = vector.broadcast %max3A : f32 to vector<10000x128xf32>
    %max3A_23 = arith.maximumf %add3A_21, %max3A_22 : vector<10000x128xf32>
    %get3A_24 = arith.constant 0 : index
    %get3A_25 = arith.constant 0 : index
    %get3A_26 = vector.load %arg4[%get3A_24, %get3A_25] : memref<128x256xf32, #tpu.memory_space<vmem>>, vector<128x256xf32>
    %dot_general3A = arith.constant dense<0.000000e+00> : vector<10000x256xf32>
    %dot_general3A_27 = tpu.matmul %max3A_23, %get3A_26, %dot_general3A {dimension_numbers = #tpu.dot_dimension_numbers<[1], [0], [0], [1], [0, 0, 1, 1], [], []>, transpose_lhs_hint = false} : vector<10000x128xf32>, vector<128x256xf32>, vector<10000x256xf32> -> vector<10000x256xf32>
    %broadcast_in_dim3A_28 = vector.shape_cast %rsqrt3A : vector<10000xf32> to vector<10000x1xf32>
    %mul3A_29 = vector.broadcast %broadcast_in_dim3A_28 : vector<10000x1xf32> to vector<10000x256xf32>
    %mul3A_30 = arith.mulf %dot_general3A_27, %mul3A_29 : vector<10000x256xf32>
    %slice3A_31 = vector.extract_strided_slice %mul3A_30 {offsets = [0, 0], sizes = [10000, 128], strides = [1, 1]} : vector<10000x256xf32> to vector<10000x128xf32>
    %swap3A = arith.constant 0 : index
    %swap3A_32 = arith.constant 0 : index
    %swap3A_33 = vector.load %arg6[%swap3A, %swap3A_32] : memref<10000x128xf32, #tpu.memory_space<vmem>>, vector<10000x128xf32>
    tpu.vector_store %arg6[%swap3A, %swap3A_32], %slice3A_31 {strides = array<i32>} : memref<10000x128xf32, #tpu.memory_space<vmem>>, vector<10000x128xf32>,
    %slice3A_34 = vector.extract_strided_slice %mul3A_30 {offsets = [0, 128], sizes = [10000, 128], strides = [1, 1]} : vector<10000x256xf32> to vector<10000x128xf32>
    %swap3A_35 = arith.constant 0 : index
    %swap3A_36 = arith.constant 0 : index
    %swap3A_37 = vector.load %arg7[%swap3A_35, %swap3A_36] : memref<10000x128xf32, #tpu.memory_space<vmem>>, vector<10000x128xf32>
    tpu.vector_store %arg7[%swap3A_35, %swap3A_36], %slice3A_34 {strides = array<i32>} : memref<10000x128xf32, #tpu.memory_space<vmem>>, vector<10000x128xf32>,
    return
  }
}

module attributes {stable_mosaic.version = 14 : i64} {
  func.func @body(%arg0: memref<10240x128xf32, #tpu.memory_space<vmem>>, %arg1: memref<10240x128xf32, #tpu.memory_space<vmem>>, %arg2: memref<10000x128xf32, #tpu.memory_space<vmem>>, %arg3: memref<10000x128xf32, #tpu.memory_space<vmem>>, %arg4: memref<20480xf32, #tpu.memory_space<vmem>>, %arg5: memref<10x256xf32, #tpu.memory_space<vmem>>, %arg6: memref<1x256xf32, #tpu.memory_space<vmem>>, %arg7: memref<256x1028xf32, #tpu.memory_space<vmem>>, %arg8: memref<1x1028xf32, #tpu.memory_space<vmem>>, %arg9: memref<1028x32xf32, #tpu.memory_space<vmem>>, %arg10: memref<1x32xf32, #tpu.memory_space<vmem>>, %arg11: memref<288x64xf32, #tpu.memory_space<vmem>>, %arg12: memref<1x64xf32, #tpu.memory_space<vmem>>, %arg13: memref<64x16xf32, #tpu.memory_space<vmem>>, %arg14: memref<1x16xf32, #tpu.memory_space<vmem>>, %arg15: memref<16x1xf32, #tpu.memory_space<vmem>>, %arg16: memref<1x1xf32, #tpu.memory_space<vmem>>, %arg17: memref<10x1xf32, #tpu.memory_space<vmem>>) attributes {dimension_semantics = [], scalar_prefetch = 0 : i64, scratch_operands = 0 : i64, tpu.core_type = #tpu.core_type<tc>} {
    %get3A = arith.constant 0 : index
    %get3A_0 = vector.load %arg4[%get3A] : memref<20480xf32, #tpu.memory_space<vmem>>, vector<20480xf32>
    %slice3A = vector.extract_strided_slice %get3A_0 {offsets = [0], sizes = [10000], strides = [1]} : vector<20480xf32> to vector<10000xf32>
    %slice3A_1 = vector.extract_strided_slice %get3A_0 {offsets = [10240], sizes = [10000], strides = [1]} : vector<20480xf32> to vector<10000xf32>
    %add3A = arith.addf %slice3A, %slice3A_1 : vector<10000xf32>
    %add3A_2 = arith.constant 1.000000e+00 : f32
    %add3A_3 = vector.broadcast %add3A_2 : f32 to vector<10000xf32>
    %add3A_4 = arith.addf %add3A, %add3A_3 : vector<10000xf32>
    %rsqrt3A = math.rsqrt %add3A_4 : vector<10000xf32>
    %broadcast_in_dim3A = vector.shape_cast %rsqrt3A : vector<10000xf32> to vector<10000x1xf32>
    %get3A_5 = arith.constant 0 : index
    %get3A_6 = arith.constant 0 : index
    %get3A_7 = vector.load %arg6[%get3A_5, %get3A_6] : memref<1x256xf32, #tpu.memory_space<vmem>>, vector<1x256xf32>
    %get3A_8 = arith.constant 0 : index
    %get3A_9 = arith.constant 0 : index
    %get3A_10 = vector.load %arg0[%get3A_8, %get3A_9] : memref<10240x128xf32, #tpu.memory_space<vmem>>, vector<10000x128xf32>
    %get3A_11 = arith.constant 0 : index
    %get3A_12 = arith.constant 0 : index
    %get3A_13 = vector.load %arg2[%get3A_11, %get3A_12] : memref<10000x128xf32, #tpu.memory_space<vmem>>, vector<10000x128xf32>
    %add3A_14 = arith.addf %get3A_10, %get3A_13 : vector<10000x128xf32>
    %mul3A = vector.broadcast %broadcast_in_dim3A : vector<10000x1xf32> to vector<10000x128xf32>
    %mul3A_15 = arith.mulf %add3A_14, %mul3A : vector<10000x128xf32>
    %slice3A_16 = vector.extract_strided_slice %get3A_7 {offsets = [0, 0], sizes = [1, 128], strides = [1, 1]} : vector<1x256xf32> to vector<1x128xf32>
    %add3A_17 = vector.broadcast %slice3A_16 : vector<1x128xf32> to vector<10000x128xf32>
    %add3A_18 = arith.addf %mul3A_15, %add3A_17 : vector<10000x128xf32>
    %max3A = arith.constant 0.000000e+00 : f32
    %max3A_19 = vector.broadcast %max3A : f32 to vector<10000x128xf32>
    %max3A_20 = arith.maximumf %add3A_18, %max3A_19 : vector<10000x128xf32>
    %get3A_21 = arith.constant 0 : index
    %get3A_22 = arith.constant 0 : index
    %get3A_23 = vector.load %arg1[%get3A_21, %get3A_22] : memref<10240x128xf32, #tpu.memory_space<vmem>>, vector<10000x128xf32>
    %get3A_24 = arith.constant 0 : index
    %get3A_25 = arith.constant 0 : index
    %get3A_26 = vector.load %arg3[%get3A_24, %get3A_25] : memref<10000x128xf32, #tpu.memory_space<vmem>>, vector<10000x128xf32>
    %add3A_27 = arith.addf %get3A_23, %get3A_26 : vector<10000x128xf32>
    %mul3A_28 = vector.broadcast %broadcast_in_dim3A : vector<10000x1xf32> to vector<10000x128xf32>
    %mul3A_29 = arith.mulf %add3A_27, %mul3A_28 : vector<10000x128xf32>
    %slice3A_30 = vector.extract_strided_slice %get3A_7 {offsets = [0, 128], sizes = [1, 128], strides = [1, 1]} : vector<1x256xf32> to vector<1x128xf32>
    %add3A_31 = vector.broadcast %slice3A_30 : vector<1x128xf32> to vector<10000x128xf32>
    %add3A_32 = arith.addf %mul3A_29, %add3A_31 : vector<10000x128xf32>
    %max3A_33 = arith.constant 0.000000e+00 : f32
    %max3A_34 = vector.broadcast %max3A_33 : f32 to vector<10000x128xf32>
    %max3A_35 = arith.maximumf %add3A_32, %max3A_34 : vector<10000x128xf32>
    %reshape3A = vector.shape_cast %max3A_20 : vector<10000x128xf32> to vector<10x1000x128xf32>
    %reduce_max3A = arith.constant dense<0xFF800000> : vector<10x128xf32>
    %reduce_max3A_36 = vector.multi_reduction <maximumf>, %reshape3A, %reduce_max3A [1] : vector<10x1000x128xf32> to vector<10x128xf32>
    %reshape3A_37 = vector.shape_cast %max3A_35 : vector<10000x128xf32> to vector<10x1000x128xf32>
    %reduce_max3A_38 = arith.constant dense<0xFF800000> : vector<10x128xf32>
    %reduce_max3A_39 = vector.multi_reduction <maximumf>, %reshape3A_37, %reduce_max3A_38 [1] : vector<10x1000x128xf32> to vector<10x128xf32>
    %get3A_40 = arith.constant 0 : index
    %get3A_41 = arith.constant 0 : index
    %get3A_42 = vector.load %arg7[%get3A_40, %get3A_41] : memref<256x1028xf32, #tpu.memory_space<vmem>>, vector<256x1028xf32>
    %slice3A_43 = vector.extract_strided_slice %get3A_42 {offsets = [0, 0], sizes = [128, 1028], strides = [1, 1]} : vector<256x1028xf32> to vector<128x1028xf32>
    %dot_general3A = arith.constant dense<0.000000e+00> : vector<10x1028xf32>
    %dot_general3A_44 = tpu.matmul %reduce_max3A_36, %slice3A_43, %dot_general3A {dimension_numbers = #tpu.dot_dimension_numbers<[1], [0], [0], [1], [0, 0, 1, 1], [], []>, transpose_lhs_hint = false} : vector<10x128xf32>, vector<128x1028xf32>, vector<10x1028xf32> -> vector<10x1028xf32>
    %slice3A_45 = vector.extract_strided_slice %get3A_42 {offsets = [128, 0], sizes = [128, 1028], strides = [1, 1]} : vector<256x1028xf32> to vector<128x1028xf32>
    %dot_general3A_46 = arith.constant dense<0.000000e+00> : vector<10x1028xf32>
    %dot_general3A_47 = tpu.matmul %reduce_max3A_39, %slice3A_45, %dot_general3A_46 {dimension_numbers = #tpu.dot_dimension_numbers<[1], [0], [0], [1], [0, 0, 1, 1], [], []>, transpose_lhs_hint = false} : vector<10x128xf32>, vector<128x1028xf32>, vector<10x1028xf32> -> vector<10x1028xf32>
    %add3A_48 = arith.addf %dot_general3A_44, %dot_general3A_47 : vector<10x1028xf32>
    %get3A_49 = arith.constant 0 : index
    %get3A_50 = arith.constant 0 : index
    %get3A_51 = vector.load %arg8[%get3A_49, %get3A_50] : memref<1x1028xf32, #tpu.memory_space<vmem>>, vector<1x1028xf32>
    %add3A_52 = vector.broadcast %get3A_51 : vector<1x1028xf32> to vector<10x1028xf32>
    %add3A_53 = arith.addf %add3A_48, %add3A_52 : vector<10x1028xf32>
    %max3A_54 = arith.constant 0.000000e+00 : f32
    %max3A_55 = vector.broadcast %max3A_54 : f32 to vector<10x1028xf32>
    %max3A_56 = arith.maximumf %add3A_53, %max3A_55 : vector<10x1028xf32>
    %get3A_57 = arith.constant 0 : index
    %get3A_58 = arith.constant 0 : index
    %get3A_59 = vector.load %arg9[%get3A_57, %get3A_58] : memref<1028x32xf32, #tpu.memory_space<vmem>>, vector<1028x32xf32>
    %dot_general3A_60 = arith.constant dense<0.000000e+00> : vector<10x32xf32>
    %dot_general3A_61 = tpu.matmul %max3A_56, %get3A_59, %dot_general3A_60 {dimension_numbers = #tpu.dot_dimension_numbers<[1], [0], [0], [1], [0, 0, 1, 1], [], []>, transpose_lhs_hint = false} : vector<10x1028xf32>, vector<1028x32xf32>, vector<10x32xf32> -> vector<10x32xf32>
    %get3A_62 = arith.constant 0 : index
    %get3A_63 = arith.constant 0 : index
    %get3A_64 = vector.load %arg10[%get3A_62, %get3A_63] : memref<1x32xf32, #tpu.memory_space<vmem>>, vector<1x32xf32>
    %add3A_65 = vector.broadcast %get3A_64 : vector<1x32xf32> to vector<10x32xf32>
    %add3A_66 = arith.addf %dot_general3A_61, %add3A_65 : vector<10x32xf32>
    %get3A_67 = arith.constant 0 : index
    %get3A_68 = arith.constant 0 : index
    %get3A_69 = vector.load %arg11[%get3A_67, %get3A_68] : memref<288x64xf32, #tpu.memory_space<vmem>>, vector<288x64xf32>
    %slice3A_70 = vector.extract_strided_slice %get3A_69 {offsets = [0, 0], sizes = [32, 64], strides = [1, 1]} : vector<288x64xf32> to vector<32x64xf32>
    %dot_general3A_71 = arith.constant dense<0.000000e+00> : vector<10x64xf32>
    %dot_general3A_72 = tpu.matmul %add3A_66, %slice3A_70, %dot_general3A_71 {dimension_numbers = #tpu.dot_dimension_numbers<[1], [0], [0], [1], [0, 0, 1, 1], [], []>, transpose_lhs_hint = false} : vector<10x32xf32>, vector<32x64xf32>, vector<10x64xf32> -> vector<10x64xf32>
    %get3A_73 = arith.constant 0 : index
    %get3A_74 = arith.constant 0 : index
    %get3A_75 = vector.load %arg5[%get3A_73, %get3A_74] : memref<10x256xf32, #tpu.memory_space<vmem>>, vector<10x256xf32>
    %slice3A_76 = vector.extract_strided_slice %get3A_69 {offsets = [32, 0], sizes = [256, 64], strides = [1, 1]} : vector<288x64xf32> to vector<256x64xf32>
    %dot_general3A_77 = arith.constant dense<0.000000e+00> : vector<10x64xf32>
    %dot_general3A_78 = tpu.matmul %get3A_75, %slice3A_76, %dot_general3A_77 {dimension_numbers = #tpu.dot_dimension_numbers<[1], [0], [0], [1], [0, 0, 1, 1], [], []>, transpose_lhs_hint = false} : vector<10x256xf32>, vector<256x64xf32>, vector<10x64xf32> -> vector<10x64xf32>
    %add3A_79 = arith.addf %dot_general3A_72, %dot_general3A_78 : vector<10x64xf32>
    %get3A_80 = arith.constant 0 : index
    %get3A_81 = arith.constant 0 : index
    %get3A_82 = vector.load %arg12[%get3A_80, %get3A_81] : memref<1x64xf32, #tpu.memory_space<vmem>>, vector<1x64xf32>
    %add3A_83 = vector.broadcast %get3A_82 : vector<1x64xf32> to vector<10x64xf32>
    %add3A_84 = arith.addf %add3A_79, %add3A_83 : vector<10x64xf32>
    %max3A_85 = arith.constant 0.000000e+00 : f32
    %max3A_86 = vector.broadcast %max3A_85 : f32 to vector<10x64xf32>
    %max3A_87 = arith.maximumf %add3A_84, %max3A_86 : vector<10x64xf32>
    %get3A_88 = arith.constant 0 : index
    %get3A_89 = arith.constant 0 : index
    %get3A_90 = vector.load %arg13[%get3A_88, %get3A_89] : memref<64x16xf32, #tpu.memory_space<vmem>>, vector<64x16xf32>
    %dot_general3A_91 = arith.constant dense<0.000000e+00> : vector<10x16xf32>
    %dot_general3A_92 = tpu.matmul %max3A_87, %get3A_90, %dot_general3A_91 {dimension_numbers = #tpu.dot_dimension_numbers<[1], [0], [0], [1], [0, 0, 1, 1], [], []>, transpose_lhs_hint = false} : vector<10x64xf32>, vector<64x16xf32>, vector<10x16xf32> -> vector<10x16xf32>
    %get3A_93 = arith.constant 0 : index
    %get3A_94 = arith.constant 0 : index
    %get3A_95 = vector.load %arg14[%get3A_93, %get3A_94] : memref<1x16xf32, #tpu.memory_space<vmem>>, vector<1x16xf32>
    %add3A_96 = vector.broadcast %get3A_95 : vector<1x16xf32> to vector<10x16xf32>
    %add3A_97 = arith.addf %dot_general3A_92, %add3A_96 : vector<10x16xf32>
    %max3A_98 = arith.constant 0.000000e+00 : f32
    %max3A_99 = vector.broadcast %max3A_98 : f32 to vector<10x16xf32>
    %max3A_100 = arith.maximumf %add3A_97, %max3A_99 : vector<10x16xf32>
    %get3A_101 = arith.constant 0 : index
    %get3A_102 = arith.constant 0 : index
    %get3A_103 = vector.load %arg15[%get3A_101, %get3A_102] : memref<16x1xf32, #tpu.memory_space<vmem>>, vector<16x1xf32>
    %dot_general3A_104 = arith.constant dense<0.000000e+00> : vector<10x1xf32>
    %dot_general3A_105 = tpu.matmul %max3A_100, %get3A_103, %dot_general3A_104 {dimension_numbers = #tpu.dot_dimension_numbers<[1], [0], [0], [1], [0, 0, 1, 1], [], []>, transpose_lhs_hint = false} : vector<10x16xf32>, vector<16x1xf32>, vector<10x1xf32> -> vector<10x1xf32>
    %get3A_106 = arith.constant 0 : index
    %get3A_107 = arith.constant 0 : index
    %get3A_108 = vector.load %arg16[%get3A_106, %get3A_107] : memref<1x1xf32, #tpu.memory_space<vmem>>, vector<1x1xf32>
    %add3A_109 = vector.broadcast %get3A_108 : vector<1x1xf32> to vector<10x1xf32>
    %add3A_110 = arith.addf %dot_general3A_105, %add3A_109 : vector<10x1xf32>
    %logistic3A = arith.negf %add3A_110 : vector<10x1xf32>
    %logistic3A_111 = math.exp %logistic3A : vector<10x1xf32>
    %logistic3A_112 = arith.constant 1.000000e+00 : f32
    %logistic3A_113 = vector.broadcast %logistic3A_112 : f32 to vector<10x1xf32>
    %logistic3A_114 = arith.addf %logistic3A_113, %logistic3A_111 : vector<10x1xf32>
    %logistic3A_115 = arith.divf %logistic3A_113, %logistic3A_114 : vector<10x1xf32>
    %swap3A = arith.constant 0 : index
    %swap3A_116 = arith.constant 0 : index
    %swap3A_117 = vector.load %arg17[%swap3A, %swap3A_116] : memref<10x1xf32, #tpu.memory_space<vmem>>, vector<10x1xf32>
    tpu.vector_store %arg17[%swap3A, %swap3A_116], %logistic3A_115 {strides = array<i32>} : memref<10x1xf32, #tpu.memory_space<vmem>>, vector<10x1xf32>,
    return
  }
}

</mosaic_0001>

<sc_bundles>
// kernel: kernel.11.cloned.1.call-start
scs
__scs_entry_jumppad:
0x0: {  	(pc) =	sbr.rel $0x88, $3  }
0x1: {  	(tag) =	ssettag $0x0;
	lr =	simm.s32 $0x1  }
0x2: {  	[smem:$0x3F90] =	sst lr;
	_ =	strace $0xD0000000  }
0x3: {  	_ = 	snop  }
0x4: {  	_ = 	snop  }
0x5: {  	_ = 	snop  }
0x6: {  	_ = 	snop  }
0x7: {  	_ = 	snop  }
__scs_overlays_trampoline_lowered:
0x8: {  	[smem:$0x3F9F] =	sst s0  }
0x9: {  	[smem:$0x3FA0] =	sst s1  }
0xa: {  	[smem:$0x3FA1] =	sst s2  }
0xb: {  	[smem:$0x3FA2] =	sst s3  }
0xc: {  	[smem:$0x3FA3] =	sst s4  }
0xd: {  	[smem:$0x3FA4] =	sst s5  }
0xe: {  	[smem:$0x3FA5] =	sst s6  }
0xf: {  	[smem:$0x3FA6] =	sst s7  }
0x10: {  	[smem:$0x3FA7] =	sst s8  }
0x11: {  	[smem:$0x3FA8] =	sst s9;
	s0 =	simm.s32 @!p0 $0x0  }
0x12: {  	s1 =	sld [smem:$0x3F8E];
	s0 =	simm.s32 @p0 $0x1  }
0x13: {  	[smem:$0x3FA9] =	sst s0;
	s0 =	simm.s32 @!p1 $0x0  }
0x14: {  	s2 =	sld [smem:$0x3F8D];
	s0 =	simm.s32 @p1 $0x1  }
0x15: {  	[smem:$0x3FAA] =	sst s0;
	s0 =	simm.s32 @!p2 $0x0  }
0x16: {  	s3 =	sld [smem:$0x3FDB];
	s0 =	simm.s32 @p2 $0x1  }
0x17: {  	s4 =	simm.s32 $0x1BF5;
	[smem:$0x3FAC] =	sst s0  }
0x18: {  	s0 =	sld [smem:$0x3F8F];
	_ =	swait.ge [sflag:s4], $0x0  }
0x19: {  	s7 =	sld [smem:$0x3F90]  }
0x1a: {  	s8 =	sadd.s32 $0xFFFFE003, lr  }
0x1b: {  	s9 =	sadd.s32 $0xFFFFFEF7, lr;
	s5 =	simm.s32 $0xFFFFFFFF;
	p2 =	slt.u32 s8, $0xFFFFF086  }
0x1c: {  	p1 =	slt.u32 s9, $0xF7A;
	s5 =	simm.s32 @!p2 $0x0  }
0x1d: {  	s5 =	simm.s32 @p1 $0x1;
	p0 =	seq.s32 s7, s2  }
0x1e: {  	s7 =	smul.u32 @!p0 $0xF7A, s2;
	p2 =	seq.s32 @!p0 s5, $0x0  }
0x1f: {  	s9 =	smul.u32 $0xF7A, s1;
	s8 =	simm.s32 @!p0 $0x1BF5;
	p2 =	por !p2, p0  }
0x20: {  	[sflag:s8] =	ssyncset.s32 @!p0 $0xFFFFF086;
	s6 =	sadd.s32 @!p0 s3, s7;
	s7 =	simm.s32 @!p0 $0x108  }
0x21: {  	s3 =	sadd.s32 s3, s9;
	s6 =	sadd.s32 @!p0 $0x88, s6;
	s7 =	simm.s32 @p2 $0x1082  }
0x22: {  	[simem:s7], [sflag:s8] =	dma.local @!p0 [hbm:s6], $0xF7A  }
0x23: {  	s9 =	sor.u32 $0xD0000000, s2;
	s6 =	simm.s32 $0x108;
	_ =	swait.ge @!p0 [sflag:s8], $0x0  }
0x24: {  	s3 =	sadd.s32 $0x88, s3;
	s6 =	simm.s32 @!p1 $0x1082;
	[sflag:s4] =	ssyncset.s32 $0xFFFFF086  }
0x25: {  	[simem:s6], [sflag:s4] =	dma.local [hbm:s3], $0xF7A  }
0x26: {  	[smem:$0x3F90] =	sst s1;
	(tag) =	ssettag s2;
	_ =	strace s9  }
0x27: {  	s1 =	sld [smem:$0x3FA0]  }
0x28: {  	s2 =	sld [smem:$0x3FA1]  }
0x29: {  	s4 =	sld [smem:$0x3FA3]  }
0x2a: {  	p0 =	seq.s32 s5, $0x0;
	s5 =	sld [smem:$0x3FA4]  }
0x2b: {  	s6 =	sld [smem:$0x3FA5]  }
0x2c: {  	s7 =	sld [smem:$0x3FA6]  }
0x2d: {  	s3 =	simm.s32 $0x108;
	s8 =	sld [smem:$0x3FA7]  }
0x2e: {  	s3 =	simm.s32 @!p0 $0x1082;
	s9 =	sld [smem:$0x3FA8]  }
0x2f: {  	lr =	sadd.s32 s0, s3;
	s0 =	sld [smem:$0x3F9F]  }
0x30: {  	s3 =	sld [smem:$0x3FA2]  }
0x31: {  	[smem:$0x3FAB] =	sst s10  }
0x32: {  	s10 =	sld [smem:$0x3FA9];
	_ =	sdelay $0x3  }
0x33: {  	p0 =	seq.s32 s10, $0x1;
	s10 =	sld [smem:$0x3FAB];
	_ =	sdelay $0x3  }
0x34: {  	[smem:$0x3FAB] =	sst s10  }
0x35: {  	s10 =	sld [smem:$0x3FAA];
	_ =	sdelay $0x3  }
0x36: {  	p1 =	seq.s32 s10, $0x1;
	s10 =	sld [smem:$0x3FAB];
	_ =	sdelay $0x3  }
0x37: {  	[smem:$0x3FAB] =	sst s10  }
0x38: {  	s10 =	sld [smem:$0x3FAC]  }
0x39: {  	_ = 	snop;
	(pc) =	sbr.ind lr, $3  }
0x3a: {  	_ = 	snop  }
0x3b: {  	_ = 	snop  }
0x3c: {  	p2 =	seq.s32 s10, $0x1;
	s10 =	sld [smem:$0x3FAB]  }
0x3d: {  	_ =	shalt  }
0x3e: {  	_ =	shalt  }
0x3f: {  	_ =	shalt  }
0x40: {  	_ =	shalt  }
0x41: {  	_ =	shalt  }
0x42: {  	_ =	shalt  }
0x43: {  	_ =	shalt  }
0x44: {  	_ =	shalt  }
0x45: {  	_ =	shalt  }
0x46: {  	_ =	shalt  }
0x47: {  	_ =	shalt  }
0x48: {  	_ =	shalt  }
0x49: {  	_ =	shalt  }
0x4a: {  	_ =	shalt  }
0x4b: {  	_ =	shalt  }
0x4c: {  	_ =	shalt  }
0x4d: {  	_ =	shalt  }
0x4e: {  	_ =	shalt  }
0x4f: {  	_ =	shalt  }
0x50: {  	_ =	shalt  }
0x51: {  	_ =	shalt  }
0x52: {  	_ =	shalt  }
0x53: {  	_ =	shalt  }
0x54: {  	_ =	shalt  }
0x55: {  	_ =	shalt  }
0x56: {  	_ =	shalt  }
0x57: {  	_ =	shalt  }
0x58: {  	_ =	shalt  }
0x59: {  	_ =	shalt  }
0x5a: {  	_ =	shalt  }
0x5b: {  	_ =	shalt  }
0x5c: {  	_ =	shalt  }
0x5d: {  	_ =	shalt  }
0x5e: {  	_ =	shalt  }
0x5f: {  	_ =	shalt  }
0x60: {  	_ =	shalt  }
0x61: {  	_ =	shalt  }
0x62: {  	_ =	shalt  }
0x63: {  	_ =	shalt  }
0x64: {  	_ =	shalt  }
0x65: {  	_ =	shalt  }
0x66: {  	_ =	shalt  }
0x67: {  	_ =	shalt  }
0x68: {  	_ =	shalt  }
0x69: {  	_ =	shalt  }
0x6a: {  	_ =	shalt  }
0x6b: {  	_ =	shalt  }
0x6c: {  	_ =	shalt  }
0x6d: {  	_ =	shalt  }
0x6e: {  	_ =	shalt  }
0x6f: {  	_ =	shalt  }
0x70: {  	_ =	shalt  }
0x71: {  	_ =	shalt  }
0x72: {  	_ =	shalt  }
0x73: {  	_ =	shalt  }
0x74: {  	_ =	shalt  }
0x75: {  	_ =	shalt  }
0x76: {  	_ =	shalt  }
0x77: {  	_ =	shalt  }
0x78: {  	_ =	shalt  }
0x79: {  	_ =	shalt  }
0x7a: {  	_ =	shalt  }
0x7b: {  	_ =	shalt  }
0x7c: {  	_ =	shalt  }
0x7d: {  	_ =	shalt  }
0x7e: {  	_ =	shalt  }
0x7f: {  	_ =	shalt  }
0x80: {  	_ =	shalt  }
0x81: {  	_ =	shalt  }
0x82: {  	_ =	shalt  }
0x83: {  	_ =	shalt  }
0x84: {  	_ =	shalt  }
0x85: {  	_ =	shalt  }
0x86: {  	_ =	shalt  }
0x87: {  	_ =	shalt  }
.Lfunc_end0:
.L_simem_size_0:
called_computation.1_lowered:
.L_overlay_start_0:
0x88: {  	s2 =	sld [smem:$0x3FD9]  }
0x89: {  	s3 =	sld [smem:$0x3FFE];
	_ =	sdelay $0x1  }
0x8a: {  	s1 =	srdreg.scid  }
0x8b: {  	s0 =	sand.u32 $0x1, s1  }
0x8c: {  	s16 =	sshll.u32 s0, $0xA;
	s2 =	sadd.s32 s3, s2  }
0x8d: {  	s2 =	sadd.s32 s2, s16  }
0x8e: {  	[smem:$0x3FB7] =	sst s2  }
0x8f: {  	_ = 	snop  }
0x90: {  	(tm) =	ssettm $0x1  }
0x91: {  	s17 =	sld [smem:$0x3FFB];
	_ =	sdelay $0x3  }
0x92: {  	_ =	strace s17  }
0x93: {  	s2 =	sld [smem:$0x3FFC];
	_ =	sdelay $0x3  }
0x94: {  	_ =	strace s2  }
0x95: {  	s2 =	sld [smem:$0x3FFD];
	_ =	sdelay $0x3  }
0x96: {  	_ =	strace s2  }
0x97: {  	_ =	strace $0x8FFFFFFF  }
0x98: {  	s18 =	sld [smem:$0x3FDB];
	_ =	sdelay $0x1  }
0x99: {  	s19 =	simm.s32 $_scs_section_size  }
0x9a: {  	s4 =	simm.s32 $_size__tile_overlayer_lowered;
	s5 =	simm.s32 $_tile_overlayer_lowered  }
0x9b: {  	s22 =	simm.s32 $0x1BFF;
	s21 =	sshll.u32 s5, $0x1;
	s2 =	sadd.s32 s19, s18  }
0x9c: {  	s6 =	simm.s32 $0x0;
	s20 =	sshll.u32 s4, $0x1;
	s4 =	sadd.s32 s21, s2  }
0x9d: {  	[timem:s6], [sflag:s22] =	dma.local [hbm:s4], s20  }
0x9e: {  	_ =	swait.ge [sflag:s22], s20  }
0x9f: {  	s3 =	ssub.s32 $0x0, s20;
	[sflag:s22] =	ssyncset.done $0x0  }
0xa0: {  	[sflag:s22] =	ssyncadd.s32 s3;
	_ =	sdelay $0x1  }
0xa1: {  	s23 =	simm.s32 $0x1B8B  }
0xa2: {  	_ =	swait.ge [sflag:s23], $0x1  }
0xa3: {  	[sflag:s23] =	ssyncset.done $0x0  }
0xa4: {  	s25 =	simm.s32 $0x1B8E;
	s24 =	sld [smem:$0x3FFE];
	[sflag:s23] =	ssyncadd.s32 $0xFFFFFFFF  }
0xa5: {  	s26 =	simm.s32 $execute0_lowered;
	[smem:$0x3FD2] =	sst s25  }
0xa6: {  	s4 =	sshll.u32 s26, $0x1;
	_ =	strace $0x80000049;
	[dreg:$0x1] =	wrdreg $0xFFFFFFFF  }
0xa7: {  	s28 =	simm.s32 $_size_execute0_lowered;
	s2 =	sadd.s32 s2, s4;
	[dreg:$0x0] =	wrdreg $0x0  }
0xa8: {  	s4 =	sshll.u32 s28, $0x1;
	[dreg:$0x2] =	wrdreg s2  }
0xa9: {  	[dreg:$0x3] =	wrdreg s4  }
0xaa: {  	[dreg:$0x4] =	wrdreg $0xC0  }
0xab: {  	_ =	task [dreg:s6], $0x5FFFF  }
0xac: {  	[dreg:$0x1] =	wrdreg $0xFFFFFFFF  }
0xad: {  	[dreg:$0x0] =	wrdreg $0x60  }
0xae: {  	[dreg:$0x2] =	wrdreg s24  }
0xaf: {  	[dreg:$0x3] =	wrdreg $0xA4000  }
0xb0: {  	[dreg:$0x4] =	wrdreg $0x9  }
0xb1: {  	_ =	task.clear_ibuf [dreg:s6], $0x5FFFF;
	_ =	strace $0x90000049  }
0xb2: {  	s29 =	simm.s32 $0x9;
	_ =	strace $0x8000004B  }
0xb3: {  	_ =	swait.ge [sflag:s29], $0x1  }
0xb4: {  	[sflag:s29] =	ssyncadd.s32 $0xFFFFFFFF  }
0xb5: {  	_ =	strace $0x9000004B  }
0xb6: {  	_ =	sfence  }
0xb7: {  	s30 =	sld [smem:$0x0];
	_ =	sdelay $0x2  }
0xb8: {  	s31 =	sshll.u32 s1, $0xD;
	s1 =	sshrl.u32 s1, $0x2  }
0xb9: {  	s3 =	sand.u32 $0x4000, s31;
	s1 =	sadd.s32 s1, s30  }
0xba: {  	s0 =	sor.u32 s3, s0;
	s1 =	sshll.u32 s1, $0x11  }
0xbb: {  	s0 =	sor.u32 s1, s0  }
0xbc: {  	s0 =	sadd.s32 $0x8F2B, s0  }
0xbd: {  	[sflag:s0] =	ssyncadd.remote.s32 $0x1  }
0xbe: {  	_ =	sfence.sel $0xFFFF  }
0xbf: {  	[dreg:$0x0] =	wrdreg $0xFFFFFFFF;
	(pc) =	sbr.abs _section_cstart, $3  }
0xc0: {  	[dreg:$0x1] =	wrdreg $0xFFFFFFFF  }
0xc1: {  	_ =	task.clear_ibuf [dreg:s6], $0x2FFFF;
	_ =	strace $0x9FFFFFFF  }
0xc2: {  	(tm) =	ssettm $0x7FFFFFFF  }
0xc3: {  	_ =	shalt  }
tec
execute0_lowered:
.L_overlay_start_1:
0x0: {  	(tag) =	ssettag $0x1  }
0x1: {  	s0 =	rddreg [dreg:$0x0]  }
0x2: {  	s1 =	rddreg [dreg:$0x1];
	s2 =	simm.s32 $0x0;
	s6 =	srdreg.scid  }
0x3: {  	s15 =	stileid.u32;
	s28 =	simm.s32 $0x5400;
	s29 =	simm.s32 $0x2  }
0x4: {  	s30 =	simm.s32 $0x380;
	s31 =	simm.s32 $0x7C00;
	[smem:$0x7FF] =	sst s2  }
0x5: {  	s3 =	sadd.s32 $0x19000, s0;
	s4 =	sadd.s32 $0x5400, s0;
	s5 =	sadd.s32 $0xF200, s0  }
0x6: {  	s7 =	sadd.s32 $0x40200, s0;
	s0 =	sadd.s32 $0x68200, s0;
	s13 =	smul.u32 $0x50000, s15  }
0x7: {  	s10 =	smul.u32 $0x280, s15;
	_ =	strace $0x8000004A;
	[dreg:$0x3] =	wrdreg s7  }
0x8: {  	s6 =	sand.u32 $0x1, s6;
	s18 =	smul.u32 $0x4E2, s15;
	[dreg:$0x4] =	wrdreg s0  }
0x9: {  	s12 =	ssub.s32 $0x2, s6;
	s9 =	sshll.u32 s6, $0x4;
	s20 =	smul.u32 $0x4E20, s6  }
0xa: {  	p0 =	sne.s32 s6, $0x0;
	s8 =	sshrl.u32 s12, $0x1;
	s14 =	sor.u32 s15, s9  }
0xb: {  	s7 =	sshrl.u32 s13, $0x2;
	s13 =	smul.u32 $0x2710, s15;
	s23 =	sadd.s32 s4, s18  }
0xc: {  	s0 =	ssub.s32 s12, s8;
	s21 =	sadd.s32 s7, s1;
	s9 =	smul.u32 $0x4E2, s14  }
0xd: {  	s7 =	sor.u32 $0x50, s10;
	s12 =	sadd.s32 $0xA0, s10;
	s8 =	smul.u32 $0x2710, s14  }
0xe: {  	[dreg:$0x9] =	wrdreg s23;
	s26 =	sadd.s32 s20, s5;
	s11 =	sshll.u32 s7, $0x7  }
0xf: {  	s16 =	sshll.u32 s12, $0x7;
	s13 =	sshrl.u32 s13, $0x3;
	s7 =	sshll.u32 s7, $0x4  }
0x10: {  	s0 =	smax.u32 s0, $0x1;
	s22 =	sadd.s32 s11, s1;
	[dreg:$0x13] =	wrdreg s7  }
0x11: {  	s14 =	sadd.s32 s4, s9;
	s9 =	sadd.s32 s5, s9;
	[dreg:$0x1a] =	wrdreg s0  }
0x12: {  	s8 =	sshrl.u32 s8, $0x3;
	s13 =	sadd.s32 $0xA, s13;
	[dreg:$0x5] =	wrdreg s14  }
0x13: {  	s16 =	sadd.s32 s16, s1;
	s0 =	simm.s32 $0x3;
	[dreg:$0x6] =	wrdreg s9  }
0x14: {  	s8 =	sadd.s32 $0xA, s8;
	s24 =	sadd.s32 s4, s13;
	[dreg:$0xd] =	wrdreg s16  }
0x15: {  	s25 =	sadd.s32 s5, s13;
	s9 =	sadd.s32 $0x140, s10;
	[dreg:$0xa] =	wrdreg s24  }
0x16: {  	s16 =	sshll.u32 s12, $0x4;
	s12 =	simm.s32 $0x5;
	[dreg:$0xb] =	wrdreg s25  }
0x17: {  	s19 =	sadd.s32 s4, s8;
	s8 =	sadd.s32 s5, s8;
	[dreg:$0x14] =	wrdreg s16  }
0x18: {  	s4 =	sadd.s32 s20, s4;
	s5 =	sadd.s32 s5, s18;
	[dreg:$0x7] =	wrdreg s19  }
0x19: {  	s20 =	sshll.u32 s9, $0x7;
	s24 =	sadd.s32 $0x190, s10;
	[dreg:$0x8] =	wrdreg s8  }
0x1a: {  	s25 =	sadd.s32 $0x1E0, s10;
	s16 =	simm.s32 $0x2C00;
	[dreg:$0xc] =	wrdreg s5  }
0x1b: {  	s17 =	sadd.s32 s18, s4;
	s18 =	sadd.s32 s18, s26;
	s5 =	sadd.s32 $0xF0, s10  }
0x1c: {  	s23 =	sadd.s32 s20, s1;
	s26 =	sadd.s32 $0x230, s10;
	s11 =	sshll.u32 s24, $0x7  }
0x1d: {  	s13 =	sshll.u32 s25, $0x7;
	s19 =	sshll.u32 s5, $0x7;
	[dreg:$0xf] =	wrdreg s23  }
0x1e: {  	s10 =	sadd.s32 s11, s1;
	s14 =	sshll.u32 s26, $0x7;
	s4 =	sshll.u32 s5, $0x4  }
0x1f: {  	s23 =	sshll.u32 s24, $0x4;
	s24 =	sshll.u32 s25, $0x4;
	[dreg:$0x10] =	wrdreg s10  }
0x20: {  	s25 =	sshll.u32 s26, $0x4;
	s26 =	smul.u32 $0x2800, s15;
	[dreg:$0x15] =	wrdreg s4  }
0x21: {  	s11 =	simm.s32 $0x200;
	s15 =	simm.s32 $0x280;
	[dreg:$0x17] =	wrdreg s23  }
0x22: {  	s5 =	simm.s32 $0x4;
	s6 =	sadd.s32 s19, s1;
	[dreg:$0x18] =	wrdreg s24  }
0x23: {  	s10 =	sadd.s32 s13, s1;
	s20 =	sadd.s32 s14, s1;
	[dreg:$0x19] =	wrdreg s25  }
.Ltmp0:
0x24: {  	s19 =	sshll.u32 s9, $0x4;
	[dreg:$0xe] =	wrdreg s6;
	(pc) =	sbr.rel .LBB2_1-.Ltmp0, $4  }
0x25: {  	s9 =	simm.s32 $0x400;
	s13 =	simm.s32 $0x50;
	[dreg:$0x11] =	wrdreg s10  }
0x26: {  	s4 =	simm.s32 $0x1;
	s25 =	simm.s32 $0x100;
	[dreg:$0x16] =	wrdreg s19  }
0x27: {  	s14 =	simm.s32 $0x180;
	[dreg:$0x1b] =	wrdreg s26;
	s10 =	simm.s32 $0x6  }
0x28: {  	v0 =	vimm.f32 $0.0e+00;
	s26 =	simm.s32 $0x300;
	s6 =	simm.s32 $0x0;
	[dreg:$0x12] =	wrdreg s20  }
.LBB2_9:
0x29: {  	[sflag:s10] =	ssyncset.done $0x0  }
0x2a: {  	s7 =	rddreg [dreg:$0x4];
	[sflag:s10] =	ssyncadd.s32 $0xFFFFD800  }
.LBB2_10:
0x2b: {  	_ =	swait.ge [sflag:s4], $0x2800  }
0x2c: {  	[sflag:s4] =	ssyncset.done $0x0  }
0x2d: {  	[sflag:s4] =	ssyncadd.s32 $0xFFFFD800  }
0x2e: {  	[spmem:s1] =	stream.indirect.scatter.add.f32 [tilespmem:s9], [sflag:$0x6], $0x80, s11, s13, $0xb8;
	[tilespmem:$0x1E400] =	vst v63  }
0x2f: {  	_ =	swait.ge [sflag:s10], $0x2800  }
0x30: {  	s19 =	stileid.u32;
	s20 =	sshrl.u32 s23, $0x3;
	[sflag:s10] =	ssyncset.done $0x0  }
0x31: {  	s19 =	sshll.u32 s19, $0x6;
	s8 =	rddreg [dreg:$0x1b];
	[sflag:s10] =	ssyncadd.s32 $0xFFFFD800  }
0x32: {  	s19 =	sor.u32 $0x1C06, s19;
	s8 =	sadd.s32 s7, s8;
	[bflag:$0x0] =	sbarrier.arrive $0xFFFF  }
0x33: {  	[hbm:s8], [sflag:s19] =	dma.local [spmem:s20], $0x500  }
0x34: {  	s21 =	smov.u32 s23;
	_ =	swait.ge [sflag:s10], $0x500  }
0x35: {  	s22 =	smov.u32 s24;
	[sflag:s10] =	ssyncset.done $0x0;
	s23 =	rddreg [dreg:$0x13]  }
0x36: {  	s24 =	sshrl.u32 s24, $0x3;
	s8 =	sadd.s32 s7, s23;
	[sflag:s10] =	ssyncadd.s32 $0xFFFFFB00  }
0x37: {  	[hbm:s8], [sflag:s19] =	dma.local [spmem:s24], $0x500  }
0x38: {  	_ =	swait.ge [sflag:s10], $0x500  }
0x39: {  	s23 =	rddreg [dreg:$0x14]  }
0x3a: {  	[sflag:s10] =	ssyncset.done $0x0;
	s24 =	rddreg [dreg:$0xd]  }
0x3b: {  	s8 =	sadd.s32 s7, s23;
	[sflag:s10] =	ssyncadd.s32 $0xFFFFFB00;
	s20 =	sshrl.u32 s24, $0x3  }
0x3c: {  	[hbm:s8], [sflag:s19] =	dma.local [spmem:s20], $0x500  }
0x3d: {  	_ =	swait.ge [sflag:s10], $0x500  }
0x3e: {  	s23 =	rddreg [dreg:$0x15]  }
0x3f: {  	[sflag:s10] =	ssyncset.done $0x0;
	s24 =	rddreg [dreg:$0xe]  }
0x40: {  	s8 =	sadd.s32 s7, s23;
	[sflag:s10] =	ssyncadd.s32 $0xFFFFFB00;
	s20 =	sshrl.u32 s24, $0x3  }
0x41: {  	[hbm:s8], [sflag:s19] =	dma.local [spmem:s20], $0x500  }
0x42: {  	_ =	swait.ge [sflag:s10], $0x500  }
0x43: {  	s23 =	rddreg [dreg:$0x16]  }
0x44: {  	[sflag:s10] =	ssyncset.done $0x0;
	s24 =	rddreg [dreg:$0xf]  }
0x45: {  	s8 =	sadd.s32 s7, s23;
	[sflag:s10] =	ssyncadd.s32 $0xFFFFFB00;
	s20 =	sshrl.u32 s24, $0x3  }
0x46: {  	[hbm:s8], [sflag:s19] =	dma.local [spmem:s20], $0x500  }
0x47: {  	_ =	swait.ge [sflag:s10], $0x500  }
0x48: {  	s23 =	rddreg [dreg:$0x17]  }
0x49: {  	[sflag:s10] =	ssyncset.done $0x0;
	s24 =	rddreg [dreg:$0x10]  }
0x4a: {  	s8 =	sadd.s32 s7, s23;
	[sflag:s10] =	ssyncadd.s32 $0xFFFFFB00;
	s20 =	sshrl.u32 s24, $0x3  }
0x4b: {  	[hbm:s8], [sflag:s19] =	dma.local [spmem:s20], $0x500  }
0x4c: {  	_ =	swait.ge [sflag:s10], $0x500  }
0x4d: {  	s20 =	rddreg [dreg:$0x18]  }
0x4e: {  	[sflag:s10] =	ssyncset.done $0x0;
	s23 =	rddreg [dreg:$0x11]  }
0x4f: {  	s8 =	sadd.s32 s7, s20;
	[sflag:s10] =	ssyncadd.s32 $0xFFFFFB00;
	s20 =	sshrl.u32 s23, $0x3  }
0x50: {  	[hbm:s8], [sflag:s19] =	dma.local [spmem:s20], $0x500  }
0x51: {  	_ =	swait.ge [sflag:s10], $0x500  }
0x52: {  	s24 =	rddreg [dreg:$0x19]  }
0x53: {  	[sflag:s10] =	ssyncset.done $0x0;
	s20 =	rddreg [dreg:$0x12]  }
0x54: {  	s8 =	sadd.s32 s7, s24;
	[sflag:s10] =	ssyncadd.s32 $0xFFFFFB00;
	s23 =	sshrl.u32 s20, $0x3  }
0x55: {  	[hbm:s8], [sflag:s19] =	dma.local [spmem:s23], $0x500  }
0x56: {  	_ =	swait.ge [sflag:s10], $0x500  }
0x57: {  	s6 =	sadd.s32 $0x1, s6;
	s24 =	rddreg [dreg:$0x1a]  }
0x58: {  	p1 =	sne.s32 s6, s24  }
.Ltmp1:
0x59: {  	_ = 	snop;
	(pc) =	sbr.rel @!p1 .LBB2_11-.Ltmp1, $3  }
0x5a: {  	_ =	sdelay $0x1  }
0x5b: {  	[sflag:s10] =	ssyncset.done $0x0  }
0x5c: {  	[sflag:s10] =	ssyncadd.s32 $0xFFFFFB00  }
.LBB2_1:
0x5d: {  	s7 =	simm.s32 $0x0;
	s8 =	simm.s32 $0x200  }
.LBB2_2:
0x5e: {  	p1 =	sne.s32 s8, $0x9E00;
	[tilespmem:s7+$0x470] =	vst v0  }
0x5f: {  	[tilespmem:s7+$0x400] =	vst v0  }
0x60: {  	[tilespmem:s7+$0x410] =	vst v0  }
.Ltmp2:
0x61: {  	[tilespmem:s7+$0x420] =	vst v0;
	(pc) =	sbr.rel @p1 .LBB2_2-.Ltmp2, $4  }
0x62: {  	[tilespmem:s7+$0x430] =	vst v0  }
0x63: {  	[tilespmem:s7+$0x440] =	vst v0  }
0x64: {  	[tilespmem:s7+$0x450] =	vst v0  }
0x65: {  	[tilespmem:s7+$0x460] =	vst v0;
	s7 =	sshra.s32 s8, $0x2;
	s8 =	sadd.s32 $0x200, s8  }
0x66: {  	[tilespmem:s7+$0x470] =	vst v0  }
0x67: {  	[tilespmem:s7+$0x400] =	vst v0  }
0x68: {  	[tilespmem:s7+$0x410] =	vst v0  }
0x69: {  	[tilespmem:s7+$0x420] =	vst v0  }
0x6a: {  	[tilespmem:s7+$0x430] =	vst v0  }
0x6b: {  	[tilespmem:s7+$0x440] =	vst v0  }
0x6c: {  	[tilespmem:s7+$0x450] =	vst v0  }
0x6d: {  	[tilespmem:s7+$0x460] =	vst v0  }
0x6e: {  	[spmem:s21] =	stream.linear.scatter [tilespmem:s9], [sflag:$0x6], $0x2800, $0x38;
	[tilespmem:$0x1E400] =	vst v63  }
0x6f: {  	_ =	swait.ge [sflag:s10], $0x2800  }
0x70: {  	[sflag:s10] =	ssyncset.done $0x0  }
0x71: {  	[sflag:s10] =	ssyncadd.s32 $0xFFFFD800  }
0x72: {  	[spmem:s22] =	stream.linear.scatter [tilespmem:s9], [sflag:$0x6], $0x2800, $0x38;
	[tilespmem:$0x1E400] =	vst v63  }
0x73: {  	_ =	swait.ge [sflag:s10], $0x2800  }
0x74: {  	[sflag:s10] =	ssyncset.done $0x0  }
0x75: {  	s24 =	smov.u32 s22;
	s22 =	rddreg [dreg:$0xd];
	[sflag:s10] =	ssyncadd.s32 $0xFFFFD800  }
0x76: {  	[spmem:s22] =	stream.linear.scatter [tilespmem:s9], [sflag:$0x6], $0x2800, $0x38;
	[tilespmem:$0x1E400] =	vst v63  }
0x77: {  	_ =	swait.ge [sflag:s10], $0x2800  }
0x78: {  	[sflag:s10] =	ssyncset.done $0x0  }
0x79: {  	s8 =	rddreg [dreg:$0xe];
	[sflag:s10] =	ssyncadd.s32 $0xFFFFD800  }
0x7a: {  	[spmem:s8] =	stream.linear.scatter [tilespmem:s9], [sflag:$0x6], $0x2800, $0x38;
	[tilespmem:$0x1E400] =	vst v63  }
0x7b: {  	_ =	swait.ge [sflag:s10], $0x2800  }
0x7c: {  	[sflag:s10] =	ssyncset.done $0x0  }
0x7d: {  	s19 =	rddreg [dreg:$0xf];
	[sflag:s10] =	ssyncadd.s32 $0xFFFFD800  }
0x7e: {  	[spmem:s19] =	stream.linear.scatter [tilespmem:s9], [sflag:$0x6], $0x2800, $0x38;
	[tilespmem:$0x1E400] =	vst v63  }
0x7f: {  	_ =	swait.ge [sflag:s10], $0x2800  }
0x80: {  	[sflag:s10] =	ssyncset.done $0x0  }
0x81: {  	s23 =	smov.u32 s21;
	s21 =	rddreg [dreg:$0x10];
	[sflag:s10] =	ssyncadd.s32 $0xFFFFD800  }
0x82: {  	[spmem:s21] =	stream.linear.scatter [tilespmem:s9], [sflag:$0x6], $0x2800, $0x38;
	[tilespmem:$0x1E400] =	vst v63  }
0x83: {  	_ =	swait.ge [sflag:s10], $0x2800  }
0x84: {  	[sflag:s10] =	ssyncset.done $0x0  }
0x85: {  	s22 =	rddreg [dreg:$0x11];
	[sflag:s10] =	ssyncadd.s32 $0xFFFFD800  }
0x86: {  	[spmem:s22] =	stream.linear.scatter [tilespmem:s9], [sflag:$0x6], $0x2800, $0x38;
	[tilespmem:$0x1E400] =	vst v63  }
0x87: {  	_ =	swait.ge [sflag:s10], $0x2800  }
0x88: {  	[sflag:s10] =	ssyncset.done $0x0  }
0x89: {  	[sflag:s10] =	ssyncadd.s32 $0xFFFFD800  }
0x8a: {  	[spmem:s20] =	stream.linear.scatter [tilespmem:s9], [sflag:$0x6], $0x2800, $0x38;
	[tilespmem:$0x1E400] =	vst v63  }
.Ltmp3:
0x8b: {  	_ =	swait.ge [sflag:s10], $0x2800;
	(pc) =	sbr.rel @p0 .LBB2_7-.Ltmp3, $4  }
0x8c: {  	[sflag:s10] =	ssyncset.done $0x0  }
0x8d: {  	[sflag:s10] =	ssyncadd.s32 $0xFFFFD800  }
0x8e: {  	[bflag:$0x0] =	sbarrier.arrive $0xFFFF  }
0x8f: {  	s7 =	simm.s32 $0x0  }
0x90: {  	s8 =	rddreg [dreg:$0x9]  }
0x91: {  	[tilespmem:s7], [sflag:$0x5] =	stream.linear.gather [hbm4b:s8+s7], $0x50, $0x38;
	[tilespmem:$0x1E400] =	vst v63  }
0x92: {  	s21 =	rddreg [dreg:$0xc]  }
0x93: {  	[tilespmem:s11], [sflag:$0x5] =	stream.linear.gather [hbm4b:s21+s7], $0x50, $0x38;
	[tilespmem:$0x1E400] =	vst v63  }
0x94: {  	_ =	swait.ge [sflag:s12], $0x50  }
0x95: {  	[sflag:s12] =	ssyncset.done $0x0  }
0x96: {  	[sflag:s12] =	ssyncadd.s32 $0xFFFFFFB0  }
0x97: {  	_ =	swait.ge [sflag:s12], $0x50  }
0x98: {  	[sflag:s12] =	ssyncset.done $0x0  }
0x99: {  	[sflag:s12] =	ssyncadd.s32 $0xFFFFFFB0  }
0x9a: {  	[tilespmem:s9], [sflag:$0x1] =	stream.indirect.gather [hbm4b:s3+s13], $0x80, s7, s13, $0xb8;
	[tilespmem:$0x1E400] =	vst v63  }
0x9b: {  	s19 =	simm.s32 $0x80;
	s22 =	rddreg [dreg:$0xa]  }
0x9c: {  	[tilespmem:s19], [sflag:$0x5] =	stream.linear.gather [hbm4b:s22+s7], $0x50, $0x38;
	[tilespmem:$0x1E400] =	vst v63  }
0x9d: {  	s20 =	rddreg [dreg:$0xb]  }
0x9e: {  	[tilespmem:s15], [sflag:$0x5] =	stream.linear.gather [hbm4b:s20+s7], $0x50, $0x38;
	[tilespmem:$0x1E400] =	vst v63  }
0x9f: {  	_ =	swait.ge [sflag:s12], $0x50  }
0xa0: {  	[sflag:s12] =	ssyncset.done $0x0  }
0xa1: {  	[sflag:s12] =	ssyncadd.s32 $0xFFFFFFB0  }
0xa2: {  	_ =	swait.ge [sflag:s12], $0x50  }
0xa3: {  	[sflag:s12] =	ssyncset.done $0x0  }
0xa4: {  	[sflag:s12] =	ssyncadd.s32 $0xFFFFFFB0  }
0xa5: {  	[tilespmem:s16], [sflag:$0x2] =	stream.indirect.gather [hbm4b:s3+s13], $0x80, s19, s13, $0xb8;
	[tilespmem:$0x1E400] =	vst v63  }
0xa6: {  	_ =	swait.ge [sflag:s4], $0x2800  }
0xa7: {  	s7 =	sadd.s32 $0x0, s17;
	[sflag:s4] =	ssyncset.done $0x0  }
0xa8: {  	s21 =	sadd.s32 $0x14, s7;
	s19 =	sadd.s32 $0x0, s18;
	[sflag:s4] =	ssyncadd.s32 $0xFFFFD800  }
0xa9: {  	[tilespmem:s25], [sflag:$0x5] =	stream.linear.gather [hbm4b:s21+s2], $0x50, $0x38;
	[tilespmem:$0x1E400] =	vst v63  }
0xaa: {  	s22 =	sadd.s32 $0x14, s19  }
0xab: {  	[tilespmem:s26], [sflag:$0x5] =	stream.linear.gather [hbm4b:s22+s2], $0x50, $0x38;
	[tilespmem:$0x1E400] =	vst v63  }
0xac: {  	_ =	swait.ge [sflag:s12], $0x50  }
0xad: {  	[sflag:s12] =	ssyncset.done $0x0  }
0xae: {  	[sflag:s12] =	ssyncadd.s32 $0xFFFFFFB0  }
0xaf: {  	_ =	swait.ge [sflag:s12], $0x50  }
0xb0: {  	[sflag:s12] =	ssyncset.done $0x0  }
0xb1: {  	[sflag:s12] =	ssyncadd.s32 $0xFFFFFFB0  }
0xb2: {  	[tilespmem:s28], [sflag:$0x3] =	stream.indirect.gather [hbm4b:s3+s13], $0x80, s25, s13, $0xb8;
	[tilespmem:$0x1E400] =	vst v63  }
0xb3: {  	_ = 	snop  }
0xb4: {  	[spmem:s1] =	stream.indirect.scatter.add.f32 [tilespmem:s9], [sflag:$0x6], $0x80, s11, s13, $0xb8;
	[tilespmem:$0x1E400] =	vst v63  }
0xb5: {  	_ =	swait.ge [sflag:s10], $0x2800  }
0xb6: {  	[sflag:s10] =	ssyncset.done $0x0  }
0xb7: {  	[sflag:s10] =	ssyncadd.s32 $0xFFFFD800  }
0xb8: {  	_ =	swait.ge [sflag:s29], $0x2800  }
0xb9: {  	[sflag:s29] =	ssyncset.done $0x0  }
0xba: {  	s20 =	sadd.s32 $0x1E, s7;
	[sflag:s29] =	ssyncadd.s32 $0xFFFFD800  }
0xbb: {  	[tilespmem:s14], [sflag:$0x5] =	stream.linear.gather [hbm4b:s20+s2], $0x50, $0x38;
	[tilespmem:$0x1E400] =	vst v63  }
0xbc: {  	s21 =	sadd.s32 $0x1E, s19  }
0xbd: {  	[tilespmem:s30], [sflag:$0x5] =	stream.linear.gather [hbm4b:s21+s2], $0x50, $0x38;
	[tilespmem:$0x1E400] =	vst v63  }
0xbe: {  	_ =	swait.ge [sflag:s12], $0x50  }
0xbf: {  	[sflag:s12] =	ssyncset.done $0x0  }
0xc0: {  	[sflag:s12] =	ssyncadd.s32 $0xFFFFFFB0  }
0xc1: {  	_ =	swait.ge [sflag:s12], $0x50  }
0xc2: {  	[sflag:s12] =	ssyncset.done $0x0  }
0xc3: {  	[sflag:s12] =	ssyncadd.s32 $0xFFFFFFB0  }
0xc4: {  	[tilespmem:s31], [sflag:$0x4] =	stream.indirect.gather [hbm4b:s3+s13], $0x80, s14, s13, $0xb8;
	[tilespmem:$0x1E400] =	vst v63  }
0xc5: {  	_ = 	snop  }
0xc6: {  	[spmem:s1] =	stream.indirect.scatter.add.f32 [tilespmem:s16], [sflag:$0x6], $0x80, s15, s13, $0xb8;
	[tilespmem:$0x1E400] =	vst v63  }
0xc7: {  	_ =	swait.ge [sflag:s10], $0x2800  }
0xc8: {  	[sflag:s10] =	ssyncset.done $0x0  }
0xc9: {  	[sflag:s10] =	ssyncadd.s32 $0xFFFFD800  }
0xca: {  	_ =	swait.ge [sflag:s0], $0x2800  }
0xcb: {  	[sflag:s0] =	ssyncset.done $0x0  }
0xcc: {  	s7 =	sadd.s32 $0x28, s7;
	[sflag:s0] =	ssyncadd.s32 $0xFFFFD800  }
0xcd: {  	[tilespmem:s2], [sflag:$0x5] =	stream.linear.gather [hbm4b:s7+s2], $0x50, $0x38;
	[tilespmem:$0x1E400] =	vst v63  }
0xce: {  	s22 =	sadd.s32 $0x28, s19  }
0xcf: {  	[tilespmem:s11], [sflag:$0x5] =	stream.linear.gather [hbm4b:s22+s2], $0x50, $0x38;
	[tilespmem:$0x1E400] =	vst v63  }
0xd0: {  	_ =	swait.ge [sflag:s12], $0x50  }
0xd1: {  	[sflag:s12] =	ssyncset.done $0x0  }
0xd2: {  	[sflag:s12] =	ssyncadd.s32 $0xFFFFFFB0  }
0xd3: {  	_ =	swait.ge [sflag:s12], $0x50  }
0xd4: {  	[sflag:s12] =	ssyncset.done $0x0  }
0xd5: {  	[sflag:s12] =	ssyncadd.s32 $0xFFFFFFB0  }
0xd6: {  	[tilespmem:s9], [sflag:$0x1] =	stream.indirect.gather [hbm4b:s3+s13], $0x80, s2, s13, $0xb8;
	[tilespmem:$0x1E400] =	vst v63  }
0xd7: {  	_ = 	snop  }
0xd8: {  	[spmem:s1] =	stream.indirect.scatter.add.f32 [tilespmem:s28], [sflag:$0x6], $0x80, s26, s13, $0xb8;
	[tilespmem:$0x1E400] =	vst v63  }
0xd9: {  	_ =	swait.ge [sflag:s10], $0x2800  }
0xda: {  	[sflag:s10] =	ssyncset.done $0x0  }
0xdb: {  	[sflag:s10] =	ssyncadd.s32 $0xFFFFD800  }
0xdc: {  	p1 =	por $0x0, $0x0;
	_ =	swait.ge [sflag:s5], $0x2800  }
0xdd: {  	s8 =	simm.s32 @!p1 $0x0;
	s7 =	sadd.s32 @!p1 $0x0, s17;
	[sflag:s5] =	ssyncset.done $0x0  }
0xde: {  	s19 =	simm.s32 @!p1 $0x80;
	s7 =	sadd.s32 @!p1 $0x32, s7;
	[sflag:s5] =	ssyncadd.s32 $0xFFFFD800  }
0xdf: {  	[tilespmem:s19], [sflag:$0x5] =	stream.linear.gather @!p1 [hbm4b:s7+s8], $0x50, $0x38;
	[tilespmem:$0x1E400] =	vst v63  }
0xe0: {  	s7 =	sadd.s32 @!p1 $0x0, s18  }
0xe1: {  	s20 =	simm.s32 @!p1 $0x280;
	s7 =	sadd.s32 @!p1 $0x32, s7  }
0xe2: {  	[tilespmem:s20], [sflag:$0x5] =	stream.linear.gather @!p1 [hbm4b:s7+s8], $0x50, $0x38;
	[tilespmem:$0x1E400] =	vst v63  }
0xe3: {  	s7 =	simm.s32 @!p1 $0x5  }
0xe4: {  	_ =	swait.ge @!p1 [sflag:s7], $0x50  }
0xe5: {  	[sflag:s7] =	ssyncset.done @!p1 $0x0  }
0xe6: {  	[sflag:s7] =	ssyncadd.s32 @!p1 $0xFFFFFFB0  }
0xe7: {  	_ =	swait.ge @!p1 [sflag:s7], $0x50  }
0xe8: {  	[sflag:s7] =	ssyncset.done @!p1 $0x0  }
0xe9: {  	s8 =	simm.s32 @!p1 $0x50;
	[sflag:s7] =	ssyncadd.s32 @!p1 $0xFFFFFFB0;
	s7 =	simm.s32 @!p1 $0x2C00  }
0xea: {  	[tilespmem:s7], [sflag:$0x2] =	stream.indirect.gather @!p1 [hbm4b:s3+s8], $0x80, s19, s8, $0xb8;
	[tilespmem:$0x1E400] =	vst v63  }
0xeb: {  	_ = 	snop  }
0xec: {  	[spmem:s1] =	stream.indirect.scatter.add.f32 [tilespmem:s31], [sflag:$0x6], $0x80, s30, s13, $0xb8;
	[tilespmem:$0x1E400] =	vst v63  }
0xed: {  	s7 =	simm.s32 $0x28;
	_ =	swait.ge [sflag:s10], $0x2800  }
.LBB2_5:
0xee: {  	[sflag:s10] =	ssyncset.done $0x0;
	s8 =	smov.u32 s7;
	s7 =	sadd.s32 $0x28, s7  }
0xef: {  	p1 =	seq.s32 s7, $0x4D8;
	[sflag:s10] =	ssyncadd.s32 $0xFFFFD800  }
0xf0: {  	_ =	swait.ge [sflag:s4], $0x2800  }
0xf1: {  	s19 =	sadd.s32 s8, s17;
	[sflag:s4] =	ssyncset.done $0x0  }
0xf2: {  	s20 =	sadd.s32 s8, s18;
	s21 =	sadd.s32 $0x14, s19;
	[sflag:s4] =	ssyncadd.s32 $0xFFFFD800  }
0xf3: {  	[tilespmem:s25], [sflag:$0x5] =	stream.linear.gather [hbm4b:s21+s2], $0x50, $0x38;
	[tilespmem:$0x1E400] =	vst v63  }
0xf4: {  	s21 =	sadd.s32 $0x14, s20  }
0xf5: {  	[tilespmem:s26], [sflag:$0x5] =	stream.linear.gather [hbm4b:s21+s2], $0x50, $0x38;
	[tilespmem:$0x1E400] =	vst v63  }
0xf6: {  	_ =	swait.ge [sflag:s12], $0x50  }
0xf7: {  	[sflag:s12] =	ssyncset.done $0x0  }
0xf8: {  	[sflag:s12] =	ssyncadd.s32 $0xFFFFFFB0  }
0xf9: {  	_ =	swait.ge [sflag:s12], $0x50  }
0xfa: {  	[sflag:s12] =	ssyncset.done $0x0  }
0xfb: {  	[sflag:s12] =	ssyncadd.s32 $0xFFFFFFB0  }
0xfc: {  	[tilespmem:s28], [sflag:$0x3] =	stream.indirect.gather [hbm4b:s3+s13], $0x80, s25, s13, $0xb8;
	[tilespmem:$0x1E400] =	vst v63  }
0xfd: {  	_ = 	snop  }
0xfe: {  	[spmem:s1] =	stream.indirect.scatter.add.f32 [tilespmem:s9], [sflag:$0x6], $0x80, s11, s13, $0xb8;
	[tilespmem:$0x1E400] =	vst v63  }
0xff: {  	_ =	swait.ge [sflag:s10], $0x2800  }
0x100: {  	[sflag:s10] =	ssyncset.done $0x0  }
0x101: {  	[sflag:s10] =	ssyncadd.s32 $0xFFFFD800  }
0x102: {  	_ =	swait.ge [sflag:s29], $0x2800  }
0x103: {  	[sflag:s29] =	ssyncset.done $0x0  }
0x104: {  	s21 =	sadd.s32 $0x1E, s19;
	[sflag:s29] =	ssyncadd.s32 $0xFFFFD800  }
0x105: {  	[tilespmem:s14], [sflag:$0x5] =	stream.linear.gather [hbm4b:s21+s2], $0x50, $0x38;
	[tilespmem:$0x1E400] =	vst v63  }
0x106: {  	s21 =	sadd.s32 $0x1E, s20  }
0x107: {  	[tilespmem:s30], [sflag:$0x5] =	stream.linear.gather [hbm4b:s21+s2], $0x50, $0x38;
	[tilespmem:$0x1E400] =	vst v63  }
0x108: {  	_ =	swait.ge [sflag:s12], $0x50  }
0x109: {  	[sflag:s12] =	ssyncset.done $0x0  }
0x10a: {  	[sflag:s12] =	ssyncadd.s32 $0xFFFFFFB0  }
0x10b: {  	_ =	swait.ge [sflag:s12], $0x50  }
0x10c: {  	[sflag:s12] =	ssyncset.done $0x0  }
0x10d: {  	[sflag:s12] =	ssyncadd.s32 $0xFFFFFFB0  }
0x10e: {  	[tilespmem:s31], [sflag:$0x4] =	stream.indirect.gather [hbm4b:s3+s13], $0x80, s14, s13, $0xb8;
	[tilespmem:$0x1E400] =	vst v63  }
0x10f: {  	_ = 	snop  }
0x110: {  	[spmem:s1] =	stream.indirect.scatter.add.f32 [tilespmem:s16], [sflag:$0x6], $0x80, s15, s13, $0xb8;
	[tilespmem:$0x1E400] =	vst v63  }
0x111: {  	_ =	swait.ge [sflag:s10], $0x2800  }
0x112: {  	[sflag:s10] =	ssyncset.done $0x0  }
0x113: {  	[sflag:s10] =	ssyncadd.s32 $0xFFFFD800  }
0x114: {  	_ =	swait.ge [sflag:s0], $0x2800  }
0x115: {  	[sflag:s0] =	ssyncset.done $0x0  }
0x116: {  	s19 =	sadd.s32 $0x28, s19;
	[sflag:s0] =	ssyncadd.s32 $0xFFFFD800  }
0x117: {  	[tilespmem:s2], [sflag:$0x5] =	stream.linear.gather [hbm4b:s19+s2], $0x50, $0x38;
	[tilespmem:$0x1E400] =	vst v63  }
0x118: {  	s19 =	sadd.s32 $0x28, s20  }
0x119: {  	[tilespmem:s11], [sflag:$0x5] =	stream.linear.gather [hbm4b:s19+s2], $0x50, $0x38;
	[tilespmem:$0x1E400] =	vst v63  }
0x11a: {  	_ =	swait.ge [sflag:s12], $0x50  }
0x11b: {  	[sflag:s12] =	ssyncset.done $0x0  }
0x11c: {  	[sflag:s12] =	ssyncadd.s32 $0xFFFFFFB0  }
0x11d: {  	_ =	swait.ge [sflag:s12], $0x50  }
0x11e: {  	[sflag:s12] =	ssyncset.done $0x0  }
0x11f: {  	[sflag:s12] =	ssyncadd.s32 $0xFFFFFFB0  }
0x120: {  	[tilespmem:s9], [sflag:$0x1] =	stream.indirect.gather [hbm4b:s3+s13], $0x80, s2, s13, $0xb8;
	[tilespmem:$0x1E400] =	vst v63  }
0x121: {  	_ = 	snop  }
0x122: {  	[spmem:s1] =	stream.indirect.scatter.add.f32 [tilespmem:s28], [sflag:$0x6], $0x80, s26, s13, $0xb8;
	[tilespmem:$0x1E400] =	vst v63  }
0x123: {  	_ =	swait.ge [sflag:s10], $0x2800  }
0x124: {  	[sflag:s10] =	ssyncset.done $0x0  }
0x125: {  	[sflag:s10] =	ssyncadd.s32 $0xFFFFD800  }
0x126: {  	p2 =	seq.s32 s8, $0x4B0;
	_ =	swait.ge [sflag:s5], $0x2800  }
0x127: {  	s20 =	simm.s32 @!p2 $0x0;
	s19 =	sadd.s32 @!p2 s8, s17;
	[sflag:s5] =	ssyncset.done $0x0  }
0x128: {  	s21 =	simm.s32 @!p2 $0x80;
	s19 =	sadd.s32 @!p2 $0x32, s19;
	[sflag:s5] =	ssyncadd.s32 $0xFFFFD800  }
0x129: {  	[tilespmem:s21], [sflag:$0x5] =	stream.linear.gather @!p2 [hbm4b:s19+s20], $0x50, $0x38;
	[tilespmem:$0x1E400] =	vst v63  }
0x12a: {  	s8 =	sadd.s32 @!p2 s8, s18;
	s19 =	simm.s32 @!p2 $0x280  }
0x12b: {  	s22 =	simm.s32 @!p2 $0x5;
	s8 =	sadd.s32 @!p2 $0x32, s8  }
0x12c: {  	[tilespmem:s19], [sflag:$0x5] =	stream.linear.gather @!p2 [hbm4b:s8+s20], $0x50, $0x38;
	[tilespmem:$0x1E400] =	vst v63  }
0x12d: {  	_ =	swait.ge @!p2 [sflag:s22], $0x50  }
0x12e: {  	[sflag:s22] =	ssyncset.done @!p2 $0x0  }
0x12f: {  	[sflag:s22] =	ssyncadd.s32 @!p2 $0xFFFFFFB0  }
0x130: {  	_ =	swait.ge @!p2 [sflag:s22], $0x50  }
0x131: {  	s8 =	simm.s32 @!p2 $0x50;
	s19 =	simm.s32 @!p2 $0x2C00;
	[sflag:s22] =	ssyncset.done @!p2 $0x0  }
.Ltmp4:
0x132: {  	[sflag:s22] =	ssyncadd.s32 @!p2 $0xFFFFFFB0;
	(pc) =	sbr.rel @!p1 .LBB2_5-.Ltmp4, $4  }
0x133: {  	[tilespmem:s19], [sflag:$0x2] =	stream.indirect.gather @!p2 [hbm4b:s3+s8], $0x80, s21, s8, $0xb8;
	[tilespmem:$0x1E400] =	vst v63  }
0x134: {  	_ = 	snop  }
0x135: {  	[spmem:s1] =	stream.indirect.scatter.add.f32 [tilespmem:s31], [sflag:$0x6], $0x80, s30, s13, $0xb8;
	[tilespmem:$0x1E400] =	vst v63  }
0x136: {  	_ =	swait.ge [sflag:s10], $0x2800  }
.Ltmp5:
0x137: {  	(pc) =	sbr.rel .LBB2_10-.Ltmp5, $3  }
0x138: {  	_ =	sdelay $0x1  }
0x139: {  	[sflag:s10] =	ssyncset.done $0x0  }
0x13a: {  	s7 =	rddreg [dreg:$0x3];
	[sflag:s10] =	ssyncadd.s32 $0xFFFFD800  }
.LBB2_7:
0x13b: {  	s8 =	rddreg [dreg:$0x5]  }
0x13c: {  	[tilespmem:s7], [sflag:$0x5] =	stream.linear.gather [hbm4b:s8+s7], $0x50, $0x38;
	[tilespmem:$0x1E400] =	vst v63  }
0x13d: {  	s21 =	rddreg [dreg:$0x6]  }
0x13e: {  	[tilespmem:s11], [sflag:$0x5] =	stream.linear.gather [hbm4b:s21+s7], $0x50, $0x38;
	[tilespmem:$0x1E400] =	vst v63  }
0x13f: {  	_ =	swait.ge [sflag:s12], $0x50  }
0x140: {  	[sflag:s12] =	ssyncset.done $0x0  }
0x141: {  	[sflag:s12] =	ssyncadd.s32 $0xFFFFFFB0  }
0x142: {  	_ =	swait.ge [sflag:s12], $0x50  }
0x143: {  	[sflag:s12] =	ssyncset.done $0x0  }
0x144: {  	[sflag:s12] =	ssyncadd.s32 $0xFFFFFFB0  }
0x145: {  	[tilespmem:s9], [sflag:$0x1] =	stream.indirect.gather [hbm4b:s3+s13], $0x80, s7, s13, $0xb8;
	[tilespmem:$0x1E400] =	vst v63  }
0x146: {  	s19 =	simm.s32 $0x80;
	s22 =	rddreg [dreg:$0x7]  }
0x147: {  	[tilespmem:s19], [sflag:$0x5] =	stream.linear.gather [hbm4b:s22+s7], $0x50, $0x38;
	[tilespmem:$0x1E400] =	vst v63  }
0x148: {  	s20 =	rddreg [dreg:$0x8]  }
0x149: {  	[tilespmem:s15], [sflag:$0x5] =	stream.linear.gather [hbm4b:s20+s7], $0x50, $0x38;
	[tilespmem:$0x1E400] =	vst v63  }
0x14a: {  	_ =	swait.ge [sflag:s12], $0x50  }
0x14b: {  	[sflag:s12] =	ssyncset.done $0x0  }
0x14c: {  	[sflag:s12] =	ssyncadd.s32 $0xFFFFFFB0  }
0x14d: {  	_ =	swait.ge [sflag:s12], $0x50  }
0x14e: {  	[sflag:s12] =	ssyncset.done $0x0  }
0x14f: {  	[sflag:s12] =	ssyncadd.s32 $0xFFFFFFB0  }
0x150: {  	[tilespmem:s16], [sflag:$0x2] =	stream.indirect.gather [hbm4b:s3+s13], $0x80, s19, s13, $0xb8;
	[tilespmem:$0x1E400] =	vst v63  }
0x151: {  	_ =	swait.ge [sflag:s4], $0x2800  }
0x152: {  	s7 =	sadd.s32 $0x0, s17;
	[sflag:s4] =	ssyncset.done $0x0  }
0x153: {  	s21 =	sadd.s32 $0x14, s7;
	s19 =	sadd.s32 $0x0, s18;
	[sflag:s4] =	ssyncadd.s32 $0xFFFFD800  }
0x154: {  	[tilespmem:s25], [sflag:$0x5] =	stream.linear.gather [hbm4b:s21+s2], $0x50, $0x38;
	[tilespmem:$0x1E400] =	vst v63  }
0x155: {  	s22 =	sadd.s32 $0x14, s19  }
0x156: {  	[tilespmem:s26], [sflag:$0x5] =	stream.linear.gather [hbm4b:s22+s2], $0x50, $0x38;
	[tilespmem:$0x1E400] =	vst v63  }
0x157: {  	_ =	swait.ge [sflag:s12], $0x50  }
0x158: {  	[sflag:s12] =	ssyncset.done $0x0  }
0x159: {  	[sflag:s12] =	ssyncadd.s32 $0xFFFFFFB0  }
0x15a: {  	_ =	swait.ge [sflag:s12], $0x50  }
0x15b: {  	[sflag:s12] =	ssyncset.done $0x0  }
0x15c: {  	[sflag:s12] =	ssyncadd.s32 $0xFFFFFFB0  }
0x15d: {  	[tilespmem:s28], [sflag:$0x3] =	stream.indirect.gather [hbm4b:s3+s13], $0x80, s25, s13, $0xb8;
	[tilespmem:$0x1E400] =	vst v63  }
0x15e: {  	_ = 	snop  }
0x15f: {  	[spmem:s1] =	stream.indirect.scatter.add.f32 [tilespmem:s9], [sflag:$0x6], $0x80, s11, s13, $0xb8;
	[tilespmem:$0x1E400] =	vst v63  }
0x160: {  	_ =	swait.ge [sflag:s10], $0x2800  }
0x161: {  	[sflag:s10] =	ssyncset.done $0x0  }
0x162: {  	[sflag:s10] =	ssyncadd.s32 $0xFFFFD800  }
0x163: {  	_ =	swait.ge [sflag:s29], $0x2800  }
0x164: {  	[sflag:s29] =	ssyncset.done $0x0  }
0x165: {  	s20 =	sadd.s32 $0x1E, s7;
	[sflag:s29] =	ssyncadd.s32 $0xFFFFD800  }
0x166: {  	[tilespmem:s14], [sflag:$0x5] =	stream.linear.gather [hbm4b:s20+s2], $0x50, $0x38;
	[tilespmem:$0x1E400] =	vst v63  }
0x167: {  	s21 =	sadd.s32 $0x1E, s19  }
0x168: {  	[tilespmem:s30], [sflag:$0x5] =	stream.linear.gather [hbm4b:s21+s2], $0x50, $0x38;
	[tilespmem:$0x1E400] =	vst v63  }
0x169: {  	_ =	swait.ge [sflag:s12], $0x50  }
0x16a: {  	[sflag:s12] =	ssyncset.done $0x0  }
0x16b: {  	[sflag:s12] =	ssyncadd.s32 $0xFFFFFFB0  }
0x16c: {  	_ =	swait.ge [sflag:s12], $0x50  }
0x16d: {  	[sflag:s12] =	ssyncset.done $0x0  }
0x16e: {  	[sflag:s12] =	ssyncadd.s32 $0xFFFFFFB0  }
0x16f: {  	[tilespmem:s31], [sflag:$0x4] =	stream.indirect.gather [hbm4b:s3+s13], $0x80, s14, s13, $0xb8;
	[tilespmem:$0x1E400] =	vst v63  }
0x170: {  	_ = 	snop  }
0x171: {  	[spmem:s1] =	stream.indirect.scatter.add.f32 [tilespmem:s16], [sflag:$0x6], $0x80, s15, s13, $0xb8;
	[tilespmem:$0x1E400] =	vst v63  }
0x172: {  	_ =	swait.ge [sflag:s10], $0x2800  }
0x173: {  	[sflag:s10] =	ssyncset.done $0x0  }
0x174: {  	[sflag:s10] =	ssyncadd.s32 $0xFFFFD800  }
0x175: {  	_ =	swait.ge [sflag:s0], $0x2800  }
0x176: {  	[sflag:s0] =	ssyncset.done $0x0  }
0x177: {  	s7 =	sadd.s32 $0x28, s7;
	[sflag:s0] =	ssyncadd.s32 $0xFFFFD800  }
0x178: {  	[tilespmem:s2], [sflag:$0x5] =	stream.linear.gather [hbm4b:s7+s2], $0x50, $0x38;
	[tilespmem:$0x1E400] =	vst v63  }
0x179: {  	s22 =	sadd.s32 $0x28, s19  }
0x17a: {  	[tilespmem:s11], [sflag:$0x5] =	stream.linear.gather [hbm4b:s22+s2], $0x50, $0x38;
	[tilespmem:$0x1E400] =	vst v63  }
0x17b: {  	_ =	swait.ge [sflag:s12], $0x50  }
0x17c: {  	[sflag:s12] =	ssyncset.done $0x0  }
0x17d: {  	[sflag:s12] =	ssyncadd.s32 $0xFFFFFFB0  }
0x17e: {  	_ =	swait.ge [sflag:s12], $0x50  }
0x17f: {  	[sflag:s12] =	ssyncset.done $0x0  }
0x180: {  	[sflag:s12] =	ssyncadd.s32 $0xFFFFFFB0  }
0x181: {  	[tilespmem:s9], [sflag:$0x1] =	stream.indirect.gather [hbm4b:s3+s13], $0x80, s2, s13, $0xb8;
	[tilespmem:$0x1E400] =	vst v63  }
0x182: {  	_ = 	snop  }
0x183: {  	[spmem:s1] =	stream.indirect.scatter.add.f32 [tilespmem:s28], [sflag:$0x6], $0x80, s26, s13, $0xb8;
	[tilespmem:$0x1E400] =	vst v63  }
0x184: {  	_ =	swait.ge [sflag:s10], $0x2800  }
0x185: {  	[sflag:s10] =	ssyncset.done $0x0  }
0x186: {  	[sflag:s10] =	ssyncadd.s32 $0xFFFFD800  }
0x187: {  	p1 =	por $0x0, $0x0;
	_ =	swait.ge [sflag:s5], $0x2800  }
0x188: {  	s8 =	simm.s32 @!p1 $0x0;
	s7 =	sadd.s32 @!p1 $0x0, s17;
	[sflag:s5] =	ssyncset.done $0x0  }
0x189: {  	s19 =	simm.s32 @!p1 $0x80;
	s7 =	sadd.s32 @!p1 $0x32, s7;
	[sflag:s5] =	ssyncadd.s32 $0xFFFFD800  }
0x18a: {  	[tilespmem:s19], [sflag:$0x5] =	stream.linear.gather @!p1 [hbm4b:s7+s8], $0x50, $0x38;
	[tilespmem:$0x1E400] =	vst v63  }
0x18b: {  	s7 =	sadd.s32 @!p1 $0x0, s18  }
0x18c: {  	s20 =	simm.s32 @!p1 $0x280;
	s7 =	sadd.s32 @!p1 $0x32, s7  }
0x18d: {  	[tilespmem:s20], [sflag:$0x5] =	stream.linear.gather @!p1 [hbm4b:s7+s8], $0x50, $0x38;
	[tilespmem:$0x1E400] =	vst v63  }
0x18e: {  	s7 =	simm.s32 @!p1 $0x5  }
0x18f: {  	_ =	swait.ge @!p1 [sflag:s7], $0x50  }
0x190: {  	[sflag:s7] =	ssyncset.done @!p1 $0x0  }
0x191: {  	[sflag:s7] =	ssyncadd.s32 @!p1 $0xFFFFFFB0  }
0x192: {  	_ =	swait.ge @!p1 [sflag:s7], $0x50  }
0x193: {  	[sflag:s7] =	ssyncset.done @!p1 $0x0  }
0x194: {  	s8 =	simm.s32 @!p1 $0x50;
	[sflag:s7] =	ssyncadd.s32 @!p1 $0xFFFFFFB0;
	s7 =	simm.s32 @!p1 $0x2C00  }
0x195: {  	[tilespmem:s7], [sflag:$0x2] =	stream.indirect.gather @!p1 [hbm4b:s3+s8], $0x80, s19, s8, $0xb8;
	[tilespmem:$0x1E400] =	vst v63  }
0x196: {  	_ = 	snop  }
0x197: {  	[spmem:s1] =	stream.indirect.scatter.add.f32 [tilespmem:s31], [sflag:$0x6], $0x80, s30, s13, $0xb8;
	[tilespmem:$0x1E400] =	vst v63  }
0x198: {  	s7 =	simm.s32 $0x28;
	_ =	swait.ge [sflag:s10], $0x2800  }
.LBB2_8:
0x199: {  	[sflag:s10] =	ssyncset.done $0x0;
	s8 =	smov.u32 s7;
	s7 =	sadd.s32 $0x28, s7  }
0x19a: {  	p1 =	sne.s32 s7, $0x4D8;
	[sflag:s10] =	ssyncadd.s32 $0xFFFFD800  }
0x19b: {  	_ =	swait.ge [sflag:s4], $0x2800  }
0x19c: {  	s19 =	sadd.s32 s8, s17;
	[sflag:s4] =	ssyncset.done $0x0  }
0x19d: {  	s20 =	sadd.s32 s8, s18;
	s21 =	sadd.s32 $0x14, s19;
	[sflag:s4] =	ssyncadd.s32 $0xFFFFD800  }
0x19e: {  	[tilespmem:s25], [sflag:$0x5] =	stream.linear.gather [hbm4b:s21+s2], $0x50, $0x38;
	[tilespmem:$0x1E400] =	vst v63  }
0x19f: {  	s21 =	sadd.s32 $0x14, s20  }
0x1a0: {  	[tilespmem:s26], [sflag:$0x5] =	stream.linear.gather [hbm4b:s21+s2], $0x50, $0x38;
	[tilespmem:$0x1E400] =	vst v63  }
0x1a1: {  	_ =	swait.ge [sflag:s12], $0x50  }
0x1a2: {  	[sflag:s12] =	ssyncset.done $0x0  }
0x1a3: {  	[sflag:s12] =	ssyncadd.s32 $0xFFFFFFB0  }
0x1a4: {  	_ =	swait.ge [sflag:s12], $0x50  }
0x1a5: {  	[sflag:s12] =	ssyncset.done $0x0  }
0x1a6: {  	[sflag:s12] =	ssyncadd.s32 $0xFFFFFFB0  }
0x1a7: {  	[tilespmem:s28], [sflag:$0x3] =	stream.indirect.gather [hbm4b:s3+s13], $0x80, s25, s13, $0xb8;
	[tilespmem:$0x1E400] =	vst v63  }
0x1a8: {  	_ = 	snop  }
0x1a9: {  	[spmem:s1] =	stream.indirect.scatter.add.f32 [tilespmem:s9], [sflag:$0x6], $0x80, s11, s13, $0xb8;
	[tilespmem:$0x1E400] =	vst v63  }
0x1aa: {  	_ =	swait.ge [sflag:s10], $0x2800  }
0x1ab: {  	[sflag:s10] =	ssyncset.done $0x0  }
0x1ac: {  	[sflag:s10] =	ssyncadd.s32 $0xFFFFD800  }
0x1ad: {  	_ =	swait.ge [sflag:s29], $0x2800  }
0x1ae: {  	[sflag:s29] =	ssyncset.done $0x0  }
0x1af: {  	s21 =	sadd.s32 $0x1E, s19;
	[sflag:s29] =	ssyncadd.s32 $0xFFFFD800  }
0x1b0: {  	[tilespmem:s14], [sflag:$0x5] =	stream.linear.gather [hbm4b:s21+s2], $0x50, $0x38;
	[tilespmem:$0x1E400] =	vst v63  }
0x1b1: {  	s21 =	sadd.s32 $0x1E, s20  }
0x1b2: {  	[tilespmem:s30], [sflag:$0x5] =	stream.linear.gather [hbm4b:s21+s2], $0x50, $0x38;
	[tilespmem:$0x1E400] =	vst v63  }
0x1b3: {  	_ =	swait.ge [sflag:s12], $0x50  }
0x1b4: {  	[sflag:s12] =	ssyncset.done $0x0  }
0x1b5: {  	[sflag:s12] =	ssyncadd.s32 $0xFFFFFFB0  }
0x1b6: {  	_ =	swait.ge [sflag:s12], $0x50  }
0x1b7: {  	[sflag:s12] =	ssyncset.done $0x0  }
0x1b8: {  	[sflag:s12] =	ssyncadd.s32 $0xFFFFFFB0  }
0x1b9: {  	[tilespmem:s31], [sflag:$0x4] =	stream.indirect.gather [hbm4b:s3+s13], $0x80, s14, s13, $0xb8;
	[tilespmem:$0x1E400] =	vst v63  }
0x1ba: {  	_ = 	snop  }
0x1bb: {  	[spmem:s1] =	stream.indirect.scatter.add.f32 [tilespmem:s16], [sflag:$0x6], $0x80, s15, s13, $0xb8;
	[tilespmem:$0x1E400] =	vst v63  }
0x1bc: {  	_ =	swait.ge [sflag:s10], $0x2800  }
0x1bd: {  	[sflag:s10] =	ssyncset.done $0x0  }
0x1be: {  	[sflag:s10] =	ssyncadd.s32 $0xFFFFD800  }
0x1bf: {  	_ =	swait.ge [sflag:s0], $0x2800  }
0x1c0: {  	[sflag:s0] =	ssyncset.done $0x0  }
0x1c1: {  	s19 =	sadd.s32 $0x28, s19;
	[sflag:s0] =	ssyncadd.s32 $0xFFFFD800  }
0x1c2: {  	[tilespmem:s2], [sflag:$0x5] =	stream.linear.gather [hbm4b:s19+s2], $0x50, $0x38;
	[tilespmem:$0x1E400] =	vst v63  }
0x1c3: {  	s19 =	sadd.s32 $0x28, s20  }
0x1c4: {  	[tilespmem:s11], [sflag:$0x5] =	stream.linear.gather [hbm4b:s19+s2], $0x50, $0x38;
	[tilespmem:$0x1E400] =	vst v63  }
0x1c5: {  	_ =	swait.ge [sflag:s12], $0x50  }
0x1c6: {  	[sflag:s12] =	ssyncset.done $0x0  }
0x1c7: {  	[sflag:s12] =	ssyncadd.s32 $0xFFFFFFB0  }
0x1c8: {  	_ =	swait.ge [sflag:s12], $0x50  }
0x1c9: {  	[sflag:s12] =	ssyncset.done $0x0  }
0x1ca: {  	[sflag:s12] =	ssyncadd.s32 $0xFFFFFFB0  }
0x1cb: {  	[tilespmem:s9], [sflag:$0x1] =	stream.indirect.gather [hbm4b:s3+s13], $0x80, s2, s13, $0xb8;
	[tilespmem:$0x1E400] =	vst v63  }
0x1cc: {  	_ = 	snop  }
0x1cd: {  	[spmem:s1] =	stream.indirect.scatter.add.f32 [tilespmem:s28], [sflag:$0x6], $0x80, s26, s13, $0xb8;
	[tilespmem:$0x1E400] =	vst v63  }
0x1ce: {  	_ =	swait.ge [sflag:s10], $0x2800  }
0x1cf: {  	[sflag:s10] =	ssyncset.done $0x0  }
0x1d0: {  	[sflag:s10] =	ssyncadd.s32 $0xFFFFD800  }
0x1d1: {  	p2 =	seq.s32 s8, $0x4B0;
	_ =	swait.ge [sflag:s5], $0x2800  }
0x1d2: {  	s20 =	simm.s32 @!p2 $0x0;
	s19 =	sadd.s32 @!p2 s8, s17;
	[sflag:s5] =	ssyncset.done $0x0  }
0x1d3: {  	s21 =	simm.s32 @!p2 $0x80;
	s19 =	sadd.s32 @!p2 $0x32, s19;
	[sflag:s5] =	ssyncadd.s32 $0xFFFFD800  }
0x1d4: {  	[tilespmem:s21], [sflag:$0x5] =	stream.linear.gather @!p2 [hbm4b:s19+s20], $0x50, $0x38;
	[tilespmem:$0x1E400] =	vst v63  }
0x1d5: {  	s8 =	sadd.s32 @!p2 s8, s18;
	s19 =	simm.s32 @!p2 $0x280  }
0x1d6: {  	s22 =	simm.s32 @!p2 $0x5;
	s8 =	sadd.s32 @!p2 $0x32, s8  }
0x1d7: {  	[tilespmem:s19], [sflag:$0x5] =	stream.linear.gather @!p2 [hbm4b:s8+s20], $0x50, $0x38;
	[tilespmem:$0x1E400] =	vst v63  }
0x1d8: {  	_ =	swait.ge @!p2 [sflag:s22], $0x50  }
0x1d9: {  	[sflag:s22] =	ssyncset.done @!p2 $0x0  }
0x1da: {  	[sflag:s22] =	ssyncadd.s32 @!p2 $0xFFFFFFB0  }
0x1db: {  	_ =	swait.ge @!p2 [sflag:s22], $0x50  }
0x1dc: {  	s8 =	simm.s32 @!p2 $0x50;
	s19 =	simm.s32 @!p2 $0x2C00;
	[sflag:s22] =	ssyncset.done @!p2 $0x0  }
.Ltmp6:
0x1dd: {  	[sflag:s22] =	ssyncadd.s32 @!p2 $0xFFFFFFB0;
	(pc) =	sbr.rel @p1 .LBB2_8-.Ltmp6, $4  }
0x1de: {  	[tilespmem:s19], [sflag:$0x2] =	stream.indirect.gather @!p2 [hbm4b:s3+s8], $0x80, s21, s8, $0xb8;
	[tilespmem:$0x1E400] =	vst v63  }
0x1df: {  	_ = 	snop  }
0x1e0: {  	[spmem:s1] =	stream.indirect.scatter.add.f32 [tilespmem:s31], [sflag:$0x6], $0x80, s30, s13, $0xb8;
	[tilespmem:$0x1E400] =	vst v63  }
0x1e1: {  	_ =	swait.ge [sflag:s10], $0x2800  }
.Ltmp7:
0x1e2: {  	_ = 	snop;
	(pc) =	sbr.rel .LBB2_9-.Ltmp7, $1  }
0x1e3: {  	_ =	sdelay $0x3  }
.LBB2_11:
0x1e4: {  	_ =	sfence.sel $0x180000  }
0x1e5: {  	[bflag:$0x0] =	sbarrier.arrive $0xFFFF  }
0x1e6: {  	_ =	strace $0x9000004A  }
0x1e7: {  	s0 =	stileid.u32;
	[bflag:$0x2] =	sbarrier.arrive $0xFFFF  }
0x1e8: {  	p0 =	sne.s32 s0, $0x0;
	s0 =	rddreg [dreg:$0x2]  }
0x1e9: {  	s0 =	sadd.s32 @!p0 $0x100000, s0  }
0x1ea: {  	[sflag:s0] =	ssyncadd.tile.s32 @!p0 $0x1;
	_ =	shalt  }
.Lfunc_end2:
_tile_overlayer_lowered:
.L_overlay_start_2:
0x1eb: {  	(tag) =	ssettag $0x2  }
0x1ec: {  	s0 =	rddreg [dreg:$0x0];
	s2 =	stileid.u32  }
0x1ed: {  	s1 =	rddreg [dreg:$0x1];
	p0 =	sne.s32 s2, $0x0  }
0x1ee: {  	s3 =	rddreg [dreg:$0x2];
	[bflag:$0x3] =	sbarrier.arrive $0xFFFF;
	s2 =	simm.s32 @!p0 $0x1C06  }
0x1ef: {  	[timem:s3], [sflag:s2] =	dma.local @!p0 [hbm:s0], s1  }
0x1f0: {  	s0 =	simm.s32 @!p0 $0x6  }
0x1f1: {  	_ =	swait.ge @!p0 [sflag:s0], s1  }
0x1f2: {  	s1 =	ssub.s32 @!p0 $0x0, s1;
	[sflag:s0] =	ssyncset.done @!p0 $0x0  }
0x1f3: {  	[sflag:s0] =	ssyncadd.s32 @!p0 s1  }
0x1f4: {  	[bflag:$0x3] =	sbarrier.arrive $0xFFFF  }
0x1f5: {  	_ =	shalt  }

// kernel: kernel.14.cloned.1.call-start
scs
__scs_entry_jumppad:
0x0: {  	(pc) =	sbr.rel $0x88, $3  }
0x1: {  	(tag) =	ssettag $0x0;
	lr =	simm.s32 $0x1  }
0x2: {  	[smem:$0x3F90] =	sst lr;
	_ =	strace $0xD0000000  }
0x3: {  	_ = 	snop  }
0x4: {  	_ = 	snop  }
0x5: {  	_ = 	snop  }
0x6: {  	_ = 	snop  }
0x7: {  	_ = 	snop  }
__scs_overlays_trampoline_lowered:
0x8: {  	[smem:$0x3F9F] =	sst s0  }
0x9: {  	[smem:$0x3FA0] =	sst s1  }
0xa: {  	[smem:$0x3FA1] =	sst s2  }
0xb: {  	[smem:$0x3FA2] =	sst s3  }
0xc: {  	[smem:$0x3FA3] =	sst s4  }
0xd: {  	[smem:$0x3FA4] =	sst s5  }
0xe: {  	[smem:$0x3FA5] =	sst s6  }
0xf: {  	[smem:$0x3FA6] =	sst s7  }
0x10: {  	[smem:$0x3FA7] =	sst s8  }
0x11: {  	[smem:$0x3FA8] =	sst s9;
	s0 =	simm.s32 @!p0 $0x0  }
0x12: {  	s1 =	sld [smem:$0x3F8E];
	s0 =	simm.s32 @p0 $0x1  }
0x13: {  	[smem:$0x3FA9] =	sst s0;
	s0 =	simm.s32 @!p1 $0x0  }
0x14: {  	s2 =	sld [smem:$0x3F8D];
	s0 =	simm.s32 @p1 $0x1  }
0x15: {  	[smem:$0x3FAA] =	sst s0;
	s0 =	simm.s32 @!p2 $0x0  }
0x16: {  	s3 =	sld [smem:$0x3FDB];
	s0 =	simm.s32 @p2 $0x1  }
0x17: {  	s4 =	simm.s32 $0x1BF5;
	[smem:$0x3FAC] =	sst s0  }
0x18: {  	s0 =	sld [smem:$0x3F8F];
	_ =	swait.ge [sflag:s4], $0x0  }
0x19: {  	s7 =	sld [smem:$0x3F90]  }
0x1a: {  	s8 =	sadd.s32 $0xFFFFE003, lr  }
0x1b: {  	s9 =	sadd.s32 $0xFFFFFEF7, lr;
	s5 =	simm.s32 $0xFFFFFFFF;
	p2 =	slt.u32 s8, $0xFFFFF086  }
0x1c: {  	p1 =	slt.u32 s9, $0xF7A;
	s5 =	simm.s32 @!p2 $0x0  }
0x1d: {  	s5 =	simm.s32 @p1 $0x1;
	p0 =	seq.s32 s7, s2  }
0x1e: {  	s7 =	smul.u32 @!p0 $0xF7A, s2;
	p2 =	seq.s32 @!p0 s5, $0x0  }
0x1f: {  	s9 =	smul.u32 $0xF7A, s1;
	s8 =	simm.s32 @!p0 $0x1BF5;
	p2 =	por !p2, p0  }
0x20: {  	[sflag:s8] =	ssyncset.s32 @!p0 $0xFFFFF086;
	s6 =	sadd.s32 @!p0 s3, s7;
	s7 =	simm.s32 @!p0 $0x108  }
0x21: {  	s3 =	sadd.s32 s3, s9;
	s6 =	sadd.s32 @!p0 $0x88, s6;
	s7 =	simm.s32 @p2 $0x1082  }
0x22: {  	[simem:s7], [sflag:s8] =	dma.local @!p0 [hbm:s6], $0xF7A  }
0x23: {  	s9 =	sor.u32 $0xD0000000, s2;
	s6 =	simm.s32 $0x108;
	_ =	swait.ge @!p0 [sflag:s8], $0x0  }
0x24: {  	s3 =	sadd.s32 $0x88, s3;
	s6 =	simm.s32 @!p1 $0x1082;
	[sflag:s4] =	ssyncset.s32 $0xFFFFF086  }
0x25: {  	[simem:s6], [sflag:s4] =	dma.local [hbm:s3], $0xF7A  }
0x26: {  	[smem:$0x3F90] =	sst s1;
	(tag) =	ssettag s2;
	_ =	strace s9  }
0x27: {  	s1 =	sld [smem:$0x3FA0]  }
0x28: {  	s2 =	sld [smem:$0x3FA1]  }
0x29: {  	s4 =	sld [smem:$0x3FA3]  }
0x2a: {  	p0 =	seq.s32 s5, $0x0;
	s5 =	sld [smem:$0x3FA4]  }
0x2b: {  	s6 =	sld [smem:$0x3FA5]  }
0x2c: {  	s7 =	sld [smem:$0x3FA6]  }
0x2d: {  	s3 =	simm.s32 $0x108;
	s8 =	sld [smem:$0x3FA7]  }
0x2e: {  	s3 =	simm.s32 @!p0 $0x1082;
	s9 =	sld [smem:$0x3FA8]  }
0x2f: {  	lr =	sadd.s32 s0, s3;
	s0 =	sld [smem:$0x3F9F]  }
0x30: {  	s3 =	sld [smem:$0x3FA2]  }
0x31: {  	[smem:$0x3FAB] =	sst s10  }
0x32: {  	s10 =	sld [smem:$0x3FA9];
	_ =	sdelay $0x3  }
0x33: {  	p0 =	seq.s32 s10, $0x1;
	s10 =	sld [smem:$0x3FAB];
	_ =	sdelay $0x3  }
0x34: {  	[smem:$0x3FAB] =	sst s10  }
0x35: {  	s10 =	sld [smem:$0x3FAA];
	_ =	sdelay $0x3  }
0x36: {  	p1 =	seq.s32 s10, $0x1;
	s10 =	sld [smem:$0x3FAB];
	_ =	sdelay $0x3  }
0x37: {  	[smem:$0x3FAB] =	sst s10  }
0x38: {  	s10 =	sld [smem:$0x3FAC]  }
0x39: {  	_ = 	snop;
	(pc) =	sbr.ind lr, $3  }
0x3a: {  	_ = 	snop  }
0x3b: {  	_ = 	snop  }
0x3c: {  	p2 =	seq.s32 s10, $0x1;
	s10 =	sld [smem:$0x3FAB]  }
0x3d: {  	_ =	shalt  }
0x3e: {  	_ =	shalt  }
0x3f: {  	_ =	shalt  }
0x40: {  	_ =	shalt  }
0x41: {  	_ =	shalt  }
0x42: {  	_ =	shalt  }
0x43: {  	_ =	shalt  }
0x44: {  	_ =	shalt  }
0x45: {  	_ =	shalt  }
0x46: {  	_ =	shalt  }
0x47: {  	_ =	shalt  }
0x48: {  	_ =	shalt  }
0x49: {  	_ =	shalt  }
0x4a: {  	_ =	shalt  }
0x4b: {  	_ =	shalt  }
0x4c: {  	_ =	shalt  }
0x4d: {  	_ =	shalt  }
0x4e: {  	_ =	shalt  }
0x4f: {  	_ =	shalt  }
0x50: {  	_ =	shalt  }
0x51: {  	_ =	shalt  }
0x52: {  	_ =	shalt  }
0x53: {  	_ =	shalt  }
0x54: {  	_ =	shalt  }
0x55: {  	_ =	shalt  }
0x56: {  	_ =	shalt  }
0x57: {  	_ =	shalt  }
0x58: {  	_ =	shalt  }
0x59: {  	_ =	shalt  }
0x5a: {  	_ =	shalt  }
0x5b: {  	_ =	shalt  }
0x5c: {  	_ =	shalt  }
0x5d: {  	_ =	shalt  }
0x5e: {  	_ =	shalt  }
0x5f: {  	_ =	shalt  }
0x60: {  	_ =	shalt  }
0x61: {  	_ =	shalt  }
0x62: {  	_ =	shalt  }
0x63: {  	_ =	shalt  }
0x64: {  	_ =	shalt  }
0x65: {  	_ =	shalt  }
0x66: {  	_ =	shalt  }
0x67: {  	_ =	shalt  }
0x68: {  	_ =	shalt  }
0x69: {  	_ =	shalt  }
0x6a: {  	_ =	shalt  }
0x6b: {  	_ =	shalt  }
0x6c: {  	_ =	shalt  }
0x6d: {  	_ =	shalt  }
0x6e: {  	_ =	shalt  }
0x6f: {  	_ =	shalt  }
0x70: {  	_ =	shalt  }
0x71: {  	_ =	shalt  }
0x72: {  	_ =	shalt  }
0x73: {  	_ =	shalt  }
0x74: {  	_ =	shalt  }
0x75: {  	_ =	shalt  }
0x76: {  	_ =	shalt  }
0x77: {  	_ =	shalt  }
0x78: {  	_ =	shalt  }
0x79: {  	_ =	shalt  }
0x7a: {  	_ =	shalt  }
0x7b: {  	_ =	shalt  }
0x7c: {  	_ =	shalt  }
0x7d: {  	_ =	shalt  }
0x7e: {  	_ =	shalt  }
0x7f: {  	_ =	shalt  }
0x80: {  	_ =	shalt  }
0x81: {  	_ =	shalt  }
0x82: {  	_ =	shalt  }
0x83: {  	_ =	shalt  }
0x84: {  	_ =	shalt  }
0x85: {  	_ =	shalt  }
0x86: {  	_ =	shalt  }
0x87: {  	_ =	shalt  }
.Lfunc_end0:
.L_simem_size_0:
called_computation.2_lowered:
.L_overlay_start_0:
0x88: {  	s2 =	sld [smem:$0x3FD9]  }
0x89: {  	s3 =	sld [smem:$0x3FFE];
	_ =	sdelay $0x1  }
0x8a: {  	s1 =	srdreg.scid  }
0x8b: {  	s0 =	sand.u32 $0x1, s1  }
0x8c: {  	s16 =	sshll.u32 s0, $0xA;
	s2 =	sadd.s32 s3, s2  }
0x8d: {  	s2 =	sadd.s32 s2, s16  }
0x8e: {  	[smem:$0x3FB7] =	sst s2  }
0x8f: {  	_ = 	snop  }
0x90: {  	(tm) =	ssettm $0x1  }
0x91: {  	s17 =	sld [smem:$0x3FFB];
	_ =	sdelay $0x3  }
0x92: {  	_ =	strace s17  }
0x93: {  	s2 =	sld [smem:$0x3FFC];
	_ =	sdelay $0x3  }
0x94: {  	_ =	strace s2  }
0x95: {  	s2 =	sld [smem:$0x3FFD];
	_ =	sdelay $0x3  }
0x96: {  	_ =	strace s2  }
0x97: {  	_ =	strace $0x8FFFFFFF  }
0x98: {  	s18 =	sld [smem:$0x3FDB];
	_ =	sdelay $0x1  }
0x99: {  	s19 =	simm.s32 $_scs_section_size  }
0x9a: {  	s4 =	simm.s32 $_size__tile_overlayer_lowered;
	s5 =	simm.s32 $_tile_overlayer_lowered  }
0x9b: {  	s22 =	simm.s32 $0x1BFF;
	s21 =	sshll.u32 s5, $0x1;
	s2 =	sadd.s32 s19, s18  }
0x9c: {  	s6 =	simm.s32 $0x0;
	s20 =	sshll.u32 s4, $0x1;
	s4 =	sadd.s32 s21, s2  }
0x9d: {  	[timem:s6], [sflag:s22] =	dma.local [hbm:s4], s20  }
0x9e: {  	_ =	swait.ge [sflag:s22], s20  }
0x9f: {  	s3 =	ssub.s32 $0x0, s20;
	[sflag:s22] =	ssyncset.done $0x0  }
0xa0: {  	[sflag:s22] =	ssyncadd.s32 s3;
	_ =	sdelay $0x1  }
0xa1: {  	s23 =	simm.s32 $0x1B8B  }
0xa2: {  	_ =	swait.ge [sflag:s23], $0x1  }
0xa3: {  	[sflag:s23] =	ssyncset.done $0x0  }
0xa4: {  	s25 =	simm.s32 $0x1B8E;
	s24 =	sld [smem:$0x3FFE];
	[sflag:s23] =	ssyncadd.s32 $0xFFFFFFFF  }
0xa5: {  	s26 =	simm.s32 $execute0_lowered;
	[smem:$0x3FD2] =	sst s25  }
0xa6: {  	s4 =	sshll.u32 s26, $0x1;
	_ =	strace $0x8000004C;
	[dreg:$0x1] =	wrdreg $0xFFFFFFFF  }
0xa7: {  	s28 =	simm.s32 $_size_execute0_lowered;
	s2 =	sadd.s32 s2, s4;
	[dreg:$0x0] =	wrdreg $0x0  }
0xa8: {  	s4 =	sshll.u32 s28, $0x1;
	[dreg:$0x2] =	wrdreg s2  }
0xa9: {  	[dreg:$0x3] =	wrdreg s4  }
0xaa: {  	[dreg:$0x4] =	wrdreg $0xC0  }
0xab: {  	_ =	task [dreg:s6], $0x5FFFF  }
0xac: {  	[dreg:$0x1] =	wrdreg $0xFFFFFFFF  }
0xad: {  	[dreg:$0x0] =	wrdreg $0x60  }
0xae: {  	[dreg:$0x2] =	wrdreg s24  }
0xaf: {  	[dreg:$0x3] =	wrdreg $0xA4000  }
0xb0: {  	[dreg:$0x4] =	wrdreg $0x9  }
0xb1: {  	_ =	task.clear_ibuf [dreg:s6], $0x5FFFF;
	_ =	strace $0x9000004C  }
0xb2: {  	s29 =	simm.s32 $0x9;
	_ =	strace $0x8000004E  }
0xb3: {  	_ =	swait.ge [sflag:s29], $0x1  }
0xb4: {  	[sflag:s29] =	ssyncadd.s32 $0xFFFFFFFF  }
0xb5: {  	_ =	strace $0x9000004E  }
0xb6: {  	_ =	sfence  }
0xb7: {  	s30 =	sld [smem:$0x0];
	_ =	sdelay $0x2  }
0xb8: {  	s31 =	sshll.u32 s1, $0xD;
	s1 =	sshrl.u32 s1, $0x2  }
0xb9: {  	s3 =	sand.u32 $0x4000, s31;
	s1 =	sadd.s32 s1, s30  }
0xba: {  	s0 =	sor.u32 s3, s0;
	s1 =	sshll.u32 s1, $0x11  }
0xbb: {  	s0 =	sor.u32 s1, s0  }
0xbc: {  	s0 =	sadd.s32 $0x8F2B, s0  }
0xbd: {  	[sflag:s0] =	ssyncadd.remote.s32 $0x1  }
0xbe: {  	_ =	sfence.sel $0xFFFF  }
0xbf: {  	[dreg:$0x0] =	wrdreg $0xFFFFFFFF;
	(pc) =	sbr.abs _section_cstart, $3  }
0xc0: {  	[dreg:$0x1] =	wrdreg $0xFFFFFFFF  }
0xc1: {  	_ =	task.clear_ibuf [dreg:s6], $0x2FFFF;
	_ =	strace $0x9FFFFFFF  }
0xc2: {  	(tm) =	ssettm $0x7FFFFFFF  }
0xc3: {  	_ =	shalt  }
tec
execute0_lowered:
.L_overlay_start_1:
0x0: {  	(tag) =	ssettag $0x1  }
0x1: {  	s0 =	rddreg [dreg:$0x0]  }
0x2: {  	s1 =	rddreg [dreg:$0x1];
	s2 =	simm.s32 $0x0  }
0x3: {  	s3 =	srdreg.scid;
	s17 =	stileid.u32;
	s30 =	simm.s32 $0x400  }
0x4: {  	s31 =	simm.s32 $0x6;
	s28 =	simm.s32 $0x7C00;
	s29 =	simm.s32 $0x3  }
0x5: {  	[smem:$0x7FF] =	sst s2;
	s4 =	sadd.s32 $0x19000, s0;
	s8 =	smul.u32 $0x280, s17  }
0x6: {  	s5 =	sadd.s32 $0x40200, s0;
	s3 =	sand.u32 $0x1, s3;
	s11 =	smul.u32 $0x50000, s17  }
0x7: {  	s6 =	sadd.s32 $0x5400, s0;
	s9 =	sadd.s32 $0xF200, s0;
	s13 =	smul.u32 $0x4E20, s17  }
0x8: {  	s12 =	sadd.s32 $0x67400, s0;
	s0 =	sadd.s32 $0x8F400, s0;
	s14 =	smul.u32 $0x9C4, s17  }
0x9: {  	_ =	strace $0x8000004D;
	s7 =	ssub.s32 $0x2, s3;
	[dreg:$0x3] =	wrdreg s12  }
0xa: {  	[dreg:$0x4] =	wrdreg s0;
	p0 =	sne.s32 s3, $0x0;
	s10 =	sshrl.u32 s7, $0x1  }
0xb: {  	s18 =	sshrl.u32 s11, $0x2;
	s11 =	sadd.s32 $0xA0, s8;
	s22 =	sadd.s32 $0xF0, s8  }
0xc: {  	s15 =	sadd.s32 $0x140, s8;
	s25 =	sadd.s32 $0x190, s8;
	s16 =	sshrl.u32 s13, $0x3  }
0xd: {  	s13 =	sadd.s32 s6, s14;
	s14 =	sadd.s32 s9, s14;
	s0 =	ssub.s32 s7, s10  }
0xe: {  	s10 =	sor.u32 $0x50, s8;
	s7 =	sadd.s32 s18, s1;
	s20 =	sshll.u32 s11, $0x7  }
0xf: {  	s23 =	sshll.u32 s22, $0x7;
	s24 =	sshll.u32 s15, $0x7;
	s16 =	sadd.s32 $0xA, s16  }
0x10: {  	s22 =	sshll.u32 s22, $0x4;
	[dreg:$0x5] =	wrdreg s7;
	s19 =	sshll.u32 s10, $0x7  }
0x11: {  	s21 =	sadd.s32 s20, s1;
	s12 =	sadd.s32 s23, s1;
	s6 =	sadd.s32 s6, s16  }
0x12: {  	s26 =	sadd.s32 s9, s16;
	s9 =	sshll.u32 s25, $0x7;
	[dreg:$0xf] =	wrdreg s22  }
0x13: {  	s16 =	sadd.s32 $0x1E0, s8;
	s8 =	sadd.s32 $0x230, s8;
	[dreg:$0x7] =	wrdreg s21  }
0x14: {  	s20 =	sshll.u32 s10, $0x4;
	s23 =	sshll.u32 s15, $0x4;
	[dreg:$0x8] =	wrdreg s12  }
0x15: {  	s0 =	smax.u32 s0, $0x1;
	s15 =	simm.s32 $0x280;
	[dreg:$0xa] =	wrdreg s6  }
0x16: {  	s22 =	simm.s32 $0x300;
	s7 =	sadd.s32 s19, s1;
	[dreg:$0xb] =	wrdreg s26  }
0x17: {  	s12 =	sadd.s32 s24, s1;
	s6 =	sadd.s32 s9, s1;
	[dreg:$0xd] =	wrdreg s20  }
0x18: {  	s18 =	sshll.u32 s16, $0x7;
	s19 =	sshll.u32 s8, $0x7;
	[dreg:$0x10] =	wrdreg s23  }
0x19: {  	s21 =	sshll.u32 s11, $0x4;
	s24 =	sshll.u32 s25, $0x4;
	[dreg:$0x14] =	wrdreg s0  }
0x1a: {  	s3 =	sshll.u32 s16, $0x4;
	s25 =	sshll.u32 s8, $0x4;
	[dreg:$0x6] =	wrdreg s7  }
0x1b: {  	s26 =	smul.u32 $0x2800, s17;
	s0 =	simm.s32 $0x200;
	[dreg:$0x9] =	wrdreg s12  }
0x1c: {  	s16 =	simm.s32 $0x2C00;
	s20 =	simm.s32 $0x1;
	[dreg:$0xc] =	wrdreg s6  }
0x1d: {  	s23 =	simm.s32 $0x5400;
	s8 =	simm.s32 $0x4;
	[dreg:$0xe] =	wrdreg s21  }
.Ltmp0:
0x1e: {  	s9 =	simm.s32 $0x0;
	[dreg:$0x11] =	wrdreg s24;
	(pc) =	sbr.rel .LBB2_1-.Ltmp0, $4  }
0x1f: {  	s18 =	sadd.s32 s18, s1;
	s19 =	sadd.s32 s19, s1;
	[dreg:$0x12] =	wrdreg s3  }
0x20: {  	[dreg:$0x13] =	wrdreg s25;
	s6 =	simm.s32 $0x5;
	s7 =	simm.s32 $0x50  }
0x21: {  	s3 =	simm.s32 $0x80;
	s21 =	simm.s32 $0x100;
	s24 =	simm.s32 $0x2  }
0x22: {  	v0 =	vimm.f32 $0.0e+00;
	s25 =	simm.s32 $0x180;
	[dreg:$0x15] =	wrdreg s26;
	s26 =	simm.s32 $0x380  }
.LBB2_9:
0x23: {  	[sflag:s31] =	ssyncadd.s32 $0xFFFFD800;
	s10 =	rddreg [dreg:$0x4]  }
.LBB2_10:
0x24: {  	_ =	swait.ge [sflag:s20], $0x2800  }
0x25: {  	[sflag:s20] =	ssyncset.done $0x0  }
0x26: {  	[sflag:s20] =	ssyncadd.s32 $0xFFFFD800  }
0x27: {  	[spmem:s1] =	stream.indirect.scatter.add.f32 [tilespmem:s30], [sflag:$0x6], $0x80, s0, s7, $0xb8;
	[tilespmem:$0x1E400] =	vst v63  }
0x28: {  	_ =	swait.ge [sflag:s31], $0x2800  }
0x29: {  	[sflag:s31] =	ssyncset.done $0x0  }
0x2a: {  	[sflag:s31] =	ssyncadd.s32 $0xFFFFD800  }
0x2b: {  	_ =	swait.ge [sflag:s24], $0x2800  }
0x2c: {  	[sflag:s24] =	ssyncset.done $0x0  }
0x2d: {  	[sflag:s24] =	ssyncadd.s32 $0xFFFFD800  }
0x2e: {  	[spmem:s1] =	stream.indirect.scatter.add.f32 [tilespmem:s16], [sflag:$0x6], $0x80, s15, s7, $0xb8;
	[tilespmem:$0x1E400] =	vst v63  }
0x2f: {  	_ =	swait.ge [sflag:s31], $0x2800  }
0x30: {  	[sflag:s31] =	ssyncset.done $0x0  }
0x31: {  	[sflag:s31] =	ssyncadd.s32 $0xFFFFD800  }
0x32: {  	s12 =	stileid.u32;
	s11 =	rddreg [dreg:$0x15];
	[bflag:$0x0] =	sbarrier.arrive $0xFFFF  }
0x33: {  	s12 =	sshll.u32 s12, $0x6;
	s17 =	rddreg [dreg:$0x5]  }
0x34: {  	s12 =	sor.u32 $0x1C06, s12;
	s11 =	sadd.s32 s10, s11;
	s17 =	sshrl.u32 s17, $0x3  }
0x35: {  	[hbm:s11], [sflag:s12] =	dma.local [spmem:s17], $0x500  }
0x36: {  	_ =	swait.ge [sflag:s31], $0x500  }
0x37: {  	s17 =	rddreg [dreg:$0xd]  }
0x38: {  	[sflag:s31] =	ssyncset.done $0x0;
	s11 =	sadd.s32 s10, s17;
	s17 =	rddreg [dreg:$0x6]  }
0x39: {  	[sflag:s31] =	ssyncadd.s32 $0xFFFFFB00;
	s17 =	sshrl.u32 s17, $0x3  }
0x3a: {  	[hbm:s11], [sflag:s12] =	dma.local [spmem:s17], $0x500  }
0x3b: {  	_ =	swait.ge [sflag:s31], $0x500  }
0x3c: {  	s17 =	rddreg [dreg:$0xe]  }
0x3d: {  	[sflag:s31] =	ssyncset.done $0x0;
	s11 =	sadd.s32 s10, s17;
	s17 =	rddreg [dreg:$0x7]  }
0x3e: {  	[sflag:s31] =	ssyncadd.s32 $0xFFFFFB00;
	s17 =	sshrl.u32 s17, $0x3  }
0x3f: {  	[hbm:s11], [sflag:s12] =	dma.local [spmem:s17], $0x500  }
0x40: {  	_ =	swait.ge [sflag:s31], $0x500  }
0x41: {  	s17 =	rddreg [dreg:$0xf]  }
0x42: {  	[sflag:s31] =	ssyncset.done $0x0;
	s11 =	sadd.s32 s10, s17;
	s17 =	rddreg [dreg:$0x8]  }
0x43: {  	[sflag:s31] =	ssyncadd.s32 $0xFFFFFB00;
	s17 =	sshrl.u32 s17, $0x3  }
0x44: {  	[hbm:s11], [sflag:s12] =	dma.local [spmem:s17], $0x500  }
0x45: {  	_ =	swait.ge [sflag:s31], $0x500  }
0x46: {  	s17 =	rddreg [dreg:$0x10]  }
0x47: {  	[sflag:s31] =	ssyncset.done $0x0;
	s11 =	sadd.s32 s10, s17;
	s17 =	rddreg [dreg:$0x9]  }
0x48: {  	[sflag:s31] =	ssyncadd.s32 $0xFFFFFB00;
	s17 =	sshrl.u32 s17, $0x3  }
0x49: {  	[hbm:s11], [sflag:s12] =	dma.local [spmem:s17], $0x500  }
0x4a: {  	_ =	swait.ge [sflag:s31], $0x500  }
0x4b: {  	s17 =	rddreg [dreg:$0x11]  }
0x4c: {  	[sflag:s31] =	ssyncset.done $0x0;
	s11 =	sadd.s32 s10, s17;
	s17 =	rddreg [dreg:$0xc]  }
0x4d: {  	[sflag:s31] =	ssyncadd.s32 $0xFFFFFB00;
	s17 =	sshrl.u32 s17, $0x3  }
0x4e: {  	[hbm:s11], [sflag:s12] =	dma.local [spmem:s17], $0x500  }
0x4f: {  	_ =	swait.ge [sflag:s31], $0x500  }
0x50: {  	[sflag:s31] =	ssyncset.done $0x0;
	s17 =	rddreg [dreg:$0x12]  }
0x51: {  	s11 =	sadd.s32 s10, s17;
	[sflag:s31] =	ssyncadd.s32 $0xFFFFFB00;
	s17 =	sshrl.u32 s18, $0x3  }
0x52: {  	[hbm:s11], [sflag:s12] =	dma.local [spmem:s17], $0x500  }
0x53: {  	_ =	swait.ge [sflag:s31], $0x500  }
0x54: {  	[sflag:s31] =	ssyncset.done $0x0;
	s17 =	rddreg [dreg:$0x13]  }
0x55: {  	s11 =	sadd.s32 s10, s17;
	[sflag:s31] =	ssyncadd.s32 $0xFFFFFB00;
	s17 =	sshrl.u32 s19, $0x3  }
0x56: {  	[hbm:s11], [sflag:s12] =	dma.local [spmem:s17], $0x500  }
0x57: {  	_ =	swait.ge [sflag:s31], $0x500  }
0x58: {  	s9 =	sadd.s32 $0x1, s9;
	s17 =	rddreg [dreg:$0x14]  }
0x59: {  	p1 =	sne.s32 s9, s17  }
.Ltmp1:
0x5a: {  	_ = 	snop;
	(pc) =	sbr.rel @!p1 .LBB2_11-.Ltmp1, $3  }
0x5b: {  	_ =	sdelay $0x1  }
0x5c: {  	[sflag:s31] =	ssyncset.done $0x0  }
0x5d: {  	[sflag:s31] =	ssyncadd.s32 $0xFFFFFB00  }
.LBB2_1:
0x5e: {  	s10 =	simm.s32 $0x0;
	s11 =	simm.s32 $0x200  }
.LBB2_2:
0x5f: {  	p1 =	sne.s32 s11, $0x9E00;
	[tilespmem:s10+$0x470] =	vst v0  }
0x60: {  	[tilespmem:s10+$0x400] =	vst v0  }
0x61: {  	[tilespmem:s10+$0x410] =	vst v0  }
.Ltmp2:
0x62: {  	[tilespmem:s10+$0x420] =	vst v0;
	(pc) =	sbr.rel @p1 .LBB2_2-.Ltmp2, $4  }
0x63: {  	[tilespmem:s10+$0x430] =	vst v0  }
0x64: {  	[tilespmem:s10+$0x440] =	vst v0  }
0x65: {  	[tilespmem:s10+$0x450] =	vst v0  }
0x66: {  	[tilespmem:s10+$0x460] =	vst v0;
	s10 =	sshra.s32 s11, $0x2;
	s11 =	sadd.s32 $0x200, s11  }
0x67: {  	[tilespmem:s10+$0x470] =	vst v0  }
0x68: {  	[tilespmem:s10+$0x400] =	vst v0  }
0x69: {  	[tilespmem:s10+$0x410] =	vst v0  }
0x6a: {  	[tilespmem:s10+$0x420] =	vst v0  }
0x6b: {  	[tilespmem:s10+$0x430] =	vst v0  }
0x6c: {  	[tilespmem:s10+$0x440] =	vst v0  }
0x6d: {  	[tilespmem:s10+$0x450] =	vst v0  }
0x6e: {  	[tilespmem:s10+$0x460] =	vst v0;
	s11 =	rddreg [dreg:$0x5]  }
0x6f: {  	[spmem:s11] =	stream.linear.scatter [tilespmem:s30], [sflag:$0x6], $0x2800, $0x38;
	[tilespmem:$0x1E400] =	vst v63  }
0x70: {  	_ =	swait.ge [sflag:s31], $0x2800  }
0x71: {  	[sflag:s31] =	ssyncset.done $0x0  }
0x72: {  	s12 =	rddreg [dreg:$0x6];
	[sflag:s31] =	ssyncadd.s32 $0xFFFFD800  }
0x73: {  	[spmem:s12] =	stream.linear.scatter [tilespmem:s30], [sflag:$0x6], $0x2800, $0x38;
	[tilespmem:$0x1E400] =	vst v63  }
0x74: {  	_ =	swait.ge [sflag:s31], $0x2800  }
0x75: {  	[sflag:s31] =	ssyncset.done $0x0  }
0x76: {  	s17 =	rddreg [dreg:$0x7];
	[sflag:s31] =	ssyncadd.s32 $0xFFFFD800  }
0x77: {  	[spmem:s17] =	stream.linear.scatter [tilespmem:s30], [sflag:$0x6], $0x2800, $0x38;
	[tilespmem:$0x1E400] =	vst v63  }
0x78: {  	_ =	swait.ge [sflag:s31], $0x2800  }
0x79: {  	[sflag:s31] =	ssyncset.done $0x0  }
0x7a: {  	s11 =	rddreg [dreg:$0x8];
	[sflag:s31] =	ssyncadd.s32 $0xFFFFD800  }
0x7b: {  	[spmem:s11] =	stream.linear.scatter [tilespmem:s30], [sflag:$0x6], $0x2800, $0x38;
	[tilespmem:$0x1E400] =	vst v63  }
0x7c: {  	_ =	swait.ge [sflag:s31], $0x2800  }
0x7d: {  	[sflag:s31] =	ssyncset.done $0x0  }
0x7e: {  	s12 =	rddreg [dreg:$0x9];
	[sflag:s31] =	ssyncadd.s32 $0xFFFFD800  }
0x7f: {  	[spmem:s12] =	stream.linear.scatter [tilespmem:s30], [sflag:$0x6], $0x2800, $0x38;
	[tilespmem:$0x1E400] =	vst v63  }
0x80: {  	_ =	swait.ge [sflag:s31], $0x2800  }
0x81: {  	[sflag:s31] =	ssyncset.done $0x0  }
0x82: {  	s17 =	rddreg [dreg:$0xc];
	[sflag:s31] =	ssyncadd.s32 $0xFFFFD800  }
0x83: {  	[spmem:s17] =	stream.linear.scatter [tilespmem:s30], [sflag:$0x6], $0x2800, $0x38;
	[tilespmem:$0x1E400] =	vst v63  }
0x84: {  	_ =	swait.ge [sflag:s31], $0x2800  }
0x85: {  	[sflag:s31] =	ssyncset.done $0x0  }
0x86: {  	[sflag:s31] =	ssyncadd.s32 $0xFFFFD800  }
0x87: {  	[spmem:s18] =	stream.linear.scatter [tilespmem:s30], [sflag:$0x6], $0x2800, $0x38;
	[tilespmem:$0x1E400] =	vst v63  }
0x88: {  	_ =	swait.ge [sflag:s31], $0x2800  }
0x89: {  	[sflag:s31] =	ssyncset.done $0x0  }
0x8a: {  	[sflag:s31] =	ssyncadd.s32 $0xFFFFD800  }
0x8b: {  	[spmem:s19] =	stream.linear.scatter [tilespmem:s30], [sflag:$0x6], $0x2800, $0x38;
	[tilespmem:$0x1E400] =	vst v63  }
0x8c: {  	_ =	swait.ge [sflag:s31], $0x2800  }
0x8d: {  	[sflag:s31] =	ssyncset.done $0x0  }
0x8e: {  	[sflag:s31] =	ssyncadd.s32 $0xFFFFD800  }
0x8f: {  	[bflag:$0x0] =	sbarrier.arrive $0xFFFF  }
0x90: {  	[tilespmem:s2], [sflag:$0x5] =	stream.linear.gather [hbm4b:s13+s2], $0x50, $0x38;
	[tilespmem:$0x1E400] =	vst v63  }
0x91: {  	_ = 	snop  }
0x92: {  	[tilespmem:s0], [sflag:$0x5] =	stream.linear.gather [hbm4b:s14+s2], $0x50, $0x38;
	[tilespmem:$0x1E400] =	vst v63  }
0x93: {  	_ =	swait.ge [sflag:s6], $0x50  }
.Ltmp3:
0x94: {  	[sflag:s6] =	ssyncset.done $0x0;
	(pc) =	sbr.rel @p0 .LBB2_7-.Ltmp3, $4  }
0x95: {  	[sflag:s6] =	ssyncadd.s32 $0xFFFFFFB0  }
0x96: {  	_ =	swait.ge [sflag:s6], $0x50  }
0x97: {  	[sflag:s6] =	ssyncset.done $0x0  }
0x98: {  	s10 =	simm.s32 $0x0;
	[sflag:s6] =	ssyncadd.s32 $0xFFFFFFB0  }
0x99: {  	[tilespmem:s30], [sflag:$0x1] =	stream.indirect.gather [hbm4b:s4+s7], $0x80, s10, s7, $0xb8;
	[tilespmem:$0x1E400] =	vst v63  }
0x9a: {  	s11 =	rddreg [dreg:$0xa]  }
0x9b: {  	[tilespmem:s3], [sflag:$0x5] =	stream.linear.gather [hbm4b:s11+s10], $0x50, $0x38;
	[tilespmem:$0x1E400] =	vst v63  }
0x9c: {  	s12 =	rddreg [dreg:$0xb]  }
0x9d: {  	[tilespmem:s15], [sflag:$0x5] =	stream.linear.gather [hbm4b:s12+s10], $0x50, $0x38;
	[tilespmem:$0x1E400] =	vst v63  }
0x9e: {  	_ =	swait.ge [sflag:s6], $0x50  }
0x9f: {  	[sflag:s6] =	ssyncset.done $0x0  }
0xa0: {  	[sflag:s6] =	ssyncadd.s32 $0xFFFFFFB0  }
0xa1: {  	_ =	swait.ge [sflag:s6], $0x50  }
0xa2: {  	[sflag:s6] =	ssyncset.done $0x0  }
0xa3: {  	[sflag:s6] =	ssyncadd.s32 $0xFFFFFFB0  }
0xa4: {  	[tilespmem:s16], [sflag:$0x2] =	stream.indirect.gather [hbm4b:s4+s7], $0x80, s3, s7, $0xb8;
	[tilespmem:$0x1E400] =	vst v63  }
0xa5: {  	_ =	swait.ge [sflag:s20], $0x2800  }
0xa6: {  	s10 =	sadd.s32 $0x0, s13;
	[sflag:s20] =	ssyncset.done $0x0  }
0xa7: {  	s12 =	sadd.s32 $0x0, s14;
	s17 =	sadd.s32 $0x14, s10;
	[sflag:s20] =	ssyncadd.s32 $0xFFFFD800  }
0xa8: {  	[tilespmem:s21], [sflag:$0x5] =	stream.linear.gather [hbm4b:s17+s2], $0x50, $0x38;
	[tilespmem:$0x1E400] =	vst v63  }
0xa9: {  	s17 =	sadd.s32 $0x14, s12  }
0xaa: {  	[tilespmem:s22], [sflag:$0x5] =	stream.linear.gather [hbm4b:s17+s2], $0x50, $0x38;
	[tilespmem:$0x1E400] =	vst v63  }
0xab: {  	_ =	swait.ge [sflag:s6], $0x50  }
0xac: {  	[sflag:s6] =	ssyncset.done $0x0  }
0xad: {  	[sflag:s6] =	ssyncadd.s32 $0xFFFFFFB0  }
0xae: {  	_ =	swait.ge [sflag:s6], $0x50  }
0xaf: {  	[sflag:s6] =	ssyncset.done $0x0  }
0xb0: {  	[sflag:s6] =	ssyncadd.s32 $0xFFFFFFB0  }
0xb1: {  	[tilespmem:s23], [sflag:$0x3] =	stream.indirect.gather [hbm4b:s4+s7], $0x80, s21, s7, $0xb8;
	[tilespmem:$0x1E400] =	vst v63  }
0xb2: {  	_ = 	snop  }
0xb3: {  	[spmem:s1] =	stream.indirect.scatter.add.f32 [tilespmem:s30], [sflag:$0x6], $0x80, s0, s7, $0xb8;
	[tilespmem:$0x1E400] =	vst v63  }
0xb4: {  	_ =	swait.ge [sflag:s31], $0x2800  }
0xb5: {  	[sflag:s31] =	ssyncset.done $0x0  }
0xb6: {  	[sflag:s31] =	ssyncadd.s32 $0xFFFFD800  }
0xb7: {  	_ =	swait.ge [sflag:s24], $0x2800  }
0xb8: {  	[sflag:s24] =	ssyncset.done $0x0  }
0xb9: {  	s17 =	sadd.s32 $0x1E, s10;
	[sflag:s24] =	ssyncadd.s32 $0xFFFFD800  }
0xba: {  	[tilespmem:s25], [sflag:$0x5] =	stream.linear.gather [hbm4b:s17+s2], $0x50, $0x38;
	[tilespmem:$0x1E400] =	vst v63  }
0xbb: {  	s17 =	sadd.s32 $0x1E, s12  }
0xbc: {  	[tilespmem:s26], [sflag:$0x5] =	stream.linear.gather [hbm4b:s17+s2], $0x50, $0x38;
	[tilespmem:$0x1E400] =	vst v63  }
0xbd: {  	_ =	swait.ge [sflag:s6], $0x50  }
0xbe: {  	[sflag:s6] =	ssyncset.done $0x0  }
0xbf: {  	[sflag:s6] =	ssyncadd.s32 $0xFFFFFFB0  }
0xc0: {  	_ =	swait.ge [sflag:s6], $0x50  }
0xc1: {  	[sflag:s6] =	ssyncset.done $0x0  }
0xc2: {  	[sflag:s6] =	ssyncadd.s32 $0xFFFFFFB0  }
0xc3: {  	[tilespmem:s28], [sflag:$0x4] =	stream.indirect.gather [hbm4b:s4+s7], $0x80, s25, s7, $0xb8;
	[tilespmem:$0x1E400] =	vst v63  }
0xc4: {  	_ = 	snop  }
0xc5: {  	[spmem:s1] =	stream.indirect.scatter.add.f32 [tilespmem:s16], [sflag:$0x6], $0x80, s15, s7, $0xb8;
	[tilespmem:$0x1E400] =	vst v63  }
0xc6: {  	_ =	swait.ge [sflag:s31], $0x2800  }
0xc7: {  	[sflag:s31] =	ssyncset.done $0x0  }
0xc8: {  	[sflag:s31] =	ssyncadd.s32 $0xFFFFD800  }
0xc9: {  	_ =	swait.ge [sflag:s29], $0x2800  }
0xca: {  	[sflag:s29] =	ssyncset.done $0x0  }
0xcb: {  	s17 =	sadd.s32 $0x28, s10;
	[sflag:s29] =	ssyncadd.s32 $0xFFFFD800  }
0xcc: {  	[tilespmem:s2], [sflag:$0x5] =	stream.linear.gather [hbm4b:s17+s2], $0x50, $0x38;
	[tilespmem:$0x1E400] =	vst v63  }
0xcd: {  	s17 =	sadd.s32 $0x28, s12  }
0xce: {  	[tilespmem:s0], [sflag:$0x5] =	stream.linear.gather [hbm4b:s17+s2], $0x50, $0x38;
	[tilespmem:$0x1E400] =	vst v63  }
0xcf: {  	_ =	swait.ge [sflag:s6], $0x50  }
0xd0: {  	[sflag:s6] =	ssyncset.done $0x0  }
0xd1: {  	[sflag:s6] =	ssyncadd.s32 $0xFFFFFFB0  }
0xd2: {  	_ =	swait.ge [sflag:s6], $0x50  }
0xd3: {  	[sflag:s6] =	ssyncset.done $0x0  }
0xd4: {  	[sflag:s6] =	ssyncadd.s32 $0xFFFFFFB0  }
0xd5: {  	[tilespmem:s30], [sflag:$0x1] =	stream.indirect.gather [hbm4b:s4+s7], $0x80, s2, s7, $0xb8;
	[tilespmem:$0x1E400] =	vst v63  }
0xd6: {  	_ = 	snop  }
0xd7: {  	[spmem:s1] =	stream.indirect.scatter.add.f32 [tilespmem:s23], [sflag:$0x6], $0x80, s22, s7, $0xb8;
	[tilespmem:$0x1E400] =	vst v63  }
0xd8: {  	_ =	swait.ge [sflag:s31], $0x2800  }
0xd9: {  	[sflag:s31] =	ssyncset.done $0x0  }
0xda: {  	[sflag:s31] =	ssyncadd.s32 $0xFFFFD800  }
0xdb: {  	_ =	swait.ge [sflag:s8], $0x2800  }
0xdc: {  	[sflag:s8] =	ssyncset.done $0x0  }
0xdd: {  	s10 =	sadd.s32 $0x32, s10;
	[sflag:s8] =	ssyncadd.s32 $0xFFFFD800  }
0xde: {  	[tilespmem:s3], [sflag:$0x5] =	stream.linear.gather [hbm4b:s10+s2], $0x50, $0x38;
	[tilespmem:$0x1E400] =	vst v63  }
0xdf: {  	s17 =	sadd.s32 $0x32, s12  }
0xe0: {  	[tilespmem:s15], [sflag:$0x5] =	stream.linear.gather [hbm4b:s17+s2], $0x50, $0x38;
	[tilespmem:$0x1E400] =	vst v63  }
0xe1: {  	_ =	swait.ge [sflag:s6], $0x50  }
0xe2: {  	[sflag:s6] =	ssyncset.done $0x0  }
0xe3: {  	[sflag:s6] =	ssyncadd.s32 $0xFFFFFFB0  }
0xe4: {  	_ =	swait.ge [sflag:s6], $0x50  }
0xe5: {  	[sflag:s6] =	ssyncset.done $0x0  }
0xe6: {  	[sflag:s6] =	ssyncadd.s32 $0xFFFFFFB0  }
0xe7: {  	[tilespmem:s16], [sflag:$0x2] =	stream.indirect.gather [hbm4b:s4+s7], $0x80, s3, s7, $0xb8;
	[tilespmem:$0x1E400] =	vst v63  }
0xe8: {  	_ = 	snop  }
0xe9: {  	[spmem:s1] =	stream.indirect.scatter.add.f32 [tilespmem:s28], [sflag:$0x6], $0x80, s26, s7, $0xb8;
	[tilespmem:$0x1E400] =	vst v63  }
0xea: {  	_ =	swait.ge [sflag:s31], $0x2800  }
0xeb: {  	s10 =	simm.s32 $0x28;
	[sflag:s31] =	ssyncset.done $0x0  }
.LBB2_5:
0xec: {  	p1 =	seq.s32 s10, $0x988  }
0xed: {  	[sflag:s31] =	ssyncadd.s32 $0xFFFFD800;
	s12 =	smov.u32 s10;
	s10 =	sadd.s32 $0x28, s10  }
0xee: {  	_ = 	snop  }
0xef: {  	_ =	swait.ge [sflag:s20], $0x2800  }
0xf0: {  	s11 =	sadd.s32 s12, s13;
	[sflag:s20] =	ssyncset.done $0x0  }
0xf1: {  	s12 =	sadd.s32 s12, s14;
	s17 =	sadd.s32 $0x14, s11;
	[sflag:s20] =	ssyncadd.s32 $0xFFFFD800  }
0xf2: {  	[tilespmem:s21], [sflag:$0x5] =	stream.linear.gather [hbm4b:s17+s2], $0x50, $0x38;
	[tilespmem:$0x1E400] =	vst v63  }
0xf3: {  	s17 =	sadd.s32 $0x14, s12  }
0xf4: {  	[tilespmem:s22], [sflag:$0x5] =	stream.linear.gather [hbm4b:s17+s2], $0x50, $0x38;
	[tilespmem:$0x1E400] =	vst v63  }
0xf5: {  	_ =	swait.ge [sflag:s6], $0x50  }
0xf6: {  	[sflag:s6] =	ssyncset.done $0x0  }
0xf7: {  	[sflag:s6] =	ssyncadd.s32 $0xFFFFFFB0  }
0xf8: {  	_ =	swait.ge [sflag:s6], $0x50  }
0xf9: {  	[sflag:s6] =	ssyncset.done $0x0  }
0xfa: {  	[sflag:s6] =	ssyncadd.s32 $0xFFFFFFB0  }
0xfb: {  	[tilespmem:s23], [sflag:$0x3] =	stream.indirect.gather [hbm4b:s4+s7], $0x80, s21, s7, $0xb8;
	[tilespmem:$0x1E400] =	vst v63  }
0xfc: {  	_ = 	snop  }
0xfd: {  	[spmem:s1] =	stream.indirect.scatter.add.f32 [tilespmem:s30], [sflag:$0x6], $0x80, s0, s7, $0xb8;
	[tilespmem:$0x1E400] =	vst v63  }
0xfe: {  	_ =	swait.ge [sflag:s31], $0x2800  }
0xff: {  	[sflag:s31] =	ssyncset.done $0x0  }
0x100: {  	[sflag:s31] =	ssyncadd.s32 $0xFFFFD800  }
0x101: {  	_ =	swait.ge [sflag:s24], $0x2800  }
0x102: {  	[sflag:s24] =	ssyncset.done $0x0  }
0x103: {  	s17 =	sadd.s32 $0x1E, s11;
	[sflag:s24] =	ssyncadd.s32 $0xFFFFD800  }
0x104: {  	[tilespmem:s25], [sflag:$0x5] =	stream.linear.gather [hbm4b:s17+s2], $0x50, $0x38;
	[tilespmem:$0x1E400] =	vst v63  }
0x105: {  	s17 =	sadd.s32 $0x1E, s12  }
0x106: {  	[tilespmem:s26], [sflag:$0x5] =	stream.linear.gather [hbm4b:s17+s2], $0x50, $0x38;
	[tilespmem:$0x1E400] =	vst v63  }
0x107: {  	_ =	swait.ge [sflag:s6], $0x50  }
0x108: {  	[sflag:s6] =	ssyncset.done $0x0  }
0x109: {  	[sflag:s6] =	ssyncadd.s32 $0xFFFFFFB0  }
0x10a: {  	_ =	swait.ge [sflag:s6], $0x50  }
0x10b: {  	[sflag:s6] =	ssyncset.done $0x0  }
0x10c: {  	[sflag:s6] =	ssyncadd.s32 $0xFFFFFFB0  }
0x10d: {  	[tilespmem:s28], [sflag:$0x4] =	stream.indirect.gather [hbm4b:s4+s7], $0x80, s25, s7, $0xb8;
	[tilespmem:$0x1E400] =	vst v63  }
0x10e: {  	_ = 	snop  }
0x10f: {  	[spmem:s1] =	stream.indirect.scatter.add.f32 [tilespmem:s16], [sflag:$0x6], $0x80, s15, s7, $0xb8;
	[tilespmem:$0x1E400] =	vst v63  }
0x110: {  	_ =	swait.ge [sflag:s31], $0x2800  }
0x111: {  	[sflag:s31] =	ssyncset.done $0x0  }
0x112: {  	[sflag:s31] =	ssyncadd.s32 $0xFFFFD800  }
0x113: {  	_ =	swait.ge [sflag:s29], $0x2800  }
0x114: {  	[sflag:s29] =	ssyncset.done $0x0  }
0x115: {  	s17 =	sadd.s32 $0x28, s11;
	[sflag:s29] =	ssyncadd.s32 $0xFFFFD800  }
0x116: {  	[tilespmem:s2], [sflag:$0x5] =	stream.linear.gather [hbm4b:s17+s2], $0x50, $0x38;
	[tilespmem:$0x1E400] =	vst v63  }
0x117: {  	s17 =	sadd.s32 $0x28, s12  }
0x118: {  	[tilespmem:s0], [sflag:$0x5] =	stream.linear.gather [hbm4b:s17+s2], $0x50, $0x38;
	[tilespmem:$0x1E400] =	vst v63  }
0x119: {  	_ =	swait.ge [sflag:s6], $0x50  }
0x11a: {  	[sflag:s6] =	ssyncset.done $0x0  }
0x11b: {  	[sflag:s6] =	ssyncadd.s32 $0xFFFFFFB0  }
0x11c: {  	_ =	swait.ge [sflag:s6], $0x50  }
0x11d: {  	[sflag:s6] =	ssyncset.done $0x0  }
0x11e: {  	[sflag:s6] =	ssyncadd.s32 $0xFFFFFFB0  }
0x11f: {  	[tilespmem:s30], [sflag:$0x1] =	stream.indirect.gather [hbm4b:s4+s7], $0x80, s2, s7, $0xb8;
	[tilespmem:$0x1E400] =	vst v63  }
0x120: {  	_ = 	snop  }
0x121: {  	[spmem:s1] =	stream.indirect.scatter.add.f32 [tilespmem:s23], [sflag:$0x6], $0x80, s22, s7, $0xb8;
	[tilespmem:$0x1E400] =	vst v63  }
0x122: {  	_ =	swait.ge [sflag:s31], $0x2800  }
0x123: {  	[sflag:s31] =	ssyncset.done $0x0  }
0x124: {  	[sflag:s31] =	ssyncadd.s32 $0xFFFFD800  }
0x125: {  	_ =	swait.ge [sflag:s8], $0x2800  }
0x126: {  	[sflag:s8] =	ssyncset.done $0x0  }
0x127: {  	s11 =	sadd.s32 $0x32, s11;
	[sflag:s8] =	ssyncadd.s32 $0xFFFFD800  }
0x128: {  	[tilespmem:s3], [sflag:$0x5] =	stream.linear.gather [hbm4b:s11+s2], $0x50, $0x38;
	[tilespmem:$0x1E400] =	vst v63  }
0x129: {  	s11 =	sadd.s32 $0x32, s12  }
0x12a: {  	[tilespmem:s15], [sflag:$0x5] =	stream.linear.gather [hbm4b:s11+s2], $0x50, $0x38;
	[tilespmem:$0x1E400] =	vst v63  }
0x12b: {  	_ =	swait.ge [sflag:s6], $0x50  }
0x12c: {  	[sflag:s6] =	ssyncset.done $0x0  }
0x12d: {  	[sflag:s6] =	ssyncadd.s32 $0xFFFFFFB0  }
0x12e: {  	_ =	swait.ge [sflag:s6], $0x50  }
0x12f: {  	[sflag:s6] =	ssyncset.done $0x0  }
0x130: {  	[sflag:s6] =	ssyncadd.s32 $0xFFFFFFB0  }
0x131: {  	[tilespmem:s16], [sflag:$0x2] =	stream.indirect.gather [hbm4b:s4+s7], $0x80, s3, s7, $0xb8;
	[tilespmem:$0x1E400] =	vst v63  }
.Ltmp4:
0x132: {  	_ = 	snop;
	(pc) =	sbr.rel @!p1 .LBB2_5-.Ltmp4, $4  }
0x133: {  	_ = 	snop  }
0x134: {  	[spmem:s1] =	stream.indirect.scatter.add.f32 [tilespmem:s28], [sflag:$0x6], $0x80, s26, s7, $0xb8;
	[tilespmem:$0x1E400] =	vst v63  }
0x135: {  	_ =	swait.ge [sflag:s31], $0x2800  }
0x136: {  	[sflag:s31] =	ssyncset.done $0x0  }
.Ltmp5:
0x137: {  	(pc) =	sbr.rel .LBB2_10-.Ltmp5, $2  }
0x138: {  	_ =	sdelay $0x2  }
0x139: {  	[sflag:s31] =	ssyncadd.s32 $0xFFFFD800;
	s10 =	rddreg [dreg:$0x3]  }
.LBB2_7:
0x13a: {  	[tilespmem:s30], [sflag:$0x1] =	stream.indirect.gather [hbm4b:s5+s7], $0x80, s10, s7, $0xb8;
	[tilespmem:$0x1E400] =	vst v63  }
0x13b: {  	s11 =	rddreg [dreg:$0xa]  }
0x13c: {  	[tilespmem:s3], [sflag:$0x5] =	stream.linear.gather [hbm4b:s11+s10], $0x50, $0x38;
	[tilespmem:$0x1E400] =	vst v63  }
0x13d: {  	s12 =	rddreg [dreg:$0xb]  }
0x13e: {  	[tilespmem:s15], [sflag:$0x5] =	stream.linear.gather [hbm4b:s12+s10], $0x50, $0x38;
	[tilespmem:$0x1E400] =	vst v63  }
0x13f: {  	_ =	swait.ge [sflag:s6], $0x50  }
0x140: {  	[sflag:s6] =	ssyncset.done $0x0  }
0x141: {  	[sflag:s6] =	ssyncadd.s32 $0xFFFFFFB0  }
0x142: {  	_ =	swait.ge [sflag:s6], $0x50  }
0x143: {  	[sflag:s6] =	ssyncset.done $0x0  }
0x144: {  	[sflag:s6] =	ssyncadd.s32 $0xFFFFFFB0  }
0x145: {  	[tilespmem:s16], [sflag:$0x2] =	stream.indirect.gather [hbm4b:s5+s7], $0x80, s3, s7, $0xb8;
	[tilespmem:$0x1E400] =	vst v63  }
0x146: {  	_ =	swait.ge [sflag:s20], $0x2800  }
0x147: {  	s10 =	sadd.s32 $0x0, s13;
	[sflag:s20] =	ssyncset.done $0x0  }
0x148: {  	s12 =	sadd.s32 $0x0, s14;
	s17 =	sadd.s32 $0x14, s10;
	[sflag:s20] =	ssyncadd.s32 $0xFFFFD800  }
0x149: {  	[tilespmem:s21], [sflag:$0x5] =	stream.linear.gather [hbm4b:s17+s2], $0x50, $0x38;
	[tilespmem:$0x1E400] =	vst v63  }
0x14a: {  	s17 =	sadd.s32 $0x14, s12  }
0x14b: {  	[tilespmem:s22], [sflag:$0x5] =	stream.linear.gather [hbm4b:s17+s2], $0x50, $0x38;
	[tilespmem:$0x1E400] =	vst v63  }
0x14c: {  	_ =	swait.ge [sflag:s6], $0x50  }
0x14d: {  	[sflag:s6] =	ssyncset.done $0x0  }
0x14e: {  	[sflag:s6] =	ssyncadd.s32 $0xFFFFFFB0  }
0x14f: {  	_ =	swait.ge [sflag:s6], $0x50  }
0x150: {  	[sflag:s6] =	ssyncset.done $0x0  }
0x151: {  	[sflag:s6] =	ssyncadd.s32 $0xFFFFFFB0  }
0x152: {  	[tilespmem:s23], [sflag:$0x3] =	stream.indirect.gather [hbm4b:s5+s7], $0x80, s21, s7, $0xb8;
	[tilespmem:$0x1E400] =	vst v63  }
0x153: {  	_ = 	snop  }
0x154: {  	[spmem:s1] =	stream.indirect.scatter.add.f32 [tilespmem:s30], [sflag:$0x6], $0x80, s0, s7, $0xb8;
	[tilespmem:$0x1E400] =	vst v63  }
0x155: {  	_ =	swait.ge [sflag:s31], $0x2800  }
0x156: {  	[sflag:s31] =	ssyncset.done $0x0  }
0x157: {  	[sflag:s31] =	ssyncadd.s32 $0xFFFFD800  }
0x158: {  	_ =	swait.ge [sflag:s24], $0x2800  }
0x159: {  	[sflag:s24] =	ssyncset.done $0x0  }
0x15a: {  	s17 =	sadd.s32 $0x1E, s10;
	[sflag:s24] =	ssyncadd.s32 $0xFFFFD800  }
0x15b: {  	[tilespmem:s25], [sflag:$0x5] =	stream.linear.gather [hbm4b:s17+s2], $0x50, $0x38;
	[tilespmem:$0x1E400] =	vst v63  }
0x15c: {  	s17 =	sadd.s32 $0x1E, s12  }
0x15d: {  	[tilespmem:s26], [sflag:$0x5] =	stream.linear.gather [hbm4b:s17+s2], $0x50, $0x38;
	[tilespmem:$0x1E400] =	vst v63  }
0x15e: {  	_ =	swait.ge [sflag:s6], $0x50  }
0x15f: {  	[sflag:s6] =	ssyncset.done $0x0  }
0x160: {  	[sflag:s6] =	ssyncadd.s32 $0xFFFFFFB0  }
0x161: {  	_ =	swait.ge [sflag:s6], $0x50  }
0x162: {  	[sflag:s6] =	ssyncset.done $0x0  }
0x163: {  	[sflag:s6] =	ssyncadd.s32 $0xFFFFFFB0  }
0x164: {  	[tilespmem:s28], [sflag:$0x4] =	stream.indirect.gather [hbm4b:s5+s7], $0x80, s25, s7, $0xb8;
	[tilespmem:$0x1E400] =	vst v63  }
0x165: {  	_ = 	snop  }
0x166: {  	[spmem:s1] =	stream.indirect.scatter.add.f32 [tilespmem:s16], [sflag:$0x6], $0x80, s15, s7, $0xb8;
	[tilespmem:$0x1E400] =	vst v63  }
0x167: {  	_ =	swait.ge [sflag:s31], $0x2800  }
0x168: {  	[sflag:s31] =	ssyncset.done $0x0  }
0x169: {  	[sflag:s31] =	ssyncadd.s32 $0xFFFFD800  }
0x16a: {  	_ =	swait.ge [sflag:s29], $0x2800  }
0x16b: {  	[sflag:s29] =	ssyncset.done $0x0  }
0x16c: {  	s17 =	sadd.s32 $0x28, s10;
	[sflag:s29] =	ssyncadd.s32 $0xFFFFD800  }
0x16d: {  	[tilespmem:s2], [sflag:$0x5] =	stream.linear.gather [hbm4b:s17+s2], $0x50, $0x38;
	[tilespmem:$0x1E400] =	vst v63  }
0x16e: {  	s17 =	sadd.s32 $0x28, s12  }
0x16f: {  	[tilespmem:s0], [sflag:$0x5] =	stream.linear.gather [hbm4b:s17+s2], $0x50, $0x38;
	[tilespmem:$0x1E400] =	vst v63  }
0x170: {  	_ =	swait.ge [sflag:s6], $0x50  }
0x171: {  	[sflag:s6] =	ssyncset.done $0x0  }
0x172: {  	[sflag:s6] =	ssyncadd.s32 $0xFFFFFFB0  }
0x173: {  	_ =	swait.ge [sflag:s6], $0x50  }
0x174: {  	[sflag:s6] =	ssyncset.done $0x0  }
0x175: {  	[sflag:s6] =	ssyncadd.s32 $0xFFFFFFB0  }
0x176: {  	[tilespmem:s30], [sflag:$0x1] =	stream.indirect.gather [hbm4b:s5+s7], $0x80, s2, s7, $0xb8;
	[tilespmem:$0x1E400] =	vst v63  }
0x177: {  	_ = 	snop  }
0x178: {  	[spmem:s1] =	stream.indirect.scatter.add.f32 [tilespmem:s23], [sflag:$0x6], $0x80, s22, s7, $0xb8;
	[tilespmem:$0x1E400] =	vst v63  }
0x179: {  	_ =	swait.ge [sflag:s31], $0x2800  }
0x17a: {  	[sflag:s31] =	ssyncset.done $0x0  }
0x17b: {  	[sflag:s31] =	ssyncadd.s32 $0xFFFFD800  }
0x17c: {  	_ =	swait.ge [sflag:s8], $0x2800  }
0x17d: {  	[sflag:s8] =	ssyncset.done $0x0  }
0x17e: {  	s10 =	sadd.s32 $0x32, s10;
	[sflag:s8] =	ssyncadd.s32 $0xFFFFD800  }
0x17f: {  	[tilespmem:s3], [sflag:$0x5] =	stream.linear.gather [hbm4b:s10+s2], $0x50, $0x38;
	[tilespmem:$0x1E400] =	vst v63  }
0x180: {  	s17 =	sadd.s32 $0x32, s12  }
0x181: {  	[tilespmem:s15], [sflag:$0x5] =	stream.linear.gather [hbm4b:s17+s2], $0x50, $0x38;
	[tilespmem:$0x1E400] =	vst v63  }
0x182: {  	_ =	swait.ge [sflag:s6], $0x50  }
0x183: {  	[sflag:s6] =	ssyncset.done $0x0  }
0x184: {  	[sflag:s6] =	ssyncadd.s32 $0xFFFFFFB0  }
0x185: {  	_ =	swait.ge [sflag:s6], $0x50  }
0x186: {  	[sflag:s6] =	ssyncset.done $0x0  }
0x187: {  	[sflag:s6] =	ssyncadd.s32 $0xFFFFFFB0  }
0x188: {  	[tilespmem:s16], [sflag:$0x2] =	stream.indirect.gather [hbm4b:s5+s7], $0x80, s3, s7, $0xb8;
	[tilespmem:$0x1E400] =	vst v63  }
0x189: {  	_ = 	snop  }
0x18a: {  	[spmem:s1] =	stream.indirect.scatter.add.f32 [tilespmem:s28], [sflag:$0x6], $0x80, s26, s7, $0xb8;
	[tilespmem:$0x1E400] =	vst v63  }
0x18b: {  	_ =	swait.ge [sflag:s31], $0x2800  }
0x18c: {  	s10 =	simm.s32 $0x28;
	[sflag:s31] =	ssyncset.done $0x0  }
.LBB2_8:
0x18d: {  	p1 =	sne.s32 s10, $0x988  }
0x18e: {  	[sflag:s31] =	ssyncadd.s32 $0xFFFFD800;
	s12 =	smov.u32 s10;
	s10 =	sadd.s32 $0x28, s10  }
0x18f: {  	_ = 	snop  }
0x190: {  	_ =	swait.ge [sflag:s20], $0x2800  }
0x191: {  	s11 =	sadd.s32 s12, s13;
	[sflag:s20] =	ssyncset.done $0x0  }
0x192: {  	s12 =	sadd.s32 s12, s14;
	s17 =	sadd.s32 $0x14, s11;
	[sflag:s20] =	ssyncadd.s32 $0xFFFFD800  }
0x193: {  	[tilespmem:s21], [sflag:$0x5] =	stream.linear.gather [hbm4b:s17+s2], $0x50, $0x38;
	[tilespmem:$0x1E400] =	vst v63  }
0x194: {  	s17 =	sadd.s32 $0x14, s12  }
0x195: {  	[tilespmem:s22], [sflag:$0x5] =	stream.linear.gather [hbm4b:s17+s2], $0x50, $0x38;
	[tilespmem:$0x1E400] =	vst v63  }
0x196: {  	_ =	swait.ge [sflag:s6], $0x50  }
0x197: {  	[sflag:s6] =	ssyncset.done $0x0  }
0x198: {  	[sflag:s6] =	ssyncadd.s32 $0xFFFFFFB0  }
0x199: {  	_ =	swait.ge [sflag:s6], $0x50  }
0x19a: {  	[sflag:s6] =	ssyncset.done $0x0  }
0x19b: {  	[sflag:s6] =	ssyncadd.s32 $0xFFFFFFB0  }
0x19c: {  	[tilespmem:s23], [sflag:$0x3] =	stream.indirect.gather [hbm4b:s5+s7], $0x80, s21, s7, $0xb8;
	[tilespmem:$0x1E400] =	vst v63  }
0x19d: {  	_ = 	snop  }
0x19e: {  	[spmem:s1] =	stream.indirect.scatter.add.f32 [tilespmem:s30], [sflag:$0x6], $0x80, s0, s7, $0xb8;
	[tilespmem:$0x1E400] =	vst v63  }
0x19f: {  	_ =	swait.ge [sflag:s31], $0x2800  }
0x1a0: {  	[sflag:s31] =	ssyncset.done $0x0  }
0x1a1: {  	[sflag:s31] =	ssyncadd.s32 $0xFFFFD800  }
0x1a2: {  	_ =	swait.ge [sflag:s24], $0x2800  }
0x1a3: {  	[sflag:s24] =	ssyncset.done $0x0  }
0x1a4: {  	s17 =	sadd.s32 $0x1E, s11;
	[sflag:s24] =	ssyncadd.s32 $0xFFFFD800  }
0x1a5: {  	[tilespmem:s25], [sflag:$0x5] =	stream.linear.gather [hbm4b:s17+s2], $0x50, $0x38;
	[tilespmem:$0x1E400] =	vst v63  }
0x1a6: {  	s17 =	sadd.s32 $0x1E, s12  }
0x1a7: {  	[tilespmem:s26], [sflag:$0x5] =	stream.linear.gather [hbm4b:s17+s2], $0x50, $0x38;
	[tilespmem:$0x1E400] =	vst v63  }
0x1a8: {  	_ =	swait.ge [sflag:s6], $0x50  }
0x1a9: {  	[sflag:s6] =	ssyncset.done $0x0  }
0x1aa: {  	[sflag:s6] =	ssyncadd.s32 $0xFFFFFFB0  }
0x1ab: {  	_ =	swait.ge [sflag:s6], $0x50  }
0x1ac: {  	[sflag:s6] =	ssyncset.done $0x0  }
0x1ad: {  	[sflag:s6] =	ssyncadd.s32 $0xFFFFFFB0  }
0x1ae: {  	[tilespmem:s28], [sflag:$0x4] =	stream.indirect.gather [hbm4b:s5+s7], $0x80, s25, s7, $0xb8;
	[tilespmem:$0x1E400] =	vst v63  }
0x1af: {  	_ = 	snop  }
0x1b0: {  	[spmem:s1] =	stream.indirect.scatter.add.f32 [tilespmem:s16], [sflag:$0x6], $0x80, s15, s7, $0xb8;
	[tilespmem:$0x1E400] =	vst v63  }
0x1b1: {  	_ =	swait.ge [sflag:s31], $0x2800  }
0x1b2: {  	[sflag:s31] =	ssyncset.done $0x0  }
0x1b3: {  	[sflag:s31] =	ssyncadd.s32 $0xFFFFD800  }
0x1b4: {  	_ =	swait.ge [sflag:s29], $0x2800  }
0x1b5: {  	[sflag:s29] =	ssyncset.done $0x0  }
0x1b6: {  	s17 =	sadd.s32 $0x28, s11;
	[sflag:s29] =	ssyncadd.s32 $0xFFFFD800  }
0x1b7: {  	[tilespmem:s2], [sflag:$0x5] =	stream.linear.gather [hbm4b:s17+s2], $0x50, $0x38;
	[tilespmem:$0x1E400] =	vst v63  }
0x1b8: {  	s17 =	sadd.s32 $0x28, s12  }
0x1b9: {  	[tilespmem:s0], [sflag:$0x5] =	stream.linear.gather [hbm4b:s17+s2], $0x50, $0x38;
	[tilespmem:$0x1E400] =	vst v63  }
0x1ba: {  	_ =	swait.ge [sflag:s6], $0x50  }
0x1bb: {  	[sflag:s6] =	ssyncset.done $0x0  }
0x1bc: {  	[sflag:s6] =	ssyncadd.s32 $0xFFFFFFB0  }
0x1bd: {  	_ =	swait.ge [sflag:s6], $0x50  }
0x1be: {  	[sflag:s6] =	ssyncset.done $0x0  }
0x1bf: {  	[sflag:s6] =	ssyncadd.s32 $0xFFFFFFB0  }
0x1c0: {  	[tilespmem:s30], [sflag:$0x1] =	stream.indirect.gather [hbm4b:s5+s7], $0x80, s2, s7, $0xb8;
	[tilespmem:$0x1E400] =	vst v63  }
0x1c1: {  	_ = 	snop  }
0x1c2: {  	[spmem:s1] =	stream.indirect.scatter.add.f32 [tilespmem:s23], [sflag:$0x6], $0x80, s22, s7, $0xb8;
	[tilespmem:$0x1E400] =	vst v63  }
0x1c3: {  	_ =	swait.ge [sflag:s31], $0x2800  }
0x1c4: {  	[sflag:s31] =	ssyncset.done $0x0  }
0x1c5: {  	[sflag:s31] =	ssyncadd.s32 $0xFFFFD800  }
0x1c6: {  	_ =	swait.ge [sflag:s8], $0x2800  }
0x1c7: {  	[sflag:s8] =	ssyncset.done $0x0  }
0x1c8: {  	s11 =	sadd.s32 $0x32, s11;
	[sflag:s8] =	ssyncadd.s32 $0xFFFFD800  }
0x1c9: {  	[tilespmem:s3], [sflag:$0x5] =	stream.linear.gather [hbm4b:s11+s2], $0x50, $0x38;
	[tilespmem:$0x1E400] =	vst v63  }
0x1ca: {  	s11 =	sadd.s32 $0x32, s12  }
0x1cb: {  	[tilespmem:s15], [sflag:$0x5] =	stream.linear.gather [hbm4b:s11+s2], $0x50, $0x38;
	[tilespmem:$0x1E400] =	vst v63  }
0x1cc: {  	_ =	swait.ge [sflag:s6], $0x50  }
0x1cd: {  	[sflag:s6] =	ssyncset.done $0x0  }
0x1ce: {  	[sflag:s6] =	ssyncadd.s32 $0xFFFFFFB0  }
0x1cf: {  	_ =	swait.ge [sflag:s6], $0x50  }
0x1d0: {  	[sflag:s6] =	ssyncset.done $0x0  }
0x1d1: {  	[sflag:s6] =	ssyncadd.s32 $0xFFFFFFB0  }
0x1d2: {  	[tilespmem:s16], [sflag:$0x2] =	stream.indirect.gather [hbm4b:s5+s7], $0x80, s3, s7, $0xb8;
	[tilespmem:$0x1E400] =	vst v63  }
.Ltmp6:
0x1d3: {  	_ = 	snop;
	(pc) =	sbr.rel @p1 .LBB2_8-.Ltmp6, $4  }
0x1d4: {  	_ = 	snop  }
0x1d5: {  	[spmem:s1] =	stream.indirect.scatter.add.f32 [tilespmem:s28], [sflag:$0x6], $0x80, s26, s7, $0xb8;
	[tilespmem:$0x1E400] =	vst v63  }
0x1d6: {  	_ =	swait.ge [sflag:s31], $0x2800  }
0x1d7: {  	[sflag:s31] =	ssyncset.done $0x0  }
.Ltmp7:
0x1d8: {  	_ = 	snop;
	(pc) =	sbr.rel .LBB2_9-.Ltmp7, $1  }
0x1d9: {  	_ =	sdelay $0x3  }
.LBB2_11:
0x1da: {  	_ =	sfence.sel $0x180000  }
0x1db: {  	[bflag:$0x0] =	sbarrier.arrive $0xFFFF  }
0x1dc: {  	_ =	strace $0x9000004D  }
0x1dd: {  	s0 =	stileid.u32;
	[bflag:$0x2] =	sbarrier.arrive $0xFFFF  }
0x1de: {  	p0 =	sne.s32 s0, $0x0;
	s0 =	rddreg [dreg:$0x2]  }
0x1df: {  	s0 =	sadd.s32 @!p0 $0x100000, s0  }
0x1e0: {  	[sflag:s0] =	ssyncadd.tile.s32 @!p0 $0x1;
	_ =	shalt  }
.Lfunc_end2:
_tile_overlayer_lowered:
.L_overlay_start_2:
0x1e1: {  	(tag) =	ssettag $0x2  }
0x1e2: {  	s0 =	rddreg [dreg:$0x0];
	s2 =	stileid.u32  }
0x1e3: {  	s1 =	rddreg [dreg:$0x1];
	p0 =	sne.s32 s2, $0x0  }
0x1e4: {  	s3 =	rddreg [dreg:$0x2];
	[bflag:$0x3] =	sbarrier.arrive $0xFFFF;
	s2 =	simm.s32 @!p0 $0x1C06  }
0x1e5: {  	[timem:s3], [sflag:s2] =	dma.local @!p0 [hbm:s0], s1  }
0x1e6: {  	s0 =	simm.s32 @!p0 $0x6  }
0x1e7: {  	_ =	swait.ge @!p0 [sflag:s0], s1  }
0x1e8: {  	s1 =	ssub.s32 @!p0 $0x0, s1;
	[sflag:s0] =	ssyncset.done @!p0 $0x0  }
0x1e9: {  	[sflag:s0] =	ssyncadd.s32 @!p0 s1  }
0x1ea: {  	[bflag:$0x3] =	sbarrier.arrive $0xFFFF  }
0x1eb: {  	_ =	shalt  }

// kernel: kernel.8.cloned.1.call-start
scs
__scs_entry_jumppad:
0x0: {  	(pc) =	sbr.rel $0x88, $3  }
0x1: {  	(tag) =	ssettag $0x0;
	lr =	simm.s32 $0x1  }
0x2: {  	[smem:$0x3F90] =	sst lr;
	_ =	strace $0xD0000000  }
0x3: {  	_ = 	snop  }
0x4: {  	_ = 	snop  }
0x5: {  	_ = 	snop  }
0x6: {  	_ = 	snop  }
0x7: {  	_ = 	snop  }
__scs_overlays_trampoline_lowered:
0x8: {  	[smem:$0x3F9F] =	sst s0  }
0x9: {  	[smem:$0x3FA0] =	sst s1  }
0xa: {  	[smem:$0x3FA1] =	sst s2  }
0xb: {  	[smem:$0x3FA2] =	sst s3  }
0xc: {  	[smem:$0x3FA3] =	sst s4  }
0xd: {  	[smem:$0x3FA4] =	sst s5  }
0xe: {  	[smem:$0x3FA5] =	sst s6  }
0xf: {  	[smem:$0x3FA6] =	sst s7  }
0x10: {  	[smem:$0x3FA7] =	sst s8  }
0x11: {  	[smem:$0x3FA8] =	sst s9;
	s0 =	simm.s32 @!p0 $0x0  }
0x12: {  	s1 =	sld [smem:$0x3F8E];
	s0 =	simm.s32 @p0 $0x1  }
0x13: {  	[smem:$0x3FA9] =	sst s0;
	s0 =	simm.s32 @!p1 $0x0  }
0x14: {  	s2 =	sld [smem:$0x3F8D];
	s0 =	simm.s32 @p1 $0x1  }
0x15: {  	[smem:$0x3FAA] =	sst s0;
	s0 =	simm.s32 @!p2 $0x0  }
0x16: {  	s3 =	sld [smem:$0x3FDB];
	s0 =	simm.s32 @p2 $0x1  }
0x17: {  	s4 =	simm.s32 $0x1BF5;
	[smem:$0x3FAC] =	sst s0  }
0x18: {  	s0 =	sld [smem:$0x3F8F];
	_ =	swait.ge [sflag:s4], $0x0  }
0x19: {  	s7 =	sld [smem:$0x3F90]  }
0x1a: {  	s8 =	sadd.s32 $0xFFFFE003, lr  }
0x1b: {  	s9 =	sadd.s32 $0xFFFFFEF7, lr;
	s5 =	simm.s32 $0xFFFFFFFF;
	p2 =	slt.u32 s8, $0xFFFFF086  }
0x1c: {  	p1 =	slt.u32 s9, $0xF7A;
	s5 =	simm.s32 @!p2 $0x0  }
0x1d: {  	s5 =	simm.s32 @p1 $0x1;
	p0 =	seq.s32 s7, s2  }
0x1e: {  	s7 =	smul.u32 @!p0 $0xF7A, s2;
	p2 =	seq.s32 @!p0 s5, $0x0  }
0x1f: {  	s9 =	smul.u32 $0xF7A, s1;
	s8 =	simm.s32 @!p0 $0x1BF5;
	p2 =	por !p2, p0  }
0x20: {  	[sflag:s8] =	ssyncset.s32 @!p0 $0xFFFFF086;
	s6 =	sadd.s32 @!p0 s3, s7;
	s7 =	simm.s32 @!p0 $0x108  }
0x21: {  	s3 =	sadd.s32 s3, s9;
	s6 =	sadd.s32 @!p0 $0x88, s6;
	s7 =	simm.s32 @p2 $0x1082  }
0x22: {  	[simem:s7], [sflag:s8] =	dma.local @!p0 [hbm:s6], $0xF7A  }
0x23: {  	s9 =	sor.u32 $0xD0000000, s2;
	s6 =	simm.s32 $0x108;
	_ =	swait.ge @!p0 [sflag:s8], $0x0  }
0x24: {  	s3 =	sadd.s32 $0x88, s3;
	s6 =	simm.s32 @!p1 $0x1082;
	[sflag:s4] =	ssyncset.s32 $0xFFFFF086  }
0x25: {  	[simem:s6], [sflag:s4] =	dma.local [hbm:s3], $0xF7A  }
0x26: {  	[smem:$0x3F90] =	sst s1;
	(tag) =	ssettag s2;
	_ =	strace s9  }
0x27: {  	s1 =	sld [smem:$0x3FA0]  }
0x28: {  	s2 =	sld [smem:$0x3FA1]  }
0x29: {  	s4 =	sld [smem:$0x3FA3]  }
0x2a: {  	p0 =	seq.s32 s5, $0x0;
	s5 =	sld [smem:$0x3FA4]  }
0x2b: {  	s6 =	sld [smem:$0x3FA5]  }
0x2c: {  	s7 =	sld [smem:$0x3FA6]  }
0x2d: {  	s3 =	simm.s32 $0x108;
	s8 =	sld [smem:$0x3FA7]  }
0x2e: {  	s3 =	simm.s32 @!p0 $0x1082;
	s9 =	sld [smem:$0x3FA8]  }
0x2f: {  	lr =	sadd.s32 s0, s3;
	s0 =	sld [smem:$0x3F9F]  }
0x30: {  	s3 =	sld [smem:$0x3FA2]  }
0x31: {  	[smem:$0x3FAB] =	sst s10  }
0x32: {  	s10 =	sld [smem:$0x3FA9];
	_ =	sdelay $0x3  }
0x33: {  	p0 =	seq.s32 s10, $0x1;
	s10 =	sld [smem:$0x3FAB];
	_ =	sdelay $0x3  }
0x34: {  	[smem:$0x3FAB] =	sst s10  }
0x35: {  	s10 =	sld [smem:$0x3FAA];
	_ =	sdelay $0x3  }
0x36: {  	p1 =	seq.s32 s10, $0x1;
	s10 =	sld [smem:$0x3FAB];
	_ =	sdelay $0x3  }
0x37: {  	[smem:$0x3FAB] =	sst s10  }
0x38: {  	s10 =	sld [smem:$0x3FAC]  }
0x39: {  	_ = 	snop;
	(pc) =	sbr.ind lr, $3  }
0x3a: {  	_ = 	snop  }
0x3b: {  	_ = 	snop  }
0x3c: {  	p2 =	seq.s32 s10, $0x1;
	s10 =	sld [smem:$0x3FAB]  }
0x3d: {  	_ =	shalt  }
0x3e: {  	_ =	shalt  }
0x3f: {  	_ =	shalt  }
0x40: {  	_ =	shalt  }
0x41: {  	_ =	shalt  }
0x42: {  	_ =	shalt  }
0x43: {  	_ =	shalt  }
0x44: {  	_ =	shalt  }
0x45: {  	_ =	shalt  }
0x46: {  	_ =	shalt  }
0x47: {  	_ =	shalt  }
0x48: {  	_ =	shalt  }
0x49: {  	_ =	shalt  }
0x4a: {  	_ =	shalt  }
0x4b: {  	_ =	shalt  }
0x4c: {  	_ =	shalt  }
0x4d: {  	_ =	shalt  }
0x4e: {  	_ =	shalt  }
0x4f: {  	_ =	shalt  }
0x50: {  	_ =	shalt  }
0x51: {  	_ =	shalt  }
0x52: {  	_ =	shalt  }
0x53: {  	_ =	shalt  }
0x54: {  	_ =	shalt  }
0x55: {  	_ =	shalt  }
0x56: {  	_ =	shalt  }
0x57: {  	_ =	shalt  }
0x58: {  	_ =	shalt  }
0x59: {  	_ =	shalt  }
0x5a: {  	_ =	shalt  }
0x5b: {  	_ =	shalt  }
0x5c: {  	_ =	shalt  }
0x5d: {  	_ =	shalt  }
0x5e: {  	_ =	shalt  }
0x5f: {  	_ =	shalt  }
0x60: {  	_ =	shalt  }
0x61: {  	_ =	shalt  }
0x62: {  	_ =	shalt  }
0x63: {  	_ =	shalt  }
0x64: {  	_ =	shalt  }
0x65: {  	_ =	shalt  }
0x66: {  	_ =	shalt  }
0x67: {  	_ =	shalt  }
0x68: {  	_ =	shalt  }
0x69: {  	_ =	shalt  }
0x6a: {  	_ =	shalt  }
0x6b: {  	_ =	shalt  }
0x6c: {  	_ =	shalt  }
0x6d: {  	_ =	shalt  }
0x6e: {  	_ =	shalt  }
0x6f: {  	_ =	shalt  }
0x70: {  	_ =	shalt  }
0x71: {  	_ =	shalt  }
0x72: {  	_ =	shalt  }
0x73: {  	_ =	shalt  }
0x74: {  	_ =	shalt  }
0x75: {  	_ =	shalt  }
0x76: {  	_ =	shalt  }
0x77: {  	_ =	shalt  }
0x78: {  	_ =	shalt  }
0x79: {  	_ =	shalt  }
0x7a: {  	_ =	shalt  }
0x7b: {  	_ =	shalt  }
0x7c: {  	_ =	shalt  }
0x7d: {  	_ =	shalt  }
0x7e: {  	_ =	shalt  }
0x7f: {  	_ =	shalt  }
0x80: {  	_ =	shalt  }
0x81: {  	_ =	shalt  }
0x82: {  	_ =	shalt  }
0x83: {  	_ =	shalt  }
0x84: {  	_ =	shalt  }
0x85: {  	_ =	shalt  }
0x86: {  	_ =	shalt  }
0x87: {  	_ =	shalt  }
.Lfunc_end0:
.L_simem_size_0:
called_computation_lowered:
.L_overlay_start_0:
0x88: {  	s2 =	sld [smem:$0x3FD9]  }
0x89: {  	s3 =	sld [smem:$0x3FFE];
	_ =	sdelay $0x1  }
0x8a: {  	s1 =	srdreg.scid  }
0x8b: {  	s0 =	sand.u32 $0x1, s1  }
0x8c: {  	s16 =	sshll.u32 s0, $0xA;
	s2 =	sadd.s32 s3, s2  }
0x8d: {  	s2 =	sadd.s32 s2, s16  }
0x8e: {  	[smem:$0x3FB7] =	sst s2  }
0x8f: {  	_ = 	snop  }
0x90: {  	(tm) =	ssettm $0x1  }
0x91: {  	s17 =	sld [smem:$0x3FFB];
	_ =	sdelay $0x3  }
0x92: {  	_ =	strace s17  }
0x93: {  	s2 =	sld [smem:$0x3FFC];
	_ =	sdelay $0x3  }
0x94: {  	_ =	strace s2  }
0x95: {  	s2 =	sld [smem:$0x3FFD];
	_ =	sdelay $0x3  }
0x96: {  	_ =	strace s2  }
0x97: {  	_ =	strace $0x8FFFFFFF  }
0x98: {  	s18 =	sld [smem:$0x3FDB];
	_ =	sdelay $0x1  }
0x99: {  	s19 =	simm.s32 $_scs_section_size  }
0x9a: {  	s4 =	simm.s32 $_size__tile_overlayer_lowered;
	s5 =	simm.s32 $_tile_overlayer_lowered  }
0x9b: {  	s22 =	simm.s32 $0x1BFF;
	s21 =	sshll.u32 s5, $0x1;
	s2 =	sadd.s32 s19, s18  }
0x9c: {  	s6 =	simm.s32 $0x0;
	s20 =	sshll.u32 s4, $0x1;
	s4 =	sadd.s32 s21, s2  }
0x9d: {  	[timem:s6], [sflag:s22] =	dma.local [hbm:s4], s20  }
0x9e: {  	_ =	swait.ge [sflag:s22], s20  }
0x9f: {  	s3 =	ssub.s32 $0x0, s20;
	[sflag:s22] =	ssyncset.done $0x0  }
0xa0: {  	[sflag:s22] =	ssyncadd.s32 s3;
	_ =	sdelay $0x1  }
0xa1: {  	s23 =	simm.s32 $0x1B8B  }
0xa2: {  	_ =	swait.ge [sflag:s23], $0x1  }
0xa3: {  	[sflag:s23] =	ssyncset.done $0x0  }
0xa4: {  	s25 =	simm.s32 $0x1B8E;
	s24 =	sld [smem:$0x3FFE];
	[sflag:s23] =	ssyncadd.s32 $0xFFFFFFFF  }
0xa5: {  	s26 =	simm.s32 $execute0_lowered;
	[smem:$0x3FD2] =	sst s25  }
0xa6: {  	s4 =	sshll.u32 s26, $0x1;
	_ =	strace $0x80000046;
	[dreg:$0x1] =	wrdreg $0xFFFFFFFF  }
0xa7: {  	s28 =	simm.s32 $_size_execute0_lowered;
	s2 =	sadd.s32 s2, s4;
	[dreg:$0x0] =	wrdreg $0x0  }
0xa8: {  	s4 =	sshll.u32 s28, $0x1;
	[dreg:$0x2] =	wrdreg s2  }
0xa9: {  	[dreg:$0x3] =	wrdreg s4  }
0xaa: {  	[dreg:$0x4] =	wrdreg $0xC0  }
0xab: {  	_ =	task [dreg:s6], $0x5FFFF  }
0xac: {  	[dreg:$0x1] =	wrdreg $0xFFFFFFFF  }
0xad: {  	[dreg:$0x0] =	wrdreg $0x60  }
0xae: {  	[dreg:$0x2] =	wrdreg s24  }
0xaf: {  	[dreg:$0x3] =	wrdreg $0x2B000  }
0xb0: {  	[dreg:$0x4] =	wrdreg $0x9  }
0xb1: {  	_ =	task.clear_ibuf [dreg:s6], $0x5FFFF;
	_ =	strace $0x90000046  }
0xb2: {  	s29 =	simm.s32 $0x9;
	_ =	strace $0x80000048  }
0xb3: {  	_ =	swait.ge [sflag:s29], $0x1  }
0xb4: {  	[sflag:s29] =	ssyncadd.s32 $0xFFFFFFFF  }
0xb5: {  	_ =	strace $0x90000048  }
0xb6: {  	_ =	sfence  }
0xb7: {  	s30 =	sld [smem:$0x0];
	_ =	sdelay $0x2  }
0xb8: {  	s31 =	sshll.u32 s1, $0xD;
	s1 =	sshrl.u32 s1, $0x2  }
0xb9: {  	s3 =	sand.u32 $0x4000, s31;
	s1 =	sadd.s32 s1, s30  }
0xba: {  	s0 =	sor.u32 s3, s0;
	s1 =	sshll.u32 s1, $0x11  }
0xbb: {  	s0 =	sor.u32 s1, s0  }
0xbc: {  	s0 =	sadd.s32 $0x8F2B, s0  }
0xbd: {  	[sflag:s0] =	ssyncadd.remote.s32 $0x1  }
0xbe: {  	_ =	sfence.sel $0xFFFF  }
0xbf: {  	[dreg:$0x0] =	wrdreg $0xFFFFFFFF;
	(pc) =	sbr.abs _section_cstart, $3  }
0xc0: {  	[dreg:$0x1] =	wrdreg $0xFFFFFFFF  }
0xc1: {  	_ =	task.clear_ibuf [dreg:s6], $0x2FFFF;
	_ =	strace $0x9FFFFFFF  }
0xc2: {  	(tm) =	ssettm $0x7FFFFFFF  }
0xc3: {  	_ =	shalt  }
tec
execute0_lowered:
.L_overlay_start_1:
0x0: {  	(tag) =	ssettag $0x1  }
0x1: {  	s4 =	rddreg [dreg:$0x0]  }
0x2: {  	s2 =	rddreg [dreg:$0x1];
	s3 =	srdreg.scid  }
0x3: {  	s1 =	stileid.u32;
	s0 =	rddreg [dreg:$0x2];
	s10 =	simm.s32 $0x80  }
0x4: {  	s11 =	simm.s32 $0x2800;
	s14 =	simm.s32 $0x0;
	s5 =	sand.u32 $0x1, s3  }
0x5: {  	s6 =	smul.u32 $0x280, s1;
	s3 =	simm.s32 $0x0;
	s12 =	sshll.u32 s1, $0x6  }
0x6: {  	s7 =	sshll.u32 s5, $0x4;
	s8 =	smul.u32 $0x2800, s5;
	[smem:$0x7FF] =	sst s3  }
0x7: {  	s5 =	ssub.s32 $0x2, s5;
	s12 =	sor.u32 $0x1C01, s12;
	s7 =	sor.u32 s1, s7  }
0x8: {  	s9 =	sshrl.u32 s5, $0x1;
	s7 =	smul.u32 $0x500, s7;
	s8 =	sadd.s32 s6, s8  }
0x9: {  	_ =	strace $0x80000047;
	s9 =	ssub.s32 s5, s9;
	s8 =	sshrl.u32 s8, $0x3  }
0xa: {  	s7 =	sadd.s32 s7, s4;
	s8 =	sadd.s32 s8, s4;
	s4 =	sadd.s32 s6, s2  }
0xb: {  	s5 =	sadd.s32 $0x19000, s7;
	s6 =	sadd.s32 $0x23000, s8;
	s7 =	smax.u32 s9, $0x1  }
0xc: {  	v0 =	vimm.f32 $1.000000000e+00;
	v1 =	vimm.f32 $0.0e+00;
	s8 =	simm.s32 $0x2880;
	s9 =	simm.s32 $0x1;
	s13 =	sshrl.u32 s4, $0x3  }
.LBB2_1:
0xd: {  	[tilespmem:$0x2800] =	vst v0  }
0xe: {  	[tilespmem:$0x2810] =	vst v0  }
0xf: {  	[tilespmem:$0x2820] =	vst v0  }
0x10: {  	[tilespmem:$0x2830] =	vst v0  }
0x11: {  	[tilespmem:$0x2840] =	vst v0  }
0x12: {  	[tilespmem:$0x2850] =	vst v0  }
0x13: {  	[tilespmem:$0x2860] =	vst v0  }
0x14: {  	[tilespmem:$0x2870] =	vst v0  }
0x15: {  	[tilespmem:$0x2880] =	vst v1  }
0x16: {  	[tilespmem:$0x2890] =	vst v1  }
0x17: {  	[tilespmem:$0x28A0] =	vst v1  }
0x18: {  	[tilespmem:$0x28B0] =	vst v1  }
0x19: {  	[tilespmem:$0x28C0] =	vst v1  }
0x1a: {  	[tilespmem:$0x28D0] =	vst v1  }
0x1b: {  	[tilespmem:$0x28E0] =	vst v1  }
0x1c: {  	[tilespmem:$0x28F0] =	vst v1  }
0x1d: {  	[tilespmem:$0x2900] =	vst v1  }
0x1e: {  	[tilespmem:$0x2910] =	vst v1  }
0x1f: {  	[tilespmem:$0x2920] =	vst v1  }
0x20: {  	[tilespmem:$0x2930] =	vst v1  }
0x21: {  	[tilespmem:$0x2940] =	vst v1  }
0x22: {  	[tilespmem:$0x2950] =	vst v1  }
0x23: {  	[tilespmem:$0x2960] =	vst v1  }
0x24: {  	[tilespmem:$0x2970] =	vst v1  }
0x25: {  	[tilespmem:$0x2980] =	vst v1  }
0x26: {  	[tilespmem:$0x2990] =	vst v1  }
0x27: {  	[tilespmem:$0x29A0] =	vst v1  }
0x28: {  	[tilespmem:$0x29B0] =	vst v1  }
0x29: {  	[tilespmem:$0x29C0] =	vst v1  }
0x2a: {  	[tilespmem:$0x29D0] =	vst v1  }
0x2b: {  	[tilespmem:$0x29E0] =	vst v1  }
0x2c: {  	[tilespmem:$0x29F0] =	vst v1  }
0x2d: {  	[tilespmem:$0x2A00] =	vst v1  }
0x2e: {  	[tilespmem:$0x2A10] =	vst v1  }
0x2f: {  	[tilespmem:$0x2A20] =	vst v1  }
0x30: {  	[tilespmem:$0x2A30] =	vst v1  }
0x31: {  	[tilespmem:$0x2A40] =	vst v1  }
0x32: {  	[tilespmem:$0x2A50] =	vst v1  }
0x33: {  	[tilespmem:$0x2A60] =	vst v1  }
0x34: {  	[tilespmem:$0x2A70] =	vst v1  }
0x35: {  	[tilespmem:$0x2A80] =	vst v1  }
0x36: {  	[tilespmem:$0x2A90] =	vst v1  }
0x37: {  	[tilespmem:$0x2AA0] =	vst v1  }
0x38: {  	[tilespmem:$0x2AB0] =	vst v1  }
0x39: {  	[tilespmem:$0x2AC0] =	vst v1  }
0x3a: {  	[tilespmem:$0x2AD0] =	vst v1  }
0x3b: {  	[tilespmem:$0x2AE0] =	vst v1  }
0x3c: {  	[tilespmem:$0x2AF0] =	vst v1  }
0x3d: {  	[spmem:s4] =	stream.linear.scatter [tilespmem:s8], [sflag:$0x1], $0x280, $0x38;
	[tilespmem:$0x2D80] =	vst v63  }
0x3e: {  	_ =	swait.ge [sflag:s9], $0x280  }
0x3f: {  	[sflag:s9] =	ssyncset.done $0x0  }
0x40: {  	[sflag:s9] =	ssyncadd.s32 $0xFFFFFD80  }
0x41: {  	[tilespmem:s3], [sflag:$0x1] =	stream.linear.gather [hbm4b:s5+s3], $0x2800, $0x38;
	[tilespmem:$0x2D80] =	vst v63  }
0x42: {  	_ =	swait.ge [sflag:s9], $0x2800  }
0x43: {  	[sflag:s9] =	ssyncset.done $0x0  }
0x44: {  	[sflag:s9] =	ssyncadd.s32 $0xFFFFD800  }
0x45: {  	s15 =	simm.s32 $0x0;
	[bflag:$0x0] =	sbarrier.arrive $0xFFFF  }
0x46: {  	[spmem:s2] =	stream.indirect.scatter.add.f32 [tilespmem:s11], [sflag:$0x1], $0x1, s15, s10, $0xb8;
	[tilespmem:$0x2D80] =	vst v63  }
0x47: {  	_ =	swait.ge [sflag:s9], $0x80  }
0x48: {  	s15 =	simm.s32 $0x200;
	[sflag:s9] =	ssyncset.done $0x0  }
.LBB2_2:
0x49: {  	s16 =	sshra.s32 s15, $0x2;
	[sflag:s9] =	ssyncadd.s32 $0xFFFFFF80;
	p0 =	sne.s32 s15, $0x9E00  }
0x4a: {  	[spmem:s2] =	stream.indirect.scatter.add.f32 [tilespmem:s11], [sflag:$0x1], $0x1, s16, s10, $0xb8;
	[tilespmem:$0x2D80] =	vst v63  }
.Ltmp0:
0x4b: {  	_ = 	snop;
	(pc) =	sbr.rel @p0 .LBB2_2-.Ltmp0, $4  }
0x4c: {  	_ = 	snop  }
0x4d: {  	s15 =	sadd.s32 $0x200, s15  }
0x4e: {  	_ =	swait.ge [sflag:s9], $0x80  }
0x4f: {  	[sflag:s9] =	ssyncset.done $0x0  }
0x50: {  	s14 =	sadd.s32 $0x1, s14  }
0x51: {  	[sflag:s9] =	ssyncadd.s32 $0xFFFFFF80;
	p0 =	sne.s32 s14, s7  }
.Ltmp1:
0x52: {  	[bflag:$0x0] =	sbarrier.arrive $0xFFFF;
	(pc) =	sbr.rel @p0 .LBB2_1-.Ltmp1, $4  }
0x53: {  	[hbm:s6], [sflag:s12] =	dma.local [spmem:s13], $0x50  }
0x54: {  	_ =	swait.ge [sflag:s9], $0x50  }
0x55: {  	[sflag:s9] =	ssyncset.done $0x0  }
0x56: {  	[sflag:s9] =	ssyncadd.s32 $0xFFFFFFB0  }
0x57: {  	_ =	sfence.sel $0x180000  }
0x58: {  	[bflag:$0x0] =	sbarrier.arrive $0xFFFF  }
0x59: {  	p0 =	sne.s32 s1, $0x0;
	_ =	strace $0x90000047  }
0x5a: {  	s0 =	sadd.s32 @!p0 $0x100000, s0;
	[bflag:$0x2] =	sbarrier.arrive $0xFFFF  }
0x5b: {  	[sflag:s0] =	ssyncadd.tile.s32 @!p0 $0x1;
	_ =	shalt  }
.Lfunc_end2:
_tile_overlayer_lowered:
.L_overlay_start_2:
0x5c: {  	(tag) =	ssettag $0x2  }
0x5d: {  	s0 =	rddreg [dreg:$0x0];
	s2 =	stileid.u32  }
0x5e: {  	s1 =	rddreg [dreg:$0x1];
	p0 =	sne.s32 s2, $0x0  }
0x5f: {  	s3 =	rddreg [dreg:$0x2];
	[bflag:$0x3] =	sbarrier.arrive $0xFFFF;
	s2 =	simm.s32 @!p0 $0x1C01  }
0x60: {  	[timem:s3], [sflag:s2] =	dma.local @!p0 [hbm:s0], s1  }
0x61: {  	s0 =	simm.s32 @!p0 $0x1  }
0x62: {  	_ =	swait.ge @!p0 [sflag:s0], s1  }
0x63: {  	s1 =	ssub.s32 @!p0 $0x0, s1;
	[sflag:s0] =	ssyncset.done @!p0 $0x0  }
0x64: {  	[sflag:s0] =	ssyncadd.s32 @!p0 s1  }
0x65: {  	[bflag:$0x3] =	sbarrier.arrive $0xFFFF  }
0x66: {  	_ =	shalt  }

</sc_bundles>
